<compile_context>
chip_gen: v7x
topology: tpu7x:2x2x1
jax: 0.10.2.dev20260603
libtpu: 0.0.44.dev20260713+nightly
codegen_flags: <defaults>
</compile_context>

<pallas_src>
import functools

import jax
import jax.numpy as jnp
from jax import lax
from jax.experimental import pallas as pl
from jax.experimental.pallas import tpu as pltpu
from jax.experimental.pallas import tpu_sc as plsc

_N = 4096
_TP = 256
_KA = 8
_QR = 256
_NTC = _N - _QR
_NW = 32
_RW = _QR // (_NW // 4)


def _norm_split(sq):
    hi = jnp.floor(sq * (1.0 / 256.0)) * 256.0
    return hi, sq - hi


def _vox_t(ct):
    cn = jnp.where(jnp.isnan(ct), jnp.inf, ct)
    mn = jnp.min(cn, axis=1, keepdims=True)
    return ((ct - mn) / 0.1).astype(jnp.int32).astype(jnp.float32)


def _tc_body(p_ref, g_ref, o_ref, oc_ref, pa_ref, ga_ref):
    p = p_ref[0]
    g = g_ref[0]
    pv = _vox_t(p)
    gv = _vox_t(g)
    shift = jnp.floor(jnp.maximum(jnp.max(pv, axis=1, keepdims=True),
                                  jnp.max(gv, axis=1, keepdims=True)) * 0.5)
    pv = pv - shift
    gv = gv - shift

    one_row = jnp.ones((1, _N), jnp.float32)
    pa_ref[7:8, :] = jnp.zeros((1, _N), jnp.float32)
    ga_ref[7:8, :] = jnp.zeros((1, _N), jnp.float32)
    total = jnp.float32(0.0)
    for mode, (pt, gt) in enumerate(((p, g), (pv, gv))):
        xxh, xxl = _norm_split(jnp.sum(pt * pt, axis=0, keepdims=True))
        yyh, yyl = _norm_split(jnp.sum(gt * gt, axis=0, keepdims=True))
        pa_ref[0:3, :] = pt
        pa_ref[3:4, :] = xxh
        pa_ref[4:5, :] = xxl
        pa_ref[5:6, :] = one_row
        pa_ref[6:7, :] = one_row
        ga_ref[0:3, :] = -2.0 * gt
        ga_ref[3:4, :] = one_row
        ga_ref[4:5, :] = one_row
        ga_ref[5:6, :] = yyh
        ga_ref[6:7, :] = yyl
        ga = ga_ref[...]

        def step(c, carry):
            cacc, s1 = carry
            pc = pa_ref[:, pl.ds(c * _TP, _TP)]
            d = jax.lax.dot_general(
                pc, ga, (((0,), (0,)), ((), ())),
                preferred_element_type=jnp.float32)
            s1 = s1 + jnp.sum(jnp.min(d, axis=1))
            cacc = jnp.minimum(cacc, jnp.min(d, axis=0, keepdims=True))
            return cacc, s1

        nchunk = (_NTC if mode == 0 else _N) // _TP
        cacc0 = jnp.full((1, _N), jnp.inf, dtype=jnp.float32)
        cacc, s1 = jax.lax.fori_loop(
            0, nchunk, step, (cacc0, jnp.float32(0.0)), unroll=nchunk)
        if mode == 0:
            oc_ref[0, :, :] = jnp.broadcast_to(cacc, (8, _N))
            total = total + s1
        else:
            total = total + s1 + jnp.sum(cacc)
    b = pl.program_id(0)

    @pl.when(b == 0)
    def _():
        o_ref[0] = jnp.float32(0.0)

    o_ref[0] = o_ref[0] + total * jnp.float32(1.0 / (4 * _N))


def _sc_body(pg_ref, outs_ref, outc_ref, cand_v, q_v, row_v, col_v):
    w = lax.axis_index("s") * 2 + lax.axis_index("c")
    b = w // 8
    sub = w % 8
    pltpu.sync_copy(pg_ref.at[b + 4], cand_v)
    pltpu.sync_copy(pg_ref.at[b], q_v)
    qoff = _NTC + sub * _RW
    inf16 = jnp.full((16,), jnp.inf, dtype=jnp.float32)

    def initstep(jv, acc):
        col_v[pl.ds(jv * 16, 16)] = inf16
        return acc

    lax.fori_loop(0, _N // 16, initstep, jnp.int32(0))

    qv = [[q_v[c, pl.ds(qoff + 16 * k, 16)] for k in range(_RW // 16)]
          for c in range(3)]
    _QB = 4
    rowsum = jnp.zeros((16,), jnp.float32)
    for ib in range(_RW // _QB):
        qs = []
        for t in range(_QB):
            i = ib * _QB + t
            k, l = divmod(i, 16)
            qs.append((qv[0][k][l], qv[1][k][l], qv[2][k][l]))

        def cstep(jv, carry):
            cx = cand_v[0, pl.ds(jv * 16, 16)]
            cy = cand_v[1, pl.ds(jv * 16, 16)]
            cz = cand_v[2, pl.ds(jv * 16, 16)]
            col = col_v[pl.ds(jv * 16, 16)]
            newm = []
            for t in range(_QB):
                dx = cx - qs[t][0]
                dy = cy - qs[t][1]
                dz = cz - qs[t][2]
                d = dx * dx + dy * dy + dz * dz
                newm.append(jnp.minimum(carry[t], d))
                col = jnp.minimum(col, d)
            col_v[pl.ds(jv * 16, 16)] = col
            return tuple(newm)

        m = lax.fori_loop(0, _N // 16, cstep, tuple([inf16] * _QB))
        lanes = lax.iota(jnp.int32, 16)
        dnums = lax.GatherDimensionNumbers(
            offset_dims=(), collapsed_slice_dims=(0,), start_index_map=(0,))
        for t in range(_QB):
            v = m[t]
            for s in (8, 4, 2, 1):
                perm = jnp.bitwise_xor(lanes, s)
                vp = lax.gather(v, perm[:, None], dnums, slice_sizes=(1,),
                                mode=lax.GatherScatterMode.PROMISE_IN_BOUNDS)
                v = jnp.minimum(v, vp)
            rowsum = rowsum + v
    row_v[...] = rowsum
    pltpu.sync_copy(row_v, outs_ref.at[w])
    pltpu.sync_copy(col_v, outc_ref.at[w])


@jax.jit
def kernel(preds, gts):
    pg_t = jnp.concatenate([preds, gts], axis=0).transpose(0, 2, 1)

    sc = pl.kernel(
        _sc_body,
        mesh=plsc.VectorSubcoreMesh(core_axis_name="c", subcore_axis_name="s"),
        out_type=[
            jax.ShapeDtypeStruct((_NW, 16), jnp.float32),
            jax.ShapeDtypeStruct((_NW, _N), jnp.float32),
        ],
        scratch_types=[
            pltpu.VMEM((3, _N), jnp.float32),
            pltpu.VMEM((3, _N), jnp.float32),
            pltpu.VMEM((16,), jnp.float32),
            pltpu.VMEM((_N,), jnp.float32),
        ],
    )
    sc_s, sc_c = sc(pg_t)

    tc_scalar, tc_col = pl.pallas_call(
        _tc_body,
        grid=(4,),
        in_specs=[
            pl.BlockSpec((1, 3, _N), lambda b: (b, 0, 0)),
            pl.BlockSpec((1, 3, _N), lambda b: (b + 4, 0, 0)),
        ],
        out_specs=[
            pl.BlockSpec(memory_space=pltpu.SMEM),
            pl.BlockSpec((1, 8, _N), lambda b: (b, 0, 0)),
        ],
        out_shape=[
            jax.ShapeDtypeStruct((1,), jnp.float32),
            jax.ShapeDtypeStruct((4, 8, _N), jnp.float32),
        ],
        scratch_shapes=[
            pltpu.VMEM((_KA, _N), jnp.float32),
            pltpu.VMEM((_KA, _N), jnp.float32),
        ],
    )(pg_t, pg_t)

    col = jnp.minimum(jnp.min(sc_c.reshape(4, 8, _N), axis=1),
                      tc_col[:, 0, :])
    rest = jnp.sum(sc_s[:, 0]) + jnp.sum(col)
    return tc_scalar[0] + rest / jnp.float32(4 * _N)

# --- scband reference (transcript-rebuilt; emitter-appended) ---
"""Pipeline reference for scband-nsloss-13589276525289 (READ-ONLY COPY).

The authoritative reference and input builder live on the scoring server;
editing this copy changes nothing except your own understanding.
"""

import jax, jax.numpy as jnp
import numpy as np


def setup_inputs(seed: int = 0) -> dict:
    key = jax.random.key(seed)
    k1, k2 = jax.random.split(key)
    preds = jax.random.normal(k1, (4, 4096, 3), dtype=jnp.float32)
    gts = jax.random.normal(k2, (4, 4096, 3), dtype=jnp.float32)
    return {"preds": preds, "gts": gts}


def _pairwise_dist(x, y):
    # squared euclidean distances: ||x||^2 + ||y||^2 - 2 x.y
    xx = jnp.sum(x * x, axis=-1)
    yy = jnp.sum(y * y, axis=-1)
    zz = jnp.einsum('bnd,bmd->bnm', x, y)
    return xx[:, :, None] + yy[:, None, :] - 2.0 * zz


def _chamfer(preds, gts):
    # mirrors external chamfer_dist: dist1[b,i] = min_j ||preds_i - gts_j||^2,
    # dist2[b,j] = min_i ||preds_i - gts_j||^2
    P = _pairwise_dist(preds, gts)
    dist1 = jnp.min(P, axis=2)
    dist2 = jnp.min(P, axis=1)
    idx1 = jnp.argmin(P, axis=2)
    idx2 = jnp.argmin(P, axis=1)
    return dist1, dist2, idx1, idx2


def _voxelize(coord):
    coord_no_nan = jnp.where(jnp.isnan(coord), jnp.inf, coord)
    global_min = jnp.min(coord_no_nan, axis=1, keepdims=True)
    grid_coord = (coord - global_min) / 0.1
    # torch .int() truncation detaches gradients; mirror with stop_gradient
    return jax.lax.stop_gradient(grid_coord.astype(jnp.int32))


def reference(preds, gts):
    dist1, dist2, idx1, idx2 = _chamfer(preds, gts)
    loss2 = jnp.mean(dist1) + jnp.mean(dist2)
    gts_voxel = _voxelize(gts.astype(jnp.float32))
    preds_voxel = _voxelize(preds.astype(jnp.float32))
    d1, d2, i1, i2 = _chamfer(preds_voxel.astype(jnp.float32), gts_voxel.astype(jnp.float32))
    loss1 = jnp.mean(d1) + jnp.mean(d2)
    return loss1 + loss2

if __name__ == "__main__":
    import jax
    _d = setup_inputs()
    print(jax.jit(kernel)(*tuple(_d.values())))

</pallas_src>

<mosaic_0001>
#map = affine_map<(d0, d1) -> (0, 0, 0)>
#map1 = affine_map<(d0, d1) -> (0, 0)>
module attributes {stable_mosaic.version = 14 : i64} {
  func.func @_sc_body(%arg0: i32, %arg1: i32, %arg2: memref<8x3x4096xf32, #tpu.memory_space<hbm>>, %arg3: memref<32x16xf32, #tpu.memory_space<hbm>>, %arg4: memref<32x4096xf32, #tpu.memory_space<hbm>>, %arg5: memref<3x4096xf32, #tpu.memory_space<vmem>>, %arg6: memref<3x4096xf32, #tpu.memory_space<vmem>>, %arg7: memref<16xf32, #tpu.memory_space<vmem>>, %arg8: memref<4096xf32, #tpu.memory_space<vmem>>) attributes {dimension_semantics = [#tpu.dimension_semantics<core_parallel>, #tpu.dimension_semantics<subcore_parallel>], iteration_bounds = array<i64: 2, 16>, scalar_prefetch = 0 : i64, scratch_operands = 4 : i64, tpu.core_type = #tpu.core_type<sc_vector_subcore>, window_params = [{transform_indices = #map}, {transform_indices = #map1}, {transform_indices = #map1}]} {
    %mul3A = arith.constant 2 : i32
    %mul3A_0 = arith.muli %arg1, %mul3A : i32
    %add3A = arith.addi %mul3A_0, %arg0 : i32
    %jit3A = arith.constant 8 : i32
    %div3A = arith.divsi %add3A, %jit3A : i32
    %sign3A = arith.constant 0 : i32
    %sign3A_1 = arith.cmpi sgt, %add3A, %sign3A : i32
    %sign3A_2 = arith.extui %sign3A_1 : i1 to i32
    %sign3A_3 = arith.constant 0 : i32
    %sign3A_4 = arith.cmpi slt, %add3A, %sign3A_3 : i32
    %sign3A_5 = arith.extui %sign3A_4 : i1 to i32
    %sign3A_6 = arith.subi %sign3A_2, %sign3A_5 : i32
    %sign3A_7 = arith.constant 0 : i32
    %sign3A_8 = arith.cmpi sgt, %jit3A, %sign3A_7 : i32
    %sign3A_9 = arith.extui %sign3A_8 : i1 to i32
    %sign3A_10 = arith.constant 0 : i32
    %sign3A_11 = arith.cmpi slt, %jit3A, %sign3A_10 : i32
    %sign3A_12 = arith.extui %sign3A_11 : i1 to i32
    %sign3A_13 = arith.subi %sign3A_9, %sign3A_12 : i32
    %ne3A = arith.cmpi ne, %sign3A_6, %sign3A_13 : i32
    %rem3A = arith.remsi %add3A, %jit3A : i32
    %ne3A_14 = arith.constant 0 : i32
    %ne3A_15 = arith.cmpi ne, %rem3A, %ne3A_14 : i32
    %and3A = arith.andi %ne3A, %ne3A_15 : i1
    %sub3A = arith.constant 1 : i32
    %sub3A_16 = arith.subi %div3A, %sub3A : i32
    %select_n3A = arith.select %and3A, %sub3A_16, %div3A : i32
    %jit3A_17 = arith.constant 8 : i32
    %eq3A = arith.constant 0 : i32
    %eq3A_18 = arith.cmpi eq, %jit3A_17, %eq3A : i32
    %jit3A_19 = arith.constant 1 : i32
    %select_n3A_20 = arith.select %eq3A_18, %jit3A_19, %jit3A_17 : i32
    %rem3A_21 = arith.remsi %add3A, %select_n3A_20 : i32
    %ne3A_22 = arith.constant 0 : i32
    %ne3A_23 = arith.cmpi ne, %rem3A_21, %ne3A_22 : i32
    %lt3A = arith.constant 0 : i32
    %lt3A_24 = arith.cmpi slt, %rem3A_21, %lt3A : i32
    %lt3A_25 = arith.constant 0 : i32
    %lt3A_26 = arith.cmpi slt, %select_n3A_20, %lt3A_25 : i32
    %ne3A_27 = arith.xori %lt3A_24, %lt3A_26 : i1
    %and3A_28 = arith.andi %ne3A_27, %ne3A_23 : i1
    %add3A_29 = arith.addi %rem3A_21, %select_n3A_20 : i32
    %select_n3A_30 = arith.select %and3A_28, %add3A_29, %rem3A_21 : i32
    %add3A_31 = arith.constant 4 : i32
    %add3A_32 = arith.addi %select_n3A, %add3A_31 : i32
    "tpu.region"() ({
      %run_scoped3A = tpu.sem_alloc : memref<!tpu.dma_semaphore, #tpu.memory_space<semaphore_mem>>
      %dma_start3A = arith.constant 0 : i32
      %dma_start3A_1259 = arith.constant 0 : i32
      %dma_start3A_1260 = tpu.memref_slice %arg2[%add3A_32, %dma_start3A, %dma_start3A_1259] : memref<8x3x4096xf32, #tpu.memory_space<hbm>> -> memref<1x3x4096xf32, #tpu.memory_space<hbm>>
      %dma_start3A_1261 = tpu.memref_squeeze %dma_start3A_1260 : memref<1x3x4096xf32, #tpu.memory_space<hbm>> -> memref<3x4096xf32, #tpu.memory_space<hbm>>
      %dma_start3A_1262 = arith.constant 0 : i32
      %dma_start3A_1263 = arith.constant 0 : i32
      %dma_start3A_1264 = tpu.memref_slice %arg2[%add3A_32, %dma_start3A_1262, %dma_start3A_1263] : memref<8x3x4096xf32, #tpu.memory_space<hbm>> -> memref<1x3x4096xf32, #tpu.memory_space<hbm>>
      %dma_start3A_1265 = tpu.memref_squeeze %dma_start3A_1264 : memref<1x3x4096xf32, #tpu.memory_space<hbm>> -> memref<3x4096xf32, #tpu.memory_space<hbm>>
      tpu.enqueue_dma source(%dma_start3A_1265 : memref<3x4096xf32, #tpu.memory_space<hbm>>) target(%arg5 : memref<3x4096xf32, #tpu.memory_space<vmem>>) target_semaphore(%run_scoped3A : memref<!tpu.dma_semaphore, #tpu.memory_space<semaphore_mem>>)
      %dma_wait3A = arith.constant 0 : i32
      %dma_wait3A_1266 = arith.constant 0 : i32
      %dma_wait3A_1267 = tpu.memref_slice %arg2[%add3A_32, %dma_wait3A, %dma_wait3A_1266] : memref<8x3x4096xf32, #tpu.memory_space<hbm>> -> memref<1x3x4096xf32, #tpu.memory_space<hbm>>
      %dma_wait3A_1268 = tpu.memref_squeeze %dma_wait3A_1267 : memref<1x3x4096xf32, #tpu.memory_space<hbm>> -> memref<3x4096xf32, #tpu.memory_space<hbm>>
      %dma_wait3A_1269 = arith.constant 0 : i32
      %dma_wait3A_1270 = arith.constant 0 : i32
      %dma_wait3A_1271 = tpu.memref_slice %arg2[%add3A_32, %dma_wait3A_1269, %dma_wait3A_1270] : memref<8x3x4096xf32, #tpu.memory_space<hbm>> -> memref<1x3x4096xf32, #tpu.memory_space<hbm>>
      %dma_wait3A_1272 = tpu.memref_squeeze %dma_wait3A_1271 : memref<1x3x4096xf32, #tpu.memory_space<hbm>> -> memref<3x4096xf32, #tpu.memory_space<hbm>>
      tpu.wait_dma2 semaphore(%run_scoped3A : memref<!tpu.dma_semaphore, #tpu.memory_space<semaphore_mem>>) src(%dma_wait3A_1272 : memref<3x4096xf32, #tpu.memory_space<hbm>>) dst(%arg5 : memref<3x4096xf32, #tpu.memory_space<vmem>>)
      tpu.yield
    }) : () -> ()
    "tpu.region"() ({
      %run_scoped3A = tpu.sem_alloc : memref<!tpu.dma_semaphore, #tpu.memory_space<semaphore_mem>>
      %dma_start3A = arith.constant 0 : i32
      %dma_start3A_1259 = arith.constant 0 : i32
      %dma_start3A_1260 = tpu.memref_slice %arg2[%select_n3A, %dma_start3A, %dma_start3A_1259] : memref<8x3x4096xf32, #tpu.memory_space<hbm>> -> memref<1x3x4096xf32, #tpu.memory_space<hbm>>
      %dma_start3A_1261 = tpu.memref_squeeze %dma_start3A_1260 : memref<1x3x4096xf32, #tpu.memory_space<hbm>> -> memref<3x4096xf32, #tpu.memory_space<hbm>>
      %dma_start3A_1262 = arith.constant 0 : i32
      %dma_start3A_1263 = arith.constant 0 : i32
      %dma_start3A_1264 = tpu.memref_slice %arg2[%select_n3A, %dma_start3A_1262, %dma_start3A_1263] : memref<8x3x4096xf32, #tpu.memory_space<hbm>> -> memref<1x3x4096xf32, #tpu.memory_space<hbm>>
      %dma_start3A_1265 = tpu.memref_squeeze %dma_start3A_1264 : memref<1x3x4096xf32, #tpu.memory_space<hbm>> -> memref<3x4096xf32, #tpu.memory_space<hbm>>
      tpu.enqueue_dma source(%dma_start3A_1265 : memref<3x4096xf32, #tpu.memory_space<hbm>>) target(%arg6 : memref<3x4096xf32, #tpu.memory_space<vmem>>) target_semaphore(%run_scoped3A : memref<!tpu.dma_semaphore, #tpu.memory_space<semaphore_mem>>)
      %dma_wait3A = arith.constant 0 : i32
      %dma_wait3A_1266 = arith.constant 0 : i32
      %dma_wait3A_1267 = tpu.memref_slice %arg2[%select_n3A, %dma_wait3A, %dma_wait3A_1266] : memref<8x3x4096xf32, #tpu.memory_space<hbm>> -> memref<1x3x4096xf32, #tpu.memory_space<hbm>>
      %dma_wait3A_1268 = tpu.memref_squeeze %dma_wait3A_1267 : memref<1x3x4096xf32, #tpu.memory_space<hbm>> -> memref<3x4096xf32, #tpu.memory_space<hbm>>
      %dma_wait3A_1269 = arith.constant 0 : i32
      %dma_wait3A_1270 = arith.constant 0 : i32
      %dma_wait3A_1271 = tpu.memref_slice %arg2[%select_n3A, %dma_wait3A_1269, %dma_wait3A_1270] : memref<8x3x4096xf32, #tpu.memory_space<hbm>> -> memref<1x3x4096xf32, #tpu.memory_space<hbm>>
      %dma_wait3A_1272 = tpu.memref_squeeze %dma_wait3A_1271 : memref<1x3x4096xf32, #tpu.memory_space<hbm>> -> memref<3x4096xf32, #tpu.memory_space<hbm>>
      tpu.wait_dma2 semaphore(%run_scoped3A : memref<!tpu.dma_semaphore, #tpu.memory_space<semaphore_mem>>) src(%dma_wait3A_1272 : memref<3x4096xf32, #tpu.memory_space<hbm>>) dst(%arg6 : memref<3x4096xf32, #tpu.memory_space<vmem>>)
      tpu.yield
    }) : () -> ()
    %mul3A_33 = arith.constant 32 : i32
    %mul3A_34 = arith.muli %select_n3A_30, %mul3A_33 : i32
    %add3A_35 = arith.constant 3840 : i32
    %add3A_36 = arith.addi %add3A_35, %mul3A_34 : i32
    %broadcast_in_dim3A = arith.constant 0x7F800000 : f32
    %broadcast_in_dim3A_37 = vector.broadcast %broadcast_in_dim3A : f32 to vector<16xf32>
    %scan3A = arith.constant 0 : i32
    %scan3A_38 = arith.constant 0 : i32
    %scan3A_39 = arith.constant 256 : i32
    %scan3A_40 = arith.addi %scan3A_38, %scan3A_39 : i32
    %scan3A_41 = arith.constant 1 : i32
    scf.for %scan3A_1259 = %scan3A_38 to %scan3A_40 step %scan3A_41  : i32 {
      %mul3A_1260 = arith.constant 16 : i32
      %mul3A_1261 = arith.muli %scan3A_1259, %mul3A_1260 : i32
      %swap3A_1262 = arith.index_cast %mul3A_1261 : i32 to index
      %swap3A_1263 = tpu.vector_load %arg8[%swap3A_1262] {strides = array<i32>} : memref<4096xf32, #tpu.memory_space<vmem>>, vector<16xf32>,
      %swap3A_1264 = vector.shape_cast %swap3A_1263 : vector<16xf32> to vector<16xf32>
      %swap3A_1265 = vector.shape_cast %broadcast_in_dim3A_37 : vector<16xf32> to vector<16xf32>
      tpu.vector_store %arg8[%swap3A_1262], %swap3A_1265 {strides = array<i32>} : memref<4096xf32, #tpu.memory_space<vmem>>, vector<16xf32>,
    }
    %scan3A_42 = arith.constant 256 : i32
    %add3A_43 = arith.constant 0 : i32
    %add3A_44 = arith.addi %add3A_36, %add3A_43 : i32
    %get3A = arith.constant 0 : i32
    %get3A_45 = arith.index_cast %get3A : i32 to index
    %get3A_46 = arith.index_cast %add3A_44 : i32 to index
    %get3A_47 = tpu.vector_load %arg6[%get3A_45, %get3A_46] {strides = array<i32>} : memref<3x4096xf32, #tpu.memory_space<vmem>>, vector<1x16xf32>,
    %get3A_48 = vector.shape_cast %get3A_47 : vector<1x16xf32> to vector<16xf32>
    %add3A_49 = arith.constant 16 : i32
    %add3A_50 = arith.addi %add3A_36, %add3A_49 : i32
    %get3A_51 = arith.constant 0 : i32
    %get3A_52 = arith.index_cast %get3A_51 : i32 to index
    %get3A_53 = arith.index_cast %add3A_50 : i32 to index
    %get3A_54 = tpu.vector_load %arg6[%get3A_52, %get3A_53] {strides = array<i32>} : memref<3x4096xf32, #tpu.memory_space<vmem>>, vector<1x16xf32>,
    %get3A_55 = vector.shape_cast %get3A_54 : vector<1x16xf32> to vector<16xf32>
    %add3A_56 = arith.constant 0 : i32
    %add3A_57 = arith.addi %add3A_36, %add3A_56 : i32
    %get3A_58 = arith.constant 1 : i32
    %get3A_59 = arith.index_cast %get3A_58 : i32 to index
    %get3A_60 = arith.index_cast %add3A_57 : i32 to index
    %get3A_61 = tpu.vector_load %arg6[%get3A_59, %get3A_60] {strides = array<i32>} : memref<3x4096xf32, #tpu.memory_space<vmem>>, vector<1x16xf32>,
    %get3A_62 = vector.shape_cast %get3A_61 : vector<1x16xf32> to vector<16xf32>
    %add3A_63 = arith.constant 16 : i32
    %add3A_64 = arith.addi %add3A_36, %add3A_63 : i32
    %get3A_65 = arith.constant 1 : i32
    %get3A_66 = arith.index_cast %get3A_65 : i32 to index
    %get3A_67 = arith.index_cast %add3A_64 : i32 to index
    %get3A_68 = tpu.vector_load %arg6[%get3A_66, %get3A_67] {strides = array<i32>} : memref<3x4096xf32, #tpu.memory_space<vmem>>, vector<1x16xf32>,
    %get3A_69 = vector.shape_cast %get3A_68 : vector<1x16xf32> to vector<16xf32>
    %add3A_70 = arith.constant 0 : i32
    %add3A_71 = arith.addi %add3A_36, %add3A_70 : i32
    %get3A_72 = arith.constant 2 : i32
    %get3A_73 = arith.index_cast %get3A_72 : i32 to index
    %get3A_74 = arith.index_cast %add3A_71 : i32 to index
    %get3A_75 = tpu.vector_load %arg6[%get3A_73, %get3A_74] {strides = array<i32>} : memref<3x4096xf32, #tpu.memory_space<vmem>>, vector<1x16xf32>,
    %get3A_76 = vector.shape_cast %get3A_75 : vector<1x16xf32> to vector<16xf32>
    %add3A_77 = arith.constant 16 : i32
    %add3A_78 = arith.addi %add3A_36, %add3A_77 : i32
    %get3A_79 = arith.constant 2 : i32
    %get3A_80 = arith.index_cast %get3A_79 : i32 to index
    %get3A_81 = arith.index_cast %add3A_78 : i32 to index
    %get3A_82 = tpu.vector_load %arg6[%get3A_80, %get3A_81] {strides = array<i32>} : memref<3x4096xf32, #tpu.memory_space<vmem>>, vector<1x16xf32>,
    %get3A_83 = vector.shape_cast %get3A_82 : vector<1x16xf32> to vector<16xf32>
    %broadcast_in_dim3A_84 = arith.constant 0.000000e+00 : f32
    %broadcast_in_dim3A_85 = vector.broadcast %broadcast_in_dim3A_84 : f32 to vector<16xf32>
    %slice3A = vector.extract_strided_slice %get3A_48 {offsets = [0], sizes = [1], strides = [1]} : vector<16xf32> to vector<1xf32>
    %squeeze3A = vector.extract %slice3A[0] : f32 from vector<1xf32>
    %slice3A_86 = vector.extract_strided_slice %get3A_62 {offsets = [0], sizes = [1], strides = [1]} : vector<16xf32> to vector<1xf32>
    %squeeze3A_87 = vector.extract %slice3A_86[0] : f32 from vector<1xf32>
    %slice3A_88 = vector.extract_strided_slice %get3A_76 {offsets = [0], sizes = [1], strides = [1]} : vector<16xf32> to vector<1xf32>
    %squeeze3A_89 = vector.extract %slice3A_88[0] : f32 from vector<1xf32>
    %slice3A_90 = vector.extract_strided_slice %get3A_48 {offsets = [1], sizes = [1], strides = [1]} : vector<16xf32> to vector<1xf32>
    %squeeze3A_91 = vector.extract %slice3A_90[0] : f32 from vector<1xf32>
    %slice3A_92 = vector.extract_strided_slice %get3A_62 {offsets = [1], sizes = [1], strides = [1]} : vector<16xf32> to vector<1xf32>
    %squeeze3A_93 = vector.extract %slice3A_92[0] : f32 from vector<1xf32>
    %slice3A_94 = vector.extract_strided_slice %get3A_76 {offsets = [1], sizes = [1], strides = [1]} : vector<16xf32> to vector<1xf32>
    %squeeze3A_95 = vector.extract %slice3A_94[0] : f32 from vector<1xf32>
    %slice3A_96 = vector.extract_strided_slice %get3A_48 {offsets = [2], sizes = [1], strides = [1]} : vector<16xf32> to vector<1xf32>
    %squeeze3A_97 = vector.extract %slice3A_96[0] : f32 from vector<1xf32>
    %slice3A_98 = vector.extract_strided_slice %get3A_62 {offsets = [2], sizes = [1], strides = [1]} : vector<16xf32> to vector<1xf32>
    %squeeze3A_99 = vector.extract %slice3A_98[0] : f32 from vector<1xf32>
    %slice3A_100 = vector.extract_strided_slice %get3A_76 {offsets = [2], sizes = [1], strides = [1]} : vector<16xf32> to vector<1xf32>
    %squeeze3A_101 = vector.extract %slice3A_100[0] : f32 from vector<1xf32>
    %slice3A_102 = vector.extract_strided_slice %get3A_48 {offsets = [3], sizes = [1], strides = [1]} : vector<16xf32> to vector<1xf32>
    %squeeze3A_103 = vector.extract %slice3A_102[0] : f32 from vector<1xf32>
    %slice3A_104 = vector.extract_strided_slice %get3A_62 {offsets = [3], sizes = [1], strides = [1]} : vector<16xf32> to vector<1xf32>
    %squeeze3A_105 = vector.extract %slice3A_104[0] : f32 from vector<1xf32>
    %slice3A_106 = vector.extract_strided_slice %get3A_76 {offsets = [3], sizes = [1], strides = [1]} : vector<16xf32> to vector<1xf32>
    %squeeze3A_107 = vector.extract %slice3A_106[0] : f32 from vector<1xf32>
    %scan3A_108 = arith.constant 0 : i32
    %scan3A_109 = arith.constant 256 : i32
    %scan3A_110 = arith.addi %scan3A_108, %scan3A_109 : i32
    %scan3A_111 = arith.constant 1 : i32
    %scan3A_112:4 = scf.for %scan3A_1259 = %scan3A_108 to %scan3A_110 step %scan3A_111 iter_args(%scan3A_1260 = %broadcast_in_dim3A_37, %scan3A_1261 = %broadcast_in_dim3A_37, %scan3A_1262 = %broadcast_in_dim3A_37, %scan3A_1263 = %broadcast_in_dim3A_37) -> (vector<16xf32>, vector<16xf32>, vector<16xf32>, vector<16xf32>)  : i32 {
      %mul3A_1264 = arith.constant 16 : i32
      %mul3A_1265 = arith.muli %scan3A_1259, %mul3A_1264 : i32
      %get3A_1266 = arith.constant 0 : i32
      %get3A_1267 = arith.index_cast %get3A_1266 : i32 to index
      %get3A_1268 = arith.index_cast %mul3A_1265 : i32 to index
      %get3A_1269 = tpu.vector_load %arg5[%get3A_1267, %get3A_1268] {strides = array<i32>} : memref<3x4096xf32, #tpu.memory_space<vmem>>, vector<1x16xf32>,
      %get3A_1270 = vector.shape_cast %get3A_1269 : vector<1x16xf32> to vector<16xf32>
      %mul3A_1271 = arith.constant 16 : i32
      %mul3A_1272 = arith.muli %scan3A_1259, %mul3A_1271 : i32
      %get3A_1273 = arith.constant 1 : i32
      %get3A_1274 = arith.index_cast %get3A_1273 : i32 to index
      %get3A_1275 = arith.index_cast %mul3A_1272 : i32 to index
      %get3A_1276 = tpu.vector_load %arg5[%get3A_1274, %get3A_1275] {strides = array<i32>} : memref<3x4096xf32, #tpu.memory_space<vmem>>, vector<1x16xf32>,
      %get3A_1277 = vector.shape_cast %get3A_1276 : vector<1x16xf32> to vector<16xf32>
      %mul3A_1278 = arith.constant 16 : i32
      %mul3A_1279 = arith.muli %scan3A_1259, %mul3A_1278 : i32
      %get3A_1280 = arith.constant 2 : i32
      %get3A_1281 = arith.index_cast %get3A_1280 : i32 to index
      %get3A_1282 = arith.index_cast %mul3A_1279 : i32 to index
      %get3A_1283 = tpu.vector_load %arg5[%get3A_1281, %get3A_1282] {strides = array<i32>} : memref<3x4096xf32, #tpu.memory_space<vmem>>, vector<1x16xf32>,
      %get3A_1284 = vector.shape_cast %get3A_1283 : vector<1x16xf32> to vector<16xf32>
      %mul3A_1285 = arith.constant 16 : i32
      %mul3A_1286 = arith.muli %scan3A_1259, %mul3A_1285 : i32
      %get3A_1287 = arith.index_cast %mul3A_1286 : i32 to index
      %get3A_1288 = tpu.vector_load %arg8[%get3A_1287] {strides = array<i32>} : memref<4096xf32, #tpu.memory_space<vmem>>, vector<16xf32>,
      %get3A_1289 = vector.shape_cast %get3A_1288 : vector<16xf32> to vector<16xf32>
      %sub3A_1290 = vector.broadcast %squeeze3A : f32 to vector<16xf32>
      %sub3A_1291 = arith.subf %get3A_1270, %sub3A_1290 : vector<16xf32>
      %sub3A_1292 = vector.broadcast %squeeze3A_87 : f32 to vector<16xf32>
      %sub3A_1293 = arith.subf %get3A_1277, %sub3A_1292 : vector<16xf32>
      %sub3A_1294 = vector.broadcast %squeeze3A_89 : f32 to vector<16xf32>
      %sub3A_1295 = arith.subf %get3A_1284, %sub3A_1294 : vector<16xf32>
      %mul3A_1296 = arith.mulf %sub3A_1291, %sub3A_1291 : vector<16xf32>
      %mul3A_1297 = arith.mulf %sub3A_1293, %sub3A_1293 : vector<16xf32>
      %add3A_1298 = arith.addf %mul3A_1296, %mul3A_1297 : vector<16xf32>
      %mul3A_1299 = arith.mulf %sub3A_1295, %sub3A_1295 : vector<16xf32>
      %add3A_1300 = arith.addf %add3A_1298, %mul3A_1299 : vector<16xf32>
      %min3A_1301 = arith.minimumf %scan3A_1260, %add3A_1300 : vector<16xf32>
      %min3A_1302 = arith.minimumf %get3A_1289, %add3A_1300 : vector<16xf32>
      %sub3A_1303 = vector.broadcast %squeeze3A_91 : f32 to vector<16xf32>
      %sub3A_1304 = arith.subf %get3A_1270, %sub3A_1303 : vector<16xf32>
      %sub3A_1305 = vector.broadcast %squeeze3A_93 : f32 to vector<16xf32>
      %sub3A_1306 = arith.subf %get3A_1277, %sub3A_1305 : vector<16xf32>
      %sub3A_1307 = vector.broadcast %squeeze3A_95 : f32 to vector<16xf32>
      %sub3A_1308 = arith.subf %get3A_1284, %sub3A_1307 : vector<16xf32>
      %mul3A_1309 = arith.mulf %sub3A_1304, %sub3A_1304 : vector<16xf32>
      %mul3A_1310 = arith.mulf %sub3A_1306, %sub3A_1306 : vector<16xf32>
      %add3A_1311 = arith.addf %mul3A_1309, %mul3A_1310 : vector<16xf32>
      %mul3A_1312 = arith.mulf %sub3A_1308, %sub3A_1308 : vector<16xf32>
      %add3A_1313 = arith.addf %add3A_1311, %mul3A_1312 : vector<16xf32>
      %min3A_1314 = arith.minimumf %scan3A_1261, %add3A_1313 : vector<16xf32>
      %min3A_1315 = arith.minimumf %min3A_1302, %add3A_1313 : vector<16xf32>
      %sub3A_1316 = vector.broadcast %squeeze3A_97 : f32 to vector<16xf32>
      %sub3A_1317 = arith.subf %get3A_1270, %sub3A_1316 : vector<16xf32>
      %sub3A_1318 = vector.broadcast %squeeze3A_99 : f32 to vector<16xf32>
      %sub3A_1319 = arith.subf %get3A_1277, %sub3A_1318 : vector<16xf32>
      %sub3A_1320 = vector.broadcast %squeeze3A_101 : f32 to vector<16xf32>
      %sub3A_1321 = arith.subf %get3A_1284, %sub3A_1320 : vector<16xf32>
      %mul3A_1322 = arith.mulf %sub3A_1317, %sub3A_1317 : vector<16xf32>
      %mul3A_1323 = arith.mulf %sub3A_1319, %sub3A_1319 : vector<16xf32>
      %add3A_1324 = arith.addf %mul3A_1322, %mul3A_1323 : vector<16xf32>
      %mul3A_1325 = arith.mulf %sub3A_1321, %sub3A_1321 : vector<16xf32>
      %add3A_1326 = arith.addf %add3A_1324, %mul3A_1325 : vector<16xf32>
      %min3A_1327 = arith.minimumf %scan3A_1262, %add3A_1326 : vector<16xf32>
      %min3A_1328 = arith.minimumf %min3A_1315, %add3A_1326 : vector<16xf32>
      %sub3A_1329 = vector.broadcast %squeeze3A_103 : f32 to vector<16xf32>
      %sub3A_1330 = arith.subf %get3A_1270, %sub3A_1329 : vector<16xf32>
      %sub3A_1331 = vector.broadcast %squeeze3A_105 : f32 to vector<16xf32>
      %sub3A_1332 = arith.subf %get3A_1277, %sub3A_1331 : vector<16xf32>
      %sub3A_1333 = vector.broadcast %squeeze3A_107 : f32 to vector<16xf32>
      %sub3A_1334 = arith.subf %get3A_1284, %sub3A_1333 : vector<16xf32>
      %mul3A_1335 = arith.mulf %sub3A_1330, %sub3A_1330 : vector<16xf32>
      %mul3A_1336 = arith.mulf %sub3A_1332, %sub3A_1332 : vector<16xf32>
      %add3A_1337 = arith.addf %mul3A_1335, %mul3A_1336 : vector<16xf32>
      %mul3A_1338 = arith.mulf %sub3A_1334, %sub3A_1334 : vector<16xf32>
      %add3A_1339 = arith.addf %add3A_1337, %mul3A_1338 : vector<16xf32>
      %min3A_1340 = arith.minimumf %scan3A_1263, %add3A_1339 : vector<16xf32>
      %min3A_1341 = arith.minimumf %min3A_1328, %add3A_1339 : vector<16xf32>
      %mul3A_1342 = arith.constant 16 : i32
      %mul3A_1343 = arith.muli %scan3A_1259, %mul3A_1342 : i32
      %swap3A_1344 = arith.index_cast %mul3A_1343 : i32 to index
      %swap3A_1345 = tpu.vector_load %arg8[%swap3A_1344] {strides = array<i32>} : memref<4096xf32, #tpu.memory_space<vmem>>, vector<16xf32>,
      %swap3A_1346 = vector.shape_cast %swap3A_1345 : vector<16xf32> to vector<16xf32>
      %swap3A_1347 = vector.shape_cast %min3A_1341 : vector<16xf32> to vector<16xf32>
      tpu.vector_store %arg8[%swap3A_1344], %swap3A_1347 {strides = array<i32>} : memref<4096xf32, #tpu.memory_space<vmem>>, vector<16xf32>,
      scf.yield %min3A_1301, %min3A_1314, %min3A_1327, %min3A_1340 : vector<16xf32>, vector<16xf32>, vector<16xf32>, vector<16xf32>
    }
    %scan3A_113 = arith.constant 256 : i32
    %iota3A = tpu.iota {dimensions = array<i32: 0>} : vector<16xi32>
    %xor3A = arith.constant 8 : i32
    %xor3A_114 = vector.broadcast %xor3A : i32 to vector<16xi32>
    %xor3A_115 = arith.xori %iota3A, %xor3A_114 : vector<16xi32>
    %broadcast_in_dim3A_116 = vector.shape_cast %xor3A_115 : vector<16xi32> to vector<16x1xi32>
    %gather3A = vector.shape_cast %broadcast_in_dim3A_116 : vector<16x1xi32> to vector<16xi32>
    %gather3A_117 = tpu.dynamic_gather %scan3A_112#0[%gather3A] in [0] : vector<16xf32>, vector<16xi32> -> vector<16xf32>
    %min3A = arith.minimumf %scan3A_112#0, %gather3A_117 : vector<16xf32>
    %xor3A_118 = arith.constant 4 : i32
    %xor3A_119 = vector.broadcast %xor3A_118 : i32 to vector<16xi32>
    %xor3A_120 = arith.xori %iota3A, %xor3A_119 : vector<16xi32>
    %broadcast_in_dim3A_121 = vector.shape_cast %xor3A_120 : vector<16xi32> to vector<16x1xi32>
    %gather3A_122 = vector.shape_cast %broadcast_in_dim3A_121 : vector<16x1xi32> to vector<16xi32>
    %gather3A_123 = tpu.dynamic_gather %min3A[%gather3A_122] in [0] : vector<16xf32>, vector<16xi32> -> vector<16xf32>
    %min3A_124 = arith.minimumf %min3A, %gather3A_123 : vector<16xf32>
    %xor3A_125 = arith.constant 2 : i32
    %xor3A_126 = vector.broadcast %xor3A_125 : i32 to vector<16xi32>
    %xor3A_127 = arith.xori %iota3A, %xor3A_126 : vector<16xi32>
    %broadcast_in_dim3A_128 = vector.shape_cast %xor3A_127 : vector<16xi32> to vector<16x1xi32>
    %gather3A_129 = vector.shape_cast %broadcast_in_dim3A_128 : vector<16x1xi32> to vector<16xi32>
    %gather3A_130 = tpu.dynamic_gather %min3A_124[%gather3A_129] in [0] : vector<16xf32>, vector<16xi32> -> vector<16xf32>
    %min3A_131 = arith.minimumf %min3A_124, %gather3A_130 : vector<16xf32>
    %xor3A_132 = arith.constant 1 : i32
    %xor3A_133 = vector.broadcast %xor3A_132 : i32 to vector<16xi32>
    %xor3A_134 = arith.xori %iota3A, %xor3A_133 : vector<16xi32>
    %broadcast_in_dim3A_135 = vector.shape_cast %xor3A_134 : vector<16xi32> to vector<16x1xi32>
    %gather3A_136 = vector.shape_cast %broadcast_in_dim3A_135 : vector<16x1xi32> to vector<16xi32>
    %gather3A_137 = tpu.dynamic_gather %min3A_131[%gather3A_136] in [0] : vector<16xf32>, vector<16xi32> -> vector<16xf32>
    %min3A_138 = arith.minimumf %min3A_131, %gather3A_137 : vector<16xf32>
    %add3A_139 = arith.addf %broadcast_in_dim3A_85, %min3A_138 : vector<16xf32>
    %xor3A_140 = arith.constant 8 : i32
    %xor3A_141 = vector.broadcast %xor3A_140 : i32 to vector<16xi32>
    %xor3A_142 = arith.xori %iota3A, %xor3A_141 : vector<16xi32>
    %broadcast_in_dim3A_143 = vector.shape_cast %xor3A_142 : vector<16xi32> to vector<16x1xi32>
    %gather3A_144 = vector.shape_cast %broadcast_in_dim3A_143 : vector<16x1xi32> to vector<16xi32>
    %gather3A_145 = tpu.dynamic_gather %scan3A_112#1[%gather3A_144] in [0] : vector<16xf32>, vector<16xi32> -> vector<16xf32>
    %min3A_146 = arith.minimumf %scan3A_112#1, %gather3A_145 : vector<16xf32>
    %xor3A_147 = arith.constant 4 : i32
    %xor3A_148 = vector.broadcast %xor3A_147 : i32 to vector<16xi32>
    %xor3A_149 = arith.xori %iota3A, %xor3A_148 : vector<16xi32>
    %broadcast_in_dim3A_150 = vector.shape_cast %xor3A_149 : vector<16xi32> to vector<16x1xi32>
    %gather3A_151 = vector.shape_cast %broadcast_in_dim3A_150 : vector<16x1xi32> to vector<16xi32>
    %gather3A_152 = tpu.dynamic_gather %min3A_146[%gather3A_151] in [0] : vector<16xf32>, vector<16xi32> -> vector<16xf32>
    %min3A_153 = arith.minimumf %min3A_146, %gather3A_152 : vector<16xf32>
    %xor3A_154 = arith.constant 2 : i32
    %xor3A_155 = vector.broadcast %xor3A_154 : i32 to vector<16xi32>
    %xor3A_156 = arith.xori %iota3A, %xor3A_155 : vector<16xi32>
    %broadcast_in_dim3A_157 = vector.shape_cast %xor3A_156 : vector<16xi32> to vector<16x1xi32>
    %gather3A_158 = vector.shape_cast %broadcast_in_dim3A_157 : vector<16x1xi32> to vector<16xi32>
    %gather3A_159 = tpu.dynamic_gather %min3A_153[%gather3A_158] in [0] : vector<16xf32>, vector<16xi32> -> vector<16xf32>
    %min3A_160 = arith.minimumf %min3A_153, %gather3A_159 : vector<16xf32>
    %xor3A_161 = arith.constant 1 : i32
    %xor3A_162 = vector.broadcast %xor3A_161 : i32 to vector<16xi32>
    %xor3A_163 = arith.xori %iota3A, %xor3A_162 : vector<16xi32>
    %broadcast_in_dim3A_164 = vector.shape_cast %xor3A_163 : vector<16xi32> to vector<16x1xi32>
    %gather3A_165 = vector.shape_cast %broadcast_in_dim3A_164 : vector<16x1xi32> to vector<16xi32>
    %gather3A_166 = tpu.dynamic_gather %min3A_160[%gather3A_165] in [0] : vector<16xf32>, vector<16xi32> -> vector<16xf32>
    %min3A_167 = arith.minimumf %min3A_160, %gather3A_166 : vector<16xf32>
    %add3A_168 = arith.addf %add3A_139, %min3A_167 : vector<16xf32>
    %xor3A_169 = arith.constant 8 : i32
    %xor3A_170 = vector.broadcast %xor3A_169 : i32 to vector<16xi32>
    %xor3A_171 = arith.xori %iota3A, %xor3A_170 : vector<16xi32>
    %broadcast_in_dim3A_172 = vector.shape_cast %xor3A_171 : vector<16xi32> to vector<16x1xi32>
    %gather3A_173 = vector.shape_cast %broadcast_in_dim3A_172 : vector<16x1xi32> to vector<16xi32>
    %gather3A_174 = tpu.dynamic_gather %scan3A_112#2[%gather3A_173] in [0] : vector<16xf32>, vector<16xi32> -> vector<16xf32>
    %min3A_175 = arith.minimumf %scan3A_112#2, %gather3A_174 : vector<16xf32>
    %xor3A_176 = arith.constant 4 : i32
    %xor3A_177 = vector.broadcast %xor3A_176 : i32 to vector<16xi32>
    %xor3A_178 = arith.xori %iota3A, %xor3A_177 : vector<16xi32>
    %broadcast_in_dim3A_179 = vector.shape_cast %xor3A_178 : vector<16xi32> to vector<16x1xi32>
    %gather3A_180 = vector.shape_cast %broadcast_in_dim3A_179 : vector<16x1xi32> to vector<16xi32>
    %gather3A_181 = tpu.dynamic_gather %min3A_175[%gather3A_180] in [0] : vector<16xf32>, vector<16xi32> -> vector<16xf32>
    %min3A_182 = arith.minimumf %min3A_175, %gather3A_181 : vector<16xf32>
    %xor3A_183 = arith.constant 2 : i32
    %xor3A_184 = vector.broadcast %xor3A_183 : i32 to vector<16xi32>
    %xor3A_185 = arith.xori %iota3A, %xor3A_184 : vector<16xi32>
    %broadcast_in_dim3A_186 = vector.shape_cast %xor3A_185 : vector<16xi32> to vector<16x1xi32>
    %gather3A_187 = vector.shape_cast %broadcast_in_dim3A_186 : vector<16x1xi32> to vector<16xi32>
    %gather3A_188 = tpu.dynamic_gather %min3A_182[%gather3A_187] in [0] : vector<16xf32>, vector<16xi32> -> vector<16xf32>
    %min3A_189 = arith.minimumf %min3A_182, %gather3A_188 : vector<16xf32>
    %xor3A_190 = arith.constant 1 : i32
    %xor3A_191 = vector.broadcast %xor3A_190 : i32 to vector<16xi32>
    %xor3A_192 = arith.xori %iota3A, %xor3A_191 : vector<16xi32>
    %broadcast_in_dim3A_193 = vector.shape_cast %xor3A_192 : vector<16xi32> to vector<16x1xi32>
    %gather3A_194 = vector.shape_cast %broadcast_in_dim3A_193 : vector<16x1xi32> to vector<16xi32>
    %gather3A_195 = tpu.dynamic_gather %min3A_189[%gather3A_194] in [0] : vector<16xf32>, vector<16xi32> -> vector<16xf32>
    %min3A_196 = arith.minimumf %min3A_189, %gather3A_195 : vector<16xf32>
    %add3A_197 = arith.addf %add3A_168, %min3A_196 : vector<16xf32>
    %xor3A_198 = arith.constant 8 : i32
    %xor3A_199 = vector.broadcast %xor3A_198 : i32 to vector<16xi32>
    %xor3A_200 = arith.xori %iota3A, %xor3A_199 : vector<16xi32>
    %broadcast_in_dim3A_201 = vector.shape_cast %xor3A_200 : vector<16xi32> to vector<16x1xi32>
    %gather3A_202 = vector.shape_cast %broadcast_in_dim3A_201 : vector<16x1xi32> to vector<16xi32>
    %gather3A_203 = tpu.dynamic_gather %scan3A_112#3[%gather3A_202] in [0] : vector<16xf32>, vector<16xi32> -> vector<16xf32>
    %min3A_204 = arith.minimumf %scan3A_112#3, %gather3A_203 : vector<16xf32>
    %xor3A_205 = arith.constant 4 : i32
    %xor3A_206 = vector.broadcast %xor3A_205 : i32 to vector<16xi32>
    %xor3A_207 = arith.xori %iota3A, %xor3A_206 : vector<16xi32>
    %broadcast_in_dim3A_208 = vector.shape_cast %xor3A_207 : vector<16xi32> to vector<16x1xi32>
    %gather3A_209 = vector.shape_cast %broadcast_in_dim3A_208 : vector<16x1xi32> to vector<16xi32>
    %gather3A_210 = tpu.dynamic_gather %min3A_204[%gather3A_209] in [0] : vector<16xf32>, vector<16xi32> -> vector<16xf32>
    %min3A_211 = arith.minimumf %min3A_204, %gather3A_210 : vector<16xf32>
    %xor3A_212 = arith.constant 2 : i32
    %xor3A_213 = vector.broadcast %xor3A_212 : i32 to vector<16xi32>
    %xor3A_214 = arith.xori %iota3A, %xor3A_213 : vector<16xi32>
    %broadcast_in_dim3A_215 = vector.shape_cast %xor3A_214 : vector<16xi32> to vector<16x1xi32>
    %gather3A_216 = vector.shape_cast %broadcast_in_dim3A_215 : vector<16x1xi32> to vector<16xi32>
    %gather3A_217 = tpu.dynamic_gather %min3A_211[%gather3A_216] in [0] : vector<16xf32>, vector<16xi32> -> vector<16xf32>
    %min3A_218 = arith.minimumf %min3A_211, %gather3A_217 : vector<16xf32>
    %xor3A_219 = arith.constant 1 : i32
    %xor3A_220 = vector.broadcast %xor3A_219 : i32 to vector<16xi32>
    %xor3A_221 = arith.xori %iota3A, %xor3A_220 : vector<16xi32>
    %broadcast_in_dim3A_222 = vector.shape_cast %xor3A_221 : vector<16xi32> to vector<16x1xi32>
    %gather3A_223 = vector.shape_cast %broadcast_in_dim3A_222 : vector<16x1xi32> to vector<16xi32>
    %gather3A_224 = tpu.dynamic_gather %min3A_218[%gather3A_223] in [0] : vector<16xf32>, vector<16xi32> -> vector<16xf32>
    %min3A_225 = arith.minimumf %min3A_218, %gather3A_224 : vector<16xf32>
    %add3A_226 = arith.addf %add3A_197, %min3A_225 : vector<16xf32>
    %slice3A_227 = vector.extract_strided_slice %get3A_48 {offsets = [4], sizes = [1], strides = [1]} : vector<16xf32> to vector<1xf32>
    %squeeze3A_228 = vector.extract %slice3A_227[0] : f32 from vector<1xf32>
    %slice3A_229 = vector.extract_strided_slice %get3A_62 {offsets = [4], sizes = [1], strides = [1]} : vector<16xf32> to vector<1xf32>
    %squeeze3A_230 = vector.extract %slice3A_229[0] : f32 from vector<1xf32>
    %slice3A_231 = vector.extract_strided_slice %get3A_76 {offsets = [4], sizes = [1], strides = [1]} : vector<16xf32> to vector<1xf32>
    %squeeze3A_232 = vector.extract %slice3A_231[0] : f32 from vector<1xf32>
    %slice3A_233 = vector.extract_strided_slice %get3A_48 {offsets = [5], sizes = [1], strides = [1]} : vector<16xf32> to vector<1xf32>
    %squeeze3A_234 = vector.extract %slice3A_233[0] : f32 from vector<1xf32>
    %slice3A_235 = vector.extract_strided_slice %get3A_62 {offsets = [5], sizes = [1], strides = [1]} : vector<16xf32> to vector<1xf32>
    %squeeze3A_236 = vector.extract %slice3A_235[0] : f32 from vector<1xf32>
    %slice3A_237 = vector.extract_strided_slice %get3A_76 {offsets = [5], sizes = [1], strides = [1]} : vector<16xf32> to vector<1xf32>
    %squeeze3A_238 = vector.extract %slice3A_237[0] : f32 from vector<1xf32>
    %slice3A_239 = vector.extract_strided_slice %get3A_48 {offsets = [6], sizes = [1], strides = [1]} : vector<16xf32> to vector<1xf32>
    %squeeze3A_240 = vector.extract %slice3A_239[0] : f32 from vector<1xf32>
    %slice3A_241 = vector.extract_strided_slice %get3A_62 {offsets = [6], sizes = [1], strides = [1]} : vector<16xf32> to vector<1xf32>
    %squeeze3A_242 = vector.extract %slice3A_241[0] : f32 from vector<1xf32>
    %slice3A_243 = vector.extract_strided_slice %get3A_76 {offsets = [6], sizes = [1], strides = [1]} : vector<16xf32> to vector<1xf32>
    %squeeze3A_244 = vector.extract %slice3A_243[0] : f32 from vector<1xf32>
    %slice3A_245 = vector.extract_strided_slice %get3A_48 {offsets = [7], sizes = [1], strides = [1]} : vector<16xf32> to vector<1xf32>
    %squeeze3A_246 = vector.extract %slice3A_245[0] : f32 from vector<1xf32>
    %slice3A_247 = vector.extract_strided_slice %get3A_62 {offsets = [7], sizes = [1], strides = [1]} : vector<16xf32> to vector<1xf32>
    %squeeze3A_248 = vector.extract %slice3A_247[0] : f32 from vector<1xf32>
    %slice3A_249 = vector.extract_strided_slice %get3A_76 {offsets = [7], sizes = [1], strides = [1]} : vector<16xf32> to vector<1xf32>
    %squeeze3A_250 = vector.extract %slice3A_249[0] : f32 from vector<1xf32>
    %scan3A_251 = arith.constant 0 : i32
    %scan3A_252 = arith.constant 256 : i32
    %scan3A_253 = arith.addi %scan3A_251, %scan3A_252 : i32
    %scan3A_254 = arith.constant 1 : i32
    %scan3A_255:4 = scf.for %scan3A_1259 = %scan3A_251 to %scan3A_253 step %scan3A_254 iter_args(%scan3A_1260 = %broadcast_in_dim3A_37, %scan3A_1261 = %broadcast_in_dim3A_37, %scan3A_1262 = %broadcast_in_dim3A_37, %scan3A_1263 = %broadcast_in_dim3A_37) -> (vector<16xf32>, vector<16xf32>, vector<16xf32>, vector<16xf32>)  : i32 {
      %mul3A_1264 = arith.constant 16 : i32
      %mul3A_1265 = arith.muli %scan3A_1259, %mul3A_1264 : i32
      %get3A_1266 = arith.constant 0 : i32
      %get3A_1267 = arith.index_cast %get3A_1266 : i32 to index
      %get3A_1268 = arith.index_cast %mul3A_1265 : i32 to index
      %get3A_1269 = tpu.vector_load %arg5[%get3A_1267, %get3A_1268] {strides = array<i32>} : memref<3x4096xf32, #tpu.memory_space<vmem>>, vector<1x16xf32>,
      %get3A_1270 = vector.shape_cast %get3A_1269 : vector<1x16xf32> to vector<16xf32>
      %mul3A_1271 = arith.constant 16 : i32
      %mul3A_1272 = arith.muli %scan3A_1259, %mul3A_1271 : i32
      %get3A_1273 = arith.constant 1 : i32
      %get3A_1274 = arith.index_cast %get3A_1273 : i32 to index
      %get3A_1275 = arith.index_cast %mul3A_1272 : i32 to index
      %get3A_1276 = tpu.vector_load %arg5[%get3A_1274, %get3A_1275] {strides = array<i32>} : memref<3x4096xf32, #tpu.memory_space<vmem>>, vector<1x16xf32>,
      %get3A_1277 = vector.shape_cast %get3A_1276 : vector<1x16xf32> to vector<16xf32>
      %mul3A_1278 = arith.constant 16 : i32
      %mul3A_1279 = arith.muli %scan3A_1259, %mul3A_1278 : i32
      %get3A_1280 = arith.constant 2 : i32
      %get3A_1281 = arith.index_cast %get3A_1280 : i32 to index
      %get3A_1282 = arith.index_cast %mul3A_1279 : i32 to index
      %get3A_1283 = tpu.vector_load %arg5[%get3A_1281, %get3A_1282] {strides = array<i32>} : memref<3x4096xf32, #tpu.memory_space<vmem>>, vector<1x16xf32>,
      %get3A_1284 = vector.shape_cast %get3A_1283 : vector<1x16xf32> to vector<16xf32>
      %mul3A_1285 = arith.constant 16 : i32
      %mul3A_1286 = arith.muli %scan3A_1259, %mul3A_1285 : i32
      %get3A_1287 = arith.index_cast %mul3A_1286 : i32 to index
      %get3A_1288 = tpu.vector_load %arg8[%get3A_1287] {strides = array<i32>} : memref<4096xf32, #tpu.memory_space<vmem>>, vector<16xf32>,
      %get3A_1289 = vector.shape_cast %get3A_1288 : vector<16xf32> to vector<16xf32>
      %sub3A_1290 = vector.broadcast %squeeze3A_228 : f32 to vector<16xf32>
      %sub3A_1291 = arith.subf %get3A_1270, %sub3A_1290 : vector<16xf32>
      %sub3A_1292 = vector.broadcast %squeeze3A_230 : f32 to vector<16xf32>
      %sub3A_1293 = arith.subf %get3A_1277, %sub3A_1292 : vector<16xf32>
      %sub3A_1294 = vector.broadcast %squeeze3A_232 : f32 to vector<16xf32>
      %sub3A_1295 = arith.subf %get3A_1284, %sub3A_1294 : vector<16xf32>
      %mul3A_1296 = arith.mulf %sub3A_1291, %sub3A_1291 : vector<16xf32>
      %mul3A_1297 = arith.mulf %sub3A_1293, %sub3A_1293 : vector<16xf32>
      %add3A_1298 = arith.addf %mul3A_1296, %mul3A_1297 : vector<16xf32>
      %mul3A_1299 = arith.mulf %sub3A_1295, %sub3A_1295 : vector<16xf32>
      %add3A_1300 = arith.addf %add3A_1298, %mul3A_1299 : vector<16xf32>
      %min3A_1301 = arith.minimumf %scan3A_1260, %add3A_1300 : vector<16xf32>
      %min3A_1302 = arith.minimumf %get3A_1289, %add3A_1300 : vector<16xf32>
      %sub3A_1303 = vector.broadcast %squeeze3A_234 : f32 to vector<16xf32>
      %sub3A_1304 = arith.subf %get3A_1270, %sub3A_1303 : vector<16xf32>
      %sub3A_1305 = vector.broadcast %squeeze3A_236 : f32 to vector<16xf32>
      %sub3A_1306 = arith.subf %get3A_1277, %sub3A_1305 : vector<16xf32>
      %sub3A_1307 = vector.broadcast %squeeze3A_238 : f32 to vector<16xf32>
      %sub3A_1308 = arith.subf %get3A_1284, %sub3A_1307 : vector<16xf32>
      %mul3A_1309 = arith.mulf %sub3A_1304, %sub3A_1304 : vector<16xf32>
      %mul3A_1310 = arith.mulf %sub3A_1306, %sub3A_1306 : vector<16xf32>
      %add3A_1311 = arith.addf %mul3A_1309, %mul3A_1310 : vector<16xf32>
      %mul3A_1312 = arith.mulf %sub3A_1308, %sub3A_1308 : vector<16xf32>
      %add3A_1313 = arith.addf %add3A_1311, %mul3A_1312 : vector<16xf32>
      %min3A_1314 = arith.minimumf %scan3A_1261, %add3A_1313 : vector<16xf32>
      %min3A_1315 = arith.minimumf %min3A_1302, %add3A_1313 : vector<16xf32>
      %sub3A_1316 = vector.broadcast %squeeze3A_240 : f32 to vector<16xf32>
      %sub3A_1317 = arith.subf %get3A_1270, %sub3A_1316 : vector<16xf32>
      %sub3A_1318 = vector.broadcast %squeeze3A_242 : f32 to vector<16xf32>
      %sub3A_1319 = arith.subf %get3A_1277, %sub3A_1318 : vector<16xf32>
      %sub3A_1320 = vector.broadcast %squeeze3A_244 : f32 to vector<16xf32>
      %sub3A_1321 = arith.subf %get3A_1284, %sub3A_1320 : vector<16xf32>
      %mul3A_1322 = arith.mulf %sub3A_1317, %sub3A_1317 : vector<16xf32>
      %mul3A_1323 = arith.mulf %sub3A_1319, %sub3A_1319 : vector<16xf32>
      %add3A_1324 = arith.addf %mul3A_1322, %mul3A_1323 : vector<16xf32>
      %mul3A_1325 = arith.mulf %sub3A_1321, %sub3A_1321 : vector<16xf32>
      %add3A_1326 = arith.addf %add3A_1324, %mul3A_1325 : vector<16xf32>
      %min3A_1327 = arith.minimumf %scan3A_1262, %add3A_1326 : vector<16xf32>
      %min3A_1328 = arith.minimumf %min3A_1315, %add3A_1326 : vector<16xf32>
      %sub3A_1329 = vector.broadcast %squeeze3A_246 : f32 to vector<16xf32>
      %sub3A_1330 = arith.subf %get3A_1270, %sub3A_1329 : vector<16xf32>
      %sub3A_1331 = vector.broadcast %squeeze3A_248 : f32 to vector<16xf32>
      %sub3A_1332 = arith.subf %get3A_1277, %sub3A_1331 : vector<16xf32>
      %sub3A_1333 = vector.broadcast %squeeze3A_250 : f32 to vector<16xf32>
      %sub3A_1334 = arith.subf %get3A_1284, %sub3A_1333 : vector<16xf32>
      %mul3A_1335 = arith.mulf %sub3A_1330, %sub3A_1330 : vector<16xf32>
      %mul3A_1336 = arith.mulf %sub3A_1332, %sub3A_1332 : vector<16xf32>
      %add3A_1337 = arith.addf %mul3A_1335, %mul3A_1336 : vector<16xf32>
      %mul3A_1338 = arith.mulf %sub3A_1334, %sub3A_1334 : vector<16xf32>
      %add3A_1339 = arith.addf %add3A_1337, %mul3A_1338 : vector<16xf32>
      %min3A_1340 = arith.minimumf %scan3A_1263, %add3A_1339 : vector<16xf32>
      %min3A_1341 = arith.minimumf %min3A_1328, %add3A_1339 : vector<16xf32>
      %mul3A_1342 = arith.constant 16 : i32
      %mul3A_1343 = arith.muli %scan3A_1259, %mul3A_1342 : i32
      %swap3A_1344 = arith.index_cast %mul3A_1343 : i32 to index
      %swap3A_1345 = tpu.vector_load %arg8[%swap3A_1344] {strides = array<i32>} : memref<4096xf32, #tpu.memory_space<vmem>>, vector<16xf32>,
      %swap3A_1346 = vector.shape_cast %swap3A_1345 : vector<16xf32> to vector<16xf32>
      %swap3A_1347 = vector.shape_cast %min3A_1341 : vector<16xf32> to vector<16xf32>
      tpu.vector_store %arg8[%swap3A_1344], %swap3A_1347 {strides = array<i32>} : memref<4096xf32, #tpu.memory_space<vmem>>, vector<16xf32>,
      scf.yield %min3A_1301, %min3A_1314, %min3A_1327, %min3A_1340 : vector<16xf32>, vector<16xf32>, vector<16xf32>, vector<16xf32>
    }
    %scan3A_256 = arith.constant 256 : i32
    %iota3A_257 = tpu.iota {dimensions = array<i32: 0>} : vector<16xi32>
    %xor3A_258 = arith.constant 8 : i32
    %xor3A_259 = vector.broadcast %xor3A_258 : i32 to vector<16xi32>
    %xor3A_260 = arith.xori %iota3A_257, %xor3A_259 : vector<16xi32>
    %broadcast_in_dim3A_261 = vector.shape_cast %xor3A_260 : vector<16xi32> to vector<16x1xi32>
    %gather3A_262 = vector.shape_cast %broadcast_in_dim3A_261 : vector<16x1xi32> to vector<16xi32>
    %gather3A_263 = tpu.dynamic_gather %scan3A_255#0[%gather3A_262] in [0] : vector<16xf32>, vector<16xi32> -> vector<16xf32>
    %min3A_264 = arith.minimumf %scan3A_255#0, %gather3A_263 : vector<16xf32>
    %xor3A_265 = arith.constant 4 : i32
    %xor3A_266 = vector.broadcast %xor3A_265 : i32 to vector<16xi32>
    %xor3A_267 = arith.xori %iota3A_257, %xor3A_266 : vector<16xi32>
    %broadcast_in_dim3A_268 = vector.shape_cast %xor3A_267 : vector<16xi32> to vector<16x1xi32>
    %gather3A_269 = vector.shape_cast %broadcast_in_dim3A_268 : vector<16x1xi32> to vector<16xi32>
    %gather3A_270 = tpu.dynamic_gather %min3A_264[%gather3A_269] in [0] : vector<16xf32>, vector<16xi32> -> vector<16xf32>
    %min3A_271 = arith.minimumf %min3A_264, %gather3A_270 : vector<16xf32>
    %xor3A_272 = arith.constant 2 : i32
    %xor3A_273 = vector.broadcast %xor3A_272 : i32 to vector<16xi32>
    %xor3A_274 = arith.xori %iota3A_257, %xor3A_273 : vector<16xi32>
    %broadcast_in_dim3A_275 = vector.shape_cast %xor3A_274 : vector<16xi32> to vector<16x1xi32>
    %gather3A_276 = vector.shape_cast %broadcast_in_dim3A_275 : vector<16x1xi32> to vector<16xi32>
    %gather3A_277 = tpu.dynamic_gather %min3A_271[%gather3A_276] in [0] : vector<16xf32>, vector<16xi32> -> vector<16xf32>
    %min3A_278 = arith.minimumf %min3A_271, %gather3A_277 : vector<16xf32>
    %xor3A_279 = arith.constant 1 : i32
    %xor3A_280 = vector.broadcast %xor3A_279 : i32 to vector<16xi32>
    %xor3A_281 = arith.xori %iota3A_257, %xor3A_280 : vector<16xi32>
    %broadcast_in_dim3A_282 = vector.shape_cast %xor3A_281 : vector<16xi32> to vector<16x1xi32>
    %gather3A_283 = vector.shape_cast %broadcast_in_dim3A_282 : vector<16x1xi32> to vector<16xi32>
    %gather3A_284 = tpu.dynamic_gather %min3A_278[%gather3A_283] in [0] : vector<16xf32>, vector<16xi32> -> vector<16xf32>
    %min3A_285 = arith.minimumf %min3A_278, %gather3A_284 : vector<16xf32>
    %add3A_286 = arith.addf %add3A_226, %min3A_285 : vector<16xf32>
    %xor3A_287 = arith.constant 8 : i32
    %xor3A_288 = vector.broadcast %xor3A_287 : i32 to vector<16xi32>
    %xor3A_289 = arith.xori %iota3A_257, %xor3A_288 : vector<16xi32>
    %broadcast_in_dim3A_290 = vector.shape_cast %xor3A_289 : vector<16xi32> to vector<16x1xi32>
    %gather3A_291 = vector.shape_cast %broadcast_in_dim3A_290 : vector<16x1xi32> to vector<16xi32>
    %gather3A_292 = tpu.dynamic_gather %scan3A_255#1[%gather3A_291] in [0] : vector<16xf32>, vector<16xi32> -> vector<16xf32>
    %min3A_293 = arith.minimumf %scan3A_255#1, %gather3A_292 : vector<16xf32>
    %xor3A_294 = arith.constant 4 : i32
    %xor3A_295 = vector.broadcast %xor3A_294 : i32 to vector<16xi32>
    %xor3A_296 = arith.xori %iota3A_257, %xor3A_295 : vector<16xi32>
    %broadcast_in_dim3A_297 = vector.shape_cast %xor3A_296 : vector<16xi32> to vector<16x1xi32>
    %gather3A_298 = vector.shape_cast %broadcast_in_dim3A_297 : vector<16x1xi32> to vector<16xi32>
    %gather3A_299 = tpu.dynamic_gather %min3A_293[%gather3A_298] in [0] : vector<16xf32>, vector<16xi32> -> vector<16xf32>
    %min3A_300 = arith.minimumf %min3A_293, %gather3A_299 : vector<16xf32>
    %xor3A_301 = arith.constant 2 : i32
    %xor3A_302 = vector.broadcast %xor3A_301 : i32 to vector<16xi32>
    %xor3A_303 = arith.xori %iota3A_257, %xor3A_302 : vector<16xi32>
    %broadcast_in_dim3A_304 = vector.shape_cast %xor3A_303 : vector<16xi32> to vector<16x1xi32>
    %gather3A_305 = vector.shape_cast %broadcast_in_dim3A_304 : vector<16x1xi32> to vector<16xi32>
    %gather3A_306 = tpu.dynamic_gather %min3A_300[%gather3A_305] in [0] : vector<16xf32>, vector<16xi32> -> vector<16xf32>
    %min3A_307 = arith.minimumf %min3A_300, %gather3A_306 : vector<16xf32>
    %xor3A_308 = arith.constant 1 : i32
    %xor3A_309 = vector.broadcast %xor3A_308 : i32 to vector<16xi32>
    %xor3A_310 = arith.xori %iota3A_257, %xor3A_309 : vector<16xi32>
    %broadcast_in_dim3A_311 = vector.shape_cast %xor3A_310 : vector<16xi32> to vector<16x1xi32>
    %gather3A_312 = vector.shape_cast %broadcast_in_dim3A_311 : vector<16x1xi32> to vector<16xi32>
    %gather3A_313 = tpu.dynamic_gather %min3A_307[%gather3A_312] in [0] : vector<16xf32>, vector<16xi32> -> vector<16xf32>
    %min3A_314 = arith.minimumf %min3A_307, %gather3A_313 : vector<16xf32>
    %add3A_315 = arith.addf %add3A_286, %min3A_314 : vector<16xf32>
    %xor3A_316 = arith.constant 8 : i32
    %xor3A_317 = vector.broadcast %xor3A_316 : i32 to vector<16xi32>
    %xor3A_318 = arith.xori %iota3A_257, %xor3A_317 : vector<16xi32>
    %broadcast_in_dim3A_319 = vector.shape_cast %xor3A_318 : vector<16xi32> to vector<16x1xi32>
    %gather3A_320 = vector.shape_cast %broadcast_in_dim3A_319 : vector<16x1xi32> to vector<16xi32>
    %gather3A_321 = tpu.dynamic_gather %scan3A_255#2[%gather3A_320] in [0] : vector<16xf32>, vector<16xi32> -> vector<16xf32>
    %min3A_322 = arith.minimumf %scan3A_255#2, %gather3A_321 : vector<16xf32>
    %xor3A_323 = arith.constant 4 : i32
    %xor3A_324 = vector.broadcast %xor3A_323 : i32 to vector<16xi32>
    %xor3A_325 = arith.xori %iota3A_257, %xor3A_324 : vector<16xi32>
    %broadcast_in_dim3A_326 = vector.shape_cast %xor3A_325 : vector<16xi32> to vector<16x1xi32>
    %gather3A_327 = vector.shape_cast %broadcast_in_dim3A_326 : vector<16x1xi32> to vector<16xi32>
    %gather3A_328 = tpu.dynamic_gather %min3A_322[%gather3A_327] in [0] : vector<16xf32>, vector<16xi32> -> vector<16xf32>
    %min3A_329 = arith.minimumf %min3A_322, %gather3A_328 : vector<16xf32>
    %xor3A_330 = arith.constant 2 : i32
    %xor3A_331 = vector.broadcast %xor3A_330 : i32 to vector<16xi32>
    %xor3A_332 = arith.xori %iota3A_257, %xor3A_331 : vector<16xi32>
    %broadcast_in_dim3A_333 = vector.shape_cast %xor3A_332 : vector<16xi32> to vector<16x1xi32>
    %gather3A_334 = vector.shape_cast %broadcast_in_dim3A_333 : vector<16x1xi32> to vector<16xi32>
    %gather3A_335 = tpu.dynamic_gather %min3A_329[%gather3A_334] in [0] : vector<16xf32>, vector<16xi32> -> vector<16xf32>
    %min3A_336 = arith.minimumf %min3A_329, %gather3A_335 : vector<16xf32>
    %xor3A_337 = arith.constant 1 : i32
    %xor3A_338 = vector.broadcast %xor3A_337 : i32 to vector<16xi32>
    %xor3A_339 = arith.xori %iota3A_257, %xor3A_338 : vector<16xi32>
    %broadcast_in_dim3A_340 = vector.shape_cast %xor3A_339 : vector<16xi32> to vector<16x1xi32>
    %gather3A_341 = vector.shape_cast %broadcast_in_dim3A_340 : vector<16x1xi32> to vector<16xi32>
    %gather3A_342 = tpu.dynamic_gather %min3A_336[%gather3A_341] in [0] : vector<16xf32>, vector<16xi32> -> vector<16xf32>
    %min3A_343 = arith.minimumf %min3A_336, %gather3A_342 : vector<16xf32>
    %add3A_344 = arith.addf %add3A_315, %min3A_343 : vector<16xf32>
    %xor3A_345 = arith.constant 8 : i32
    %xor3A_346 = vector.broadcast %xor3A_345 : i32 to vector<16xi32>
    %xor3A_347 = arith.xori %iota3A_257, %xor3A_346 : vector<16xi32>
    %broadcast_in_dim3A_348 = vector.shape_cast %xor3A_347 : vector<16xi32> to vector<16x1xi32>
    %gather3A_349 = vector.shape_cast %broadcast_in_dim3A_348 : vector<16x1xi32> to vector<16xi32>
    %gather3A_350 = tpu.dynamic_gather %scan3A_255#3[%gather3A_349] in [0] : vector<16xf32>, vector<16xi32> -> vector<16xf32>
    %min3A_351 = arith.minimumf %scan3A_255#3, %gather3A_350 : vector<16xf32>
    %xor3A_352 = arith.constant 4 : i32
    %xor3A_353 = vector.broadcast %xor3A_352 : i32 to vector<16xi32>
    %xor3A_354 = arith.xori %iota3A_257, %xor3A_353 : vector<16xi32>
    %broadcast_in_dim3A_355 = vector.shape_cast %xor3A_354 : vector<16xi32> to vector<16x1xi32>
    %gather3A_356 = vector.shape_cast %broadcast_in_dim3A_355 : vector<16x1xi32> to vector<16xi32>
    %gather3A_357 = tpu.dynamic_gather %min3A_351[%gather3A_356] in [0] : vector<16xf32>, vector<16xi32> -> vector<16xf32>
    %min3A_358 = arith.minimumf %min3A_351, %gather3A_357 : vector<16xf32>
    %xor3A_359 = arith.constant 2 : i32
    %xor3A_360 = vector.broadcast %xor3A_359 : i32 to vector<16xi32>
    %xor3A_361 = arith.xori %iota3A_257, %xor3A_360 : vector<16xi32>
    %broadcast_in_dim3A_362 = vector.shape_cast %xor3A_361 : vector<16xi32> to vector<16x1xi32>
    %gather3A_363 = vector.shape_cast %broadcast_in_dim3A_362 : vector<16x1xi32> to vector<16xi32>
    %gather3A_364 = tpu.dynamic_gather %min3A_358[%gather3A_363] in [0] : vector<16xf32>, vector<16xi32> -> vector<16xf32>
    %min3A_365 = arith.minimumf %min3A_358, %gather3A_364 : vector<16xf32>
    %xor3A_366 = arith.constant 1 : i32
    %xor3A_367 = vector.broadcast %xor3A_366 : i32 to vector<16xi32>
    %xor3A_368 = arith.xori %iota3A_257, %xor3A_367 : vector<16xi32>
    %broadcast_in_dim3A_369 = vector.shape_cast %xor3A_368 : vector<16xi32> to vector<16x1xi32>
    %gather3A_370 = vector.shape_cast %broadcast_in_dim3A_369 : vector<16x1xi32> to vector<16xi32>
    %gather3A_371 = tpu.dynamic_gather %min3A_365[%gather3A_370] in [0] : vector<16xf32>, vector<16xi32> -> vector<16xf32>
    %min3A_372 = arith.minimumf %min3A_365, %gather3A_371 : vector<16xf32>
    %add3A_373 = arith.addf %add3A_344, %min3A_372 : vector<16xf32>
    %slice3A_374 = vector.extract_strided_slice %get3A_48 {offsets = [8], sizes = [1], strides = [1]} : vector<16xf32> to vector<1xf32>
    %squeeze3A_375 = vector.extract %slice3A_374[0] : f32 from vector<1xf32>
    %slice3A_376 = vector.extract_strided_slice %get3A_62 {offsets = [8], sizes = [1], strides = [1]} : vector<16xf32> to vector<1xf32>
    %squeeze3A_377 = vector.extract %slice3A_376[0] : f32 from vector<1xf32>
    %slice3A_378 = vector.extract_strided_slice %get3A_76 {offsets = [8], sizes = [1], strides = [1]} : vector<16xf32> to vector<1xf32>
    %squeeze3A_379 = vector.extract %slice3A_378[0] : f32 from vector<1xf32>
    %slice3A_380 = vector.extract_strided_slice %get3A_48 {offsets = [9], sizes = [1], strides = [1]} : vector<16xf32> to vector<1xf32>
    %squeeze3A_381 = vector.extract %slice3A_380[0] : f32 from vector<1xf32>
    %slice3A_382 = vector.extract_strided_slice %get3A_62 {offsets = [9], sizes = [1], strides = [1]} : vector<16xf32> to vector<1xf32>
    %squeeze3A_383 = vector.extract %slice3A_382[0] : f32 from vector<1xf32>
    %slice3A_384 = vector.extract_strided_slice %get3A_76 {offsets = [9], sizes = [1], strides = [1]} : vector<16xf32> to vector<1xf32>
    %squeeze3A_385 = vector.extract %slice3A_384[0] : f32 from vector<1xf32>
    %slice3A_386 = vector.extract_strided_slice %get3A_48 {offsets = [10], sizes = [1], strides = [1]} : vector<16xf32> to vector<1xf32>
    %squeeze3A_387 = vector.extract %slice3A_386[0] : f32 from vector<1xf32>
    %slice3A_388 = vector.extract_strided_slice %get3A_62 {offsets = [10], sizes = [1], strides = [1]} : vector<16xf32> to vector<1xf32>
    %squeeze3A_389 = vector.extract %slice3A_388[0] : f32 from vector<1xf32>
    %slice3A_390 = vector.extract_strided_slice %get3A_76 {offsets = [10], sizes = [1], strides = [1]} : vector<16xf32> to vector<1xf32>
    %squeeze3A_391 = vector.extract %slice3A_390[0] : f32 from vector<1xf32>
    %slice3A_392 = vector.extract_strided_slice %get3A_48 {offsets = [11], sizes = [1], strides = [1]} : vector<16xf32> to vector<1xf32>
    %squeeze3A_393 = vector.extract %slice3A_392[0] : f32 from vector<1xf32>
    %slice3A_394 = vector.extract_strided_slice %get3A_62 {offsets = [11], sizes = [1], strides = [1]} : vector<16xf32> to vector<1xf32>
    %squeeze3A_395 = vector.extract %slice3A_394[0] : f32 from vector<1xf32>
    %slice3A_396 = vector.extract_strided_slice %get3A_76 {offsets = [11], sizes = [1], strides = [1]} : vector<16xf32> to vector<1xf32>
    %squeeze3A_397 = vector.extract %slice3A_396[0] : f32 from vector<1xf32>
    %scan3A_398 = arith.constant 0 : i32
    %scan3A_399 = arith.constant 256 : i32
    %scan3A_400 = arith.addi %scan3A_398, %scan3A_399 : i32
    %scan3A_401 = arith.constant 1 : i32
    %scan3A_402:4 = scf.for %scan3A_1259 = %scan3A_398 to %scan3A_400 step %scan3A_401 iter_args(%scan3A_1260 = %broadcast_in_dim3A_37, %scan3A_1261 = %broadcast_in_dim3A_37, %scan3A_1262 = %broadcast_in_dim3A_37, %scan3A_1263 = %broadcast_in_dim3A_37) -> (vector<16xf32>, vector<16xf32>, vector<16xf32>, vector<16xf32>)  : i32 {
      %mul3A_1264 = arith.constant 16 : i32
      %mul3A_1265 = arith.muli %scan3A_1259, %mul3A_1264 : i32
      %get3A_1266 = arith.constant 0 : i32
      %get3A_1267 = arith.index_cast %get3A_1266 : i32 to index
      %get3A_1268 = arith.index_cast %mul3A_1265 : i32 to index
      %get3A_1269 = tpu.vector_load %arg5[%get3A_1267, %get3A_1268] {strides = array<i32>} : memref<3x4096xf32, #tpu.memory_space<vmem>>, vector<1x16xf32>,
      %get3A_1270 = vector.shape_cast %get3A_1269 : vector<1x16xf32> to vector<16xf32>
      %mul3A_1271 = arith.constant 16 : i32
      %mul3A_1272 = arith.muli %scan3A_1259, %mul3A_1271 : i32
      %get3A_1273 = arith.constant 1 : i32
      %get3A_1274 = arith.index_cast %get3A_1273 : i32 to index
      %get3A_1275 = arith.index_cast %mul3A_1272 : i32 to index
      %get3A_1276 = tpu.vector_load %arg5[%get3A_1274, %get3A_1275] {strides = array<i32>} : memref<3x4096xf32, #tpu.memory_space<vmem>>, vector<1x16xf32>,
      %get3A_1277 = vector.shape_cast %get3A_1276 : vector<1x16xf32> to vector<16xf32>
      %mul3A_1278 = arith.constant 16 : i32
      %mul3A_1279 = arith.muli %scan3A_1259, %mul3A_1278 : i32
      %get3A_1280 = arith.constant 2 : i32
      %get3A_1281 = arith.index_cast %get3A_1280 : i32 to index
      %get3A_1282 = arith.index_cast %mul3A_1279 : i32 to index
      %get3A_1283 = tpu.vector_load %arg5[%get3A_1281, %get3A_1282] {strides = array<i32>} : memref<3x4096xf32, #tpu.memory_space<vmem>>, vector<1x16xf32>,
      %get3A_1284 = vector.shape_cast %get3A_1283 : vector<1x16xf32> to vector<16xf32>
      %mul3A_1285 = arith.constant 16 : i32
      %mul3A_1286 = arith.muli %scan3A_1259, %mul3A_1285 : i32
      %get3A_1287 = arith.index_cast %mul3A_1286 : i32 to index
      %get3A_1288 = tpu.vector_load %arg8[%get3A_1287] {strides = array<i32>} : memref<4096xf32, #tpu.memory_space<vmem>>, vector<16xf32>,
      %get3A_1289 = vector.shape_cast %get3A_1288 : vector<16xf32> to vector<16xf32>
      %sub3A_1290 = vector.broadcast %squeeze3A_375 : f32 to vector<16xf32>
      %sub3A_1291 = arith.subf %get3A_1270, %sub3A_1290 : vector<16xf32>
      %sub3A_1292 = vector.broadcast %squeeze3A_377 : f32 to vector<16xf32>
      %sub3A_1293 = arith.subf %get3A_1277, %sub3A_1292 : vector<16xf32>
      %sub3A_1294 = vector.broadcast %squeeze3A_379 : f32 to vector<16xf32>
      %sub3A_1295 = arith.subf %get3A_1284, %sub3A_1294 : vector<16xf32>
      %mul3A_1296 = arith.mulf %sub3A_1291, %sub3A_1291 : vector<16xf32>
      %mul3A_1297 = arith.mulf %sub3A_1293, %sub3A_1293 : vector<16xf32>
      %add3A_1298 = arith.addf %mul3A_1296, %mul3A_1297 : vector<16xf32>
      %mul3A_1299 = arith.mulf %sub3A_1295, %sub3A_1295 : vector<16xf32>
      %add3A_1300 = arith.addf %add3A_1298, %mul3A_1299 : vector<16xf32>
      %min3A_1301 = arith.minimumf %scan3A_1260, %add3A_1300 : vector<16xf32>
      %min3A_1302 = arith.minimumf %get3A_1289, %add3A_1300 : vector<16xf32>
      %sub3A_1303 = vector.broadcast %squeeze3A_381 : f32 to vector<16xf32>
      %sub3A_1304 = arith.subf %get3A_1270, %sub3A_1303 : vector<16xf32>
      %sub3A_1305 = vector.broadcast %squeeze3A_383 : f32 to vector<16xf32>
      %sub3A_1306 = arith.subf %get3A_1277, %sub3A_1305 : vector<16xf32>
      %sub3A_1307 = vector.broadcast %squeeze3A_385 : f32 to vector<16xf32>
      %sub3A_1308 = arith.subf %get3A_1284, %sub3A_1307 : vector<16xf32>
      %mul3A_1309 = arith.mulf %sub3A_1304, %sub3A_1304 : vector<16xf32>
      %mul3A_1310 = arith.mulf %sub3A_1306, %sub3A_1306 : vector<16xf32>
      %add3A_1311 = arith.addf %mul3A_1309, %mul3A_1310 : vector<16xf32>
      %mul3A_1312 = arith.mulf %sub3A_1308, %sub3A_1308 : vector<16xf32>
      %add3A_1313 = arith.addf %add3A_1311, %mul3A_1312 : vector<16xf32>
      %min3A_1314 = arith.minimumf %scan3A_1261, %add3A_1313 : vector<16xf32>
      %min3A_1315 = arith.minimumf %min3A_1302, %add3A_1313 : vector<16xf32>
      %sub3A_1316 = vector.broadcast %squeeze3A_387 : f32 to vector<16xf32>
      %sub3A_1317 = arith.subf %get3A_1270, %sub3A_1316 : vector<16xf32>
      %sub3A_1318 = vector.broadcast %squeeze3A_389 : f32 to vector<16xf32>
      %sub3A_1319 = arith.subf %get3A_1277, %sub3A_1318 : vector<16xf32>
      %sub3A_1320 = vector.broadcast %squeeze3A_391 : f32 to vector<16xf32>
      %sub3A_1321 = arith.subf %get3A_1284, %sub3A_1320 : vector<16xf32>
      %mul3A_1322 = arith.mulf %sub3A_1317, %sub3A_1317 : vector<16xf32>
      %mul3A_1323 = arith.mulf %sub3A_1319, %sub3A_1319 : vector<16xf32>
      %add3A_1324 = arith.addf %mul3A_1322, %mul3A_1323 : vector<16xf32>
      %mul3A_1325 = arith.mulf %sub3A_1321, %sub3A_1321 : vector<16xf32>
      %add3A_1326 = arith.addf %add3A_1324, %mul3A_1325 : vector<16xf32>
      %min3A_1327 = arith.minimumf %scan3A_1262, %add3A_1326 : vector<16xf32>
      %min3A_1328 = arith.minimumf %min3A_1315, %add3A_1326 : vector<16xf32>
      %sub3A_1329 = vector.broadcast %squeeze3A_393 : f32 to vector<16xf32>
      %sub3A_1330 = arith.subf %get3A_1270, %sub3A_1329 : vector<16xf32>
      %sub3A_1331 = vector.broadcast %squeeze3A_395 : f32 to vector<16xf32>
      %sub3A_1332 = arith.subf %get3A_1277, %sub3A_1331 : vector<16xf32>
      %sub3A_1333 = vector.broadcast %squeeze3A_397 : f32 to vector<16xf32>
      %sub3A_1334 = arith.subf %get3A_1284, %sub3A_1333 : vector<16xf32>
      %mul3A_1335 = arith.mulf %sub3A_1330, %sub3A_1330 : vector<16xf32>
      %mul3A_1336 = arith.mulf %sub3A_1332, %sub3A_1332 : vector<16xf32>
      %add3A_1337 = arith.addf %mul3A_1335, %mul3A_1336 : vector<16xf32>
      %mul3A_1338 = arith.mulf %sub3A_1334, %sub3A_1334 : vector<16xf32>
      %add3A_1339 = arith.addf %add3A_1337, %mul3A_1338 : vector<16xf32>
      %min3A_1340 = arith.minimumf %scan3A_1263, %add3A_1339 : vector<16xf32>
      %min3A_1341 = arith.minimumf %min3A_1328, %add3A_1339 : vector<16xf32>
      %mul3A_1342 = arith.constant 16 : i32
      %mul3A_1343 = arith.muli %scan3A_1259, %mul3A_1342 : i32
      %swap3A_1344 = arith.index_cast %mul3A_1343 : i32 to index
      %swap3A_1345 = tpu.vector_load %arg8[%swap3A_1344] {strides = array<i32>} : memref<4096xf32, #tpu.memory_space<vmem>>, vector<16xf32>,
      %swap3A_1346 = vector.shape_cast %swap3A_1345 : vector<16xf32> to vector<16xf32>
      %swap3A_1347 = vector.shape_cast %min3A_1341 : vector<16xf32> to vector<16xf32>
      tpu.vector_store %arg8[%swap3A_1344], %swap3A_1347 {strides = array<i32>} : memref<4096xf32, #tpu.memory_space<vmem>>, vector<16xf32>,
      scf.yield %min3A_1301, %min3A_1314, %min3A_1327, %min3A_1340 : vector<16xf32>, vector<16xf32>, vector<16xf32>, vector<16xf32>
    }
    %scan3A_403 = arith.constant 256 : i32
    %iota3A_404 = tpu.iota {dimensions = array<i32: 0>} : vector<16xi32>
    %xor3A_405 = arith.constant 8 : i32
    %xor3A_406 = vector.broadcast %xor3A_405 : i32 to vector<16xi32>
    %xor3A_407 = arith.xori %iota3A_404, %xor3A_406 : vector<16xi32>
    %broadcast_in_dim3A_408 = vector.shape_cast %xor3A_407 : vector<16xi32> to vector<16x1xi32>
    %gather3A_409 = vector.shape_cast %broadcast_in_dim3A_408 : vector<16x1xi32> to vector<16xi32>
    %gather3A_410 = tpu.dynamic_gather %scan3A_402#0[%gather3A_409] in [0] : vector<16xf32>, vector<16xi32> -> vector<16xf32>
    %min3A_411 = arith.minimumf %scan3A_402#0, %gather3A_410 : vector<16xf32>
    %xor3A_412 = arith.constant 4 : i32
    %xor3A_413 = vector.broadcast %xor3A_412 : i32 to vector<16xi32>
    %xor3A_414 = arith.xori %iota3A_404, %xor3A_413 : vector<16xi32>
    %broadcast_in_dim3A_415 = vector.shape_cast %xor3A_414 : vector<16xi32> to vector<16x1xi32>
    %gather3A_416 = vector.shape_cast %broadcast_in_dim3A_415 : vector<16x1xi32> to vector<16xi32>
    %gather3A_417 = tpu.dynamic_gather %min3A_411[%gather3A_416] in [0] : vector<16xf32>, vector<16xi32> -> vector<16xf32>
    %min3A_418 = arith.minimumf %min3A_411, %gather3A_417 : vector<16xf32>
    %xor3A_419 = arith.constant 2 : i32
    %xor3A_420 = vector.broadcast %xor3A_419 : i32 to vector<16xi32>
    %xor3A_421 = arith.xori %iota3A_404, %xor3A_420 : vector<16xi32>
    %broadcast_in_dim3A_422 = vector.shape_cast %xor3A_421 : vector<16xi32> to vector<16x1xi32>
    %gather3A_423 = vector.shape_cast %broadcast_in_dim3A_422 : vector<16x1xi32> to vector<16xi32>
    %gather3A_424 = tpu.dynamic_gather %min3A_418[%gather3A_423] in [0] : vector<16xf32>, vector<16xi32> -> vector<16xf32>
    %min3A_425 = arith.minimumf %min3A_418, %gather3A_424 : vector<16xf32>
    %xor3A_426 = arith.constant 1 : i32
    %xor3A_427 = vector.broadcast %xor3A_426 : i32 to vector<16xi32>
    %xor3A_428 = arith.xori %iota3A_404, %xor3A_427 : vector<16xi32>
    %broadcast_in_dim3A_429 = vector.shape_cast %xor3A_428 : vector<16xi32> to vector<16x1xi32>
    %gather3A_430 = vector.shape_cast %broadcast_in_dim3A_429 : vector<16x1xi32> to vector<16xi32>
    %gather3A_431 = tpu.dynamic_gather %min3A_425[%gather3A_430] in [0] : vector<16xf32>, vector<16xi32> -> vector<16xf32>
    %min3A_432 = arith.minimumf %min3A_425, %gather3A_431 : vector<16xf32>
    %add3A_433 = arith.addf %add3A_373, %min3A_432 : vector<16xf32>
    %xor3A_434 = arith.constant 8 : i32
    %xor3A_435 = vector.broadcast %xor3A_434 : i32 to vector<16xi32>
    %xor3A_436 = arith.xori %iota3A_404, %xor3A_435 : vector<16xi32>
    %broadcast_in_dim3A_437 = vector.shape_cast %xor3A_436 : vector<16xi32> to vector<16x1xi32>
    %gather3A_438 = vector.shape_cast %broadcast_in_dim3A_437 : vector<16x1xi32> to vector<16xi32>
    %gather3A_439 = tpu.dynamic_gather %scan3A_402#1[%gather3A_438] in [0] : vector<16xf32>, vector<16xi32> -> vector<16xf32>
    %min3A_440 = arith.minimumf %scan3A_402#1, %gather3A_439 : vector<16xf32>
    %xor3A_441 = arith.constant 4 : i32
    %xor3A_442 = vector.broadcast %xor3A_441 : i32 to vector<16xi32>
    %xor3A_443 = arith.xori %iota3A_404, %xor3A_442 : vector<16xi32>
    %broadcast_in_dim3A_444 = vector.shape_cast %xor3A_443 : vector<16xi32> to vector<16x1xi32>
    %gather3A_445 = vector.shape_cast %broadcast_in_dim3A_444 : vector<16x1xi32> to vector<16xi32>
    %gather3A_446 = tpu.dynamic_gather %min3A_440[%gather3A_445] in [0] : vector<16xf32>, vector<16xi32> -> vector<16xf32>
    %min3A_447 = arith.minimumf %min3A_440, %gather3A_446 : vector<16xf32>
    %xor3A_448 = arith.constant 2 : i32
    %xor3A_449 = vector.broadcast %xor3A_448 : i32 to vector<16xi32>
    %xor3A_450 = arith.xori %iota3A_404, %xor3A_449 : vector<16xi32>
    %broadcast_in_dim3A_451 = vector.shape_cast %xor3A_450 : vector<16xi32> to vector<16x1xi32>
    %gather3A_452 = vector.shape_cast %broadcast_in_dim3A_451 : vector<16x1xi32> to vector<16xi32>
    %gather3A_453 = tpu.dynamic_gather %min3A_447[%gather3A_452] in [0] : vector<16xf32>, vector<16xi32> -> vector<16xf32>
    %min3A_454 = arith.minimumf %min3A_447, %gather3A_453 : vector<16xf32>
    %xor3A_455 = arith.constant 1 : i32
    %xor3A_456 = vector.broadcast %xor3A_455 : i32 to vector<16xi32>
    %xor3A_457 = arith.xori %iota3A_404, %xor3A_456 : vector<16xi32>
    %broadcast_in_dim3A_458 = vector.shape_cast %xor3A_457 : vector<16xi32> to vector<16x1xi32>
    %gather3A_459 = vector.shape_cast %broadcast_in_dim3A_458 : vector<16x1xi32> to vector<16xi32>
    %gather3A_460 = tpu.dynamic_gather %min3A_454[%gather3A_459] in [0] : vector<16xf32>, vector<16xi32> -> vector<16xf32>
    %min3A_461 = arith.minimumf %min3A_454, %gather3A_460 : vector<16xf32>
    %add3A_462 = arith.addf %add3A_433, %min3A_461 : vector<16xf32>
    %xor3A_463 = arith.constant 8 : i32
    %xor3A_464 = vector.broadcast %xor3A_463 : i32 to vector<16xi32>
    %xor3A_465 = arith.xori %iota3A_404, %xor3A_464 : vector<16xi32>
    %broadcast_in_dim3A_466 = vector.shape_cast %xor3A_465 : vector<16xi32> to vector<16x1xi32>
    %gather3A_467 = vector.shape_cast %broadcast_in_dim3A_466 : vector<16x1xi32> to vector<16xi32>
    %gather3A_468 = tpu.dynamic_gather %scan3A_402#2[%gather3A_467] in [0] : vector<16xf32>, vector<16xi32> -> vector<16xf32>
    %min3A_469 = arith.minimumf %scan3A_402#2, %gather3A_468 : vector<16xf32>
    %xor3A_470 = arith.constant 4 : i32
    %xor3A_471 = vector.broadcast %xor3A_470 : i32 to vector<16xi32>
    %xor3A_472 = arith.xori %iota3A_404, %xor3A_471 : vector<16xi32>
    %broadcast_in_dim3A_473 = vector.shape_cast %xor3A_472 : vector<16xi32> to vector<16x1xi32>
    %gather3A_474 = vector.shape_cast %broadcast_in_dim3A_473 : vector<16x1xi32> to vector<16xi32>
    %gather3A_475 = tpu.dynamic_gather %min3A_469[%gather3A_474] in [0] : vector<16xf32>, vector<16xi32> -> vector<16xf32>
    %min3A_476 = arith.minimumf %min3A_469, %gather3A_475 : vector<16xf32>
    %xor3A_477 = arith.constant 2 : i32
    %xor3A_478 = vector.broadcast %xor3A_477 : i32 to vector<16xi32>
    %xor3A_479 = arith.xori %iota3A_404, %xor3A_478 : vector<16xi32>
    %broadcast_in_dim3A_480 = vector.shape_cast %xor3A_479 : vector<16xi32> to vector<16x1xi32>
    %gather3A_481 = vector.shape_cast %broadcast_in_dim3A_480 : vector<16x1xi32> to vector<16xi32>
    %gather3A_482 = tpu.dynamic_gather %min3A_476[%gather3A_481] in [0] : vector<16xf32>, vector<16xi32> -> vector<16xf32>
    %min3A_483 = arith.minimumf %min3A_476, %gather3A_482 : vector<16xf32>
    %xor3A_484 = arith.constant 1 : i32
    %xor3A_485 = vector.broadcast %xor3A_484 : i32 to vector<16xi32>
    %xor3A_486 = arith.xori %iota3A_404, %xor3A_485 : vector<16xi32>
    %broadcast_in_dim3A_487 = vector.shape_cast %xor3A_486 : vector<16xi32> to vector<16x1xi32>
    %gather3A_488 = vector.shape_cast %broadcast_in_dim3A_487 : vector<16x1xi32> to vector<16xi32>
    %gather3A_489 = tpu.dynamic_gather %min3A_483[%gather3A_488] in [0] : vector<16xf32>, vector<16xi32> -> vector<16xf32>
    %min3A_490 = arith.minimumf %min3A_483, %gather3A_489 : vector<16xf32>
    %add3A_491 = arith.addf %add3A_462, %min3A_490 : vector<16xf32>
    %xor3A_492 = arith.constant 8 : i32
    %xor3A_493 = vector.broadcast %xor3A_492 : i32 to vector<16xi32>
    %xor3A_494 = arith.xori %iota3A_404, %xor3A_493 : vector<16xi32>
    %broadcast_in_dim3A_495 = vector.shape_cast %xor3A_494 : vector<16xi32> to vector<16x1xi32>
    %gather3A_496 = vector.shape_cast %broadcast_in_dim3A_495 : vector<16x1xi32> to vector<16xi32>
    %gather3A_497 = tpu.dynamic_gather %scan3A_402#3[%gather3A_496] in [0] : vector<16xf32>, vector<16xi32> -> vector<16xf32>
    %min3A_498 = arith.minimumf %scan3A_402#3, %gather3A_497 : vector<16xf32>
    %xor3A_499 = arith.constant 4 : i32
    %xor3A_500 = vector.broadcast %xor3A_499 : i32 to vector<16xi32>
    %xor3A_501 = arith.xori %iota3A_404, %xor3A_500 : vector<16xi32>
    %broadcast_in_dim3A_502 = vector.shape_cast %xor3A_501 : vector<16xi32> to vector<16x1xi32>
    %gather3A_503 = vector.shape_cast %broadcast_in_dim3A_502 : vector<16x1xi32> to vector<16xi32>
    %gather3A_504 = tpu.dynamic_gather %min3A_498[%gather3A_503] in [0] : vector<16xf32>, vector<16xi32> -> vector<16xf32>
    %min3A_505 = arith.minimumf %min3A_498, %gather3A_504 : vector<16xf32>
    %xor3A_506 = arith.constant 2 : i32
    %xor3A_507 = vector.broadcast %xor3A_506 : i32 to vector<16xi32>
    %xor3A_508 = arith.xori %iota3A_404, %xor3A_507 : vector<16xi32>
    %broadcast_in_dim3A_509 = vector.shape_cast %xor3A_508 : vector<16xi32> to vector<16x1xi32>
    %gather3A_510 = vector.shape_cast %broadcast_in_dim3A_509 : vector<16x1xi32> to vector<16xi32>
    %gather3A_511 = tpu.dynamic_gather %min3A_505[%gather3A_510] in [0] : vector<16xf32>, vector<16xi32> -> vector<16xf32>
    %min3A_512 = arith.minimumf %min3A_505, %gather3A_511 : vector<16xf32>
    %xor3A_513 = arith.constant 1 : i32
    %xor3A_514 = vector.broadcast %xor3A_513 : i32 to vector<16xi32>
    %xor3A_515 = arith.xori %iota3A_404, %xor3A_514 : vector<16xi32>
    %broadcast_in_dim3A_516 = vector.shape_cast %xor3A_515 : vector<16xi32> to vector<16x1xi32>
    %gather3A_517 = vector.shape_cast %broadcast_in_dim3A_516 : vector<16x1xi32> to vector<16xi32>
    %gather3A_518 = tpu.dynamic_gather %min3A_512[%gather3A_517] in [0] : vector<16xf32>, vector<16xi32> -> vector<16xf32>
    %min3A_519 = arith.minimumf %min3A_512, %gather3A_518 : vector<16xf32>
    %add3A_520 = arith.addf %add3A_491, %min3A_519 : vector<16xf32>
    %slice3A_521 = vector.extract_strided_slice %get3A_48 {offsets = [12], sizes = [1], strides = [1]} : vector<16xf32> to vector<1xf32>
    %squeeze3A_522 = vector.extract %slice3A_521[0] : f32 from vector<1xf32>
    %slice3A_523 = vector.extract_strided_slice %get3A_62 {offsets = [12], sizes = [1], strides = [1]} : vector<16xf32> to vector<1xf32>
    %squeeze3A_524 = vector.extract %slice3A_523[0] : f32 from vector<1xf32>
    %slice3A_525 = vector.extract_strided_slice %get3A_76 {offsets = [12], sizes = [1], strides = [1]} : vector<16xf32> to vector<1xf32>
    %squeeze3A_526 = vector.extract %slice3A_525[0] : f32 from vector<1xf32>
    %slice3A_527 = vector.extract_strided_slice %get3A_48 {offsets = [13], sizes = [1], strides = [1]} : vector<16xf32> to vector<1xf32>
    %squeeze3A_528 = vector.extract %slice3A_527[0] : f32 from vector<1xf32>
    %slice3A_529 = vector.extract_strided_slice %get3A_62 {offsets = [13], sizes = [1], strides = [1]} : vector<16xf32> to vector<1xf32>
    %squeeze3A_530 = vector.extract %slice3A_529[0] : f32 from vector<1xf32>
    %slice3A_531 = vector.extract_strided_slice %get3A_76 {offsets = [13], sizes = [1], strides = [1]} : vector<16xf32> to vector<1xf32>
    %squeeze3A_532 = vector.extract %slice3A_531[0] : f32 from vector<1xf32>
    %slice3A_533 = vector.extract_strided_slice %get3A_48 {offsets = [14], sizes = [1], strides = [1]} : vector<16xf32> to vector<1xf32>
    %squeeze3A_534 = vector.extract %slice3A_533[0] : f32 from vector<1xf32>
    %slice3A_535 = vector.extract_strided_slice %get3A_62 {offsets = [14], sizes = [1], strides = [1]} : vector<16xf32> to vector<1xf32>
    %squeeze3A_536 = vector.extract %slice3A_535[0] : f32 from vector<1xf32>
    %slice3A_537 = vector.extract_strided_slice %get3A_76 {offsets = [14], sizes = [1], strides = [1]} : vector<16xf32> to vector<1xf32>
    %squeeze3A_538 = vector.extract %slice3A_537[0] : f32 from vector<1xf32>
    %slice3A_539 = vector.extract_strided_slice %get3A_48 {offsets = [15], sizes = [1], strides = [1]} : vector<16xf32> to vector<1xf32>
    %squeeze3A_540 = vector.extract %slice3A_539[0] : f32 from vector<1xf32>
    %slice3A_541 = vector.extract_strided_slice %get3A_62 {offsets = [15], sizes = [1], strides = [1]} : vector<16xf32> to vector<1xf32>
    %squeeze3A_542 = vector.extract %slice3A_541[0] : f32 from vector<1xf32>
    %slice3A_543 = vector.extract_strided_slice %get3A_76 {offsets = [15], sizes = [1], strides = [1]} : vector<16xf32> to vector<1xf32>
    %squeeze3A_544 = vector.extract %slice3A_543[0] : f32 from vector<1xf32>
    %scan3A_545 = arith.constant 0 : i32
    %scan3A_546 = arith.constant 256 : i32
    %scan3A_547 = arith.addi %scan3A_545, %scan3A_546 : i32
    %scan3A_548 = arith.constant 1 : i32
    %scan3A_549:4 = scf.for %scan3A_1259 = %scan3A_545 to %scan3A_547 step %scan3A_548 iter_args(%scan3A_1260 = %broadcast_in_dim3A_37, %scan3A_1261 = %broadcast_in_dim3A_37, %scan3A_1262 = %broadcast_in_dim3A_37, %scan3A_1263 = %broadcast_in_dim3A_37) -> (vector<16xf32>, vector<16xf32>, vector<16xf32>, vector<16xf32>)  : i32 {
      %mul3A_1264 = arith.constant 16 : i32
      %mul3A_1265 = arith.muli %scan3A_1259, %mul3A_1264 : i32
      %get3A_1266 = arith.constant 0 : i32
      %get3A_1267 = arith.index_cast %get3A_1266 : i32 to index
      %get3A_1268 = arith.index_cast %mul3A_1265 : i32 to index
      %get3A_1269 = tpu.vector_load %arg5[%get3A_1267, %get3A_1268] {strides = array<i32>} : memref<3x4096xf32, #tpu.memory_space<vmem>>, vector<1x16xf32>,
      %get3A_1270 = vector.shape_cast %get3A_1269 : vector<1x16xf32> to vector<16xf32>
      %mul3A_1271 = arith.constant 16 : i32
      %mul3A_1272 = arith.muli %scan3A_1259, %mul3A_1271 : i32
      %get3A_1273 = arith.constant 1 : i32
      %get3A_1274 = arith.index_cast %get3A_1273 : i32 to index
      %get3A_1275 = arith.index_cast %mul3A_1272 : i32 to index
      %get3A_1276 = tpu.vector_load %arg5[%get3A_1274, %get3A_1275] {strides = array<i32>} : memref<3x4096xf32, #tpu.memory_space<vmem>>, vector<1x16xf32>,
      %get3A_1277 = vector.shape_cast %get3A_1276 : vector<1x16xf32> to vector<16xf32>
      %mul3A_1278 = arith.constant 16 : i32
      %mul3A_1279 = arith.muli %scan3A_1259, %mul3A_1278 : i32
      %get3A_1280 = arith.constant 2 : i32
      %get3A_1281 = arith.index_cast %get3A_1280 : i32 to index
      %get3A_1282 = arith.index_cast %mul3A_1279 : i32 to index
      %get3A_1283 = tpu.vector_load %arg5[%get3A_1281, %get3A_1282] {strides = array<i32>} : memref<3x4096xf32, #tpu.memory_space<vmem>>, vector<1x16xf32>,
      %get3A_1284 = vector.shape_cast %get3A_1283 : vector<1x16xf32> to vector<16xf32>
      %mul3A_1285 = arith.constant 16 : i32
      %mul3A_1286 = arith.muli %scan3A_1259, %mul3A_1285 : i32
      %get3A_1287 = arith.index_cast %mul3A_1286 : i32 to index
      %get3A_1288 = tpu.vector_load %arg8[%get3A_1287] {strides = array<i32>} : memref<4096xf32, #tpu.memory_space<vmem>>, vector<16xf32>,
      %get3A_1289 = vector.shape_cast %get3A_1288 : vector<16xf32> to vector<16xf32>
      %sub3A_1290 = vector.broadcast %squeeze3A_522 : f32 to vector<16xf32>
      %sub3A_1291 = arith.subf %get3A_1270, %sub3A_1290 : vector<16xf32>
      %sub3A_1292 = vector.broadcast %squeeze3A_524 : f32 to vector<16xf32>
      %sub3A_1293 = arith.subf %get3A_1277, %sub3A_1292 : vector<16xf32>
      %sub3A_1294 = vector.broadcast %squeeze3A_526 : f32 to vector<16xf32>
      %sub3A_1295 = arith.subf %get3A_1284, %sub3A_1294 : vector<16xf32>
      %mul3A_1296 = arith.mulf %sub3A_1291, %sub3A_1291 : vector<16xf32>
      %mul3A_1297 = arith.mulf %sub3A_1293, %sub3A_1293 : vector<16xf32>
      %add3A_1298 = arith.addf %mul3A_1296, %mul3A_1297 : vector<16xf32>
      %mul3A_1299 = arith.mulf %sub3A_1295, %sub3A_1295 : vector<16xf32>
      %add3A_1300 = arith.addf %add3A_1298, %mul3A_1299 : vector<16xf32>
      %min3A_1301 = arith.minimumf %scan3A_1260, %add3A_1300 : vector<16xf32>
      %min3A_1302 = arith.minimumf %get3A_1289, %add3A_1300 : vector<16xf32>
      %sub3A_1303 = vector.broadcast %squeeze3A_528 : f32 to vector<16xf32>
      %sub3A_1304 = arith.subf %get3A_1270, %sub3A_1303 : vector<16xf32>
      %sub3A_1305 = vector.broadcast %squeeze3A_530 : f32 to vector<16xf32>
      %sub3A_1306 = arith.subf %get3A_1277, %sub3A_1305 : vector<16xf32>
      %sub3A_1307 = vector.broadcast %squeeze3A_532 : f32 to vector<16xf32>
      %sub3A_1308 = arith.subf %get3A_1284, %sub3A_1307 : vector<16xf32>
      %mul3A_1309 = arith.mulf %sub3A_1304, %sub3A_1304 : vector<16xf32>
      %mul3A_1310 = arith.mulf %sub3A_1306, %sub3A_1306 : vector<16xf32>
      %add3A_1311 = arith.addf %mul3A_1309, %mul3A_1310 : vector<16xf32>
      %mul3A_1312 = arith.mulf %sub3A_1308, %sub3A_1308 : vector<16xf32>
      %add3A_1313 = arith.addf %add3A_1311, %mul3A_1312 : vector<16xf32>
      %min3A_1314 = arith.minimumf %scan3A_1261, %add3A_1313 : vector<16xf32>
      %min3A_1315 = arith.minimumf %min3A_1302, %add3A_1313 : vector<16xf32>
      %sub3A_1316 = vector.broadcast %squeeze3A_534 : f32 to vector<16xf32>
      %sub3A_1317 = arith.subf %get3A_1270, %sub3A_1316 : vector<16xf32>
      %sub3A_1318 = vector.broadcast %squeeze3A_536 : f32 to vector<16xf32>
      %sub3A_1319 = arith.subf %get3A_1277, %sub3A_1318 : vector<16xf32>
      %sub3A_1320 = vector.broadcast %squeeze3A_538 : f32 to vector<16xf32>
      %sub3A_1321 = arith.subf %get3A_1284, %sub3A_1320 : vector<16xf32>
      %mul3A_1322 = arith.mulf %sub3A_1317, %sub3A_1317 : vector<16xf32>
      %mul3A_1323 = arith.mulf %sub3A_1319, %sub3A_1319 : vector<16xf32>
      %add3A_1324 = arith.addf %mul3A_1322, %mul3A_1323 : vector<16xf32>
      %mul3A_1325 = arith.mulf %sub3A_1321, %sub3A_1321 : vector<16xf32>
      %add3A_1326 = arith.addf %add3A_1324, %mul3A_1325 : vector<16xf32>
      %min3A_1327 = arith.minimumf %scan3A_1262, %add3A_1326 : vector<16xf32>
      %min3A_1328 = arith.minimumf %min3A_1315, %add3A_1326 : vector<16xf32>
      %sub3A_1329 = vector.broadcast %squeeze3A_540 : f32 to vector<16xf32>
      %sub3A_1330 = arith.subf %get3A_1270, %sub3A_1329 : vector<16xf32>
      %sub3A_1331 = vector.broadcast %squeeze3A_542 : f32 to vector<16xf32>
      %sub3A_1332 = arith.subf %get3A_1277, %sub3A_1331 : vector<16xf32>
      %sub3A_1333 = vector.broadcast %squeeze3A_544 : f32 to vector<16xf32>
      %sub3A_1334 = arith.subf %get3A_1284, %sub3A_1333 : vector<16xf32>
      %mul3A_1335 = arith.mulf %sub3A_1330, %sub3A_1330 : vector<16xf32>
      %mul3A_1336 = arith.mulf %sub3A_1332, %sub3A_1332 : vector<16xf32>
      %add3A_1337 = arith.addf %mul3A_1335, %mul3A_1336 : vector<16xf32>
      %mul3A_1338 = arith.mulf %sub3A_1334, %sub3A_1334 : vector<16xf32>
      %add3A_1339 = arith.addf %add3A_1337, %mul3A_1338 : vector<16xf32>
      %min3A_1340 = arith.minimumf %scan3A_1263, %add3A_1339 : vector<16xf32>
      %min3A_1341 = arith.minimumf %min3A_1328, %add3A_1339 : vector<16xf32>
      %mul3A_1342 = arith.constant 16 : i32
      %mul3A_1343 = arith.muli %scan3A_1259, %mul3A_1342 : i32
      %swap3A_1344 = arith.index_cast %mul3A_1343 : i32 to index
      %swap3A_1345 = tpu.vector_load %arg8[%swap3A_1344] {strides = array<i32>} : memref<4096xf32, #tpu.memory_space<vmem>>, vector<16xf32>,
      %swap3A_1346 = vector.shape_cast %swap3A_1345 : vector<16xf32> to vector<16xf32>
      %swap3A_1347 = vector.shape_cast %min3A_1341 : vector<16xf32> to vector<16xf32>
      tpu.vector_store %arg8[%swap3A_1344], %swap3A_1347 {strides = array<i32>} : memref<4096xf32, #tpu.memory_space<vmem>>, vector<16xf32>,
      scf.yield %min3A_1301, %min3A_1314, %min3A_1327, %min3A_1340 : vector<16xf32>, vector<16xf32>, vector<16xf32>, vector<16xf32>
    }
    %scan3A_550 = arith.constant 256 : i32
    %iota3A_551 = tpu.iota {dimensions = array<i32: 0>} : vector<16xi32>
    %xor3A_552 = arith.constant 8 : i32
    %xor3A_553 = vector.broadcast %xor3A_552 : i32 to vector<16xi32>
    %xor3A_554 = arith.xori %iota3A_551, %xor3A_553 : vector<16xi32>
    %broadcast_in_dim3A_555 = vector.shape_cast %xor3A_554 : vector<16xi32> to vector<16x1xi32>
    %gather3A_556 = vector.shape_cast %broadcast_in_dim3A_555 : vector<16x1xi32> to vector<16xi32>
    %gather3A_557 = tpu.dynamic_gather %scan3A_549#0[%gather3A_556] in [0] : vector<16xf32>, vector<16xi32> -> vector<16xf32>
    %min3A_558 = arith.minimumf %scan3A_549#0, %gather3A_557 : vector<16xf32>
    %xor3A_559 = arith.constant 4 : i32
    %xor3A_560 = vector.broadcast %xor3A_559 : i32 to vector<16xi32>
    %xor3A_561 = arith.xori %iota3A_551, %xor3A_560 : vector<16xi32>
    %broadcast_in_dim3A_562 = vector.shape_cast %xor3A_561 : vector<16xi32> to vector<16x1xi32>
    %gather3A_563 = vector.shape_cast %broadcast_in_dim3A_562 : vector<16x1xi32> to vector<16xi32>
    %gather3A_564 = tpu.dynamic_gather %min3A_558[%gather3A_563] in [0] : vector<16xf32>, vector<16xi32> -> vector<16xf32>
    %min3A_565 = arith.minimumf %min3A_558, %gather3A_564 : vector<16xf32>
    %xor3A_566 = arith.constant 2 : i32
    %xor3A_567 = vector.broadcast %xor3A_566 : i32 to vector<16xi32>
    %xor3A_568 = arith.xori %iota3A_551, %xor3A_567 : vector<16xi32>
    %broadcast_in_dim3A_569 = vector.shape_cast %xor3A_568 : vector<16xi32> to vector<16x1xi32>
    %gather3A_570 = vector.shape_cast %broadcast_in_dim3A_569 : vector<16x1xi32> to vector<16xi32>
    %gather3A_571 = tpu.dynamic_gather %min3A_565[%gather3A_570] in [0] : vector<16xf32>, vector<16xi32> -> vector<16xf32>
    %min3A_572 = arith.minimumf %min3A_565, %gather3A_571 : vector<16xf32>
    %xor3A_573 = arith.constant 1 : i32
    %xor3A_574 = vector.broadcast %xor3A_573 : i32 to vector<16xi32>
    %xor3A_575 = arith.xori %iota3A_551, %xor3A_574 : vector<16xi32>
    %broadcast_in_dim3A_576 = vector.shape_cast %xor3A_575 : vector<16xi32> to vector<16x1xi32>
    %gather3A_577 = vector.shape_cast %broadcast_in_dim3A_576 : vector<16x1xi32> to vector<16xi32>
    %gather3A_578 = tpu.dynamic_gather %min3A_572[%gather3A_577] in [0] : vector<16xf32>, vector<16xi32> -> vector<16xf32>
    %min3A_579 = arith.minimumf %min3A_572, %gather3A_578 : vector<16xf32>
    %add3A_580 = arith.addf %add3A_520, %min3A_579 : vector<16xf32>
    %xor3A_581 = arith.constant 8 : i32
    %xor3A_582 = vector.broadcast %xor3A_581 : i32 to vector<16xi32>
    %xor3A_583 = arith.xori %iota3A_551, %xor3A_582 : vector<16xi32>
    %broadcast_in_dim3A_584 = vector.shape_cast %xor3A_583 : vector<16xi32> to vector<16x1xi32>
    %gather3A_585 = vector.shape_cast %broadcast_in_dim3A_584 : vector<16x1xi32> to vector<16xi32>
    %gather3A_586 = tpu.dynamic_gather %scan3A_549#1[%gather3A_585] in [0] : vector<16xf32>, vector<16xi32> -> vector<16xf32>
    %min3A_587 = arith.minimumf %scan3A_549#1, %gather3A_586 : vector<16xf32>
    %xor3A_588 = arith.constant 4 : i32
    %xor3A_589 = vector.broadcast %xor3A_588 : i32 to vector<16xi32>
    %xor3A_590 = arith.xori %iota3A_551, %xor3A_589 : vector<16xi32>
    %broadcast_in_dim3A_591 = vector.shape_cast %xor3A_590 : vector<16xi32> to vector<16x1xi32>
    %gather3A_592 = vector.shape_cast %broadcast_in_dim3A_591 : vector<16x1xi32> to vector<16xi32>
    %gather3A_593 = tpu.dynamic_gather %min3A_587[%gather3A_592] in [0] : vector<16xf32>, vector<16xi32> -> vector<16xf32>
    %min3A_594 = arith.minimumf %min3A_587, %gather3A_593 : vector<16xf32>
    %xor3A_595 = arith.constant 2 : i32
    %xor3A_596 = vector.broadcast %xor3A_595 : i32 to vector<16xi32>
    %xor3A_597 = arith.xori %iota3A_551, %xor3A_596 : vector<16xi32>
    %broadcast_in_dim3A_598 = vector.shape_cast %xor3A_597 : vector<16xi32> to vector<16x1xi32>
    %gather3A_599 = vector.shape_cast %broadcast_in_dim3A_598 : vector<16x1xi32> to vector<16xi32>
    %gather3A_600 = tpu.dynamic_gather %min3A_594[%gather3A_599] in [0] : vector<16xf32>, vector<16xi32> -> vector<16xf32>
    %min3A_601 = arith.minimumf %min3A_594, %gather3A_600 : vector<16xf32>
    %xor3A_602 = arith.constant 1 : i32
    %xor3A_603 = vector.broadcast %xor3A_602 : i32 to vector<16xi32>
    %xor3A_604 = arith.xori %iota3A_551, %xor3A_603 : vector<16xi32>
    %broadcast_in_dim3A_605 = vector.shape_cast %xor3A_604 : vector<16xi32> to vector<16x1xi32>
    %gather3A_606 = vector.shape_cast %broadcast_in_dim3A_605 : vector<16x1xi32> to vector<16xi32>
    %gather3A_607 = tpu.dynamic_gather %min3A_601[%gather3A_606] in [0] : vector<16xf32>, vector<16xi32> -> vector<16xf32>
    %min3A_608 = arith.minimumf %min3A_601, %gather3A_607 : vector<16xf32>
    %add3A_609 = arith.addf %add3A_580, %min3A_608 : vector<16xf32>
    %xor3A_610 = arith.constant 8 : i32
    %xor3A_611 = vector.broadcast %xor3A_610 : i32 to vector<16xi32>
    %xor3A_612 = arith.xori %iota3A_551, %xor3A_611 : vector<16xi32>
    %broadcast_in_dim3A_613 = vector.shape_cast %xor3A_612 : vector<16xi32> to vector<16x1xi32>
    %gather3A_614 = vector.shape_cast %broadcast_in_dim3A_613 : vector<16x1xi32> to vector<16xi32>
    %gather3A_615 = tpu.dynamic_gather %scan3A_549#2[%gather3A_614] in [0] : vector<16xf32>, vector<16xi32> -> vector<16xf32>
    %min3A_616 = arith.minimumf %scan3A_549#2, %gather3A_615 : vector<16xf32>
    %xor3A_617 = arith.constant 4 : i32
    %xor3A_618 = vector.broadcast %xor3A_617 : i32 to vector<16xi32>
    %xor3A_619 = arith.xori %iota3A_551, %xor3A_618 : vector<16xi32>
    %broadcast_in_dim3A_620 = vector.shape_cast %xor3A_619 : vector<16xi32> to vector<16x1xi32>
    %gather3A_621 = vector.shape_cast %broadcast_in_dim3A_620 : vector<16x1xi32> to vector<16xi32>
    %gather3A_622 = tpu.dynamic_gather %min3A_616[%gather3A_621] in [0] : vector<16xf32>, vector<16xi32> -> vector<16xf32>
    %min3A_623 = arith.minimumf %min3A_616, %gather3A_622 : vector<16xf32>
    %xor3A_624 = arith.constant 2 : i32
    %xor3A_625 = vector.broadcast %xor3A_624 : i32 to vector<16xi32>
    %xor3A_626 = arith.xori %iota3A_551, %xor3A_625 : vector<16xi32>
    %broadcast_in_dim3A_627 = vector.shape_cast %xor3A_626 : vector<16xi32> to vector<16x1xi32>
    %gather3A_628 = vector.shape_cast %broadcast_in_dim3A_627 : vector<16x1xi32> to vector<16xi32>
    %gather3A_629 = tpu.dynamic_gather %min3A_623[%gather3A_628] in [0] : vector<16xf32>, vector<16xi32> -> vector<16xf32>
    %min3A_630 = arith.minimumf %min3A_623, %gather3A_629 : vector<16xf32>
    %xor3A_631 = arith.constant 1 : i32
    %xor3A_632 = vector.broadcast %xor3A_631 : i32 to vector<16xi32>
    %xor3A_633 = arith.xori %iota3A_551, %xor3A_632 : vector<16xi32>
    %broadcast_in_dim3A_634 = vector.shape_cast %xor3A_633 : vector<16xi32> to vector<16x1xi32>
    %gather3A_635 = vector.shape_cast %broadcast_in_dim3A_634 : vector<16x1xi32> to vector<16xi32>
    %gather3A_636 = tpu.dynamic_gather %min3A_630[%gather3A_635] in [0] : vector<16xf32>, vector<16xi32> -> vector<16xf32>
    %min3A_637 = arith.minimumf %min3A_630, %gather3A_636 : vector<16xf32>
    %add3A_638 = arith.addf %add3A_609, %min3A_637 : vector<16xf32>
    %xor3A_639 = arith.constant 8 : i32
    %xor3A_640 = vector.broadcast %xor3A_639 : i32 to vector<16xi32>
    %xor3A_641 = arith.xori %iota3A_551, %xor3A_640 : vector<16xi32>
    %broadcast_in_dim3A_642 = vector.shape_cast %xor3A_641 : vector<16xi32> to vector<16x1xi32>
    %gather3A_643 = vector.shape_cast %broadcast_in_dim3A_642 : vector<16x1xi32> to vector<16xi32>
    %gather3A_644 = tpu.dynamic_gather %scan3A_549#3[%gather3A_643] in [0] : vector<16xf32>, vector<16xi32> -> vector<16xf32>
    %min3A_645 = arith.minimumf %scan3A_549#3, %gather3A_644 : vector<16xf32>
    %xor3A_646 = arith.constant 4 : i32
    %xor3A_647 = vector.broadcast %xor3A_646 : i32 to vector<16xi32>
    %xor3A_648 = arith.xori %iota3A_551, %xor3A_647 : vector<16xi32>
    %broadcast_in_dim3A_649 = vector.shape_cast %xor3A_648 : vector<16xi32> to vector<16x1xi32>
    %gather3A_650 = vector.shape_cast %broadcast_in_dim3A_649 : vector<16x1xi32> to vector<16xi32>
    %gather3A_651 = tpu.dynamic_gather %min3A_645[%gather3A_650] in [0] : vector<16xf32>, vector<16xi32> -> vector<16xf32>
    %min3A_652 = arith.minimumf %min3A_645, %gather3A_651 : vector<16xf32>
    %xor3A_653 = arith.constant 2 : i32
    %xor3A_654 = vector.broadcast %xor3A_653 : i32 to vector<16xi32>
    %xor3A_655 = arith.xori %iota3A_551, %xor3A_654 : vector<16xi32>
    %broadcast_in_dim3A_656 = vector.shape_cast %xor3A_655 : vector<16xi32> to vector<16x1xi32>
    %gather3A_657 = vector.shape_cast %broadcast_in_dim3A_656 : vector<16x1xi32> to vector<16xi32>
    %gather3A_658 = tpu.dynamic_gather %min3A_652[%gather3A_657] in [0] : vector<16xf32>, vector<16xi32> -> vector<16xf32>
    %min3A_659 = arith.minimumf %min3A_652, %gather3A_658 : vector<16xf32>
    %xor3A_660 = arith.constant 1 : i32
    %xor3A_661 = vector.broadcast %xor3A_660 : i32 to vector<16xi32>
    %xor3A_662 = arith.xori %iota3A_551, %xor3A_661 : vector<16xi32>
    %broadcast_in_dim3A_663 = vector.shape_cast %xor3A_662 : vector<16xi32> to vector<16x1xi32>
    %gather3A_664 = vector.shape_cast %broadcast_in_dim3A_663 : vector<16x1xi32> to vector<16xi32>
    %gather3A_665 = tpu.dynamic_gather %min3A_659[%gather3A_664] in [0] : vector<16xf32>, vector<16xi32> -> vector<16xf32>
    %min3A_666 = arith.minimumf %min3A_659, %gather3A_665 : vector<16xf32>
    %add3A_667 = arith.addf %add3A_638, %min3A_666 : vector<16xf32>
    %slice3A_668 = vector.extract_strided_slice %get3A_55 {offsets = [0], sizes = [1], strides = [1]} : vector<16xf32> to vector<1xf32>
    %squeeze3A_669 = vector.extract %slice3A_668[0] : f32 from vector<1xf32>
    %slice3A_670 = vector.extract_strided_slice %get3A_69 {offsets = [0], sizes = [1], strides = [1]} : vector<16xf32> to vector<1xf32>
    %squeeze3A_671 = vector.extract %slice3A_670[0] : f32 from vector<1xf32>
    %slice3A_672 = vector.extract_strided_slice %get3A_83 {offsets = [0], sizes = [1], strides = [1]} : vector<16xf32> to vector<1xf32>
    %squeeze3A_673 = vector.extract %slice3A_672[0] : f32 from vector<1xf32>
    %slice3A_674 = vector.extract_strided_slice %get3A_55 {offsets = [1], sizes = [1], strides = [1]} : vector<16xf32> to vector<1xf32>
    %squeeze3A_675 = vector.extract %slice3A_674[0] : f32 from vector<1xf32>
    %slice3A_676 = vector.extract_strided_slice %get3A_69 {offsets = [1], sizes = [1], strides = [1]} : vector<16xf32> to vector<1xf32>
    %squeeze3A_677 = vector.extract %slice3A_676[0] : f32 from vector<1xf32>
    %slice3A_678 = vector.extract_strided_slice %get3A_83 {offsets = [1], sizes = [1], strides = [1]} : vector<16xf32> to vector<1xf32>
    %squeeze3A_679 = vector.extract %slice3A_678[0] : f32 from vector<1xf32>
    %slice3A_680 = vector.extract_strided_slice %get3A_55 {offsets = [2], sizes = [1], strides = [1]} : vector<16xf32> to vector<1xf32>
    %squeeze3A_681 = vector.extract %slice3A_680[0] : f32 from vector<1xf32>
    %slice3A_682 = vector.extract_strided_slice %get3A_69 {offsets = [2], sizes = [1], strides = [1]} : vector<16xf32> to vector<1xf32>
    %squeeze3A_683 = vector.extract %slice3A_682[0] : f32 from vector<1xf32>
    %slice3A_684 = vector.extract_strided_slice %get3A_83 {offsets = [2], sizes = [1], strides = [1]} : vector<16xf32> to vector<1xf32>
    %squeeze3A_685 = vector.extract %slice3A_684[0] : f32 from vector<1xf32>
    %slice3A_686 = vector.extract_strided_slice %get3A_55 {offsets = [3], sizes = [1], strides = [1]} : vector<16xf32> to vector<1xf32>
    %squeeze3A_687 = vector.extract %slice3A_686[0] : f32 from vector<1xf32>
    %slice3A_688 = vector.extract_strided_slice %get3A_69 {offsets = [3], sizes = [1], strides = [1]} : vector<16xf32> to vector<1xf32>
    %squeeze3A_689 = vector.extract %slice3A_688[0] : f32 from vector<1xf32>
    %slice3A_690 = vector.extract_strided_slice %get3A_83 {offsets = [3], sizes = [1], strides = [1]} : vector<16xf32> to vector<1xf32>
    %squeeze3A_691 = vector.extract %slice3A_690[0] : f32 from vector<1xf32>
    %scan3A_692 = arith.constant 0 : i32
    %scan3A_693 = arith.constant 256 : i32
    %scan3A_694 = arith.addi %scan3A_692, %scan3A_693 : i32
    %scan3A_695 = arith.constant 1 : i32
    %scan3A_696:4 = scf.for %scan3A_1259 = %scan3A_692 to %scan3A_694 step %scan3A_695 iter_args(%scan3A_1260 = %broadcast_in_dim3A_37, %scan3A_1261 = %broadcast_in_dim3A_37, %scan3A_1262 = %broadcast_in_dim3A_37, %scan3A_1263 = %broadcast_in_dim3A_37) -> (vector<16xf32>, vector<16xf32>, vector<16xf32>, vector<16xf32>)  : i32 {
      %mul3A_1264 = arith.constant 16 : i32
      %mul3A_1265 = arith.muli %scan3A_1259, %mul3A_1264 : i32
      %get3A_1266 = arith.constant 0 : i32
      %get3A_1267 = arith.index_cast %get3A_1266 : i32 to index
      %get3A_1268 = arith.index_cast %mul3A_1265 : i32 to index
      %get3A_1269 = tpu.vector_load %arg5[%get3A_1267, %get3A_1268] {strides = array<i32>} : memref<3x4096xf32, #tpu.memory_space<vmem>>, vector<1x16xf32>,
      %get3A_1270 = vector.shape_cast %get3A_1269 : vector<1x16xf32> to vector<16xf32>
      %mul3A_1271 = arith.constant 16 : i32
      %mul3A_1272 = arith.muli %scan3A_1259, %mul3A_1271 : i32
      %get3A_1273 = arith.constant 1 : i32
      %get3A_1274 = arith.index_cast %get3A_1273 : i32 to index
      %get3A_1275 = arith.index_cast %mul3A_1272 : i32 to index
      %get3A_1276 = tpu.vector_load %arg5[%get3A_1274, %get3A_1275] {strides = array<i32>} : memref<3x4096xf32, #tpu.memory_space<vmem>>, vector<1x16xf32>,
      %get3A_1277 = vector.shape_cast %get3A_1276 : vector<1x16xf32> to vector<16xf32>
      %mul3A_1278 = arith.constant 16 : i32
      %mul3A_1279 = arith.muli %scan3A_1259, %mul3A_1278 : i32
      %get3A_1280 = arith.constant 2 : i32
      %get3A_1281 = arith.index_cast %get3A_1280 : i32 to index
      %get3A_1282 = arith.index_cast %mul3A_1279 : i32 to index
      %get3A_1283 = tpu.vector_load %arg5[%get3A_1281, %get3A_1282] {strides = array<i32>} : memref<3x4096xf32, #tpu.memory_space<vmem>>, vector<1x16xf32>,
      %get3A_1284 = vector.shape_cast %get3A_1283 : vector<1x16xf32> to vector<16xf32>
      %mul3A_1285 = arith.constant 16 : i32
      %mul3A_1286 = arith.muli %scan3A_1259, %mul3A_1285 : i32
      %get3A_1287 = arith.index_cast %mul3A_1286 : i32 to index
      %get3A_1288 = tpu.vector_load %arg8[%get3A_1287] {strides = array<i32>} : memref<4096xf32, #tpu.memory_space<vmem>>, vector<16xf32>,
      %get3A_1289 = vector.shape_cast %get3A_1288 : vector<16xf32> to vector<16xf32>
      %sub3A_1290 = vector.broadcast %squeeze3A_669 : f32 to vector<16xf32>
      %sub3A_1291 = arith.subf %get3A_1270, %sub3A_1290 : vector<16xf32>
      %sub3A_1292 = vector.broadcast %squeeze3A_671 : f32 to vector<16xf32>
      %sub3A_1293 = arith.subf %get3A_1277, %sub3A_1292 : vector<16xf32>
      %sub3A_1294 = vector.broadcast %squeeze3A_673 : f32 to vector<16xf32>
      %sub3A_1295 = arith.subf %get3A_1284, %sub3A_1294 : vector<16xf32>
      %mul3A_1296 = arith.mulf %sub3A_1291, %sub3A_1291 : vector<16xf32>
      %mul3A_1297 = arith.mulf %sub3A_1293, %sub3A_1293 : vector<16xf32>
      %add3A_1298 = arith.addf %mul3A_1296, %mul3A_1297 : vector<16xf32>
      %mul3A_1299 = arith.mulf %sub3A_1295, %sub3A_1295 : vector<16xf32>
      %add3A_1300 = arith.addf %add3A_1298, %mul3A_1299 : vector<16xf32>
      %min3A_1301 = arith.minimumf %scan3A_1260, %add3A_1300 : vector<16xf32>
      %min3A_1302 = arith.minimumf %get3A_1289, %add3A_1300 : vector<16xf32>
      %sub3A_1303 = vector.broadcast %squeeze3A_675 : f32 to vector<16xf32>
      %sub3A_1304 = arith.subf %get3A_1270, %sub3A_1303 : vector<16xf32>
      %sub3A_1305 = vector.broadcast %squeeze3A_677 : f32 to vector<16xf32>
      %sub3A_1306 = arith.subf %get3A_1277, %sub3A_1305 : vector<16xf32>
      %sub3A_1307 = vector.broadcast %squeeze3A_679 : f32 to vector<16xf32>
      %sub3A_1308 = arith.subf %get3A_1284, %sub3A_1307 : vector<16xf32>
      %mul3A_1309 = arith.mulf %sub3A_1304, %sub3A_1304 : vector<16xf32>
      %mul3A_1310 = arith.mulf %sub3A_1306, %sub3A_1306 : vector<16xf32>
      %add3A_1311 = arith.addf %mul3A_1309, %mul3A_1310 : vector<16xf32>
      %mul3A_1312 = arith.mulf %sub3A_1308, %sub3A_1308 : vector<16xf32>
      %add3A_1313 = arith.addf %add3A_1311, %mul3A_1312 : vector<16xf32>
      %min3A_1314 = arith.minimumf %scan3A_1261, %add3A_1313 : vector<16xf32>
      %min3A_1315 = arith.minimumf %min3A_1302, %add3A_1313 : vector<16xf32>
      %sub3A_1316 = vector.broadcast %squeeze3A_681 : f32 to vector<16xf32>
      %sub3A_1317 = arith.subf %get3A_1270, %sub3A_1316 : vector<16xf32>
      %sub3A_1318 = vector.broadcast %squeeze3A_683 : f32 to vector<16xf32>
      %sub3A_1319 = arith.subf %get3A_1277, %sub3A_1318 : vector<16xf32>
      %sub3A_1320 = vector.broadcast %squeeze3A_685 : f32 to vector<16xf32>
      %sub3A_1321 = arith.subf %get3A_1284, %sub3A_1320 : vector<16xf32>
      %mul3A_1322 = arith.mulf %sub3A_1317, %sub3A_1317 : vector<16xf32>
      %mul3A_1323 = arith.mulf %sub3A_1319, %sub3A_1319 : vector<16xf32>
      %add3A_1324 = arith.addf %mul3A_1322, %mul3A_1323 : vector<16xf32>
      %mul3A_1325 = arith.mulf %sub3A_1321, %sub3A_1321 : vector<16xf32>
      %add3A_1326 = arith.addf %add3A_1324, %mul3A_1325 : vector<16xf32>
      %min3A_1327 = arith.minimumf %scan3A_1262, %add3A_1326 : vector<16xf32>
      %min3A_1328 = arith.minimumf %min3A_1315, %add3A_1326 : vector<16xf32>
      %sub3A_1329 = vector.broadcast %squeeze3A_687 : f32 to vector<16xf32>
      %sub3A_1330 = arith.subf %get3A_1270, %sub3A_1329 : vector<16xf32>
      %sub3A_1331 = vector.broadcast %squeeze3A_689 : f32 to vector<16xf32>
      %sub3A_1332 = arith.subf %get3A_1277, %sub3A_1331 : vector<16xf32>
      %sub3A_1333 = vector.broadcast %squeeze3A_691 : f32 to vector<16xf32>
      %sub3A_1334 = arith.subf %get3A_1284, %sub3A_1333 : vector<16xf32>
      %mul3A_1335 = arith.mulf %sub3A_1330, %sub3A_1330 : vector<16xf32>
      %mul3A_1336 = arith.mulf %sub3A_1332, %sub3A_1332 : vector<16xf32>
      %add3A_1337 = arith.addf %mul3A_1335, %mul3A_1336 : vector<16xf32>
      %mul3A_1338 = arith.mulf %sub3A_1334, %sub3A_1334 : vector<16xf32>
      %add3A_1339 = arith.addf %add3A_1337, %mul3A_1338 : vector<16xf32>
      %min3A_1340 = arith.minimumf %scan3A_1263, %add3A_1339 : vector<16xf32>
      %min3A_1341 = arith.minimumf %min3A_1328, %add3A_1339 : vector<16xf32>
      %mul3A_1342 = arith.constant 16 : i32
      %mul3A_1343 = arith.muli %scan3A_1259, %mul3A_1342 : i32
      %swap3A_1344 = arith.index_cast %mul3A_1343 : i32 to index
      %swap3A_1345 = tpu.vector_load %arg8[%swap3A_1344] {strides = array<i32>} : memref<4096xf32, #tpu.memory_space<vmem>>, vector<16xf32>,
      %swap3A_1346 = vector.shape_cast %swap3A_1345 : vector<16xf32> to vector<16xf32>
      %swap3A_1347 = vector.shape_cast %min3A_1341 : vector<16xf32> to vector<16xf32>
      tpu.vector_store %arg8[%swap3A_1344], %swap3A_1347 {strides = array<i32>} : memref<4096xf32, #tpu.memory_space<vmem>>, vector<16xf32>,
      scf.yield %min3A_1301, %min3A_1314, %min3A_1327, %min3A_1340 : vector<16xf32>, vector<16xf32>, vector<16xf32>, vector<16xf32>
    }
    %scan3A_697 = arith.constant 256 : i32
    %iota3A_698 = tpu.iota {dimensions = array<i32: 0>} : vector<16xi32>
    %xor3A_699 = arith.constant 8 : i32
    %xor3A_700 = vector.broadcast %xor3A_699 : i32 to vector<16xi32>
    %xor3A_701 = arith.xori %iota3A_698, %xor3A_700 : vector<16xi32>
    %broadcast_in_dim3A_702 = vector.shape_cast %xor3A_701 : vector<16xi32> to vector<16x1xi32>
    %gather3A_703 = vector.shape_cast %broadcast_in_dim3A_702 : vector<16x1xi32> to vector<16xi32>
    %gather3A_704 = tpu.dynamic_gather %scan3A_696#0[%gather3A_703] in [0] : vector<16xf32>, vector<16xi32> -> vector<16xf32>
    %min3A_705 = arith.minimumf %scan3A_696#0, %gather3A_704 : vector<16xf32>
    %xor3A_706 = arith.constant 4 : i32
    %xor3A_707 = vector.broadcast %xor3A_706 : i32 to vector<16xi32>
    %xor3A_708 = arith.xori %iota3A_698, %xor3A_707 : vector<16xi32>
    %broadcast_in_dim3A_709 = vector.shape_cast %xor3A_708 : vector<16xi32> to vector<16x1xi32>
    %gather3A_710 = vector.shape_cast %broadcast_in_dim3A_709 : vector<16x1xi32> to vector<16xi32>
    %gather3A_711 = tpu.dynamic_gather %min3A_705[%gather3A_710] in [0] : vector<16xf32>, vector<16xi32> -> vector<16xf32>
    %min3A_712 = arith.minimumf %min3A_705, %gather3A_711 : vector<16xf32>
    %xor3A_713 = arith.constant 2 : i32
    %xor3A_714 = vector.broadcast %xor3A_713 : i32 to vector<16xi32>
    %xor3A_715 = arith.xori %iota3A_698, %xor3A_714 : vector<16xi32>
    %broadcast_in_dim3A_716 = vector.shape_cast %xor3A_715 : vector<16xi32> to vector<16x1xi32>
    %gather3A_717 = vector.shape_cast %broadcast_in_dim3A_716 : vector<16x1xi32> to vector<16xi32>
    %gather3A_718 = tpu.dynamic_gather %min3A_712[%gather3A_717] in [0] : vector<16xf32>, vector<16xi32> -> vector<16xf32>
    %min3A_719 = arith.minimumf %min3A_712, %gather3A_718 : vector<16xf32>
    %xor3A_720 = arith.constant 1 : i32
    %xor3A_721 = vector.broadcast %xor3A_720 : i32 to vector<16xi32>
    %xor3A_722 = arith.xori %iota3A_698, %xor3A_721 : vector<16xi32>
    %broadcast_in_dim3A_723 = vector.shape_cast %xor3A_722 : vector<16xi32> to vector<16x1xi32>
    %gather3A_724 = vector.shape_cast %broadcast_in_dim3A_723 : vector<16x1xi32> to vector<16xi32>
    %gather3A_725 = tpu.dynamic_gather %min3A_719[%gather3A_724] in [0] : vector<16xf32>, vector<16xi32> -> vector<16xf32>
    %min3A_726 = arith.minimumf %min3A_719, %gather3A_725 : vector<16xf32>
    %add3A_727 = arith.addf %add3A_667, %min3A_726 : vector<16xf32>
    %xor3A_728 = arith.constant 8 : i32
    %xor3A_729 = vector.broadcast %xor3A_728 : i32 to vector<16xi32>
    %xor3A_730 = arith.xori %iota3A_698, %xor3A_729 : vector<16xi32>
    %broadcast_in_dim3A_731 = vector.shape_cast %xor3A_730 : vector<16xi32> to vector<16x1xi32>
    %gather3A_732 = vector.shape_cast %broadcast_in_dim3A_731 : vector<16x1xi32> to vector<16xi32>
    %gather3A_733 = tpu.dynamic_gather %scan3A_696#1[%gather3A_732] in [0] : vector<16xf32>, vector<16xi32> -> vector<16xf32>
    %min3A_734 = arith.minimumf %scan3A_696#1, %gather3A_733 : vector<16xf32>
    %xor3A_735 = arith.constant 4 : i32
    %xor3A_736 = vector.broadcast %xor3A_735 : i32 to vector<16xi32>
    %xor3A_737 = arith.xori %iota3A_698, %xor3A_736 : vector<16xi32>
    %broadcast_in_dim3A_738 = vector.shape_cast %xor3A_737 : vector<16xi32> to vector<16x1xi32>
    %gather3A_739 = vector.shape_cast %broadcast_in_dim3A_738 : vector<16x1xi32> to vector<16xi32>
    %gather3A_740 = tpu.dynamic_gather %min3A_734[%gather3A_739] in [0] : vector<16xf32>, vector<16xi32> -> vector<16xf32>
    %min3A_741 = arith.minimumf %min3A_734, %gather3A_740 : vector<16xf32>
    %xor3A_742 = arith.constant 2 : i32
    %xor3A_743 = vector.broadcast %xor3A_742 : i32 to vector<16xi32>
    %xor3A_744 = arith.xori %iota3A_698, %xor3A_743 : vector<16xi32>
    %broadcast_in_dim3A_745 = vector.shape_cast %xor3A_744 : vector<16xi32> to vector<16x1xi32>
    %gather3A_746 = vector.shape_cast %broadcast_in_dim3A_745 : vector<16x1xi32> to vector<16xi32>
    %gather3A_747 = tpu.dynamic_gather %min3A_741[%gather3A_746] in [0] : vector<16xf32>, vector<16xi32> -> vector<16xf32>
    %min3A_748 = arith.minimumf %min3A_741, %gather3A_747 : vector<16xf32>
    %xor3A_749 = arith.constant 1 : i32
    %xor3A_750 = vector.broadcast %xor3A_749 : i32 to vector<16xi32>
    %xor3A_751 = arith.xori %iota3A_698, %xor3A_750 : vector<16xi32>
    %broadcast_in_dim3A_752 = vector.shape_cast %xor3A_751 : vector<16xi32> to vector<16x1xi32>
    %gather3A_753 = vector.shape_cast %broadcast_in_dim3A_752 : vector<16x1xi32> to vector<16xi32>
    %gather3A_754 = tpu.dynamic_gather %min3A_748[%gather3A_753] in [0] : vector<16xf32>, vector<16xi32> -> vector<16xf32>
    %min3A_755 = arith.minimumf %min3A_748, %gather3A_754 : vector<16xf32>
    %add3A_756 = arith.addf %add3A_727, %min3A_755 : vector<16xf32>
    %xor3A_757 = arith.constant 8 : i32
    %xor3A_758 = vector.broadcast %xor3A_757 : i32 to vector<16xi32>
    %xor3A_759 = arith.xori %iota3A_698, %xor3A_758 : vector<16xi32>
    %broadcast_in_dim3A_760 = vector.shape_cast %xor3A_759 : vector<16xi32> to vector<16x1xi32>
    %gather3A_761 = vector.shape_cast %broadcast_in_dim3A_760 : vector<16x1xi32> to vector<16xi32>
    %gather3A_762 = tpu.dynamic_gather %scan3A_696#2[%gather3A_761] in [0] : vector<16xf32>, vector<16xi32> -> vector<16xf32>
    %min3A_763 = arith.minimumf %scan3A_696#2, %gather3A_762 : vector<16xf32>
    %xor3A_764 = arith.constant 4 : i32
    %xor3A_765 = vector.broadcast %xor3A_764 : i32 to vector<16xi32>
    %xor3A_766 = arith.xori %iota3A_698, %xor3A_765 : vector<16xi32>
    %broadcast_in_dim3A_767 = vector.shape_cast %xor3A_766 : vector<16xi32> to vector<16x1xi32>
    %gather3A_768 = vector.shape_cast %broadcast_in_dim3A_767 : vector<16x1xi32> to vector<16xi32>
    %gather3A_769 = tpu.dynamic_gather %min3A_763[%gather3A_768] in [0] : vector<16xf32>, vector<16xi32> -> vector<16xf32>
    %min3A_770 = arith.minimumf %min3A_763, %gather3A_769 : vector<16xf32>
    %xor3A_771 = arith.constant 2 : i32
    %xor3A_772 = vector.broadcast %xor3A_771 : i32 to vector<16xi32>
    %xor3A_773 = arith.xori %iota3A_698, %xor3A_772 : vector<16xi32>
    %broadcast_in_dim3A_774 = vector.shape_cast %xor3A_773 : vector<16xi32> to vector<16x1xi32>
    %gather3A_775 = vector.shape_cast %broadcast_in_dim3A_774 : vector<16x1xi32> to vector<16xi32>
    %gather3A_776 = tpu.dynamic_gather %min3A_770[%gather3A_775] in [0] : vector<16xf32>, vector<16xi32> -> vector<16xf32>
    %min3A_777 = arith.minimumf %min3A_770, %gather3A_776 : vector<16xf32>
    %xor3A_778 = arith.constant 1 : i32
    %xor3A_779 = vector.broadcast %xor3A_778 : i32 to vector<16xi32>
    %xor3A_780 = arith.xori %iota3A_698, %xor3A_779 : vector<16xi32>
    %broadcast_in_dim3A_781 = vector.shape_cast %xor3A_780 : vector<16xi32> to vector<16x1xi32>
    %gather3A_782 = vector.shape_cast %broadcast_in_dim3A_781 : vector<16x1xi32> to vector<16xi32>
    %gather3A_783 = tpu.dynamic_gather %min3A_777[%gather3A_782] in [0] : vector<16xf32>, vector<16xi32> -> vector<16xf32>
    %min3A_784 = arith.minimumf %min3A_777, %gather3A_783 : vector<16xf32>
    %add3A_785 = arith.addf %add3A_756, %min3A_784 : vector<16xf32>
    %xor3A_786 = arith.constant 8 : i32
    %xor3A_787 = vector.broadcast %xor3A_786 : i32 to vector<16xi32>
    %xor3A_788 = arith.xori %iota3A_698, %xor3A_787 : vector<16xi32>
    %broadcast_in_dim3A_789 = vector.shape_cast %xor3A_788 : vector<16xi32> to vector<16x1xi32>
    %gather3A_790 = vector.shape_cast %broadcast_in_dim3A_789 : vector<16x1xi32> to vector<16xi32>
    %gather3A_791 = tpu.dynamic_gather %scan3A_696#3[%gather3A_790] in [0] : vector<16xf32>, vector<16xi32> -> vector<16xf32>
    %min3A_792 = arith.minimumf %scan3A_696#3, %gather3A_791 : vector<16xf32>
    %xor3A_793 = arith.constant 4 : i32
    %xor3A_794 = vector.broadcast %xor3A_793 : i32 to vector<16xi32>
    %xor3A_795 = arith.xori %iota3A_698, %xor3A_794 : vector<16xi32>
    %broadcast_in_dim3A_796 = vector.shape_cast %xor3A_795 : vector<16xi32> to vector<16x1xi32>
    %gather3A_797 = vector.shape_cast %broadcast_in_dim3A_796 : vector<16x1xi32> to vector<16xi32>
    %gather3A_798 = tpu.dynamic_gather %min3A_792[%gather3A_797] in [0] : vector<16xf32>, vector<16xi32> -> vector<16xf32>
    %min3A_799 = arith.minimumf %min3A_792, %gather3A_798 : vector<16xf32>
    %xor3A_800 = arith.constant 2 : i32
    %xor3A_801 = vector.broadcast %xor3A_800 : i32 to vector<16xi32>
    %xor3A_802 = arith.xori %iota3A_698, %xor3A_801 : vector<16xi32>
    %broadcast_in_dim3A_803 = vector.shape_cast %xor3A_802 : vector<16xi32> to vector<16x1xi32>
    %gather3A_804 = vector.shape_cast %broadcast_in_dim3A_803 : vector<16x1xi32> to vector<16xi32>
    %gather3A_805 = tpu.dynamic_gather %min3A_799[%gather3A_804] in [0] : vector<16xf32>, vector<16xi32> -> vector<16xf32>
    %min3A_806 = arith.minimumf %min3A_799, %gather3A_805 : vector<16xf32>
    %xor3A_807 = arith.constant 1 : i32
    %xor3A_808 = vector.broadcast %xor3A_807 : i32 to vector<16xi32>
    %xor3A_809 = arith.xori %iota3A_698, %xor3A_808 : vector<16xi32>
    %broadcast_in_dim3A_810 = vector.shape_cast %xor3A_809 : vector<16xi32> to vector<16x1xi32>
    %gather3A_811 = vector.shape_cast %broadcast_in_dim3A_810 : vector<16x1xi32> to vector<16xi32>
    %gather3A_812 = tpu.dynamic_gather %min3A_806[%gather3A_811] in [0] : vector<16xf32>, vector<16xi32> -> vector<16xf32>
    %min3A_813 = arith.minimumf %min3A_806, %gather3A_812 : vector<16xf32>
    %add3A_814 = arith.addf %add3A_785, %min3A_813 : vector<16xf32>
    %slice3A_815 = vector.extract_strided_slice %get3A_55 {offsets = [4], sizes = [1], strides = [1]} : vector<16xf32> to vector<1xf32>
    %squeeze3A_816 = vector.extract %slice3A_815[0] : f32 from vector<1xf32>
    %slice3A_817 = vector.extract_strided_slice %get3A_69 {offsets = [4], sizes = [1], strides = [1]} : vector<16xf32> to vector<1xf32>
    %squeeze3A_818 = vector.extract %slice3A_817[0] : f32 from vector<1xf32>
    %slice3A_819 = vector.extract_strided_slice %get3A_83 {offsets = [4], sizes = [1], strides = [1]} : vector<16xf32> to vector<1xf32>
    %squeeze3A_820 = vector.extract %slice3A_819[0] : f32 from vector<1xf32>
    %slice3A_821 = vector.extract_strided_slice %get3A_55 {offsets = [5], sizes = [1], strides = [1]} : vector<16xf32> to vector<1xf32>
    %squeeze3A_822 = vector.extract %slice3A_821[0] : f32 from vector<1xf32>
    %slice3A_823 = vector.extract_strided_slice %get3A_69 {offsets = [5], sizes = [1], strides = [1]} : vector<16xf32> to vector<1xf32>
    %squeeze3A_824 = vector.extract %slice3A_823[0] : f32 from vector<1xf32>
    %slice3A_825 = vector.extract_strided_slice %get3A_83 {offsets = [5], sizes = [1], strides = [1]} : vector<16xf32> to vector<1xf32>
    %squeeze3A_826 = vector.extract %slice3A_825[0] : f32 from vector<1xf32>
    %slice3A_827 = vector.extract_strided_slice %get3A_55 {offsets = [6], sizes = [1], strides = [1]} : vector<16xf32> to vector<1xf32>
    %squeeze3A_828 = vector.extract %slice3A_827[0] : f32 from vector<1xf32>
    %slice3A_829 = vector.extract_strided_slice %get3A_69 {offsets = [6], sizes = [1], strides = [1]} : vector<16xf32> to vector<1xf32>
    %squeeze3A_830 = vector.extract %slice3A_829[0] : f32 from vector<1xf32>
    %slice3A_831 = vector.extract_strided_slice %get3A_83 {offsets = [6], sizes = [1], strides = [1]} : vector<16xf32> to vector<1xf32>
    %squeeze3A_832 = vector.extract %slice3A_831[0] : f32 from vector<1xf32>
    %slice3A_833 = vector.extract_strided_slice %get3A_55 {offsets = [7], sizes = [1], strides = [1]} : vector<16xf32> to vector<1xf32>
    %squeeze3A_834 = vector.extract %slice3A_833[0] : f32 from vector<1xf32>
    %slice3A_835 = vector.extract_strided_slice %get3A_69 {offsets = [7], sizes = [1], strides = [1]} : vector<16xf32> to vector<1xf32>
    %squeeze3A_836 = vector.extract %slice3A_835[0] : f32 from vector<1xf32>
    %slice3A_837 = vector.extract_strided_slice %get3A_83 {offsets = [7], sizes = [1], strides = [1]} : vector<16xf32> to vector<1xf32>
    %squeeze3A_838 = vector.extract %slice3A_837[0] : f32 from vector<1xf32>
    %scan3A_839 = arith.constant 0 : i32
    %scan3A_840 = arith.constant 256 : i32
    %scan3A_841 = arith.addi %scan3A_839, %scan3A_840 : i32
    %scan3A_842 = arith.constant 1 : i32
    %scan3A_843:4 = scf.for %scan3A_1259 = %scan3A_839 to %scan3A_841 step %scan3A_842 iter_args(%scan3A_1260 = %broadcast_in_dim3A_37, %scan3A_1261 = %broadcast_in_dim3A_37, %scan3A_1262 = %broadcast_in_dim3A_37, %scan3A_1263 = %broadcast_in_dim3A_37) -> (vector<16xf32>, vector<16xf32>, vector<16xf32>, vector<16xf32>)  : i32 {
      %mul3A_1264 = arith.constant 16 : i32
      %mul3A_1265 = arith.muli %scan3A_1259, %mul3A_1264 : i32
      %get3A_1266 = arith.constant 0 : i32
      %get3A_1267 = arith.index_cast %get3A_1266 : i32 to index
      %get3A_1268 = arith.index_cast %mul3A_1265 : i32 to index
      %get3A_1269 = tpu.vector_load %arg5[%get3A_1267, %get3A_1268] {strides = array<i32>} : memref<3x4096xf32, #tpu.memory_space<vmem>>, vector<1x16xf32>,
      %get3A_1270 = vector.shape_cast %get3A_1269 : vector<1x16xf32> to vector<16xf32>
      %mul3A_1271 = arith.constant 16 : i32
      %mul3A_1272 = arith.muli %scan3A_1259, %mul3A_1271 : i32
      %get3A_1273 = arith.constant 1 : i32
      %get3A_1274 = arith.index_cast %get3A_1273 : i32 to index
      %get3A_1275 = arith.index_cast %mul3A_1272 : i32 to index
      %get3A_1276 = tpu.vector_load %arg5[%get3A_1274, %get3A_1275] {strides = array<i32>} : memref<3x4096xf32, #tpu.memory_space<vmem>>, vector<1x16xf32>,
      %get3A_1277 = vector.shape_cast %get3A_1276 : vector<1x16xf32> to vector<16xf32>
      %mul3A_1278 = arith.constant 16 : i32
      %mul3A_1279 = arith.muli %scan3A_1259, %mul3A_1278 : i32
      %get3A_1280 = arith.constant 2 : i32
      %get3A_1281 = arith.index_cast %get3A_1280 : i32 to index
      %get3A_1282 = arith.index_cast %mul3A_1279 : i32 to index
      %get3A_1283 = tpu.vector_load %arg5[%get3A_1281, %get3A_1282] {strides = array<i32>} : memref<3x4096xf32, #tpu.memory_space<vmem>>, vector<1x16xf32>,
      %get3A_1284 = vector.shape_cast %get3A_1283 : vector<1x16xf32> to vector<16xf32>
      %mul3A_1285 = arith.constant 16 : i32
      %mul3A_1286 = arith.muli %scan3A_1259, %mul3A_1285 : i32
      %get3A_1287 = arith.index_cast %mul3A_1286 : i32 to index
      %get3A_1288 = tpu.vector_load %arg8[%get3A_1287] {strides = array<i32>} : memref<4096xf32, #tpu.memory_space<vmem>>, vector<16xf32>,
      %get3A_1289 = vector.shape_cast %get3A_1288 : vector<16xf32> to vector<16xf32>
      %sub3A_1290 = vector.broadcast %squeeze3A_816 : f32 to vector<16xf32>
      %sub3A_1291 = arith.subf %get3A_1270, %sub3A_1290 : vector<16xf32>
      %sub3A_1292 = vector.broadcast %squeeze3A_818 : f32 to vector<16xf32>
      %sub3A_1293 = arith.subf %get3A_1277, %sub3A_1292 : vector<16xf32>
      %sub3A_1294 = vector.broadcast %squeeze3A_820 : f32 to vector<16xf32>
      %sub3A_1295 = arith.subf %get3A_1284, %sub3A_1294 : vector<16xf32>
      %mul3A_1296 = arith.mulf %sub3A_1291, %sub3A_1291 : vector<16xf32>
      %mul3A_1297 = arith.mulf %sub3A_1293, %sub3A_1293 : vector<16xf32>
      %add3A_1298 = arith.addf %mul3A_1296, %mul3A_1297 : vector<16xf32>
      %mul3A_1299 = arith.mulf %sub3A_1295, %sub3A_1295 : vector<16xf32>
      %add3A_1300 = arith.addf %add3A_1298, %mul3A_1299 : vector<16xf32>
      %min3A_1301 = arith.minimumf %scan3A_1260, %add3A_1300 : vector<16xf32>
      %min3A_1302 = arith.minimumf %get3A_1289, %add3A_1300 : vector<16xf32>
      %sub3A_1303 = vector.broadcast %squeeze3A_822 : f32 to vector<16xf32>
      %sub3A_1304 = arith.subf %get3A_1270, %sub3A_1303 : vector<16xf32>
      %sub3A_1305 = vector.broadcast %squeeze3A_824 : f32 to vector<16xf32>
      %sub3A_1306 = arith.subf %get3A_1277, %sub3A_1305 : vector<16xf32>
      %sub3A_1307 = vector.broadcast %squeeze3A_826 : f32 to vector<16xf32>
      %sub3A_1308 = arith.subf %get3A_1284, %sub3A_1307 : vector<16xf32>
      %mul3A_1309 = arith.mulf %sub3A_1304, %sub3A_1304 : vector<16xf32>
      %mul3A_1310 = arith.mulf %sub3A_1306, %sub3A_1306 : vector<16xf32>
      %add3A_1311 = arith.addf %mul3A_1309, %mul3A_1310 : vector<16xf32>
      %mul3A_1312 = arith.mulf %sub3A_1308, %sub3A_1308 : vector<16xf32>
      %add3A_1313 = arith.addf %add3A_1311, %mul3A_1312 : vector<16xf32>
      %min3A_1314 = arith.minimumf %scan3A_1261, %add3A_1313 : vector<16xf32>
      %min3A_1315 = arith.minimumf %min3A_1302, %add3A_1313 : vector<16xf32>
      %sub3A_1316 = vector.broadcast %squeeze3A_828 : f32 to vector<16xf32>
      %sub3A_1317 = arith.subf %get3A_1270, %sub3A_1316 : vector<16xf32>
      %sub3A_1318 = vector.broadcast %squeeze3A_830 : f32 to vector<16xf32>
      %sub3A_1319 = arith.subf %get3A_1277, %sub3A_1318 : vector<16xf32>
      %sub3A_1320 = vector.broadcast %squeeze3A_832 : f32 to vector<16xf32>
      %sub3A_1321 = arith.subf %get3A_1284, %sub3A_1320 : vector<16xf32>
      %mul3A_1322 = arith.mulf %sub3A_1317, %sub3A_1317 : vector<16xf32>
      %mul3A_1323 = arith.mulf %sub3A_1319, %sub3A_1319 : vector<16xf32>
      %add3A_1324 = arith.addf %mul3A_1322, %mul3A_1323 : vector<16xf32>
      %mul3A_1325 = arith.mulf %sub3A_1321, %sub3A_1321 : vector<16xf32>
      %add3A_1326 = arith.addf %add3A_1324, %mul3A_1325 : vector<16xf32>
      %min3A_1327 = arith.minimumf %scan3A_1262, %add3A_1326 : vector<16xf32>
      %min3A_1328 = arith.minimumf %min3A_1315, %add3A_1326 : vector<16xf32>
      %sub3A_1329 = vector.broadcast %squeeze3A_834 : f32 to vector<16xf32>
      %sub3A_1330 = arith.subf %get3A_1270, %sub3A_1329 : vector<16xf32>
      %sub3A_1331 = vector.broadcast %squeeze3A_836 : f32 to vector<16xf32>
      %sub3A_1332 = arith.subf %get3A_1277, %sub3A_1331 : vector<16xf32>
      %sub3A_1333 = vector.broadcast %squeeze3A_838 : f32 to vector<16xf32>
      %sub3A_1334 = arith.subf %get3A_1284, %sub3A_1333 : vector<16xf32>
      %mul3A_1335 = arith.mulf %sub3A_1330, %sub3A_1330 : vector<16xf32>
      %mul3A_1336 = arith.mulf %sub3A_1332, %sub3A_1332 : vector<16xf32>
      %add3A_1337 = arith.addf %mul3A_1335, %mul3A_1336 : vector<16xf32>
      %mul3A_1338 = arith.mulf %sub3A_1334, %sub3A_1334 : vector<16xf32>
      %add3A_1339 = arith.addf %add3A_1337, %mul3A_1338 : vector<16xf32>
      %min3A_1340 = arith.minimumf %scan3A_1263, %add3A_1339 : vector<16xf32>
      %min3A_1341 = arith.minimumf %min3A_1328, %add3A_1339 : vector<16xf32>
      %mul3A_1342 = arith.constant 16 : i32
      %mul3A_1343 = arith.muli %scan3A_1259, %mul3A_1342 : i32
      %swap3A_1344 = arith.index_cast %mul3A_1343 : i32 to index
      %swap3A_1345 = tpu.vector_load %arg8[%swap3A_1344] {strides = array<i32>} : memref<4096xf32, #tpu.memory_space<vmem>>, vector<16xf32>,
      %swap3A_1346 = vector.shape_cast %swap3A_1345 : vector<16xf32> to vector<16xf32>
      %swap3A_1347 = vector.shape_cast %min3A_1341 : vector<16xf32> to vector<16xf32>
      tpu.vector_store %arg8[%swap3A_1344], %swap3A_1347 {strides = array<i32>} : memref<4096xf32, #tpu.memory_space<vmem>>, vector<16xf32>,
      scf.yield %min3A_1301, %min3A_1314, %min3A_1327, %min3A_1340 : vector<16xf32>, vector<16xf32>, vector<16xf32>, vector<16xf32>
    }
    %scan3A_844 = arith.constant 256 : i32
    %iota3A_845 = tpu.iota {dimensions = array<i32: 0>} : vector<16xi32>
    %xor3A_846 = arith.constant 8 : i32
    %xor3A_847 = vector.broadcast %xor3A_846 : i32 to vector<16xi32>
    %xor3A_848 = arith.xori %iota3A_845, %xor3A_847 : vector<16xi32>
    %broadcast_in_dim3A_849 = vector.shape_cast %xor3A_848 : vector<16xi32> to vector<16x1xi32>
    %gather3A_850 = vector.shape_cast %broadcast_in_dim3A_849 : vector<16x1xi32> to vector<16xi32>
    %gather3A_851 = tpu.dynamic_gather %scan3A_843#0[%gather3A_850] in [0] : vector<16xf32>, vector<16xi32> -> vector<16xf32>
    %min3A_852 = arith.minimumf %scan3A_843#0, %gather3A_851 : vector<16xf32>
    %xor3A_853 = arith.constant 4 : i32
    %xor3A_854 = vector.broadcast %xor3A_853 : i32 to vector<16xi32>
    %xor3A_855 = arith.xori %iota3A_845, %xor3A_854 : vector<16xi32>
    %broadcast_in_dim3A_856 = vector.shape_cast %xor3A_855 : vector<16xi32> to vector<16x1xi32>
    %gather3A_857 = vector.shape_cast %broadcast_in_dim3A_856 : vector<16x1xi32> to vector<16xi32>
    %gather3A_858 = tpu.dynamic_gather %min3A_852[%gather3A_857] in [0] : vector<16xf32>, vector<16xi32> -> vector<16xf32>
    %min3A_859 = arith.minimumf %min3A_852, %gather3A_858 : vector<16xf32>
    %xor3A_860 = arith.constant 2 : i32
    %xor3A_861 = vector.broadcast %xor3A_860 : i32 to vector<16xi32>
    %xor3A_862 = arith.xori %iota3A_845, %xor3A_861 : vector<16xi32>
    %broadcast_in_dim3A_863 = vector.shape_cast %xor3A_862 : vector<16xi32> to vector<16x1xi32>
    %gather3A_864 = vector.shape_cast %broadcast_in_dim3A_863 : vector<16x1xi32> to vector<16xi32>
    %gather3A_865 = tpu.dynamic_gather %min3A_859[%gather3A_864] in [0] : vector<16xf32>, vector<16xi32> -> vector<16xf32>
    %min3A_866 = arith.minimumf %min3A_859, %gather3A_865 : vector<16xf32>
    %xor3A_867 = arith.constant 1 : i32
    %xor3A_868 = vector.broadcast %xor3A_867 : i32 to vector<16xi32>
    %xor3A_869 = arith.xori %iota3A_845, %xor3A_868 : vector<16xi32>
    %broadcast_in_dim3A_870 = vector.shape_cast %xor3A_869 : vector<16xi32> to vector<16x1xi32>
    %gather3A_871 = vector.shape_cast %broadcast_in_dim3A_870 : vector<16x1xi32> to vector<16xi32>
    %gather3A_872 = tpu.dynamic_gather %min3A_866[%gather3A_871] in [0] : vector<16xf32>, vector<16xi32> -> vector<16xf32>
    %min3A_873 = arith.minimumf %min3A_866, %gather3A_872 : vector<16xf32>
    %add3A_874 = arith.addf %add3A_814, %min3A_873 : vector<16xf32>
    %xor3A_875 = arith.constant 8 : i32
    %xor3A_876 = vector.broadcast %xor3A_875 : i32 to vector<16xi32>
    %xor3A_877 = arith.xori %iota3A_845, %xor3A_876 : vector<16xi32>
    %broadcast_in_dim3A_878 = vector.shape_cast %xor3A_877 : vector<16xi32> to vector<16x1xi32>
    %gather3A_879 = vector.shape_cast %broadcast_in_dim3A_878 : vector<16x1xi32> to vector<16xi32>
    %gather3A_880 = tpu.dynamic_gather %scan3A_843#1[%gather3A_879] in [0] : vector<16xf32>, vector<16xi32> -> vector<16xf32>
    %min3A_881 = arith.minimumf %scan3A_843#1, %gather3A_880 : vector<16xf32>
    %xor3A_882 = arith.constant 4 : i32
    %xor3A_883 = vector.broadcast %xor3A_882 : i32 to vector<16xi32>
    %xor3A_884 = arith.xori %iota3A_845, %xor3A_883 : vector<16xi32>
    %broadcast_in_dim3A_885 = vector.shape_cast %xor3A_884 : vector<16xi32> to vector<16x1xi32>
    %gather3A_886 = vector.shape_cast %broadcast_in_dim3A_885 : vector<16x1xi32> to vector<16xi32>
    %gather3A_887 = tpu.dynamic_gather %min3A_881[%gather3A_886] in [0] : vector<16xf32>, vector<16xi32> -> vector<16xf32>
    %min3A_888 = arith.minimumf %min3A_881, %gather3A_887 : vector<16xf32>
    %xor3A_889 = arith.constant 2 : i32
    %xor3A_890 = vector.broadcast %xor3A_889 : i32 to vector<16xi32>
    %xor3A_891 = arith.xori %iota3A_845, %xor3A_890 : vector<16xi32>
    %broadcast_in_dim3A_892 = vector.shape_cast %xor3A_891 : vector<16xi32> to vector<16x1xi32>
    %gather3A_893 = vector.shape_cast %broadcast_in_dim3A_892 : vector<16x1xi32> to vector<16xi32>
    %gather3A_894 = tpu.dynamic_gather %min3A_888[%gather3A_893] in [0] : vector<16xf32>, vector<16xi32> -> vector<16xf32>
    %min3A_895 = arith.minimumf %min3A_888, %gather3A_894 : vector<16xf32>
    %xor3A_896 = arith.constant 1 : i32
    %xor3A_897 = vector.broadcast %xor3A_896 : i32 to vector<16xi32>
    %xor3A_898 = arith.xori %iota3A_845, %xor3A_897 : vector<16xi32>
    %broadcast_in_dim3A_899 = vector.shape_cast %xor3A_898 : vector<16xi32> to vector<16x1xi32>
    %gather3A_900 = vector.shape_cast %broadcast_in_dim3A_899 : vector<16x1xi32> to vector<16xi32>
    %gather3A_901 = tpu.dynamic_gather %min3A_895[%gather3A_900] in [0] : vector<16xf32>, vector<16xi32> -> vector<16xf32>
    %min3A_902 = arith.minimumf %min3A_895, %gather3A_901 : vector<16xf32>
    %add3A_903 = arith.addf %add3A_874, %min3A_902 : vector<16xf32>
    %xor3A_904 = arith.constant 8 : i32
    %xor3A_905 = vector.broadcast %xor3A_904 : i32 to vector<16xi32>
    %xor3A_906 = arith.xori %iota3A_845, %xor3A_905 : vector<16xi32>
    %broadcast_in_dim3A_907 = vector.shape_cast %xor3A_906 : vector<16xi32> to vector<16x1xi32>
    %gather3A_908 = vector.shape_cast %broadcast_in_dim3A_907 : vector<16x1xi32> to vector<16xi32>
    %gather3A_909 = tpu.dynamic_gather %scan3A_843#2[%gather3A_908] in [0] : vector<16xf32>, vector<16xi32> -> vector<16xf32>
    %min3A_910 = arith.minimumf %scan3A_843#2, %gather3A_909 : vector<16xf32>
    %xor3A_911 = arith.constant 4 : i32
    %xor3A_912 = vector.broadcast %xor3A_911 : i32 to vector<16xi32>
    %xor3A_913 = arith.xori %iota3A_845, %xor3A_912 : vector<16xi32>
    %broadcast_in_dim3A_914 = vector.shape_cast %xor3A_913 : vector<16xi32> to vector<16x1xi32>
    %gather3A_915 = vector.shape_cast %broadcast_in_dim3A_914 : vector<16x1xi32> to vector<16xi32>
    %gather3A_916 = tpu.dynamic_gather %min3A_910[%gather3A_915] in [0] : vector<16xf32>, vector<16xi32> -> vector<16xf32>
    %min3A_917 = arith.minimumf %min3A_910, %gather3A_916 : vector<16xf32>
    %xor3A_918 = arith.constant 2 : i32
    %xor3A_919 = vector.broadcast %xor3A_918 : i32 to vector<16xi32>
    %xor3A_920 = arith.xori %iota3A_845, %xor3A_919 : vector<16xi32>
    %broadcast_in_dim3A_921 = vector.shape_cast %xor3A_920 : vector<16xi32> to vector<16x1xi32>
    %gather3A_922 = vector.shape_cast %broadcast_in_dim3A_921 : vector<16x1xi32> to vector<16xi32>
    %gather3A_923 = tpu.dynamic_gather %min3A_917[%gather3A_922] in [0] : vector<16xf32>, vector<16xi32> -> vector<16xf32>
    %min3A_924 = arith.minimumf %min3A_917, %gather3A_923 : vector<16xf32>
    %xor3A_925 = arith.constant 1 : i32
    %xor3A_926 = vector.broadcast %xor3A_925 : i32 to vector<16xi32>
    %xor3A_927 = arith.xori %iota3A_845, %xor3A_926 : vector<16xi32>
    %broadcast_in_dim3A_928 = vector.shape_cast %xor3A_927 : vector<16xi32> to vector<16x1xi32>
    %gather3A_929 = vector.shape_cast %broadcast_in_dim3A_928 : vector<16x1xi32> to vector<16xi32>
    %gather3A_930 = tpu.dynamic_gather %min3A_924[%gather3A_929] in [0] : vector<16xf32>, vector<16xi32> -> vector<16xf32>
    %min3A_931 = arith.minimumf %min3A_924, %gather3A_930 : vector<16xf32>
    %add3A_932 = arith.addf %add3A_903, %min3A_931 : vector<16xf32>
    %xor3A_933 = arith.constant 8 : i32
    %xor3A_934 = vector.broadcast %xor3A_933 : i32 to vector<16xi32>
    %xor3A_935 = arith.xori %iota3A_845, %xor3A_934 : vector<16xi32>
    %broadcast_in_dim3A_936 = vector.shape_cast %xor3A_935 : vector<16xi32> to vector<16x1xi32>
    %gather3A_937 = vector.shape_cast %broadcast_in_dim3A_936 : vector<16x1xi32> to vector<16xi32>
    %gather3A_938 = tpu.dynamic_gather %scan3A_843#3[%gather3A_937] in [0] : vector<16xf32>, vector<16xi32> -> vector<16xf32>
    %min3A_939 = arith.minimumf %scan3A_843#3, %gather3A_938 : vector<16xf32>
    %xor3A_940 = arith.constant 4 : i32
    %xor3A_941 = vector.broadcast %xor3A_940 : i32 to vector<16xi32>
    %xor3A_942 = arith.xori %iota3A_845, %xor3A_941 : vector<16xi32>
    %broadcast_in_dim3A_943 = vector.shape_cast %xor3A_942 : vector<16xi32> to vector<16x1xi32>
    %gather3A_944 = vector.shape_cast %broadcast_in_dim3A_943 : vector<16x1xi32> to vector<16xi32>
    %gather3A_945 = tpu.dynamic_gather %min3A_939[%gather3A_944] in [0] : vector<16xf32>, vector<16xi32> -> vector<16xf32>
    %min3A_946 = arith.minimumf %min3A_939, %gather3A_945 : vector<16xf32>
    %xor3A_947 = arith.constant 2 : i32
    %xor3A_948 = vector.broadcast %xor3A_947 : i32 to vector<16xi32>
    %xor3A_949 = arith.xori %iota3A_845, %xor3A_948 : vector<16xi32>
    %broadcast_in_dim3A_950 = vector.shape_cast %xor3A_949 : vector<16xi32> to vector<16x1xi32>
    %gather3A_951 = vector.shape_cast %broadcast_in_dim3A_950 : vector<16x1xi32> to vector<16xi32>
    %gather3A_952 = tpu.dynamic_gather %min3A_946[%gather3A_951] in [0] : vector<16xf32>, vector<16xi32> -> vector<16xf32>
    %min3A_953 = arith.minimumf %min3A_946, %gather3A_952 : vector<16xf32>
    %xor3A_954 = arith.constant 1 : i32
    %xor3A_955 = vector.broadcast %xor3A_954 : i32 to vector<16xi32>
    %xor3A_956 = arith.xori %iota3A_845, %xor3A_955 : vector<16xi32>
    %broadcast_in_dim3A_957 = vector.shape_cast %xor3A_956 : vector<16xi32> to vector<16x1xi32>
    %gather3A_958 = vector.shape_cast %broadcast_in_dim3A_957 : vector<16x1xi32> to vector<16xi32>
    %gather3A_959 = tpu.dynamic_gather %min3A_953[%gather3A_958] in [0] : vector<16xf32>, vector<16xi32> -> vector<16xf32>
    %min3A_960 = arith.minimumf %min3A_953, %gather3A_959 : vector<16xf32>
    %add3A_961 = arith.addf %add3A_932, %min3A_960 : vector<16xf32>
    %slice3A_962 = vector.extract_strided_slice %get3A_55 {offsets = [8], sizes = [1], strides = [1]} : vector<16xf32> to vector<1xf32>
    %squeeze3A_963 = vector.extract %slice3A_962[0] : f32 from vector<1xf32>
    %slice3A_964 = vector.extract_strided_slice %get3A_69 {offsets = [8], sizes = [1], strides = [1]} : vector<16xf32> to vector<1xf32>
    %squeeze3A_965 = vector.extract %slice3A_964[0] : f32 from vector<1xf32>
    %slice3A_966 = vector.extract_strided_slice %get3A_83 {offsets = [8], sizes = [1], strides = [1]} : vector<16xf32> to vector<1xf32>
    %squeeze3A_967 = vector.extract %slice3A_966[0] : f32 from vector<1xf32>
    %slice3A_968 = vector.extract_strided_slice %get3A_55 {offsets = [9], sizes = [1], strides = [1]} : vector<16xf32> to vector<1xf32>
    %squeeze3A_969 = vector.extract %slice3A_968[0] : f32 from vector<1xf32>
    %slice3A_970 = vector.extract_strided_slice %get3A_69 {offsets = [9], sizes = [1], strides = [1]} : vector<16xf32> to vector<1xf32>
    %squeeze3A_971 = vector.extract %slice3A_970[0] : f32 from vector<1xf32>
    %slice3A_972 = vector.extract_strided_slice %get3A_83 {offsets = [9], sizes = [1], strides = [1]} : vector<16xf32> to vector<1xf32>
    %squeeze3A_973 = vector.extract %slice3A_972[0] : f32 from vector<1xf32>
    %slice3A_974 = vector.extract_strided_slice %get3A_55 {offsets = [10], sizes = [1], strides = [1]} : vector<16xf32> to vector<1xf32>
    %squeeze3A_975 = vector.extract %slice3A_974[0] : f32 from vector<1xf32>
    %slice3A_976 = vector.extract_strided_slice %get3A_69 {offsets = [10], sizes = [1], strides = [1]} : vector<16xf32> to vector<1xf32>
    %squeeze3A_977 = vector.extract %slice3A_976[0] : f32 from vector<1xf32>
    %slice3A_978 = vector.extract_strided_slice %get3A_83 {offsets = [10], sizes = [1], strides = [1]} : vector<16xf32> to vector<1xf32>
    %squeeze3A_979 = vector.extract %slice3A_978[0] : f32 from vector<1xf32>
    %slice3A_980 = vector.extract_strided_slice %get3A_55 {offsets = [11], sizes = [1], strides = [1]} : vector<16xf32> to vector<1xf32>
    %squeeze3A_981 = vector.extract %slice3A_980[0] : f32 from vector<1xf32>
    %slice3A_982 = vector.extract_strided_slice %get3A_69 {offsets = [11], sizes = [1], strides = [1]} : vector<16xf32> to vector<1xf32>
    %squeeze3A_983 = vector.extract %slice3A_982[0] : f32 from vector<1xf32>
    %slice3A_984 = vector.extract_strided_slice %get3A_83 {offsets = [11], sizes = [1], strides = [1]} : vector<16xf32> to vector<1xf32>
    %squeeze3A_985 = vector.extract %slice3A_984[0] : f32 from vector<1xf32>
    %scan3A_986 = arith.constant 0 : i32
    %scan3A_987 = arith.constant 256 : i32
    %scan3A_988 = arith.addi %scan3A_986, %scan3A_987 : i32
    %scan3A_989 = arith.constant 1 : i32
    %scan3A_990:4 = scf.for %scan3A_1259 = %scan3A_986 to %scan3A_988 step %scan3A_989 iter_args(%scan3A_1260 = %broadcast_in_dim3A_37, %scan3A_1261 = %broadcast_in_dim3A_37, %scan3A_1262 = %broadcast_in_dim3A_37, %scan3A_1263 = %broadcast_in_dim3A_37) -> (vector<16xf32>, vector<16xf32>, vector<16xf32>, vector<16xf32>)  : i32 {
      %mul3A_1264 = arith.constant 16 : i32
      %mul3A_1265 = arith.muli %scan3A_1259, %mul3A_1264 : i32
      %get3A_1266 = arith.constant 0 : i32
      %get3A_1267 = arith.index_cast %get3A_1266 : i32 to index
      %get3A_1268 = arith.index_cast %mul3A_1265 : i32 to index
      %get3A_1269 = tpu.vector_load %arg5[%get3A_1267, %get3A_1268] {strides = array<i32>} : memref<3x4096xf32, #tpu.memory_space<vmem>>, vector<1x16xf32>,
      %get3A_1270 = vector.shape_cast %get3A_1269 : vector<1x16xf32> to vector<16xf32>
      %mul3A_1271 = arith.constant 16 : i32
      %mul3A_1272 = arith.muli %scan3A_1259, %mul3A_1271 : i32
      %get3A_1273 = arith.constant 1 : i32
      %get3A_1274 = arith.index_cast %get3A_1273 : i32 to index
      %get3A_1275 = arith.index_cast %mul3A_1272 : i32 to index
      %get3A_1276 = tpu.vector_load %arg5[%get3A_1274, %get3A_1275] {strides = array<i32>} : memref<3x4096xf32, #tpu.memory_space<vmem>>, vector<1x16xf32>,
      %get3A_1277 = vector.shape_cast %get3A_1276 : vector<1x16xf32> to vector<16xf32>
      %mul3A_1278 = arith.constant 16 : i32
      %mul3A_1279 = arith.muli %scan3A_1259, %mul3A_1278 : i32
      %get3A_1280 = arith.constant 2 : i32
      %get3A_1281 = arith.index_cast %get3A_1280 : i32 to index
      %get3A_1282 = arith.index_cast %mul3A_1279 : i32 to index
      %get3A_1283 = tpu.vector_load %arg5[%get3A_1281, %get3A_1282] {strides = array<i32>} : memref<3x4096xf32, #tpu.memory_space<vmem>>, vector<1x16xf32>,
      %get3A_1284 = vector.shape_cast %get3A_1283 : vector<1x16xf32> to vector<16xf32>
      %mul3A_1285 = arith.constant 16 : i32
      %mul3A_1286 = arith.muli %scan3A_1259, %mul3A_1285 : i32
      %get3A_1287 = arith.index_cast %mul3A_1286 : i32 to index
      %get3A_1288 = tpu.vector_load %arg8[%get3A_1287] {strides = array<i32>} : memref<4096xf32, #tpu.memory_space<vmem>>, vector<16xf32>,
      %get3A_1289 = vector.shape_cast %get3A_1288 : vector<16xf32> to vector<16xf32>
      %sub3A_1290 = vector.broadcast %squeeze3A_963 : f32 to vector<16xf32>
      %sub3A_1291 = arith.subf %get3A_1270, %sub3A_1290 : vector<16xf32>
      %sub3A_1292 = vector.broadcast %squeeze3A_965 : f32 to vector<16xf32>
      %sub3A_1293 = arith.subf %get3A_1277, %sub3A_1292 : vector<16xf32>
      %sub3A_1294 = vector.broadcast %squeeze3A_967 : f32 to vector<16xf32>
      %sub3A_1295 = arith.subf %get3A_1284, %sub3A_1294 : vector<16xf32>
      %mul3A_1296 = arith.mulf %sub3A_1291, %sub3A_1291 : vector<16xf32>
      %mul3A_1297 = arith.mulf %sub3A_1293, %sub3A_1293 : vector<16xf32>
      %add3A_1298 = arith.addf %mul3A_1296, %mul3A_1297 : vector<16xf32>
      %mul3A_1299 = arith.mulf %sub3A_1295, %sub3A_1295 : vector<16xf32>
      %add3A_1300 = arith.addf %add3A_1298, %mul3A_1299 : vector<16xf32>
      %min3A_1301 = arith.minimumf %scan3A_1260, %add3A_1300 : vector<16xf32>
      %min3A_1302 = arith.minimumf %get3A_1289, %add3A_1300 : vector<16xf32>
      %sub3A_1303 = vector.broadcast %squeeze3A_969 : f32 to vector<16xf32>
      %sub3A_1304 = arith.subf %get3A_1270, %sub3A_1303 : vector<16xf32>
      %sub3A_1305 = vector.broadcast %squeeze3A_971 : f32 to vector<16xf32>
      %sub3A_1306 = arith.subf %get3A_1277, %sub3A_1305 : vector<16xf32>
      %sub3A_1307 = vector.broadcast %squeeze3A_973 : f32 to vector<16xf32>
      %sub3A_1308 = arith.subf %get3A_1284, %sub3A_1307 : vector<16xf32>
      %mul3A_1309 = arith.mulf %sub3A_1304, %sub3A_1304 : vector<16xf32>
      %mul3A_1310 = arith.mulf %sub3A_1306, %sub3A_1306 : vector<16xf32>
      %add3A_1311 = arith.addf %mul3A_1309, %mul3A_1310 : vector<16xf32>
      %mul3A_1312 = arith.mulf %sub3A_1308, %sub3A_1308 : vector<16xf32>
      %add3A_1313 = arith.addf %add3A_1311, %mul3A_1312 : vector<16xf32>
      %min3A_1314 = arith.minimumf %scan3A_1261, %add3A_1313 : vector<16xf32>
      %min3A_1315 = arith.minimumf %min3A_1302, %add3A_1313 : vector<16xf32>
      %sub3A_1316 = vector.broadcast %squeeze3A_975 : f32 to vector<16xf32>
      %sub3A_1317 = arith.subf %get3A_1270, %sub3A_1316 : vector<16xf32>
      %sub3A_1318 = vector.broadcast %squeeze3A_977 : f32 to vector<16xf32>
      %sub3A_1319 = arith.subf %get3A_1277, %sub3A_1318 : vector<16xf32>
      %sub3A_1320 = vector.broadcast %squeeze3A_979 : f32 to vector<16xf32>
      %sub3A_1321 = arith.subf %get3A_1284, %sub3A_1320 : vector<16xf32>
      %mul3A_1322 = arith.mulf %sub3A_1317, %sub3A_1317 : vector<16xf32>
      %mul3A_1323 = arith.mulf %sub3A_1319, %sub3A_1319 : vector<16xf32>
      %add3A_1324 = arith.addf %mul3A_1322, %mul3A_1323 : vector<16xf32>
      %mul3A_1325 = arith.mulf %sub3A_1321, %sub3A_1321 : vector<16xf32>
      %add3A_1326 = arith.addf %add3A_1324, %mul3A_1325 : vector<16xf32>
      %min3A_1327 = arith.minimumf %scan3A_1262, %add3A_1326 : vector<16xf32>
      %min3A_1328 = arith.minimumf %min3A_1315, %add3A_1326 : vector<16xf32>
      %sub3A_1329 = vector.broadcast %squeeze3A_981 : f32 to vector<16xf32>
      %sub3A_1330 = arith.subf %get3A_1270, %sub3A_1329 : vector<16xf32>
      %sub3A_1331 = vector.broadcast %squeeze3A_983 : f32 to vector<16xf32>
      %sub3A_1332 = arith.subf %get3A_1277, %sub3A_1331 : vector<16xf32>
      %sub3A_1333 = vector.broadcast %squeeze3A_985 : f32 to vector<16xf32>
      %sub3A_1334 = arith.subf %get3A_1284, %sub3A_1333 : vector<16xf32>
      %mul3A_1335 = arith.mulf %sub3A_1330, %sub3A_1330 : vector<16xf32>
      %mul3A_1336 = arith.mulf %sub3A_1332, %sub3A_1332 : vector<16xf32>
      %add3A_1337 = arith.addf %mul3A_1335, %mul3A_1336 : vector<16xf32>
      %mul3A_1338 = arith.mulf %sub3A_1334, %sub3A_1334 : vector<16xf32>
      %add3A_1339 = arith.addf %add3A_1337, %mul3A_1338 : vector<16xf32>
      %min3A_1340 = arith.minimumf %scan3A_1263, %add3A_1339 : vector<16xf32>
      %min3A_1341 = arith.minimumf %min3A_1328, %add3A_1339 : vector<16xf32>
      %mul3A_1342 = arith.constant 16 : i32
      %mul3A_1343 = arith.muli %scan3A_1259, %mul3A_1342 : i32
      %swap3A_1344 = arith.index_cast %mul3A_1343 : i32 to index
      %swap3A_1345 = tpu.vector_load %arg8[%swap3A_1344] {strides = array<i32>} : memref<4096xf32, #tpu.memory_space<vmem>>, vector<16xf32>,
      %swap3A_1346 = vector.shape_cast %swap3A_1345 : vector<16xf32> to vector<16xf32>
      %swap3A_1347 = vector.shape_cast %min3A_1341 : vector<16xf32> to vector<16xf32>
      tpu.vector_store %arg8[%swap3A_1344], %swap3A_1347 {strides = array<i32>} : memref<4096xf32, #tpu.memory_space<vmem>>, vector<16xf32>,
      scf.yield %min3A_1301, %min3A_1314, %min3A_1327, %min3A_1340 : vector<16xf32>, vector<16xf32>, vector<16xf32>, vector<16xf32>
    }
    %scan3A_991 = arith.constant 256 : i32
    %iota3A_992 = tpu.iota {dimensions = array<i32: 0>} : vector<16xi32>
    %xor3A_993 = arith.constant 8 : i32
    %xor3A_994 = vector.broadcast %xor3A_993 : i32 to vector<16xi32>
    %xor3A_995 = arith.xori %iota3A_992, %xor3A_994 : vector<16xi32>
    %broadcast_in_dim3A_996 = vector.shape_cast %xor3A_995 : vector<16xi32> to vector<16x1xi32>
    %gather3A_997 = vector.shape_cast %broadcast_in_dim3A_996 : vector<16x1xi32> to vector<16xi32>
    %gather3A_998 = tpu.dynamic_gather %scan3A_990#0[%gather3A_997] in [0] : vector<16xf32>, vector<16xi32> -> vector<16xf32>
    %min3A_999 = arith.minimumf %scan3A_990#0, %gather3A_998 : vector<16xf32>
    %xor3A_1000 = arith.constant 4 : i32
    %xor3A_1001 = vector.broadcast %xor3A_1000 : i32 to vector<16xi32>
    %xor3A_1002 = arith.xori %iota3A_992, %xor3A_1001 : vector<16xi32>
    %broadcast_in_dim3A_1003 = vector.shape_cast %xor3A_1002 : vector<16xi32> to vector<16x1xi32>
    %gather3A_1004 = vector.shape_cast %broadcast_in_dim3A_1003 : vector<16x1xi32> to vector<16xi32>
    %gather3A_1005 = tpu.dynamic_gather %min3A_999[%gather3A_1004] in [0] : vector<16xf32>, vector<16xi32> -> vector<16xf32>
    %min3A_1006 = arith.minimumf %min3A_999, %gather3A_1005 : vector<16xf32>
    %xor3A_1007 = arith.constant 2 : i32
    %xor3A_1008 = vector.broadcast %xor3A_1007 : i32 to vector<16xi32>
    %xor3A_1009 = arith.xori %iota3A_992, %xor3A_1008 : vector<16xi32>
    %broadcast_in_dim3A_1010 = vector.shape_cast %xor3A_1009 : vector<16xi32> to vector<16x1xi32>
    %gather3A_1011 = vector.shape_cast %broadcast_in_dim3A_1010 : vector<16x1xi32> to vector<16xi32>
    %gather3A_1012 = tpu.dynamic_gather %min3A_1006[%gather3A_1011] in [0] : vector<16xf32>, vector<16xi32> -> vector<16xf32>
    %min3A_1013 = arith.minimumf %min3A_1006, %gather3A_1012 : vector<16xf32>
    %xor3A_1014 = arith.constant 1 : i32
    %xor3A_1015 = vector.broadcast %xor3A_1014 : i32 to vector<16xi32>
    %xor3A_1016 = arith.xori %iota3A_992, %xor3A_1015 : vector<16xi32>
    %broadcast_in_dim3A_1017 = vector.shape_cast %xor3A_1016 : vector<16xi32> to vector<16x1xi32>
    %gather3A_1018 = vector.shape_cast %broadcast_in_dim3A_1017 : vector<16x1xi32> to vector<16xi32>
    %gather3A_1019 = tpu.dynamic_gather %min3A_1013[%gather3A_1018] in [0] : vector<16xf32>, vector<16xi32> -> vector<16xf32>
    %min3A_1020 = arith.minimumf %min3A_1013, %gather3A_1019 : vector<16xf32>
    %add3A_1021 = arith.addf %add3A_961, %min3A_1020 : vector<16xf32>
    %xor3A_1022 = arith.constant 8 : i32
    %xor3A_1023 = vector.broadcast %xor3A_1022 : i32 to vector<16xi32>
    %xor3A_1024 = arith.xori %iota3A_992, %xor3A_1023 : vector<16xi32>
    %broadcast_in_dim3A_1025 = vector.shape_cast %xor3A_1024 : vector<16xi32> to vector<16x1xi32>
    %gather3A_1026 = vector.shape_cast %broadcast_in_dim3A_1025 : vector<16x1xi32> to vector<16xi32>
    %gather3A_1027 = tpu.dynamic_gather %scan3A_990#1[%gather3A_1026] in [0] : vector<16xf32>, vector<16xi32> -> vector<16xf32>
    %min3A_1028 = arith.minimumf %scan3A_990#1, %gather3A_1027 : vector<16xf32>
    %xor3A_1029 = arith.constant 4 : i32
    %xor3A_1030 = vector.broadcast %xor3A_1029 : i32 to vector<16xi32>
    %xor3A_1031 = arith.xori %iota3A_992, %xor3A_1030 : vector<16xi32>
    %broadcast_in_dim3A_1032 = vector.shape_cast %xor3A_1031 : vector<16xi32> to vector<16x1xi32>
    %gather3A_1033 = vector.shape_cast %broadcast_in_dim3A_1032 : vector<16x1xi32> to vector<16xi32>
    %gather3A_1034 = tpu.dynamic_gather %min3A_1028[%gather3A_1033] in [0] : vector<16xf32>, vector<16xi32> -> vector<16xf32>
    %min3A_1035 = arith.minimumf %min3A_1028, %gather3A_1034 : vector<16xf32>
    %xor3A_1036 = arith.constant 2 : i32
    %xor3A_1037 = vector.broadcast %xor3A_1036 : i32 to vector<16xi32>
    %xor3A_1038 = arith.xori %iota3A_992, %xor3A_1037 : vector<16xi32>
    %broadcast_in_dim3A_1039 = vector.shape_cast %xor3A_1038 : vector<16xi32> to vector<16x1xi32>
    %gather3A_1040 = vector.shape_cast %broadcast_in_dim3A_1039 : vector<16x1xi32> to vector<16xi32>
    %gather3A_1041 = tpu.dynamic_gather %min3A_1035[%gather3A_1040] in [0] : vector<16xf32>, vector<16xi32> -> vector<16xf32>
    %min3A_1042 = arith.minimumf %min3A_1035, %gather3A_1041 : vector<16xf32>
    %xor3A_1043 = arith.constant 1 : i32
    %xor3A_1044 = vector.broadcast %xor3A_1043 : i32 to vector<16xi32>
    %xor3A_1045 = arith.xori %iota3A_992, %xor3A_1044 : vector<16xi32>
    %broadcast_in_dim3A_1046 = vector.shape_cast %xor3A_1045 : vector<16xi32> to vector<16x1xi32>
    %gather3A_1047 = vector.shape_cast %broadcast_in_dim3A_1046 : vector<16x1xi32> to vector<16xi32>
    %gather3A_1048 = tpu.dynamic_gather %min3A_1042[%gather3A_1047] in [0] : vector<16xf32>, vector<16xi32> -> vector<16xf32>
    %min3A_1049 = arith.minimumf %min3A_1042, %gather3A_1048 : vector<16xf32>
    %add3A_1050 = arith.addf %add3A_1021, %min3A_1049 : vector<16xf32>
    %xor3A_1051 = arith.constant 8 : i32
    %xor3A_1052 = vector.broadcast %xor3A_1051 : i32 to vector<16xi32>
    %xor3A_1053 = arith.xori %iota3A_992, %xor3A_1052 : vector<16xi32>
    %broadcast_in_dim3A_1054 = vector.shape_cast %xor3A_1053 : vector<16xi32> to vector<16x1xi32>
    %gather3A_1055 = vector.shape_cast %broadcast_in_dim3A_1054 : vector<16x1xi32> to vector<16xi32>
    %gather3A_1056 = tpu.dynamic_gather %scan3A_990#2[%gather3A_1055] in [0] : vector<16xf32>, vector<16xi32> -> vector<16xf32>
    %min3A_1057 = arith.minimumf %scan3A_990#2, %gather3A_1056 : vector<16xf32>
    %xor3A_1058 = arith.constant 4 : i32
    %xor3A_1059 = vector.broadcast %xor3A_1058 : i32 to vector<16xi32>
    %xor3A_1060 = arith.xori %iota3A_992, %xor3A_1059 : vector<16xi32>
    %broadcast_in_dim3A_1061 = vector.shape_cast %xor3A_1060 : vector<16xi32> to vector<16x1xi32>
    %gather3A_1062 = vector.shape_cast %broadcast_in_dim3A_1061 : vector<16x1xi32> to vector<16xi32>
    %gather3A_1063 = tpu.dynamic_gather %min3A_1057[%gather3A_1062] in [0] : vector<16xf32>, vector<16xi32> -> vector<16xf32>
    %min3A_1064 = arith.minimumf %min3A_1057, %gather3A_1063 : vector<16xf32>
    %xor3A_1065 = arith.constant 2 : i32
    %xor3A_1066 = vector.broadcast %xor3A_1065 : i32 to vector<16xi32>
    %xor3A_1067 = arith.xori %iota3A_992, %xor3A_1066 : vector<16xi32>
    %broadcast_in_dim3A_1068 = vector.shape_cast %xor3A_1067 : vector<16xi32> to vector<16x1xi32>
    %gather3A_1069 = vector.shape_cast %broadcast_in_dim3A_1068 : vector<16x1xi32> to vector<16xi32>
    %gather3A_1070 = tpu.dynamic_gather %min3A_1064[%gather3A_1069] in [0] : vector<16xf32>, vector<16xi32> -> vector<16xf32>
    %min3A_1071 = arith.minimumf %min3A_1064, %gather3A_1070 : vector<16xf32>
    %xor3A_1072 = arith.constant 1 : i32
    %xor3A_1073 = vector.broadcast %xor3A_1072 : i32 to vector<16xi32>
    %xor3A_1074 = arith.xori %iota3A_992, %xor3A_1073 : vector<16xi32>
    %broadcast_in_dim3A_1075 = vector.shape_cast %xor3A_1074 : vector<16xi32> to vector<16x1xi32>
    %gather3A_1076 = vector.shape_cast %broadcast_in_dim3A_1075 : vector<16x1xi32> to vector<16xi32>
    %gather3A_1077 = tpu.dynamic_gather %min3A_1071[%gather3A_1076] in [0] : vector<16xf32>, vector<16xi32> -> vector<16xf32>
    %min3A_1078 = arith.minimumf %min3A_1071, %gather3A_1077 : vector<16xf32>
    %add3A_1079 = arith.addf %add3A_1050, %min3A_1078 : vector<16xf32>
    %xor3A_1080 = arith.constant 8 : i32
    %xor3A_1081 = vector.broadcast %xor3A_1080 : i32 to vector<16xi32>
    %xor3A_1082 = arith.xori %iota3A_992, %xor3A_1081 : vector<16xi32>
    %broadcast_in_dim3A_1083 = vector.shape_cast %xor3A_1082 : vector<16xi32> to vector<16x1xi32>
    %gather3A_1084 = vector.shape_cast %broadcast_in_dim3A_1083 : vector<16x1xi32> to vector<16xi32>
    %gather3A_1085 = tpu.dynamic_gather %scan3A_990#3[%gather3A_1084] in [0] : vector<16xf32>, vector<16xi32> -> vector<16xf32>
    %min3A_1086 = arith.minimumf %scan3A_990#3, %gather3A_1085 : vector<16xf32>
    %xor3A_1087 = arith.constant 4 : i32
    %xor3A_1088 = vector.broadcast %xor3A_1087 : i32 to vector<16xi32>
    %xor3A_1089 = arith.xori %iota3A_992, %xor3A_1088 : vector<16xi32>
    %broadcast_in_dim3A_1090 = vector.shape_cast %xor3A_1089 : vector<16xi32> to vector<16x1xi32>
    %gather3A_1091 = vector.shape_cast %broadcast_in_dim3A_1090 : vector<16x1xi32> to vector<16xi32>
    %gather3A_1092 = tpu.dynamic_gather %min3A_1086[%gather3A_1091] in [0] : vector<16xf32>, vector<16xi32> -> vector<16xf32>
    %min3A_1093 = arith.minimumf %min3A_1086, %gather3A_1092 : vector<16xf32>
    %xor3A_1094 = arith.constant 2 : i32
    %xor3A_1095 = vector.broadcast %xor3A_1094 : i32 to vector<16xi32>
    %xor3A_1096 = arith.xori %iota3A_992, %xor3A_1095 : vector<16xi32>
    %broadcast_in_dim3A_1097 = vector.shape_cast %xor3A_1096 : vector<16xi32> to vector<16x1xi32>
    %gather3A_1098 = vector.shape_cast %broadcast_in_dim3A_1097 : vector<16x1xi32> to vector<16xi32>
    %gather3A_1099 = tpu.dynamic_gather %min3A_1093[%gather3A_1098] in [0] : vector<16xf32>, vector<16xi32> -> vector<16xf32>
    %min3A_1100 = arith.minimumf %min3A_1093, %gather3A_1099 : vector<16xf32>
    %xor3A_1101 = arith.constant 1 : i32
    %xor3A_1102 = vector.broadcast %xor3A_1101 : i32 to vector<16xi32>
    %xor3A_1103 = arith.xori %iota3A_992, %xor3A_1102 : vector<16xi32>
    %broadcast_in_dim3A_1104 = vector.shape_cast %xor3A_1103 : vector<16xi32> to vector<16x1xi32>
    %gather3A_1105 = vector.shape_cast %broadcast_in_dim3A_1104 : vector<16x1xi32> to vector<16xi32>
    %gather3A_1106 = tpu.dynamic_gather %min3A_1100[%gather3A_1105] in [0] : vector<16xf32>, vector<16xi32> -> vector<16xf32>
    %min3A_1107 = arith.minimumf %min3A_1100, %gather3A_1106 : vector<16xf32>
    %add3A_1108 = arith.addf %add3A_1079, %min3A_1107 : vector<16xf32>
    %slice3A_1109 = vector.extract_strided_slice %get3A_55 {offsets = [12], sizes = [1], strides = [1]} : vector<16xf32> to vector<1xf32>
    %squeeze3A_1110 = vector.extract %slice3A_1109[0] : f32 from vector<1xf32>
    %slice3A_1111 = vector.extract_strided_slice %get3A_69 {offsets = [12], sizes = [1], strides = [1]} : vector<16xf32> to vector<1xf32>
    %squeeze3A_1112 = vector.extract %slice3A_1111[0] : f32 from vector<1xf32>
    %slice3A_1113 = vector.extract_strided_slice %get3A_83 {offsets = [12], sizes = [1], strides = [1]} : vector<16xf32> to vector<1xf32>
    %squeeze3A_1114 = vector.extract %slice3A_1113[0] : f32 from vector<1xf32>
    %slice3A_1115 = vector.extract_strided_slice %get3A_55 {offsets = [13], sizes = [1], strides = [1]} : vector<16xf32> to vector<1xf32>
    %squeeze3A_1116 = vector.extract %slice3A_1115[0] : f32 from vector<1xf32>
    %slice3A_1117 = vector.extract_strided_slice %get3A_69 {offsets = [13], sizes = [1], strides = [1]} : vector<16xf32> to vector<1xf32>
    %squeeze3A_1118 = vector.extract %slice3A_1117[0] : f32 from vector<1xf32>
    %slice3A_1119 = vector.extract_strided_slice %get3A_83 {offsets = [13], sizes = [1], strides = [1]} : vector<16xf32> to vector<1xf32>
    %squeeze3A_1120 = vector.extract %slice3A_1119[0] : f32 from vector<1xf32>
    %slice3A_1121 = vector.extract_strided_slice %get3A_55 {offsets = [14], sizes = [1], strides = [1]} : vector<16xf32> to vector<1xf32>
    %squeeze3A_1122 = vector.extract %slice3A_1121[0] : f32 from vector<1xf32>
    %slice3A_1123 = vector.extract_strided_slice %get3A_69 {offsets = [14], sizes = [1], strides = [1]} : vector<16xf32> to vector<1xf32>
    %squeeze3A_1124 = vector.extract %slice3A_1123[0] : f32 from vector<1xf32>
    %slice3A_1125 = vector.extract_strided_slice %get3A_83 {offsets = [14], sizes = [1], strides = [1]} : vector<16xf32> to vector<1xf32>
    %squeeze3A_1126 = vector.extract %slice3A_1125[0] : f32 from vector<1xf32>
    %slice3A_1127 = vector.extract_strided_slice %get3A_55 {offsets = [15], sizes = [1], strides = [1]} : vector<16xf32> to vector<1xf32>
    %squeeze3A_1128 = vector.extract %slice3A_1127[0] : f32 from vector<1xf32>
    %slice3A_1129 = vector.extract_strided_slice %get3A_69 {offsets = [15], sizes = [1], strides = [1]} : vector<16xf32> to vector<1xf32>
    %squeeze3A_1130 = vector.extract %slice3A_1129[0] : f32 from vector<1xf32>
    %slice3A_1131 = vector.extract_strided_slice %get3A_83 {offsets = [15], sizes = [1], strides = [1]} : vector<16xf32> to vector<1xf32>
    %squeeze3A_1132 = vector.extract %slice3A_1131[0] : f32 from vector<1xf32>
    %scan3A_1133 = arith.constant 0 : i32
    %scan3A_1134 = arith.constant 256 : i32
    %scan3A_1135 = arith.addi %scan3A_1133, %scan3A_1134 : i32
    %scan3A_1136 = arith.constant 1 : i32
    %scan3A_1137:4 = scf.for %scan3A_1259 = %scan3A_1133 to %scan3A_1135 step %scan3A_1136 iter_args(%scan3A_1260 = %broadcast_in_dim3A_37, %scan3A_1261 = %broadcast_in_dim3A_37, %scan3A_1262 = %broadcast_in_dim3A_37, %scan3A_1263 = %broadcast_in_dim3A_37) -> (vector<16xf32>, vector<16xf32>, vector<16xf32>, vector<16xf32>)  : i32 {
      %mul3A_1264 = arith.constant 16 : i32
      %mul3A_1265 = arith.muli %scan3A_1259, %mul3A_1264 : i32
      %get3A_1266 = arith.constant 0 : i32
      %get3A_1267 = arith.index_cast %get3A_1266 : i32 to index
      %get3A_1268 = arith.index_cast %mul3A_1265 : i32 to index
      %get3A_1269 = tpu.vector_load %arg5[%get3A_1267, %get3A_1268] {strides = array<i32>} : memref<3x4096xf32, #tpu.memory_space<vmem>>, vector<1x16xf32>,
      %get3A_1270 = vector.shape_cast %get3A_1269 : vector<1x16xf32> to vector<16xf32>
      %mul3A_1271 = arith.constant 16 : i32
      %mul3A_1272 = arith.muli %scan3A_1259, %mul3A_1271 : i32
      %get3A_1273 = arith.constant 1 : i32
      %get3A_1274 = arith.index_cast %get3A_1273 : i32 to index
      %get3A_1275 = arith.index_cast %mul3A_1272 : i32 to index
      %get3A_1276 = tpu.vector_load %arg5[%get3A_1274, %get3A_1275] {strides = array<i32>} : memref<3x4096xf32, #tpu.memory_space<vmem>>, vector<1x16xf32>,
      %get3A_1277 = vector.shape_cast %get3A_1276 : vector<1x16xf32> to vector<16xf32>
      %mul3A_1278 = arith.constant 16 : i32
      %mul3A_1279 = arith.muli %scan3A_1259, %mul3A_1278 : i32
      %get3A_1280 = arith.constant 2 : i32
      %get3A_1281 = arith.index_cast %get3A_1280 : i32 to index
      %get3A_1282 = arith.index_cast %mul3A_1279 : i32 to index
      %get3A_1283 = tpu.vector_load %arg5[%get3A_1281, %get3A_1282] {strides = array<i32>} : memref<3x4096xf32, #tpu.memory_space<vmem>>, vector<1x16xf32>,
      %get3A_1284 = vector.shape_cast %get3A_1283 : vector<1x16xf32> to vector<16xf32>
      %mul3A_1285 = arith.constant 16 : i32
      %mul3A_1286 = arith.muli %scan3A_1259, %mul3A_1285 : i32
      %get3A_1287 = arith.index_cast %mul3A_1286 : i32 to index
      %get3A_1288 = tpu.vector_load %arg8[%get3A_1287] {strides = array<i32>} : memref<4096xf32, #tpu.memory_space<vmem>>, vector<16xf32>,
      %get3A_1289 = vector.shape_cast %get3A_1288 : vector<16xf32> to vector<16xf32>
      %sub3A_1290 = vector.broadcast %squeeze3A_1110 : f32 to vector<16xf32>
      %sub3A_1291 = arith.subf %get3A_1270, %sub3A_1290 : vector<16xf32>
      %sub3A_1292 = vector.broadcast %squeeze3A_1112 : f32 to vector<16xf32>
      %sub3A_1293 = arith.subf %get3A_1277, %sub3A_1292 : vector<16xf32>
      %sub3A_1294 = vector.broadcast %squeeze3A_1114 : f32 to vector<16xf32>
      %sub3A_1295 = arith.subf %get3A_1284, %sub3A_1294 : vector<16xf32>
      %mul3A_1296 = arith.mulf %sub3A_1291, %sub3A_1291 : vector<16xf32>
      %mul3A_1297 = arith.mulf %sub3A_1293, %sub3A_1293 : vector<16xf32>
      %add3A_1298 = arith.addf %mul3A_1296, %mul3A_1297 : vector<16xf32>
      %mul3A_1299 = arith.mulf %sub3A_1295, %sub3A_1295 : vector<16xf32>
      %add3A_1300 = arith.addf %add3A_1298, %mul3A_1299 : vector<16xf32>
      %min3A_1301 = arith.minimumf %scan3A_1260, %add3A_1300 : vector<16xf32>
      %min3A_1302 = arith.minimumf %get3A_1289, %add3A_1300 : vector<16xf32>
      %sub3A_1303 = vector.broadcast %squeeze3A_1116 : f32 to vector<16xf32>
      %sub3A_1304 = arith.subf %get3A_1270, %sub3A_1303 : vector<16xf32>
      %sub3A_1305 = vector.broadcast %squeeze3A_1118 : f32 to vector<16xf32>
      %sub3A_1306 = arith.subf %get3A_1277, %sub3A_1305 : vector<16xf32>
      %sub3A_1307 = vector.broadcast %squeeze3A_1120 : f32 to vector<16xf32>
      %sub3A_1308 = arith.subf %get3A_1284, %sub3A_1307 : vector<16xf32>
      %mul3A_1309 = arith.mulf %sub3A_1304, %sub3A_1304 : vector<16xf32>
      %mul3A_1310 = arith.mulf %sub3A_1306, %sub3A_1306 : vector<16xf32>
      %add3A_1311 = arith.addf %mul3A_1309, %mul3A_1310 : vector<16xf32>
      %mul3A_1312 = arith.mulf %sub3A_1308, %sub3A_1308 : vector<16xf32>
      %add3A_1313 = arith.addf %add3A_1311, %mul3A_1312 : vector<16xf32>
      %min3A_1314 = arith.minimumf %scan3A_1261, %add3A_1313 : vector<16xf32>
      %min3A_1315 = arith.minimumf %min3A_1302, %add3A_1313 : vector<16xf32>
      %sub3A_1316 = vector.broadcast %squeeze3A_1122 : f32 to vector<16xf32>
      %sub3A_1317 = arith.subf %get3A_1270, %sub3A_1316 : vector<16xf32>
      %sub3A_1318 = vector.broadcast %squeeze3A_1124 : f32 to vector<16xf32>
      %sub3A_1319 = arith.subf %get3A_1277, %sub3A_1318 : vector<16xf32>
      %sub3A_1320 = vector.broadcast %squeeze3A_1126 : f32 to vector<16xf32>
      %sub3A_1321 = arith.subf %get3A_1284, %sub3A_1320 : vector<16xf32>
      %mul3A_1322 = arith.mulf %sub3A_1317, %sub3A_1317 : vector<16xf32>
      %mul3A_1323 = arith.mulf %sub3A_1319, %sub3A_1319 : vector<16xf32>
      %add3A_1324 = arith.addf %mul3A_1322, %mul3A_1323 : vector<16xf32>
      %mul3A_1325 = arith.mulf %sub3A_1321, %sub3A_1321 : vector<16xf32>
      %add3A_1326 = arith.addf %add3A_1324, %mul3A_1325 : vector<16xf32>
      %min3A_1327 = arith.minimumf %scan3A_1262, %add3A_1326 : vector<16xf32>
      %min3A_1328 = arith.minimumf %min3A_1315, %add3A_1326 : vector<16xf32>
      %sub3A_1329 = vector.broadcast %squeeze3A_1128 : f32 to vector<16xf32>
      %sub3A_1330 = arith.subf %get3A_1270, %sub3A_1329 : vector<16xf32>
      %sub3A_1331 = vector.broadcast %squeeze3A_1130 : f32 to vector<16xf32>
      %sub3A_1332 = arith.subf %get3A_1277, %sub3A_1331 : vector<16xf32>
      %sub3A_1333 = vector.broadcast %squeeze3A_1132 : f32 to vector<16xf32>
      %sub3A_1334 = arith.subf %get3A_1284, %sub3A_1333 : vector<16xf32>
      %mul3A_1335 = arith.mulf %sub3A_1330, %sub3A_1330 : vector<16xf32>
      %mul3A_1336 = arith.mulf %sub3A_1332, %sub3A_1332 : vector<16xf32>
      %add3A_1337 = arith.addf %mul3A_1335, %mul3A_1336 : vector<16xf32>
      %mul3A_1338 = arith.mulf %sub3A_1334, %sub3A_1334 : vector<16xf32>
      %add3A_1339 = arith.addf %add3A_1337, %mul3A_1338 : vector<16xf32>
      %min3A_1340 = arith.minimumf %scan3A_1263, %add3A_1339 : vector<16xf32>
      %min3A_1341 = arith.minimumf %min3A_1328, %add3A_1339 : vector<16xf32>
      %mul3A_1342 = arith.constant 16 : i32
      %mul3A_1343 = arith.muli %scan3A_1259, %mul3A_1342 : i32
      %swap3A_1344 = arith.index_cast %mul3A_1343 : i32 to index
      %swap3A_1345 = tpu.vector_load %arg8[%swap3A_1344] {strides = array<i32>} : memref<4096xf32, #tpu.memory_space<vmem>>, vector<16xf32>,
      %swap3A_1346 = vector.shape_cast %swap3A_1345 : vector<16xf32> to vector<16xf32>
      %swap3A_1347 = vector.shape_cast %min3A_1341 : vector<16xf32> to vector<16xf32>
      tpu.vector_store %arg8[%swap3A_1344], %swap3A_1347 {strides = array<i32>} : memref<4096xf32, #tpu.memory_space<vmem>>, vector<16xf32>,
      scf.yield %min3A_1301, %min3A_1314, %min3A_1327, %min3A_1340 : vector<16xf32>, vector<16xf32>, vector<16xf32>, vector<16xf32>
    }
    %scan3A_1138 = arith.constant 256 : i32
    %iota3A_1139 = tpu.iota {dimensions = array<i32: 0>} : vector<16xi32>
    %xor3A_1140 = arith.constant 8 : i32
    %xor3A_1141 = vector.broadcast %xor3A_1140 : i32 to vector<16xi32>
    %xor3A_1142 = arith.xori %iota3A_1139, %xor3A_1141 : vector<16xi32>
    %broadcast_in_dim3A_1143 = vector.shape_cast %xor3A_1142 : vector<16xi32> to vector<16x1xi32>
    %gather3A_1144 = vector.shape_cast %broadcast_in_dim3A_1143 : vector<16x1xi32> to vector<16xi32>
    %gather3A_1145 = tpu.dynamic_gather %scan3A_1137#0[%gather3A_1144] in [0] : vector<16xf32>, vector<16xi32> -> vector<16xf32>
    %min3A_1146 = arith.minimumf %scan3A_1137#0, %gather3A_1145 : vector<16xf32>
    %xor3A_1147 = arith.constant 4 : i32
    %xor3A_1148 = vector.broadcast %xor3A_1147 : i32 to vector<16xi32>
    %xor3A_1149 = arith.xori %iota3A_1139, %xor3A_1148 : vector<16xi32>
    %broadcast_in_dim3A_1150 = vector.shape_cast %xor3A_1149 : vector<16xi32> to vector<16x1xi32>
    %gather3A_1151 = vector.shape_cast %broadcast_in_dim3A_1150 : vector<16x1xi32> to vector<16xi32>
    %gather3A_1152 = tpu.dynamic_gather %min3A_1146[%gather3A_1151] in [0] : vector<16xf32>, vector<16xi32> -> vector<16xf32>
    %min3A_1153 = arith.minimumf %min3A_1146, %gather3A_1152 : vector<16xf32>
    %xor3A_1154 = arith.constant 2 : i32
    %xor3A_1155 = vector.broadcast %xor3A_1154 : i32 to vector<16xi32>
    %xor3A_1156 = arith.xori %iota3A_1139, %xor3A_1155 : vector<16xi32>
    %broadcast_in_dim3A_1157 = vector.shape_cast %xor3A_1156 : vector<16xi32> to vector<16x1xi32>
    %gather3A_1158 = vector.shape_cast %broadcast_in_dim3A_1157 : vector<16x1xi32> to vector<16xi32>
    %gather3A_1159 = tpu.dynamic_gather %min3A_1153[%gather3A_1158] in [0] : vector<16xf32>, vector<16xi32> -> vector<16xf32>
    %min3A_1160 = arith.minimumf %min3A_1153, %gather3A_1159 : vector<16xf32>
    %xor3A_1161 = arith.constant 1 : i32
    %xor3A_1162 = vector.broadcast %xor3A_1161 : i32 to vector<16xi32>
    %xor3A_1163 = arith.xori %iota3A_1139, %xor3A_1162 : vector<16xi32>
    %broadcast_in_dim3A_1164 = vector.shape_cast %xor3A_1163 : vector<16xi32> to vector<16x1xi32>
    %gather3A_1165 = vector.shape_cast %broadcast_in_dim3A_1164 : vector<16x1xi32> to vector<16xi32>
    %gather3A_1166 = tpu.dynamic_gather %min3A_1160[%gather3A_1165] in [0] : vector<16xf32>, vector<16xi32> -> vector<16xf32>
    %min3A_1167 = arith.minimumf %min3A_1160, %gather3A_1166 : vector<16xf32>
    %add3A_1168 = arith.addf %add3A_1108, %min3A_1167 : vector<16xf32>
    %xor3A_1169 = arith.constant 8 : i32
    %xor3A_1170 = vector.broadcast %xor3A_1169 : i32 to vector<16xi32>
    %xor3A_1171 = arith.xori %iota3A_1139, %xor3A_1170 : vector<16xi32>
    %broadcast_in_dim3A_1172 = vector.shape_cast %xor3A_1171 : vector<16xi32> to vector<16x1xi32>
    %gather3A_1173 = vector.shape_cast %broadcast_in_dim3A_1172 : vector<16x1xi32> to vector<16xi32>
    %gather3A_1174 = tpu.dynamic_gather %scan3A_1137#1[%gather3A_1173] in [0] : vector<16xf32>, vector<16xi32> -> vector<16xf32>
    %min3A_1175 = arith.minimumf %scan3A_1137#1, %gather3A_1174 : vector<16xf32>
    %xor3A_1176 = arith.constant 4 : i32
    %xor3A_1177 = vector.broadcast %xor3A_1176 : i32 to vector<16xi32>
    %xor3A_1178 = arith.xori %iota3A_1139, %xor3A_1177 : vector<16xi32>
    %broadcast_in_dim3A_1179 = vector.shape_cast %xor3A_1178 : vector<16xi32> to vector<16x1xi32>
    %gather3A_1180 = vector.shape_cast %broadcast_in_dim3A_1179 : vector<16x1xi32> to vector<16xi32>
    %gather3A_1181 = tpu.dynamic_gather %min3A_1175[%gather3A_1180] in [0] : vector<16xf32>, vector<16xi32> -> vector<16xf32>
    %min3A_1182 = arith.minimumf %min3A_1175, %gather3A_1181 : vector<16xf32>
    %xor3A_1183 = arith.constant 2 : i32
    %xor3A_1184 = vector.broadcast %xor3A_1183 : i32 to vector<16xi32>
    %xor3A_1185 = arith.xori %iota3A_1139, %xor3A_1184 : vector<16xi32>
    %broadcast_in_dim3A_1186 = vector.shape_cast %xor3A_1185 : vector<16xi32> to vector<16x1xi32>
    %gather3A_1187 = vector.shape_cast %broadcast_in_dim3A_1186 : vector<16x1xi32> to vector<16xi32>
    %gather3A_1188 = tpu.dynamic_gather %min3A_1182[%gather3A_1187] in [0] : vector<16xf32>, vector<16xi32> -> vector<16xf32>
    %min3A_1189 = arith.minimumf %min3A_1182, %gather3A_1188 : vector<16xf32>
    %xor3A_1190 = arith.constant 1 : i32
    %xor3A_1191 = vector.broadcast %xor3A_1190 : i32 to vector<16xi32>
    %xor3A_1192 = arith.xori %iota3A_1139, %xor3A_1191 : vector<16xi32>
    %broadcast_in_dim3A_1193 = vector.shape_cast %xor3A_1192 : vector<16xi32> to vector<16x1xi32>
    %gather3A_1194 = vector.shape_cast %broadcast_in_dim3A_1193 : vector<16x1xi32> to vector<16xi32>
    %gather3A_1195 = tpu.dynamic_gather %min3A_1189[%gather3A_1194] in [0] : vector<16xf32>, vector<16xi32> -> vector<16xf32>
    %min3A_1196 = arith.minimumf %min3A_1189, %gather3A_1195 : vector<16xf32>
    %add3A_1197 = arith.addf %add3A_1168, %min3A_1196 : vector<16xf32>
    %xor3A_1198 = arith.constant 8 : i32
    %xor3A_1199 = vector.broadcast %xor3A_1198 : i32 to vector<16xi32>
    %xor3A_1200 = arith.xori %iota3A_1139, %xor3A_1199 : vector<16xi32>
    %broadcast_in_dim3A_1201 = vector.shape_cast %xor3A_1200 : vector<16xi32> to vector<16x1xi32>
    %gather3A_1202 = vector.shape_cast %broadcast_in_dim3A_1201 : vector<16x1xi32> to vector<16xi32>
    %gather3A_1203 = tpu.dynamic_gather %scan3A_1137#2[%gather3A_1202] in [0] : vector<16xf32>, vector<16xi32> -> vector<16xf32>
    %min3A_1204 = arith.minimumf %scan3A_1137#2, %gather3A_1203 : vector<16xf32>
    %xor3A_1205 = arith.constant 4 : i32
    %xor3A_1206 = vector.broadcast %xor3A_1205 : i32 to vector<16xi32>
    %xor3A_1207 = arith.xori %iota3A_1139, %xor3A_1206 : vector<16xi32>
    %broadcast_in_dim3A_1208 = vector.shape_cast %xor3A_1207 : vector<16xi32> to vector<16x1xi32>
    %gather3A_1209 = vector.shape_cast %broadcast_in_dim3A_1208 : vector<16x1xi32> to vector<16xi32>
    %gather3A_1210 = tpu.dynamic_gather %min3A_1204[%gather3A_1209] in [0] : vector<16xf32>, vector<16xi32> -> vector<16xf32>
    %min3A_1211 = arith.minimumf %min3A_1204, %gather3A_1210 : vector<16xf32>
    %xor3A_1212 = arith.constant 2 : i32
    %xor3A_1213 = vector.broadcast %xor3A_1212 : i32 to vector<16xi32>
    %xor3A_1214 = arith.xori %iota3A_1139, %xor3A_1213 : vector<16xi32>
    %broadcast_in_dim3A_1215 = vector.shape_cast %xor3A_1214 : vector<16xi32> to vector<16x1xi32>
    %gather3A_1216 = vector.shape_cast %broadcast_in_dim3A_1215 : vector<16x1xi32> to vector<16xi32>
    %gather3A_1217 = tpu.dynamic_gather %min3A_1211[%gather3A_1216] in [0] : vector<16xf32>, vector<16xi32> -> vector<16xf32>
    %min3A_1218 = arith.minimumf %min3A_1211, %gather3A_1217 : vector<16xf32>
    %xor3A_1219 = arith.constant 1 : i32
    %xor3A_1220 = vector.broadcast %xor3A_1219 : i32 to vector<16xi32>
    %xor3A_1221 = arith.xori %iota3A_1139, %xor3A_1220 : vector<16xi32>
    %broadcast_in_dim3A_1222 = vector.shape_cast %xor3A_1221 : vector<16xi32> to vector<16x1xi32>
    %gather3A_1223 = vector.shape_cast %broadcast_in_dim3A_1222 : vector<16x1xi32> to vector<16xi32>
    %gather3A_1224 = tpu.dynamic_gather %min3A_1218[%gather3A_1223] in [0] : vector<16xf32>, vector<16xi32> -> vector<16xf32>
    %min3A_1225 = arith.minimumf %min3A_1218, %gather3A_1224 : vector<16xf32>
    %add3A_1226 = arith.addf %add3A_1197, %min3A_1225 : vector<16xf32>
    %xor3A_1227 = arith.constant 8 : i32
    %xor3A_1228 = vector.broadcast %xor3A_1227 : i32 to vector<16xi32>
    %xor3A_1229 = arith.xori %iota3A_1139, %xor3A_1228 : vector<16xi32>
    %broadcast_in_dim3A_1230 = vector.shape_cast %xor3A_1229 : vector<16xi32> to vector<16x1xi32>
    %gather3A_1231 = vector.shape_cast %broadcast_in_dim3A_1230 : vector<16x1xi32> to vector<16xi32>
    %gather3A_1232 = tpu.dynamic_gather %scan3A_1137#3[%gather3A_1231] in [0] : vector<16xf32>, vector<16xi32> -> vector<16xf32>
    %min3A_1233 = arith.minimumf %scan3A_1137#3, %gather3A_1232 : vector<16xf32>
    %xor3A_1234 = arith.constant 4 : i32
    %xor3A_1235 = vector.broadcast %xor3A_1234 : i32 to vector<16xi32>
    %xor3A_1236 = arith.xori %iota3A_1139, %xor3A_1235 : vector<16xi32>
    %broadcast_in_dim3A_1237 = vector.shape_cast %xor3A_1236 : vector<16xi32> to vector<16x1xi32>
    %gather3A_1238 = vector.shape_cast %broadcast_in_dim3A_1237 : vector<16x1xi32> to vector<16xi32>
    %gather3A_1239 = tpu.dynamic_gather %min3A_1233[%gather3A_1238] in [0] : vector<16xf32>, vector<16xi32> -> vector<16xf32>
    %min3A_1240 = arith.minimumf %min3A_1233, %gather3A_1239 : vector<16xf32>
    %xor3A_1241 = arith.constant 2 : i32
    %xor3A_1242 = vector.broadcast %xor3A_1241 : i32 to vector<16xi32>
    %xor3A_1243 = arith.xori %iota3A_1139, %xor3A_1242 : vector<16xi32>
    %broadcast_in_dim3A_1244 = vector.shape_cast %xor3A_1243 : vector<16xi32> to vector<16x1xi32>
    %gather3A_1245 = vector.shape_cast %broadcast_in_dim3A_1244 : vector<16x1xi32> to vector<16xi32>
    %gather3A_1246 = tpu.dynamic_gather %min3A_1240[%gather3A_1245] in [0] : vector<16xf32>, vector<16xi32> -> vector<16xf32>
    %min3A_1247 = arith.minimumf %min3A_1240, %gather3A_1246 : vector<16xf32>
    %xor3A_1248 = arith.constant 1 : i32
    %xor3A_1249 = vector.broadcast %xor3A_1248 : i32 to vector<16xi32>
    %xor3A_1250 = arith.xori %iota3A_1139, %xor3A_1249 : vector<16xi32>
    %broadcast_in_dim3A_1251 = vector.shape_cast %xor3A_1250 : vector<16xi32> to vector<16x1xi32>
    %gather3A_1252 = vector.shape_cast %broadcast_in_dim3A_1251 : vector<16x1xi32> to vector<16xi32>
    %gather3A_1253 = tpu.dynamic_gather %min3A_1247[%gather3A_1252] in [0] : vector<16xf32>, vector<16xi32> -> vector<16xf32>
    %min3A_1254 = arith.minimumf %min3A_1247, %gather3A_1253 : vector<16xf32>
    %add3A_1255 = arith.addf %add3A_1226, %min3A_1254 : vector<16xf32>
    %swap3A = arith.constant 0 : index
    %swap3A_1256 = tpu.vector_load %arg7[%swap3A] {strides = array<i32>} : memref<16xf32, #tpu.memory_space<vmem>>, vector<16xf32>,
    %swap3A_1257 = vector.shape_cast %swap3A_1256 : vector<16xf32> to vector<16xf32>
    %swap3A_1258 = vector.shape_cast %add3A_1255 : vector<16xf32> to vector<16xf32>
    tpu.vector_store %arg7[%swap3A], %swap3A_1258 {strides = array<i32>} : memref<16xf32, #tpu.memory_space<vmem>>, vector<16xf32>,
    "tpu.region"() ({
      %run_scoped3A = tpu.sem_alloc : memref<!tpu.dma_semaphore, #tpu.memory_space<semaphore_mem>>
      %dma_start3A = arith.constant 0 : i32
      %dma_start3A_1259 = tpu.memref_slice %arg3[%add3A, %dma_start3A] : memref<32x16xf32, #tpu.memory_space<hbm>> -> memref<1x16xf32, #tpu.memory_space<hbm>>
      %dma_start3A_1260 = tpu.memref_squeeze %dma_start3A_1259 : memref<1x16xf32, #tpu.memory_space<hbm>> -> memref<16xf32, #tpu.memory_space<hbm>>
      %dma_start3A_1261 = arith.constant 0 : i32
      %dma_start3A_1262 = tpu.memref_slice %arg3[%add3A, %dma_start3A_1261] : memref<32x16xf32, #tpu.memory_space<hbm>> -> memref<1x16xf32, #tpu.memory_space<hbm>>
      %dma_start3A_1263 = tpu.memref_squeeze %dma_start3A_1262 : memref<1x16xf32, #tpu.memory_space<hbm>> -> memref<16xf32, #tpu.memory_space<hbm>>
      tpu.enqueue_dma source(%arg7 : memref<16xf32, #tpu.memory_space<vmem>>) target(%dma_start3A_1263 : memref<16xf32, #tpu.memory_space<hbm>>) target_semaphore(%run_scoped3A : memref<!tpu.dma_semaphore, #tpu.memory_space<semaphore_mem>>)
      %dma_wait3A = arith.constant 0 : i32
      %dma_wait3A_1264 = tpu.memref_slice %arg3[%add3A, %dma_wait3A] : memref<32x16xf32, #tpu.memory_space<hbm>> -> memref<1x16xf32, #tpu.memory_space<hbm>>
      %dma_wait3A_1265 = tpu.memref_squeeze %dma_wait3A_1264 : memref<1x16xf32, #tpu.memory_space<hbm>> -> memref<16xf32, #tpu.memory_space<hbm>>
      %dma_wait3A_1266 = arith.constant 0 : i32
      %dma_wait3A_1267 = tpu.memref_slice %arg3[%add3A, %dma_wait3A_1266] : memref<32x16xf32, #tpu.memory_space<hbm>> -> memref<1x16xf32, #tpu.memory_space<hbm>>
      %dma_wait3A_1268 = tpu.memref_squeeze %dma_wait3A_1267 : memref<1x16xf32, #tpu.memory_space<hbm>> -> memref<16xf32, #tpu.memory_space<hbm>>
      tpu.wait_dma2 semaphore(%run_scoped3A : memref<!tpu.dma_semaphore, #tpu.memory_space<semaphore_mem>>) src(%arg7 : memref<16xf32, #tpu.memory_space<vmem>>) dst(%dma_wait3A_1268 : memref<16xf32, #tpu.memory_space<hbm>>)
      tpu.yield
    }) : () -> ()
    "tpu.region"() ({
      %run_scoped3A = tpu.sem_alloc : memref<!tpu.dma_semaphore, #tpu.memory_space<semaphore_mem>>
      %dma_start3A = arith.constant 0 : i32
      %dma_start3A_1259 = tpu.memref_slice %arg4[%add3A, %dma_start3A] : memref<32x4096xf32, #tpu.memory_space<hbm>> -> memref<1x4096xf32, #tpu.memory_space<hbm>>
      %dma_start3A_1260 = tpu.memref_squeeze %dma_start3A_1259 : memref<1x4096xf32, #tpu.memory_space<hbm>> -> memref<4096xf32, #tpu.memory_space<hbm>>
      %dma_start3A_1261 = arith.constant 0 : i32
      %dma_start3A_1262 = tpu.memref_slice %arg4[%add3A, %dma_start3A_1261] : memref<32x4096xf32, #tpu.memory_space<hbm>> -> memref<1x4096xf32, #tpu.memory_space<hbm>>
      %dma_start3A_1263 = tpu.memref_squeeze %dma_start3A_1262 : memref<1x4096xf32, #tpu.memory_space<hbm>> -> memref<4096xf32, #tpu.memory_space<hbm>>
      tpu.enqueue_dma source(%arg8 : memref<4096xf32, #tpu.memory_space<vmem>>) target(%dma_start3A_1263 : memref<4096xf32, #tpu.memory_space<hbm>>) target_semaphore(%run_scoped3A : memref<!tpu.dma_semaphore, #tpu.memory_space<semaphore_mem>>)
      %dma_wait3A = arith.constant 0 : i32
      %dma_wait3A_1264 = tpu.memref_slice %arg4[%add3A, %dma_wait3A] : memref<32x4096xf32, #tpu.memory_space<hbm>> -> memref<1x4096xf32, #tpu.memory_space<hbm>>
      %dma_wait3A_1265 = tpu.memref_squeeze %dma_wait3A_1264 : memref<1x4096xf32, #tpu.memory_space<hbm>> -> memref<4096xf32, #tpu.memory_space<hbm>>
      %dma_wait3A_1266 = arith.constant 0 : i32
      %dma_wait3A_1267 = tpu.memref_slice %arg4[%add3A, %dma_wait3A_1266] : memref<32x4096xf32, #tpu.memory_space<hbm>> -> memref<1x4096xf32, #tpu.memory_space<hbm>>
      %dma_wait3A_1268 = tpu.memref_squeeze %dma_wait3A_1267 : memref<1x4096xf32, #tpu.memory_space<hbm>> -> memref<4096xf32, #tpu.memory_space<hbm>>
      tpu.wait_dma2 semaphore(%run_scoped3A : memref<!tpu.dma_semaphore, #tpu.memory_space<semaphore_mem>>) src(%arg8 : memref<4096xf32, #tpu.memory_space<vmem>>) dst(%dma_wait3A_1268 : memref<4096xf32, #tpu.memory_space<hbm>>)
      tpu.yield
    }) : () -> ()
    return
  }
}

module attributes {stable_mosaic.version = 14 : i64} {
  func.func @_tc_body(%arg0: i32, %arg1: memref<1x3x4096xf32, #tpu.memory_space<vmem>>, %arg2: memref<1x3x4096xf32, #tpu.memory_space<vmem>>, %arg3: memref<1xf32, #tpu.memory_space<smem>>, %arg4: memref<1x8x4096xf32, #tpu.memory_space<vmem>>, %arg5: memref<8x4096xf32, #tpu.memory_space<vmem>>, %arg6: memref<8x4096xf32, #tpu.memory_space<vmem>>) attributes {dimension_semantics = [#tpu.dimension_semantics<arbitrary>], iteration_bounds = array<i64: 4>, scalar_prefetch = 0 : i64, scratch_operands = 2 : i64, tpu.core_type = #tpu.core_type<tc>, window_params = [{transform_indices = @transform_0, window_bounds = array<i64: 1, 3, 4096>}, {transform_indices = @transform_1, window_bounds = array<i64: 1, 3, 4096>}, {transform_indices = @transform_2, window_bounds = array<i64: 1>}, {transform_indices = @transform_3, window_bounds = array<i64: 1, 8, 4096>}]} {
    %get3A = arith.constant 0 : index
    %get3A_0 = arith.constant 0 : index
    %get3A_1 = arith.constant 0 : index
    %get3A_2 = vector.load %arg1[%get3A, %get3A_0, %get3A_1] : memref<1x3x4096xf32, #tpu.memory_space<vmem>>, vector<1x3x4096xf32>
    %get3A_3 = vector.shape_cast %get3A_2 : vector<1x3x4096xf32> to vector<3x4096xf32>
    %get3A_4 = arith.constant 0 : index
    %get3A_5 = arith.constant 0 : index
    %get3A_6 = arith.constant 0 : index
    %get3A_7 = vector.load %arg2[%get3A_4, %get3A_5, %get3A_6] : memref<1x3x4096xf32, #tpu.memory_space<vmem>>, vector<1x3x4096xf32>
    %get3A_8 = vector.shape_cast %get3A_7 : vector<1x3x4096xf32> to vector<3x4096xf32>
    %ne3A = arith.cmpf one, %get3A_3, %get3A_3 : vector<3x4096xf32>
    %jit3A = arith.constant 0x7F800000 : f32
    %broadcast_in_dim3A = vector.broadcast %jit3A : f32 to vector<3x4096xf32>
    %select_n3A = arith.select %ne3A, %broadcast_in_dim3A, %get3A_3 : vector<3x4096xi1>, vector<3x4096xf32>
    %reduce_min3A = arith.constant dense<0x7F800000> : vector<3xf32>
    %reduce_min3A_9 = vector.multi_reduction <minimumf>, %select_n3A, %reduce_min3A [1] : vector<3x4096xf32> to vector<3xf32>
    %broadcast_in_dim3A_10 = vector.shape_cast %reduce_min3A_9 : vector<3xf32> to vector<3x1xf32>
    %sub3A = vector.broadcast %broadcast_in_dim3A_10 : vector<3x1xf32> to vector<3x4096xf32>
    %sub3A_11 = arith.subf %get3A_3, %sub3A : vector<3x4096xf32>
    %div3A = arith.constant 1.000000e-01 : f32
    %div3A_12 = vector.broadcast %div3A : f32 to vector<3x4096xf32>
    %div3A_13 = arith.divf %sub3A_11, %div3A_12 : vector<3x4096xf32>
    %convert_element_type3A = arith.fptosi %div3A_13 : vector<3x4096xf32> to vector<3x4096xi32>
    %convert_element_type3A_14 = arith.sitofp %convert_element_type3A : vector<3x4096xi32> to vector<3x4096xf32>
    %ne3A_15 = arith.cmpf one, %get3A_8, %get3A_8 : vector<3x4096xf32>
    %jit3A_16 = arith.constant 0x7F800000 : f32
    %broadcast_in_dim3A_17 = vector.broadcast %jit3A_16 : f32 to vector<3x4096xf32>
    %select_n3A_18 = arith.select %ne3A_15, %broadcast_in_dim3A_17, %get3A_8 : vector<3x4096xi1>, vector<3x4096xf32>
    %reduce_min3A_19 = arith.constant dense<0x7F800000> : vector<3xf32>
    %reduce_min3A_20 = vector.multi_reduction <minimumf>, %select_n3A_18, %reduce_min3A_19 [1] : vector<3x4096xf32> to vector<3xf32>
    %broadcast_in_dim3A_21 = vector.shape_cast %reduce_min3A_20 : vector<3xf32> to vector<3x1xf32>
    %sub3A_22 = vector.broadcast %broadcast_in_dim3A_21 : vector<3x1xf32> to vector<3x4096xf32>
    %sub3A_23 = arith.subf %get3A_8, %sub3A_22 : vector<3x4096xf32>
    %div3A_24 = arith.constant 1.000000e-01 : f32
    %div3A_25 = vector.broadcast %div3A_24 : f32 to vector<3x4096xf32>
    %div3A_26 = arith.divf %sub3A_23, %div3A_25 : vector<3x4096xf32>
    %convert_element_type3A_27 = arith.fptosi %div3A_26 : vector<3x4096xf32> to vector<3x4096xi32>
    %convert_element_type3A_28 = arith.sitofp %convert_element_type3A_27 : vector<3x4096xi32> to vector<3x4096xf32>
    %reduce_max3A = arith.constant dense<0xFF800000> : vector<3xf32>
    %reduce_max3A_29 = vector.multi_reduction <maximumf>, %convert_element_type3A_14, %reduce_max3A [1] : vector<3x4096xf32> to vector<3xf32>
    %broadcast_in_dim3A_30 = vector.shape_cast %reduce_max3A_29 : vector<3xf32> to vector<3x1xf32>
    %reduce_max3A_31 = arith.constant dense<0xFF800000> : vector<3xf32>
    %reduce_max3A_32 = vector.multi_reduction <maximumf>, %convert_element_type3A_28, %reduce_max3A_31 [1] : vector<3x4096xf32> to vector<3xf32>
    %broadcast_in_dim3A_33 = vector.shape_cast %reduce_max3A_32 : vector<3xf32> to vector<3x1xf32>
    %max3A = arith.maximumf %broadcast_in_dim3A_30, %broadcast_in_dim3A_33 : vector<3x1xf32>
    %mul3A = arith.constant 5.000000e-01 : f32
    %mul3A_34 = vector.broadcast %mul3A : f32 to vector<3x1xf32>
    %mul3A_35 = arith.mulf %max3A, %mul3A_34 : vector<3x1xf32>
    %floor3A = math.floor %mul3A_35 : vector<3x1xf32>
    %sub3A_36 = vector.broadcast %floor3A : vector<3x1xf32> to vector<3x4096xf32>
    %sub3A_37 = arith.subf %convert_element_type3A_14, %sub3A_36 : vector<3x4096xf32>
    %sub3A_38 = vector.broadcast %floor3A : vector<3x1xf32> to vector<3x4096xf32>
    %sub3A_39 = arith.subf %convert_element_type3A_28, %sub3A_38 : vector<3x4096xf32>
    %broadcast_in_dim3A_40 = arith.constant 1.000000e+00 : f32
    %broadcast_in_dim3A_41 = vector.broadcast %broadcast_in_dim3A_40 : f32 to vector<1x4096xf32>
    %broadcast_in_dim3A_42 = arith.constant 0.000000e+00 : f32
    %broadcast_in_dim3A_43 = vector.broadcast %broadcast_in_dim3A_42 : f32 to vector<1x4096xf32>
    %swap3A = arith.constant 7 : index
    %swap3A_44 = arith.constant 0 : index
    %swap3A_45 = vector.load %arg5[%swap3A, %swap3A_44] : memref<8x4096xf32, #tpu.memory_space<vmem>>, vector<1x4096xf32>
    tpu.vector_store %arg5[%swap3A, %swap3A_44], %broadcast_in_dim3A_43 {strides = array<i32>} : memref<8x4096xf32, #tpu.memory_space<vmem>>, vector<1x4096xf32>,
    %broadcast_in_dim3A_46 = arith.constant 0.000000e+00 : f32
    %broadcast_in_dim3A_47 = vector.broadcast %broadcast_in_dim3A_46 : f32 to vector<1x4096xf32>
    %swap3A_48 = arith.constant 7 : index
    %swap3A_49 = arith.constant 0 : index
    %swap3A_50 = vector.load %arg6[%swap3A_48, %swap3A_49] : memref<8x4096xf32, #tpu.memory_space<vmem>>, vector<1x4096xf32>
    tpu.vector_store %arg6[%swap3A_48, %swap3A_49], %broadcast_in_dim3A_47 {strides = array<i32>} : memref<8x4096xf32, #tpu.memory_space<vmem>>, vector<1x4096xf32>,
    %mul3A_51 = arith.mulf %get3A_3, %get3A_3 : vector<3x4096xf32>
    %reduce_sum3A = arith.constant dense<0.000000e+00> : vector<4096xf32>
    %reduce_sum3A_52 = vector.multi_reduction <add>, %mul3A_51, %reduce_sum3A [0] : vector<3x4096xf32> to vector<4096xf32>
    %broadcast_in_dim3A_53 = vector.shape_cast %reduce_sum3A_52 : vector<4096xf32> to vector<1x4096xf32>
    %mul3A_54 = arith.constant 3.906250e-03 : f32
    %mul3A_55 = vector.broadcast %mul3A_54 : f32 to vector<1x4096xf32>
    %mul3A_56 = arith.mulf %broadcast_in_dim3A_53, %mul3A_55 : vector<1x4096xf32>
    %floor3A_57 = math.floor %mul3A_56 : vector<1x4096xf32>
    %mul3A_58 = arith.constant 2.560000e+02 : f32
    %mul3A_59 = vector.broadcast %mul3A_58 : f32 to vector<1x4096xf32>
    %mul3A_60 = arith.mulf %floor3A_57, %mul3A_59 : vector<1x4096xf32>
    %sub3A_61 = arith.subf %broadcast_in_dim3A_53, %mul3A_60 : vector<1x4096xf32>
    %mul3A_62 = arith.mulf %get3A_8, %get3A_8 : vector<3x4096xf32>
    %reduce_sum3A_63 = arith.constant dense<0.000000e+00> : vector<4096xf32>
    %reduce_sum3A_64 = vector.multi_reduction <add>, %mul3A_62, %reduce_sum3A_63 [0] : vector<3x4096xf32> to vector<4096xf32>
    %broadcast_in_dim3A_65 = vector.shape_cast %reduce_sum3A_64 : vector<4096xf32> to vector<1x4096xf32>
    %mul3A_66 = arith.constant 3.906250e-03 : f32
    %mul3A_67 = vector.broadcast %mul3A_66 : f32 to vector<1x4096xf32>
    %mul3A_68 = arith.mulf %broadcast_in_dim3A_65, %mul3A_67 : vector<1x4096xf32>
    %floor3A_69 = math.floor %mul3A_68 : vector<1x4096xf32>
    %mul3A_70 = arith.constant 2.560000e+02 : f32
    %mul3A_71 = vector.broadcast %mul3A_70 : f32 to vector<1x4096xf32>
    %mul3A_72 = arith.mulf %floor3A_69, %mul3A_71 : vector<1x4096xf32>
    %sub3A_73 = arith.subf %broadcast_in_dim3A_65, %mul3A_72 : vector<1x4096xf32>
    %swap3A_74 = arith.constant 0 : index
    %swap3A_75 = arith.constant 0 : index
    %swap3A_76 = vector.load %arg5[%swap3A_74, %swap3A_75] : memref<8x4096xf32, #tpu.memory_space<vmem>>, vector<3x4096xf32>
    tpu.vector_store %arg5[%swap3A_74, %swap3A_75], %get3A_3 {strides = array<i32>} : memref<8x4096xf32, #tpu.memory_space<vmem>>, vector<3x4096xf32>,
    %swap3A_77 = arith.constant 3 : index
    %swap3A_78 = arith.constant 0 : index
    %swap3A_79 = vector.load %arg5[%swap3A_77, %swap3A_78] : memref<8x4096xf32, #tpu.memory_space<vmem>>, vector<1x4096xf32>
    tpu.vector_store %arg5[%swap3A_77, %swap3A_78], %mul3A_60 {strides = array<i32>} : memref<8x4096xf32, #tpu.memory_space<vmem>>, vector<1x4096xf32>,
    %swap3A_80 = arith.constant 4 : index
    %swap3A_81 = arith.constant 0 : index
    %swap3A_82 = vector.load %arg5[%swap3A_80, %swap3A_81] : memref<8x4096xf32, #tpu.memory_space<vmem>>, vector<1x4096xf32>
    tpu.vector_store %arg5[%swap3A_80, %swap3A_81], %sub3A_61 {strides = array<i32>} : memref<8x4096xf32, #tpu.memory_space<vmem>>, vector<1x4096xf32>,
    %swap3A_83 = arith.constant 5 : index
    %swap3A_84 = arith.constant 0 : index
    %swap3A_85 = vector.load %arg5[%swap3A_83, %swap3A_84] : memref<8x4096xf32, #tpu.memory_space<vmem>>, vector<1x4096xf32>
    tpu.vector_store %arg5[%swap3A_83, %swap3A_84], %broadcast_in_dim3A_41 {strides = array<i32>} : memref<8x4096xf32, #tpu.memory_space<vmem>>, vector<1x4096xf32>,
    %swap3A_86 = arith.constant 6 : index
    %swap3A_87 = arith.constant 0 : index
    %swap3A_88 = vector.load %arg5[%swap3A_86, %swap3A_87] : memref<8x4096xf32, #tpu.memory_space<vmem>>, vector<1x4096xf32>
    tpu.vector_store %arg5[%swap3A_86, %swap3A_87], %broadcast_in_dim3A_41 {strides = array<i32>} : memref<8x4096xf32, #tpu.memory_space<vmem>>, vector<1x4096xf32>,
    %mul3A_89 = arith.constant -2.000000e+00 : f32
    %mul3A_90 = vector.broadcast %mul3A_89 : f32 to vector<3x4096xf32>
    %mul3A_91 = arith.mulf %mul3A_90, %get3A_8 : vector<3x4096xf32>
    %swap3A_92 = arith.constant 0 : index
    %swap3A_93 = arith.constant 0 : index
    %swap3A_94 = vector.load %arg6[%swap3A_92, %swap3A_93] : memref<8x4096xf32, #tpu.memory_space<vmem>>, vector<3x4096xf32>
    tpu.vector_store %arg6[%swap3A_92, %swap3A_93], %mul3A_91 {strides = array<i32>} : memref<8x4096xf32, #tpu.memory_space<vmem>>, vector<3x4096xf32>,
    %swap3A_95 = arith.constant 3 : index
    %swap3A_96 = arith.constant 0 : index
    %swap3A_97 = vector.load %arg6[%swap3A_95, %swap3A_96] : memref<8x4096xf32, #tpu.memory_space<vmem>>, vector<1x4096xf32>
    tpu.vector_store %arg6[%swap3A_95, %swap3A_96], %broadcast_in_dim3A_41 {strides = array<i32>} : memref<8x4096xf32, #tpu.memory_space<vmem>>, vector<1x4096xf32>,
    %swap3A_98 = arith.constant 4 : index
    %swap3A_99 = arith.constant 0 : index
    %swap3A_100 = vector.load %arg6[%swap3A_98, %swap3A_99] : memref<8x4096xf32, #tpu.memory_space<vmem>>, vector<1x4096xf32>
    tpu.vector_store %arg6[%swap3A_98, %swap3A_99], %broadcast_in_dim3A_41 {strides = array<i32>} : memref<8x4096xf32, #tpu.memory_space<vmem>>, vector<1x4096xf32>,
    %swap3A_101 = arith.constant 5 : index
    %swap3A_102 = arith.constant 0 : index
    %swap3A_103 = vector.load %arg6[%swap3A_101, %swap3A_102] : memref<8x4096xf32, #tpu.memory_space<vmem>>, vector<1x4096xf32>
    tpu.vector_store %arg6[%swap3A_101, %swap3A_102], %mul3A_72 {strides = array<i32>} : memref<8x4096xf32, #tpu.memory_space<vmem>>, vector<1x4096xf32>,
    %swap3A_104 = arith.constant 6 : index
    %swap3A_105 = arith.constant 0 : index
    %swap3A_106 = vector.load %arg6[%swap3A_104, %swap3A_105] : memref<8x4096xf32, #tpu.memory_space<vmem>>, vector<1x4096xf32>
    tpu.vector_store %arg6[%swap3A_104, %swap3A_105], %sub3A_73 {strides = array<i32>} : memref<8x4096xf32, #tpu.memory_space<vmem>>, vector<1x4096xf32>,
    %get3A_107 = arith.constant 0 : index
    %get3A_108 = arith.constant 0 : index
    %get3A_109 = vector.load %arg6[%get3A_107, %get3A_108] : memref<8x4096xf32, #tpu.memory_space<vmem>>, vector<8x4096xf32>
    %broadcast_in_dim3A_110 = arith.constant 0x7F800000 : f32
    %broadcast_in_dim3A_111 = vector.broadcast %broadcast_in_dim3A_110 : f32 to vector<1x4096xf32>
    %scan3A = arith.constant 0.000000e+00 : f32
    %scan3A_112 = arith.constant 0 : i32
    %mul3A_113 = arith.constant 256 : i32
    %mul3A_114 = arith.muli %scan3A_112, %mul3A_113 : i32
    %get3A_115 = arith.constant 0 : index
    %get3A_116 = arith.index_cast %mul3A_114 : i32 to index
    %get3A_117 = vector.load %arg5[%get3A_115, %get3A_116] : memref<8x4096xf32, #tpu.memory_space<vmem>>, vector<8x256xf32>
    %dot_general3A = arith.constant dense<0.000000e+00> : vector<256x4096xf32>
    %dot_general3A_118 = tpu.matmul %get3A_117, %get3A_109, %dot_general3A {dimension_numbers = #tpu.dot_dimension_numbers<[0], [0], [1], [1], [0, 1, 1, 1], [], []>, transpose_lhs_hint = false} : vector<8x256xf32>, vector<8x4096xf32>, vector<256x4096xf32> -> vector<256x4096xf32>
    %reduce_min3A_119 = arith.constant dense<0x7F800000> : vector<256xf32>
    %reduce_min3A_120 = vector.multi_reduction <minimumf>, %dot_general3A_118, %reduce_min3A_119 [1] : vector<256x4096xf32> to vector<256xf32>
    %reduce_sum3A_121 = vector.shape_cast %reduce_min3A_120 : vector<256xf32> to vector<1x256xf32>
    %reduce_sum3A_122 = arith.constant dense<0.000000e+00> : vector<1xf32>
    %reduce_sum3A_123 = vector.multi_reduction <add>, %reduce_sum3A_121, %reduce_sum3A_122 [1] : vector<1x256xf32> to vector<1xf32>
    %reduce_sum3A_124 = vector.shape_cast %reduce_sum3A_123 : vector<1xf32> to vector<1x1xf32>
    %reduce_sum3A_125 = vector.extract %reduce_sum3A_124[0, 0] : f32 from vector<1x1xf32>
    %add3A = arith.addf %scan3A, %reduce_sum3A_125 : f32
    %reduce_min3A_126 = arith.constant dense<0x7F800000> : vector<4096xf32>
    %reduce_min3A_127 = vector.multi_reduction <minimumf>, %dot_general3A_118, %reduce_min3A_126 [0] : vector<256x4096xf32> to vector<4096xf32>
    %broadcast_in_dim3A_128 = vector.shape_cast %reduce_min3A_127 : vector<4096xf32> to vector<1x4096xf32>
    %min3A = arith.minimumf %broadcast_in_dim3A_111, %broadcast_in_dim3A_128 : vector<1x4096xf32>
    %scan3A_129 = arith.constant 1 : i32
    %mul3A_130 = arith.constant 256 : i32
    %mul3A_131 = arith.muli %scan3A_129, %mul3A_130 : i32
    %get3A_132 = arith.constant 0 : index
    %get3A_133 = arith.index_cast %mul3A_131 : i32 to index
    %get3A_134 = vector.load %arg5[%get3A_132, %get3A_133] : memref<8x4096xf32, #tpu.memory_space<vmem>>, vector<8x256xf32>
    %dot_general3A_135 = arith.constant dense<0.000000e+00> : vector<256x4096xf32>
    %dot_general3A_136 = tpu.matmul %get3A_134, %get3A_109, %dot_general3A_135 {dimension_numbers = #tpu.dot_dimension_numbers<[0], [0], [1], [1], [0, 1, 1, 1], [], []>, transpose_lhs_hint = false} : vector<8x256xf32>, vector<8x4096xf32>, vector<256x4096xf32> -> vector<256x4096xf32>
    %reduce_min3A_137 = arith.constant dense<0x7F800000> : vector<256xf32>
    %reduce_min3A_138 = vector.multi_reduction <minimumf>, %dot_general3A_136, %reduce_min3A_137 [1] : vector<256x4096xf32> to vector<256xf32>
    %reduce_sum3A_139 = vector.shape_cast %reduce_min3A_138 : vector<256xf32> to vector<1x256xf32>
    %reduce_sum3A_140 = arith.constant dense<0.000000e+00> : vector<1xf32>
    %reduce_sum3A_141 = vector.multi_reduction <add>, %reduce_sum3A_139, %reduce_sum3A_140 [1] : vector<1x256xf32> to vector<1xf32>
    %reduce_sum3A_142 = vector.shape_cast %reduce_sum3A_141 : vector<1xf32> to vector<1x1xf32>
    %reduce_sum3A_143 = vector.extract %reduce_sum3A_142[0, 0] : f32 from vector<1x1xf32>
    %add3A_144 = arith.addf %add3A, %reduce_sum3A_143 : f32
    %reduce_min3A_145 = arith.constant dense<0x7F800000> : vector<4096xf32>
    %reduce_min3A_146 = vector.multi_reduction <minimumf>, %dot_general3A_136, %reduce_min3A_145 [0] : vector<256x4096xf32> to vector<4096xf32>
    %broadcast_in_dim3A_147 = vector.shape_cast %reduce_min3A_146 : vector<4096xf32> to vector<1x4096xf32>
    %min3A_148 = arith.minimumf %min3A, %broadcast_in_dim3A_147 : vector<1x4096xf32>
    %scan3A_149 = arith.constant 2 : i32
    %mul3A_150 = arith.constant 256 : i32
    %mul3A_151 = arith.muli %scan3A_149, %mul3A_150 : i32
    %get3A_152 = arith.constant 0 : index
    %get3A_153 = arith.index_cast %mul3A_151 : i32 to index
    %get3A_154 = vector.load %arg5[%get3A_152, %get3A_153] : memref<8x4096xf32, #tpu.memory_space<vmem>>, vector<8x256xf32>
    %dot_general3A_155 = arith.constant dense<0.000000e+00> : vector<256x4096xf32>
    %dot_general3A_156 = tpu.matmul %get3A_154, %get3A_109, %dot_general3A_155 {dimension_numbers = #tpu.dot_dimension_numbers<[0], [0], [1], [1], [0, 1, 1, 1], [], []>, transpose_lhs_hint = false} : vector<8x256xf32>, vector<8x4096xf32>, vector<256x4096xf32> -> vector<256x4096xf32>
    %reduce_min3A_157 = arith.constant dense<0x7F800000> : vector<256xf32>
    %reduce_min3A_158 = vector.multi_reduction <minimumf>, %dot_general3A_156, %reduce_min3A_157 [1] : vector<256x4096xf32> to vector<256xf32>
    %reduce_sum3A_159 = vector.shape_cast %reduce_min3A_158 : vector<256xf32> to vector<1x256xf32>
    %reduce_sum3A_160 = arith.constant dense<0.000000e+00> : vector<1xf32>
    %reduce_sum3A_161 = vector.multi_reduction <add>, %reduce_sum3A_159, %reduce_sum3A_160 [1] : vector<1x256xf32> to vector<1xf32>
    %reduce_sum3A_162 = vector.shape_cast %reduce_sum3A_161 : vector<1xf32> to vector<1x1xf32>
    %reduce_sum3A_163 = vector.extract %reduce_sum3A_162[0, 0] : f32 from vector<1x1xf32>
    %add3A_164 = arith.addf %add3A_144, %reduce_sum3A_163 : f32
    %reduce_min3A_165 = arith.constant dense<0x7F800000> : vector<4096xf32>
    %reduce_min3A_166 = vector.multi_reduction <minimumf>, %dot_general3A_156, %reduce_min3A_165 [0] : vector<256x4096xf32> to vector<4096xf32>
    %broadcast_in_dim3A_167 = vector.shape_cast %reduce_min3A_166 : vector<4096xf32> to vector<1x4096xf32>
    %min3A_168 = arith.minimumf %min3A_148, %broadcast_in_dim3A_167 : vector<1x4096xf32>
    %scan3A_169 = arith.constant 3 : i32
    %mul3A_170 = arith.constant 256 : i32
    %mul3A_171 = arith.muli %scan3A_169, %mul3A_170 : i32
    %get3A_172 = arith.constant 0 : index
    %get3A_173 = arith.index_cast %mul3A_171 : i32 to index
    %get3A_174 = vector.load %arg5[%get3A_172, %get3A_173] : memref<8x4096xf32, #tpu.memory_space<vmem>>, vector<8x256xf32>
    %dot_general3A_175 = arith.constant dense<0.000000e+00> : vector<256x4096xf32>
    %dot_general3A_176 = tpu.matmul %get3A_174, %get3A_109, %dot_general3A_175 {dimension_numbers = #tpu.dot_dimension_numbers<[0], [0], [1], [1], [0, 1, 1, 1], [], []>, transpose_lhs_hint = false} : vector<8x256xf32>, vector<8x4096xf32>, vector<256x4096xf32> -> vector<256x4096xf32>
    %reduce_min3A_177 = arith.constant dense<0x7F800000> : vector<256xf32>
    %reduce_min3A_178 = vector.multi_reduction <minimumf>, %dot_general3A_176, %reduce_min3A_177 [1] : vector<256x4096xf32> to vector<256xf32>
    %reduce_sum3A_179 = vector.shape_cast %reduce_min3A_178 : vector<256xf32> to vector<1x256xf32>
    %reduce_sum3A_180 = arith.constant dense<0.000000e+00> : vector<1xf32>
    %reduce_sum3A_181 = vector.multi_reduction <add>, %reduce_sum3A_179, %reduce_sum3A_180 [1] : vector<1x256xf32> to vector<1xf32>
    %reduce_sum3A_182 = vector.shape_cast %reduce_sum3A_181 : vector<1xf32> to vector<1x1xf32>
    %reduce_sum3A_183 = vector.extract %reduce_sum3A_182[0, 0] : f32 from vector<1x1xf32>
    %add3A_184 = arith.addf %add3A_164, %reduce_sum3A_183 : f32
    %reduce_min3A_185 = arith.constant dense<0x7F800000> : vector<4096xf32>
    %reduce_min3A_186 = vector.multi_reduction <minimumf>, %dot_general3A_176, %reduce_min3A_185 [0] : vector<256x4096xf32> to vector<4096xf32>
    %broadcast_in_dim3A_187 = vector.shape_cast %reduce_min3A_186 : vector<4096xf32> to vector<1x4096xf32>
    %min3A_188 = arith.minimumf %min3A_168, %broadcast_in_dim3A_187 : vector<1x4096xf32>
    %scan3A_189 = arith.constant 4 : i32
    %mul3A_190 = arith.constant 256 : i32
    %mul3A_191 = arith.muli %scan3A_189, %mul3A_190 : i32
    %get3A_192 = arith.constant 0 : index
    %get3A_193 = arith.index_cast %mul3A_191 : i32 to index
    %get3A_194 = vector.load %arg5[%get3A_192, %get3A_193] : memref<8x4096xf32, #tpu.memory_space<vmem>>, vector<8x256xf32>
    %dot_general3A_195 = arith.constant dense<0.000000e+00> : vector<256x4096xf32>
    %dot_general3A_196 = tpu.matmul %get3A_194, %get3A_109, %dot_general3A_195 {dimension_numbers = #tpu.dot_dimension_numbers<[0], [0], [1], [1], [0, 1, 1, 1], [], []>, transpose_lhs_hint = false} : vector<8x256xf32>, vector<8x4096xf32>, vector<256x4096xf32> -> vector<256x4096xf32>
    %reduce_min3A_197 = arith.constant dense<0x7F800000> : vector<256xf32>
    %reduce_min3A_198 = vector.multi_reduction <minimumf>, %dot_general3A_196, %reduce_min3A_197 [1] : vector<256x4096xf32> to vector<256xf32>
    %reduce_sum3A_199 = vector.shape_cast %reduce_min3A_198 : vector<256xf32> to vector<1x256xf32>
    %reduce_sum3A_200 = arith.constant dense<0.000000e+00> : vector<1xf32>
    %reduce_sum3A_201 = vector.multi_reduction <add>, %reduce_sum3A_199, %reduce_sum3A_200 [1] : vector<1x256xf32> to vector<1xf32>
    %reduce_sum3A_202 = vector.shape_cast %reduce_sum3A_201 : vector<1xf32> to vector<1x1xf32>
    %reduce_sum3A_203 = vector.extract %reduce_sum3A_202[0, 0] : f32 from vector<1x1xf32>
    %add3A_204 = arith.addf %add3A_184, %reduce_sum3A_203 : f32
    %reduce_min3A_205 = arith.constant dense<0x7F800000> : vector<4096xf32>
    %reduce_min3A_206 = vector.multi_reduction <minimumf>, %dot_general3A_196, %reduce_min3A_205 [0] : vector<256x4096xf32> to vector<4096xf32>
    %broadcast_in_dim3A_207 = vector.shape_cast %reduce_min3A_206 : vector<4096xf32> to vector<1x4096xf32>
    %min3A_208 = arith.minimumf %min3A_188, %broadcast_in_dim3A_207 : vector<1x4096xf32>
    %scan3A_209 = arith.constant 5 : i32
    %mul3A_210 = arith.constant 256 : i32
    %mul3A_211 = arith.muli %scan3A_209, %mul3A_210 : i32
    %get3A_212 = arith.constant 0 : index
    %get3A_213 = arith.index_cast %mul3A_211 : i32 to index
    %get3A_214 = vector.load %arg5[%get3A_212, %get3A_213] : memref<8x4096xf32, #tpu.memory_space<vmem>>, vector<8x256xf32>
    %dot_general3A_215 = arith.constant dense<0.000000e+00> : vector<256x4096xf32>
    %dot_general3A_216 = tpu.matmul %get3A_214, %get3A_109, %dot_general3A_215 {dimension_numbers = #tpu.dot_dimension_numbers<[0], [0], [1], [1], [0, 1, 1, 1], [], []>, transpose_lhs_hint = false} : vector<8x256xf32>, vector<8x4096xf32>, vector<256x4096xf32> -> vector<256x4096xf32>
    %reduce_min3A_217 = arith.constant dense<0x7F800000> : vector<256xf32>
    %reduce_min3A_218 = vector.multi_reduction <minimumf>, %dot_general3A_216, %reduce_min3A_217 [1] : vector<256x4096xf32> to vector<256xf32>
    %reduce_sum3A_219 = vector.shape_cast %reduce_min3A_218 : vector<256xf32> to vector<1x256xf32>
    %reduce_sum3A_220 = arith.constant dense<0.000000e+00> : vector<1xf32>
    %reduce_sum3A_221 = vector.multi_reduction <add>, %reduce_sum3A_219, %reduce_sum3A_220 [1] : vector<1x256xf32> to vector<1xf32>
    %reduce_sum3A_222 = vector.shape_cast %reduce_sum3A_221 : vector<1xf32> to vector<1x1xf32>
    %reduce_sum3A_223 = vector.extract %reduce_sum3A_222[0, 0] : f32 from vector<1x1xf32>
    %add3A_224 = arith.addf %add3A_204, %reduce_sum3A_223 : f32
    %reduce_min3A_225 = arith.constant dense<0x7F800000> : vector<4096xf32>
    %reduce_min3A_226 = vector.multi_reduction <minimumf>, %dot_general3A_216, %reduce_min3A_225 [0] : vector<256x4096xf32> to vector<4096xf32>
    %broadcast_in_dim3A_227 = vector.shape_cast %reduce_min3A_226 : vector<4096xf32> to vector<1x4096xf32>
    %min3A_228 = arith.minimumf %min3A_208, %broadcast_in_dim3A_227 : vector<1x4096xf32>
    %scan3A_229 = arith.constant 6 : i32
    %mul3A_230 = arith.constant 256 : i32
    %mul3A_231 = arith.muli %scan3A_229, %mul3A_230 : i32
    %get3A_232 = arith.constant 0 : index
    %get3A_233 = arith.index_cast %mul3A_231 : i32 to index
    %get3A_234 = vector.load %arg5[%get3A_232, %get3A_233] : memref<8x4096xf32, #tpu.memory_space<vmem>>, vector<8x256xf32>
    %dot_general3A_235 = arith.constant dense<0.000000e+00> : vector<256x4096xf32>
    %dot_general3A_236 = tpu.matmul %get3A_234, %get3A_109, %dot_general3A_235 {dimension_numbers = #tpu.dot_dimension_numbers<[0], [0], [1], [1], [0, 1, 1, 1], [], []>, transpose_lhs_hint = false} : vector<8x256xf32>, vector<8x4096xf32>, vector<256x4096xf32> -> vector<256x4096xf32>
    %reduce_min3A_237 = arith.constant dense<0x7F800000> : vector<256xf32>
    %reduce_min3A_238 = vector.multi_reduction <minimumf>, %dot_general3A_236, %reduce_min3A_237 [1] : vector<256x4096xf32> to vector<256xf32>
    %reduce_sum3A_239 = vector.shape_cast %reduce_min3A_238 : vector<256xf32> to vector<1x256xf32>
    %reduce_sum3A_240 = arith.constant dense<0.000000e+00> : vector<1xf32>
    %reduce_sum3A_241 = vector.multi_reduction <add>, %reduce_sum3A_239, %reduce_sum3A_240 [1] : vector<1x256xf32> to vector<1xf32>
    %reduce_sum3A_242 = vector.shape_cast %reduce_sum3A_241 : vector<1xf32> to vector<1x1xf32>
    %reduce_sum3A_243 = vector.extract %reduce_sum3A_242[0, 0] : f32 from vector<1x1xf32>
    %add3A_244 = arith.addf %add3A_224, %reduce_sum3A_243 : f32
    %reduce_min3A_245 = arith.constant dense<0x7F800000> : vector<4096xf32>
    %reduce_min3A_246 = vector.multi_reduction <minimumf>, %dot_general3A_236, %reduce_min3A_245 [0] : vector<256x4096xf32> to vector<4096xf32>
    %broadcast_in_dim3A_247 = vector.shape_cast %reduce_min3A_246 : vector<4096xf32> to vector<1x4096xf32>
    %min3A_248 = arith.minimumf %min3A_228, %broadcast_in_dim3A_247 : vector<1x4096xf32>
    %scan3A_249 = arith.constant 7 : i32
    %mul3A_250 = arith.constant 256 : i32
    %mul3A_251 = arith.muli %scan3A_249, %mul3A_250 : i32
    %get3A_252 = arith.constant 0 : index
    %get3A_253 = arith.index_cast %mul3A_251 : i32 to index
    %get3A_254 = vector.load %arg5[%get3A_252, %get3A_253] : memref<8x4096xf32, #tpu.memory_space<vmem>>, vector<8x256xf32>
    %dot_general3A_255 = arith.constant dense<0.000000e+00> : vector<256x4096xf32>
    %dot_general3A_256 = tpu.matmul %get3A_254, %get3A_109, %dot_general3A_255 {dimension_numbers = #tpu.dot_dimension_numbers<[0], [0], [1], [1], [0, 1, 1, 1], [], []>, transpose_lhs_hint = false} : vector<8x256xf32>, vector<8x4096xf32>, vector<256x4096xf32> -> vector<256x4096xf32>
    %reduce_min3A_257 = arith.constant dense<0x7F800000> : vector<256xf32>
    %reduce_min3A_258 = vector.multi_reduction <minimumf>, %dot_general3A_256, %reduce_min3A_257 [1] : vector<256x4096xf32> to vector<256xf32>
    %reduce_sum3A_259 = vector.shape_cast %reduce_min3A_258 : vector<256xf32> to vector<1x256xf32>
    %reduce_sum3A_260 = arith.constant dense<0.000000e+00> : vector<1xf32>
    %reduce_sum3A_261 = vector.multi_reduction <add>, %reduce_sum3A_259, %reduce_sum3A_260 [1] : vector<1x256xf32> to vector<1xf32>
    %reduce_sum3A_262 = vector.shape_cast %reduce_sum3A_261 : vector<1xf32> to vector<1x1xf32>
    %reduce_sum3A_263 = vector.extract %reduce_sum3A_262[0, 0] : f32 from vector<1x1xf32>
    %add3A_264 = arith.addf %add3A_244, %reduce_sum3A_263 : f32
    %reduce_min3A_265 = arith.constant dense<0x7F800000> : vector<4096xf32>
    %reduce_min3A_266 = vector.multi_reduction <minimumf>, %dot_general3A_256, %reduce_min3A_265 [0] : vector<256x4096xf32> to vector<4096xf32>
    %broadcast_in_dim3A_267 = vector.shape_cast %reduce_min3A_266 : vector<4096xf32> to vector<1x4096xf32>
    %min3A_268 = arith.minimumf %min3A_248, %broadcast_in_dim3A_267 : vector<1x4096xf32>
    %scan3A_269 = arith.constant 8 : i32
    %mul3A_270 = arith.constant 256 : i32
    %mul3A_271 = arith.muli %scan3A_269, %mul3A_270 : i32
    %get3A_272 = arith.constant 0 : index
    %get3A_273 = arith.index_cast %mul3A_271 : i32 to index
    %get3A_274 = vector.load %arg5[%get3A_272, %get3A_273] : memref<8x4096xf32, #tpu.memory_space<vmem>>, vector<8x256xf32>
    %dot_general3A_275 = arith.constant dense<0.000000e+00> : vector<256x4096xf32>
    %dot_general3A_276 = tpu.matmul %get3A_274, %get3A_109, %dot_general3A_275 {dimension_numbers = #tpu.dot_dimension_numbers<[0], [0], [1], [1], [0, 1, 1, 1], [], []>, transpose_lhs_hint = false} : vector<8x256xf32>, vector<8x4096xf32>, vector<256x4096xf32> -> vector<256x4096xf32>
    %reduce_min3A_277 = arith.constant dense<0x7F800000> : vector<256xf32>
    %reduce_min3A_278 = vector.multi_reduction <minimumf>, %dot_general3A_276, %reduce_min3A_277 [1] : vector<256x4096xf32> to vector<256xf32>
    %reduce_sum3A_279 = vector.shape_cast %reduce_min3A_278 : vector<256xf32> to vector<1x256xf32>
    %reduce_sum3A_280 = arith.constant dense<0.000000e+00> : vector<1xf32>
    %reduce_sum3A_281 = vector.multi_reduction <add>, %reduce_sum3A_279, %reduce_sum3A_280 [1] : vector<1x256xf32> to vector<1xf32>
    %reduce_sum3A_282 = vector.shape_cast %reduce_sum3A_281 : vector<1xf32> to vector<1x1xf32>
    %reduce_sum3A_283 = vector.extract %reduce_sum3A_282[0, 0] : f32 from vector<1x1xf32>
    %add3A_284 = arith.addf %add3A_264, %reduce_sum3A_283 : f32
    %reduce_min3A_285 = arith.constant dense<0x7F800000> : vector<4096xf32>
    %reduce_min3A_286 = vector.multi_reduction <minimumf>, %dot_general3A_276, %reduce_min3A_285 [0] : vector<256x4096xf32> to vector<4096xf32>
    %broadcast_in_dim3A_287 = vector.shape_cast %reduce_min3A_286 : vector<4096xf32> to vector<1x4096xf32>
    %min3A_288 = arith.minimumf %min3A_268, %broadcast_in_dim3A_287 : vector<1x4096xf32>
    %scan3A_289 = arith.constant 9 : i32
    %mul3A_290 = arith.constant 256 : i32
    %mul3A_291 = arith.muli %scan3A_289, %mul3A_290 : i32
    %get3A_292 = arith.constant 0 : index
    %get3A_293 = arith.index_cast %mul3A_291 : i32 to index
    %get3A_294 = vector.load %arg5[%get3A_292, %get3A_293] : memref<8x4096xf32, #tpu.memory_space<vmem>>, vector<8x256xf32>
    %dot_general3A_295 = arith.constant dense<0.000000e+00> : vector<256x4096xf32>
    %dot_general3A_296 = tpu.matmul %get3A_294, %get3A_109, %dot_general3A_295 {dimension_numbers = #tpu.dot_dimension_numbers<[0], [0], [1], [1], [0, 1, 1, 1], [], []>, transpose_lhs_hint = false} : vector<8x256xf32>, vector<8x4096xf32>, vector<256x4096xf32> -> vector<256x4096xf32>
    %reduce_min3A_297 = arith.constant dense<0x7F800000> : vector<256xf32>
    %reduce_min3A_298 = vector.multi_reduction <minimumf>, %dot_general3A_296, %reduce_min3A_297 [1] : vector<256x4096xf32> to vector<256xf32>
    %reduce_sum3A_299 = vector.shape_cast %reduce_min3A_298 : vector<256xf32> to vector<1x256xf32>
    %reduce_sum3A_300 = arith.constant dense<0.000000e+00> : vector<1xf32>
    %reduce_sum3A_301 = vector.multi_reduction <add>, %reduce_sum3A_299, %reduce_sum3A_300 [1] : vector<1x256xf32> to vector<1xf32>
    %reduce_sum3A_302 = vector.shape_cast %reduce_sum3A_301 : vector<1xf32> to vector<1x1xf32>
    %reduce_sum3A_303 = vector.extract %reduce_sum3A_302[0, 0] : f32 from vector<1x1xf32>
    %add3A_304 = arith.addf %add3A_284, %reduce_sum3A_303 : f32
    %reduce_min3A_305 = arith.constant dense<0x7F800000> : vector<4096xf32>
    %reduce_min3A_306 = vector.multi_reduction <minimumf>, %dot_general3A_296, %reduce_min3A_305 [0] : vector<256x4096xf32> to vector<4096xf32>
    %broadcast_in_dim3A_307 = vector.shape_cast %reduce_min3A_306 : vector<4096xf32> to vector<1x4096xf32>
    %min3A_308 = arith.minimumf %min3A_288, %broadcast_in_dim3A_307 : vector<1x4096xf32>
    %scan3A_309 = arith.constant 10 : i32
    %mul3A_310 = arith.constant 256 : i32
    %mul3A_311 = arith.muli %scan3A_309, %mul3A_310 : i32
    %get3A_312 = arith.constant 0 : index
    %get3A_313 = arith.index_cast %mul3A_311 : i32 to index
    %get3A_314 = vector.load %arg5[%get3A_312, %get3A_313] : memref<8x4096xf32, #tpu.memory_space<vmem>>, vector<8x256xf32>
    %dot_general3A_315 = arith.constant dense<0.000000e+00> : vector<256x4096xf32>
    %dot_general3A_316 = tpu.matmul %get3A_314, %get3A_109, %dot_general3A_315 {dimension_numbers = #tpu.dot_dimension_numbers<[0], [0], [1], [1], [0, 1, 1, 1], [], []>, transpose_lhs_hint = false} : vector<8x256xf32>, vector<8x4096xf32>, vector<256x4096xf32> -> vector<256x4096xf32>
    %reduce_min3A_317 = arith.constant dense<0x7F800000> : vector<256xf32>
    %reduce_min3A_318 = vector.multi_reduction <minimumf>, %dot_general3A_316, %reduce_min3A_317 [1] : vector<256x4096xf32> to vector<256xf32>
    %reduce_sum3A_319 = vector.shape_cast %reduce_min3A_318 : vector<256xf32> to vector<1x256xf32>
    %reduce_sum3A_320 = arith.constant dense<0.000000e+00> : vector<1xf32>
    %reduce_sum3A_321 = vector.multi_reduction <add>, %reduce_sum3A_319, %reduce_sum3A_320 [1] : vector<1x256xf32> to vector<1xf32>
    %reduce_sum3A_322 = vector.shape_cast %reduce_sum3A_321 : vector<1xf32> to vector<1x1xf32>
    %reduce_sum3A_323 = vector.extract %reduce_sum3A_322[0, 0] : f32 from vector<1x1xf32>
    %add3A_324 = arith.addf %add3A_304, %reduce_sum3A_323 : f32
    %reduce_min3A_325 = arith.constant dense<0x7F800000> : vector<4096xf32>
    %reduce_min3A_326 = vector.multi_reduction <minimumf>, %dot_general3A_316, %reduce_min3A_325 [0] : vector<256x4096xf32> to vector<4096xf32>
    %broadcast_in_dim3A_327 = vector.shape_cast %reduce_min3A_326 : vector<4096xf32> to vector<1x4096xf32>
    %min3A_328 = arith.minimumf %min3A_308, %broadcast_in_dim3A_327 : vector<1x4096xf32>
    %scan3A_329 = arith.constant 11 : i32
    %mul3A_330 = arith.constant 256 : i32
    %mul3A_331 = arith.muli %scan3A_329, %mul3A_330 : i32
    %get3A_332 = arith.constant 0 : index
    %get3A_333 = arith.index_cast %mul3A_331 : i32 to index
    %get3A_334 = vector.load %arg5[%get3A_332, %get3A_333] : memref<8x4096xf32, #tpu.memory_space<vmem>>, vector<8x256xf32>
    %dot_general3A_335 = arith.constant dense<0.000000e+00> : vector<256x4096xf32>
    %dot_general3A_336 = tpu.matmul %get3A_334, %get3A_109, %dot_general3A_335 {dimension_numbers = #tpu.dot_dimension_numbers<[0], [0], [1], [1], [0, 1, 1, 1], [], []>, transpose_lhs_hint = false} : vector<8x256xf32>, vector<8x4096xf32>, vector<256x4096xf32> -> vector<256x4096xf32>
    %reduce_min3A_337 = arith.constant dense<0x7F800000> : vector<256xf32>
    %reduce_min3A_338 = vector.multi_reduction <minimumf>, %dot_general3A_336, %reduce_min3A_337 [1] : vector<256x4096xf32> to vector<256xf32>
    %reduce_sum3A_339 = vector.shape_cast %reduce_min3A_338 : vector<256xf32> to vector<1x256xf32>
    %reduce_sum3A_340 = arith.constant dense<0.000000e+00> : vector<1xf32>
    %reduce_sum3A_341 = vector.multi_reduction <add>, %reduce_sum3A_339, %reduce_sum3A_340 [1] : vector<1x256xf32> to vector<1xf32>
    %reduce_sum3A_342 = vector.shape_cast %reduce_sum3A_341 : vector<1xf32> to vector<1x1xf32>
    %reduce_sum3A_343 = vector.extract %reduce_sum3A_342[0, 0] : f32 from vector<1x1xf32>
    %add3A_344 = arith.addf %add3A_324, %reduce_sum3A_343 : f32
    %reduce_min3A_345 = arith.constant dense<0x7F800000> : vector<4096xf32>
    %reduce_min3A_346 = vector.multi_reduction <minimumf>, %dot_general3A_336, %reduce_min3A_345 [0] : vector<256x4096xf32> to vector<4096xf32>
    %broadcast_in_dim3A_347 = vector.shape_cast %reduce_min3A_346 : vector<4096xf32> to vector<1x4096xf32>
    %min3A_348 = arith.minimumf %min3A_328, %broadcast_in_dim3A_347 : vector<1x4096xf32>
    %scan3A_349 = arith.constant 12 : i32
    %mul3A_350 = arith.constant 256 : i32
    %mul3A_351 = arith.muli %scan3A_349, %mul3A_350 : i32
    %get3A_352 = arith.constant 0 : index
    %get3A_353 = arith.index_cast %mul3A_351 : i32 to index
    %get3A_354 = vector.load %arg5[%get3A_352, %get3A_353] : memref<8x4096xf32, #tpu.memory_space<vmem>>, vector<8x256xf32>
    %dot_general3A_355 = arith.constant dense<0.000000e+00> : vector<256x4096xf32>
    %dot_general3A_356 = tpu.matmul %get3A_354, %get3A_109, %dot_general3A_355 {dimension_numbers = #tpu.dot_dimension_numbers<[0], [0], [1], [1], [0, 1, 1, 1], [], []>, transpose_lhs_hint = false} : vector<8x256xf32>, vector<8x4096xf32>, vector<256x4096xf32> -> vector<256x4096xf32>
    %reduce_min3A_357 = arith.constant dense<0x7F800000> : vector<256xf32>
    %reduce_min3A_358 = vector.multi_reduction <minimumf>, %dot_general3A_356, %reduce_min3A_357 [1] : vector<256x4096xf32> to vector<256xf32>
    %reduce_sum3A_359 = vector.shape_cast %reduce_min3A_358 : vector<256xf32> to vector<1x256xf32>
    %reduce_sum3A_360 = arith.constant dense<0.000000e+00> : vector<1xf32>
    %reduce_sum3A_361 = vector.multi_reduction <add>, %reduce_sum3A_359, %reduce_sum3A_360 [1] : vector<1x256xf32> to vector<1xf32>
    %reduce_sum3A_362 = vector.shape_cast %reduce_sum3A_361 : vector<1xf32> to vector<1x1xf32>
    %reduce_sum3A_363 = vector.extract %reduce_sum3A_362[0, 0] : f32 from vector<1x1xf32>
    %add3A_364 = arith.addf %add3A_344, %reduce_sum3A_363 : f32
    %reduce_min3A_365 = arith.constant dense<0x7F800000> : vector<4096xf32>
    %reduce_min3A_366 = vector.multi_reduction <minimumf>, %dot_general3A_356, %reduce_min3A_365 [0] : vector<256x4096xf32> to vector<4096xf32>
    %broadcast_in_dim3A_367 = vector.shape_cast %reduce_min3A_366 : vector<4096xf32> to vector<1x4096xf32>
    %min3A_368 = arith.minimumf %min3A_348, %broadcast_in_dim3A_367 : vector<1x4096xf32>
    %scan3A_369 = arith.constant 13 : i32
    %mul3A_370 = arith.constant 256 : i32
    %mul3A_371 = arith.muli %scan3A_369, %mul3A_370 : i32
    %get3A_372 = arith.constant 0 : index
    %get3A_373 = arith.index_cast %mul3A_371 : i32 to index
    %get3A_374 = vector.load %arg5[%get3A_372, %get3A_373] : memref<8x4096xf32, #tpu.memory_space<vmem>>, vector<8x256xf32>
    %dot_general3A_375 = arith.constant dense<0.000000e+00> : vector<256x4096xf32>
    %dot_general3A_376 = tpu.matmul %get3A_374, %get3A_109, %dot_general3A_375 {dimension_numbers = #tpu.dot_dimension_numbers<[0], [0], [1], [1], [0, 1, 1, 1], [], []>, transpose_lhs_hint = false} : vector<8x256xf32>, vector<8x4096xf32>, vector<256x4096xf32> -> vector<256x4096xf32>
    %reduce_min3A_377 = arith.constant dense<0x7F800000> : vector<256xf32>
    %reduce_min3A_378 = vector.multi_reduction <minimumf>, %dot_general3A_376, %reduce_min3A_377 [1] : vector<256x4096xf32> to vector<256xf32>
    %reduce_sum3A_379 = vector.shape_cast %reduce_min3A_378 : vector<256xf32> to vector<1x256xf32>
    %reduce_sum3A_380 = arith.constant dense<0.000000e+00> : vector<1xf32>
    %reduce_sum3A_381 = vector.multi_reduction <add>, %reduce_sum3A_379, %reduce_sum3A_380 [1] : vector<1x256xf32> to vector<1xf32>
    %reduce_sum3A_382 = vector.shape_cast %reduce_sum3A_381 : vector<1xf32> to vector<1x1xf32>
    %reduce_sum3A_383 = vector.extract %reduce_sum3A_382[0, 0] : f32 from vector<1x1xf32>
    %add3A_384 = arith.addf %add3A_364, %reduce_sum3A_383 : f32
    %reduce_min3A_385 = arith.constant dense<0x7F800000> : vector<4096xf32>
    %reduce_min3A_386 = vector.multi_reduction <minimumf>, %dot_general3A_376, %reduce_min3A_385 [0] : vector<256x4096xf32> to vector<4096xf32>
    %broadcast_in_dim3A_387 = vector.shape_cast %reduce_min3A_386 : vector<4096xf32> to vector<1x4096xf32>
    %min3A_388 = arith.minimumf %min3A_368, %broadcast_in_dim3A_387 : vector<1x4096xf32>
    %scan3A_389 = arith.constant 14 : i32
    %mul3A_390 = arith.constant 256 : i32
    %mul3A_391 = arith.muli %scan3A_389, %mul3A_390 : i32
    %get3A_392 = arith.constant 0 : index
    %get3A_393 = arith.index_cast %mul3A_391 : i32 to index
    %get3A_394 = vector.load %arg5[%get3A_392, %get3A_393] : memref<8x4096xf32, #tpu.memory_space<vmem>>, vector<8x256xf32>
    %dot_general3A_395 = arith.constant dense<0.000000e+00> : vector<256x4096xf32>
    %dot_general3A_396 = tpu.matmul %get3A_394, %get3A_109, %dot_general3A_395 {dimension_numbers = #tpu.dot_dimension_numbers<[0], [0], [1], [1], [0, 1, 1, 1], [], []>, transpose_lhs_hint = false} : vector<8x256xf32>, vector<8x4096xf32>, vector<256x4096xf32> -> vector<256x4096xf32>
    %reduce_min3A_397 = arith.constant dense<0x7F800000> : vector<256xf32>
    %reduce_min3A_398 = vector.multi_reduction <minimumf>, %dot_general3A_396, %reduce_min3A_397 [1] : vector<256x4096xf32> to vector<256xf32>
    %reduce_sum3A_399 = vector.shape_cast %reduce_min3A_398 : vector<256xf32> to vector<1x256xf32>
    %reduce_sum3A_400 = arith.constant dense<0.000000e+00> : vector<1xf32>
    %reduce_sum3A_401 = vector.multi_reduction <add>, %reduce_sum3A_399, %reduce_sum3A_400 [1] : vector<1x256xf32> to vector<1xf32>
    %reduce_sum3A_402 = vector.shape_cast %reduce_sum3A_401 : vector<1xf32> to vector<1x1xf32>
    %reduce_sum3A_403 = vector.extract %reduce_sum3A_402[0, 0] : f32 from vector<1x1xf32>
    %add3A_404 = arith.addf %add3A_384, %reduce_sum3A_403 : f32
    %reduce_min3A_405 = arith.constant dense<0x7F800000> : vector<4096xf32>
    %reduce_min3A_406 = vector.multi_reduction <minimumf>, %dot_general3A_396, %reduce_min3A_405 [0] : vector<256x4096xf32> to vector<4096xf32>
    %broadcast_in_dim3A_407 = vector.shape_cast %reduce_min3A_406 : vector<4096xf32> to vector<1x4096xf32>
    %min3A_408 = arith.minimumf %min3A_388, %broadcast_in_dim3A_407 : vector<1x4096xf32>
    %scan3A_409 = arith.constant 15 : i32
    %broadcast_in_dim3A_410 = vector.shape_cast %min3A_408 : vector<1x4096xf32> to vector<1x4096xf32>
    %broadcast_in_dim3A_411 = vector.broadcast %broadcast_in_dim3A_410 : vector<1x4096xf32> to vector<8x4096xf32>
    %swap3A_412 = arith.constant 0 : index
    %swap3A_413 = arith.constant 0 : index
    %swap3A_414 = arith.constant 0 : index
    %swap3A_415 = vector.load %arg4[%swap3A_412, %swap3A_413, %swap3A_414] : memref<1x8x4096xf32, #tpu.memory_space<vmem>>, vector<1x8x4096xf32>
    %swap3A_416 = vector.shape_cast %swap3A_415 : vector<1x8x4096xf32> to vector<8x4096xf32>
    %swap3A_417 = vector.shape_cast %broadcast_in_dim3A_411 : vector<8x4096xf32> to vector<1x8x4096xf32>
    tpu.vector_store %arg4[%swap3A_412, %swap3A_413, %swap3A_414], %swap3A_417 {strides = array<i32>} : memref<1x8x4096xf32, #tpu.memory_space<vmem>>, vector<1x8x4096xf32>,
    %add3A_418 = arith.constant 0.000000e+00 : f32
    %add3A_419 = arith.addf %add3A_418, %add3A_404 : f32
    %mul3A_420 = arith.mulf %sub3A_37, %sub3A_37 : vector<3x4096xf32>
    %reduce_sum3A_421 = arith.constant dense<0.000000e+00> : vector<4096xf32>
    %reduce_sum3A_422 = vector.multi_reduction <add>, %mul3A_420, %reduce_sum3A_421 [0] : vector<3x4096xf32> to vector<4096xf32>
    %broadcast_in_dim3A_423 = vector.shape_cast %reduce_sum3A_422 : vector<4096xf32> to vector<1x4096xf32>
    %mul3A_424 = arith.constant 3.906250e-03 : f32
    %mul3A_425 = vector.broadcast %mul3A_424 : f32 to vector<1x4096xf32>
    %mul3A_426 = arith.mulf %broadcast_in_dim3A_423, %mul3A_425 : vector<1x4096xf32>
    %floor3A_427 = math.floor %mul3A_426 : vector<1x4096xf32>
    %mul3A_428 = arith.constant 2.560000e+02 : f32
    %mul3A_429 = vector.broadcast %mul3A_428 : f32 to vector<1x4096xf32>
    %mul3A_430 = arith.mulf %floor3A_427, %mul3A_429 : vector<1x4096xf32>
    %sub3A_431 = arith.subf %broadcast_in_dim3A_423, %mul3A_430 : vector<1x4096xf32>
    %mul3A_432 = arith.mulf %sub3A_39, %sub3A_39 : vector<3x4096xf32>
    %reduce_sum3A_433 = arith.constant dense<0.000000e+00> : vector<4096xf32>
    %reduce_sum3A_434 = vector.multi_reduction <add>, %mul3A_432, %reduce_sum3A_433 [0] : vector<3x4096xf32> to vector<4096xf32>
    %broadcast_in_dim3A_435 = vector.shape_cast %reduce_sum3A_434 : vector<4096xf32> to vector<1x4096xf32>
    %mul3A_436 = arith.constant 3.906250e-03 : f32
    %mul3A_437 = vector.broadcast %mul3A_436 : f32 to vector<1x4096xf32>
    %mul3A_438 = arith.mulf %broadcast_in_dim3A_435, %mul3A_437 : vector<1x4096xf32>
    %floor3A_439 = math.floor %mul3A_438 : vector<1x4096xf32>
    %mul3A_440 = arith.constant 2.560000e+02 : f32
    %mul3A_441 = vector.broadcast %mul3A_440 : f32 to vector<1x4096xf32>
    %mul3A_442 = arith.mulf %floor3A_439, %mul3A_441 : vector<1x4096xf32>
    %sub3A_443 = arith.subf %broadcast_in_dim3A_435, %mul3A_442 : vector<1x4096xf32>
    %swap3A_444 = arith.constant 0 : index
    %swap3A_445 = arith.constant 0 : index
    %swap3A_446 = vector.load %arg5[%swap3A_444, %swap3A_445] : memref<8x4096xf32, #tpu.memory_space<vmem>>, vector<3x4096xf32>
    tpu.vector_store %arg5[%swap3A_444, %swap3A_445], %sub3A_37 {strides = array<i32>} : memref<8x4096xf32, #tpu.memory_space<vmem>>, vector<3x4096xf32>,
    %swap3A_447 = arith.constant 3 : index
    %swap3A_448 = arith.constant 0 : index
    %swap3A_449 = vector.load %arg5[%swap3A_447, %swap3A_448] : memref<8x4096xf32, #tpu.memory_space<vmem>>, vector<1x4096xf32>
    tpu.vector_store %arg5[%swap3A_447, %swap3A_448], %mul3A_430 {strides = array<i32>} : memref<8x4096xf32, #tpu.memory_space<vmem>>, vector<1x4096xf32>,
    %swap3A_450 = arith.constant 4 : index
    %swap3A_451 = arith.constant 0 : index
    %swap3A_452 = vector.load %arg5[%swap3A_450, %swap3A_451] : memref<8x4096xf32, #tpu.memory_space<vmem>>, vector<1x4096xf32>
    tpu.vector_store %arg5[%swap3A_450, %swap3A_451], %sub3A_431 {strides = array<i32>} : memref<8x4096xf32, #tpu.memory_space<vmem>>, vector<1x4096xf32>,
    %swap3A_453 = arith.constant 5 : index
    %swap3A_454 = arith.constant 0 : index
    %swap3A_455 = vector.load %arg5[%swap3A_453, %swap3A_454] : memref<8x4096xf32, #tpu.memory_space<vmem>>, vector<1x4096xf32>
    tpu.vector_store %arg5[%swap3A_453, %swap3A_454], %broadcast_in_dim3A_41 {strides = array<i32>} : memref<8x4096xf32, #tpu.memory_space<vmem>>, vector<1x4096xf32>,
    %swap3A_456 = arith.constant 6 : index
    %swap3A_457 = arith.constant 0 : index
    %swap3A_458 = vector.load %arg5[%swap3A_456, %swap3A_457] : memref<8x4096xf32, #tpu.memory_space<vmem>>, vector<1x4096xf32>
    tpu.vector_store %arg5[%swap3A_456, %swap3A_457], %broadcast_in_dim3A_41 {strides = array<i32>} : memref<8x4096xf32, #tpu.memory_space<vmem>>, vector<1x4096xf32>,
    %mul3A_459 = arith.constant -2.000000e+00 : f32
    %mul3A_460 = vector.broadcast %mul3A_459 : f32 to vector<3x4096xf32>
    %mul3A_461 = arith.mulf %mul3A_460, %sub3A_39 : vector<3x4096xf32>
    %swap3A_462 = arith.constant 0 : index
    %swap3A_463 = arith.constant 0 : index
    %swap3A_464 = vector.load %arg6[%swap3A_462, %swap3A_463] : memref<8x4096xf32, #tpu.memory_space<vmem>>, vector<3x4096xf32>
    tpu.vector_store %arg6[%swap3A_462, %swap3A_463], %mul3A_461 {strides = array<i32>} : memref<8x4096xf32, #tpu.memory_space<vmem>>, vector<3x4096xf32>,
    %swap3A_465 = arith.constant 3 : index
    %swap3A_466 = arith.constant 0 : index
    %swap3A_467 = vector.load %arg6[%swap3A_465, %swap3A_466] : memref<8x4096xf32, #tpu.memory_space<vmem>>, vector<1x4096xf32>
    tpu.vector_store %arg6[%swap3A_465, %swap3A_466], %broadcast_in_dim3A_41 {strides = array<i32>} : memref<8x4096xf32, #tpu.memory_space<vmem>>, vector<1x4096xf32>,
    %swap3A_468 = arith.constant 4 : index
    %swap3A_469 = arith.constant 0 : index
    %swap3A_470 = vector.load %arg6[%swap3A_468, %swap3A_469] : memref<8x4096xf32, #tpu.memory_space<vmem>>, vector<1x4096xf32>
    tpu.vector_store %arg6[%swap3A_468, %swap3A_469], %broadcast_in_dim3A_41 {strides = array<i32>} : memref<8x4096xf32, #tpu.memory_space<vmem>>, vector<1x4096xf32>,
    %swap3A_471 = arith.constant 5 : index
    %swap3A_472 = arith.constant 0 : index
    %swap3A_473 = vector.load %arg6[%swap3A_471, %swap3A_472] : memref<8x4096xf32, #tpu.memory_space<vmem>>, vector<1x4096xf32>
    tpu.vector_store %arg6[%swap3A_471, %swap3A_472], %mul3A_442 {strides = array<i32>} : memref<8x4096xf32, #tpu.memory_space<vmem>>, vector<1x4096xf32>,
    %swap3A_474 = arith.constant 6 : index
    %swap3A_475 = arith.constant 0 : index
    %swap3A_476 = vector.load %arg6[%swap3A_474, %swap3A_475] : memref<8x4096xf32, #tpu.memory_space<vmem>>, vector<1x4096xf32>
    tpu.vector_store %arg6[%swap3A_474, %swap3A_475], %sub3A_443 {strides = array<i32>} : memref<8x4096xf32, #tpu.memory_space<vmem>>, vector<1x4096xf32>,
    %get3A_477 = arith.constant 0 : index
    %get3A_478 = arith.constant 0 : index
    %get3A_479 = vector.load %arg6[%get3A_477, %get3A_478] : memref<8x4096xf32, #tpu.memory_space<vmem>>, vector<8x4096xf32>
    %broadcast_in_dim3A_480 = arith.constant 0x7F800000 : f32
    %broadcast_in_dim3A_481 = vector.broadcast %broadcast_in_dim3A_480 : f32 to vector<1x4096xf32>
    %scan3A_482 = arith.constant 0.000000e+00 : f32
    %scan3A_483 = arith.constant 0 : i32
    %mul3A_484 = arith.constant 256 : i32
    %mul3A_485 = arith.muli %scan3A_483, %mul3A_484 : i32
    %get3A_486 = arith.constant 0 : index
    %get3A_487 = arith.index_cast %mul3A_485 : i32 to index
    %get3A_488 = vector.load %arg5[%get3A_486, %get3A_487] : memref<8x4096xf32, #tpu.memory_space<vmem>>, vector<8x256xf32>
    %dot_general3A_489 = arith.constant dense<0.000000e+00> : vector<256x4096xf32>
    %dot_general3A_490 = tpu.matmul %get3A_488, %get3A_479, %dot_general3A_489 {dimension_numbers = #tpu.dot_dimension_numbers<[0], [0], [1], [1], [0, 1, 1, 1], [], []>, transpose_lhs_hint = false} : vector<8x256xf32>, vector<8x4096xf32>, vector<256x4096xf32> -> vector<256x4096xf32>
    %reduce_min3A_491 = arith.constant dense<0x7F800000> : vector<256xf32>
    %reduce_min3A_492 = vector.multi_reduction <minimumf>, %dot_general3A_490, %reduce_min3A_491 [1] : vector<256x4096xf32> to vector<256xf32>
    %reduce_sum3A_493 = vector.shape_cast %reduce_min3A_492 : vector<256xf32> to vector<1x256xf32>
    %reduce_sum3A_494 = arith.constant dense<0.000000e+00> : vector<1xf32>
    %reduce_sum3A_495 = vector.multi_reduction <add>, %reduce_sum3A_493, %reduce_sum3A_494 [1] : vector<1x256xf32> to vector<1xf32>
    %reduce_sum3A_496 = vector.shape_cast %reduce_sum3A_495 : vector<1xf32> to vector<1x1xf32>
    %reduce_sum3A_497 = vector.extract %reduce_sum3A_496[0, 0] : f32 from vector<1x1xf32>
    %add3A_498 = arith.addf %scan3A_482, %reduce_sum3A_497 : f32
    %reduce_min3A_499 = arith.constant dense<0x7F800000> : vector<4096xf32>
    %reduce_min3A_500 = vector.multi_reduction <minimumf>, %dot_general3A_490, %reduce_min3A_499 [0] : vector<256x4096xf32> to vector<4096xf32>
    %broadcast_in_dim3A_501 = vector.shape_cast %reduce_min3A_500 : vector<4096xf32> to vector<1x4096xf32>
    %min3A_502 = arith.minimumf %broadcast_in_dim3A_481, %broadcast_in_dim3A_501 : vector<1x4096xf32>
    %scan3A_503 = arith.constant 1 : i32
    %mul3A_504 = arith.constant 256 : i32
    %mul3A_505 = arith.muli %scan3A_503, %mul3A_504 : i32
    %get3A_506 = arith.constant 0 : index
    %get3A_507 = arith.index_cast %mul3A_505 : i32 to index
    %get3A_508 = vector.load %arg5[%get3A_506, %get3A_507] : memref<8x4096xf32, #tpu.memory_space<vmem>>, vector<8x256xf32>
    %dot_general3A_509 = arith.constant dense<0.000000e+00> : vector<256x4096xf32>
    %dot_general3A_510 = tpu.matmul %get3A_508, %get3A_479, %dot_general3A_509 {dimension_numbers = #tpu.dot_dimension_numbers<[0], [0], [1], [1], [0, 1, 1, 1], [], []>, transpose_lhs_hint = false} : vector<8x256xf32>, vector<8x4096xf32>, vector<256x4096xf32> -> vector<256x4096xf32>
    %reduce_min3A_511 = arith.constant dense<0x7F800000> : vector<256xf32>
    %reduce_min3A_512 = vector.multi_reduction <minimumf>, %dot_general3A_510, %reduce_min3A_511 [1] : vector<256x4096xf32> to vector<256xf32>
    %reduce_sum3A_513 = vector.shape_cast %reduce_min3A_512 : vector<256xf32> to vector<1x256xf32>
    %reduce_sum3A_514 = arith.constant dense<0.000000e+00> : vector<1xf32>
    %reduce_sum3A_515 = vector.multi_reduction <add>, %reduce_sum3A_513, %reduce_sum3A_514 [1] : vector<1x256xf32> to vector<1xf32>
    %reduce_sum3A_516 = vector.shape_cast %reduce_sum3A_515 : vector<1xf32> to vector<1x1xf32>
    %reduce_sum3A_517 = vector.extract %reduce_sum3A_516[0, 0] : f32 from vector<1x1xf32>
    %add3A_518 = arith.addf %add3A_498, %reduce_sum3A_517 : f32
    %reduce_min3A_519 = arith.constant dense<0x7F800000> : vector<4096xf32>
    %reduce_min3A_520 = vector.multi_reduction <minimumf>, %dot_general3A_510, %reduce_min3A_519 [0] : vector<256x4096xf32> to vector<4096xf32>
    %broadcast_in_dim3A_521 = vector.shape_cast %reduce_min3A_520 : vector<4096xf32> to vector<1x4096xf32>
    %min3A_522 = arith.minimumf %min3A_502, %broadcast_in_dim3A_521 : vector<1x4096xf32>
    %scan3A_523 = arith.constant 2 : i32
    %mul3A_524 = arith.constant 256 : i32
    %mul3A_525 = arith.muli %scan3A_523, %mul3A_524 : i32
    %get3A_526 = arith.constant 0 : index
    %get3A_527 = arith.index_cast %mul3A_525 : i32 to index
    %get3A_528 = vector.load %arg5[%get3A_526, %get3A_527] : memref<8x4096xf32, #tpu.memory_space<vmem>>, vector<8x256xf32>
    %dot_general3A_529 = arith.constant dense<0.000000e+00> : vector<256x4096xf32>
    %dot_general3A_530 = tpu.matmul %get3A_528, %get3A_479, %dot_general3A_529 {dimension_numbers = #tpu.dot_dimension_numbers<[0], [0], [1], [1], [0, 1, 1, 1], [], []>, transpose_lhs_hint = false} : vector<8x256xf32>, vector<8x4096xf32>, vector<256x4096xf32> -> vector<256x4096xf32>
    %reduce_min3A_531 = arith.constant dense<0x7F800000> : vector<256xf32>
    %reduce_min3A_532 = vector.multi_reduction <minimumf>, %dot_general3A_530, %reduce_min3A_531 [1] : vector<256x4096xf32> to vector<256xf32>
    %reduce_sum3A_533 = vector.shape_cast %reduce_min3A_532 : vector<256xf32> to vector<1x256xf32>
    %reduce_sum3A_534 = arith.constant dense<0.000000e+00> : vector<1xf32>
    %reduce_sum3A_535 = vector.multi_reduction <add>, %reduce_sum3A_533, %reduce_sum3A_534 [1] : vector<1x256xf32> to vector<1xf32>
    %reduce_sum3A_536 = vector.shape_cast %reduce_sum3A_535 : vector<1xf32> to vector<1x1xf32>
    %reduce_sum3A_537 = vector.extract %reduce_sum3A_536[0, 0] : f32 from vector<1x1xf32>
    %add3A_538 = arith.addf %add3A_518, %reduce_sum3A_537 : f32
    %reduce_min3A_539 = arith.constant dense<0x7F800000> : vector<4096xf32>
    %reduce_min3A_540 = vector.multi_reduction <minimumf>, %dot_general3A_530, %reduce_min3A_539 [0] : vector<256x4096xf32> to vector<4096xf32>
    %broadcast_in_dim3A_541 = vector.shape_cast %reduce_min3A_540 : vector<4096xf32> to vector<1x4096xf32>
    %min3A_542 = arith.minimumf %min3A_522, %broadcast_in_dim3A_541 : vector<1x4096xf32>
    %scan3A_543 = arith.constant 3 : i32
    %mul3A_544 = arith.constant 256 : i32
    %mul3A_545 = arith.muli %scan3A_543, %mul3A_544 : i32
    %get3A_546 = arith.constant 0 : index
    %get3A_547 = arith.index_cast %mul3A_545 : i32 to index
    %get3A_548 = vector.load %arg5[%get3A_546, %get3A_547] : memref<8x4096xf32, #tpu.memory_space<vmem>>, vector<8x256xf32>
    %dot_general3A_549 = arith.constant dense<0.000000e+00> : vector<256x4096xf32>
    %dot_general3A_550 = tpu.matmul %get3A_548, %get3A_479, %dot_general3A_549 {dimension_numbers = #tpu.dot_dimension_numbers<[0], [0], [1], [1], [0, 1, 1, 1], [], []>, transpose_lhs_hint = false} : vector<8x256xf32>, vector<8x4096xf32>, vector<256x4096xf32> -> vector<256x4096xf32>
    %reduce_min3A_551 = arith.constant dense<0x7F800000> : vector<256xf32>
    %reduce_min3A_552 = vector.multi_reduction <minimumf>, %dot_general3A_550, %reduce_min3A_551 [1] : vector<256x4096xf32> to vector<256xf32>
    %reduce_sum3A_553 = vector.shape_cast %reduce_min3A_552 : vector<256xf32> to vector<1x256xf32>
    %reduce_sum3A_554 = arith.constant dense<0.000000e+00> : vector<1xf32>
    %reduce_sum3A_555 = vector.multi_reduction <add>, %reduce_sum3A_553, %reduce_sum3A_554 [1] : vector<1x256xf32> to vector<1xf32>
    %reduce_sum3A_556 = vector.shape_cast %reduce_sum3A_555 : vector<1xf32> to vector<1x1xf32>
    %reduce_sum3A_557 = vector.extract %reduce_sum3A_556[0, 0] : f32 from vector<1x1xf32>
    %add3A_558 = arith.addf %add3A_538, %reduce_sum3A_557 : f32
    %reduce_min3A_559 = arith.constant dense<0x7F800000> : vector<4096xf32>
    %reduce_min3A_560 = vector.multi_reduction <minimumf>, %dot_general3A_550, %reduce_min3A_559 [0] : vector<256x4096xf32> to vector<4096xf32>
    %broadcast_in_dim3A_561 = vector.shape_cast %reduce_min3A_560 : vector<4096xf32> to vector<1x4096xf32>
    %min3A_562 = arith.minimumf %min3A_542, %broadcast_in_dim3A_561 : vector<1x4096xf32>
    %scan3A_563 = arith.constant 4 : i32
    %mul3A_564 = arith.constant 256 : i32
    %mul3A_565 = arith.muli %scan3A_563, %mul3A_564 : i32
    %get3A_566 = arith.constant 0 : index
    %get3A_567 = arith.index_cast %mul3A_565 : i32 to index
    %get3A_568 = vector.load %arg5[%get3A_566, %get3A_567] : memref<8x4096xf32, #tpu.memory_space<vmem>>, vector<8x256xf32>
    %dot_general3A_569 = arith.constant dense<0.000000e+00> : vector<256x4096xf32>
    %dot_general3A_570 = tpu.matmul %get3A_568, %get3A_479, %dot_general3A_569 {dimension_numbers = #tpu.dot_dimension_numbers<[0], [0], [1], [1], [0, 1, 1, 1], [], []>, transpose_lhs_hint = false} : vector<8x256xf32>, vector<8x4096xf32>, vector<256x4096xf32> -> vector<256x4096xf32>
    %reduce_min3A_571 = arith.constant dense<0x7F800000> : vector<256xf32>
    %reduce_min3A_572 = vector.multi_reduction <minimumf>, %dot_general3A_570, %reduce_min3A_571 [1] : vector<256x4096xf32> to vector<256xf32>
    %reduce_sum3A_573 = vector.shape_cast %reduce_min3A_572 : vector<256xf32> to vector<1x256xf32>
    %reduce_sum3A_574 = arith.constant dense<0.000000e+00> : vector<1xf32>
    %reduce_sum3A_575 = vector.multi_reduction <add>, %reduce_sum3A_573, %reduce_sum3A_574 [1] : vector<1x256xf32> to vector<1xf32>
    %reduce_sum3A_576 = vector.shape_cast %reduce_sum3A_575 : vector<1xf32> to vector<1x1xf32>
    %reduce_sum3A_577 = vector.extract %reduce_sum3A_576[0, 0] : f32 from vector<1x1xf32>
    %add3A_578 = arith.addf %add3A_558, %reduce_sum3A_577 : f32
    %reduce_min3A_579 = arith.constant dense<0x7F800000> : vector<4096xf32>
    %reduce_min3A_580 = vector.multi_reduction <minimumf>, %dot_general3A_570, %reduce_min3A_579 [0] : vector<256x4096xf32> to vector<4096xf32>
    %broadcast_in_dim3A_581 = vector.shape_cast %reduce_min3A_580 : vector<4096xf32> to vector<1x4096xf32>
    %min3A_582 = arith.minimumf %min3A_562, %broadcast_in_dim3A_581 : vector<1x4096xf32>
    %scan3A_583 = arith.constant 5 : i32
    %mul3A_584 = arith.constant 256 : i32
    %mul3A_585 = arith.muli %scan3A_583, %mul3A_584 : i32
    %get3A_586 = arith.constant 0 : index
    %get3A_587 = arith.index_cast %mul3A_585 : i32 to index
    %get3A_588 = vector.load %arg5[%get3A_586, %get3A_587] : memref<8x4096xf32, #tpu.memory_space<vmem>>, vector<8x256xf32>
    %dot_general3A_589 = arith.constant dense<0.000000e+00> : vector<256x4096xf32>
    %dot_general3A_590 = tpu.matmul %get3A_588, %get3A_479, %dot_general3A_589 {dimension_numbers = #tpu.dot_dimension_numbers<[0], [0], [1], [1], [0, 1, 1, 1], [], []>, transpose_lhs_hint = false} : vector<8x256xf32>, vector<8x4096xf32>, vector<256x4096xf32> -> vector<256x4096xf32>
    %reduce_min3A_591 = arith.constant dense<0x7F800000> : vector<256xf32>
    %reduce_min3A_592 = vector.multi_reduction <minimumf>, %dot_general3A_590, %reduce_min3A_591 [1] : vector<256x4096xf32> to vector<256xf32>
    %reduce_sum3A_593 = vector.shape_cast %reduce_min3A_592 : vector<256xf32> to vector<1x256xf32>
    %reduce_sum3A_594 = arith.constant dense<0.000000e+00> : vector<1xf32>
    %reduce_sum3A_595 = vector.multi_reduction <add>, %reduce_sum3A_593, %reduce_sum3A_594 [1] : vector<1x256xf32> to vector<1xf32>
    %reduce_sum3A_596 = vector.shape_cast %reduce_sum3A_595 : vector<1xf32> to vector<1x1xf32>
    %reduce_sum3A_597 = vector.extract %reduce_sum3A_596[0, 0] : f32 from vector<1x1xf32>
    %add3A_598 = arith.addf %add3A_578, %reduce_sum3A_597 : f32
    %reduce_min3A_599 = arith.constant dense<0x7F800000> : vector<4096xf32>
    %reduce_min3A_600 = vector.multi_reduction <minimumf>, %dot_general3A_590, %reduce_min3A_599 [0] : vector<256x4096xf32> to vector<4096xf32>
    %broadcast_in_dim3A_601 = vector.shape_cast %reduce_min3A_600 : vector<4096xf32> to vector<1x4096xf32>
    %min3A_602 = arith.minimumf %min3A_582, %broadcast_in_dim3A_601 : vector<1x4096xf32>
    %scan3A_603 = arith.constant 6 : i32
    %mul3A_604 = arith.constant 256 : i32
    %mul3A_605 = arith.muli %scan3A_603, %mul3A_604 : i32
    %get3A_606 = arith.constant 0 : index
    %get3A_607 = arith.index_cast %mul3A_605 : i32 to index
    %get3A_608 = vector.load %arg5[%get3A_606, %get3A_607] : memref<8x4096xf32, #tpu.memory_space<vmem>>, vector<8x256xf32>
    %dot_general3A_609 = arith.constant dense<0.000000e+00> : vector<256x4096xf32>
    %dot_general3A_610 = tpu.matmul %get3A_608, %get3A_479, %dot_general3A_609 {dimension_numbers = #tpu.dot_dimension_numbers<[0], [0], [1], [1], [0, 1, 1, 1], [], []>, transpose_lhs_hint = false} : vector<8x256xf32>, vector<8x4096xf32>, vector<256x4096xf32> -> vector<256x4096xf32>
    %reduce_min3A_611 = arith.constant dense<0x7F800000> : vector<256xf32>
    %reduce_min3A_612 = vector.multi_reduction <minimumf>, %dot_general3A_610, %reduce_min3A_611 [1] : vector<256x4096xf32> to vector<256xf32>
    %reduce_sum3A_613 = vector.shape_cast %reduce_min3A_612 : vector<256xf32> to vector<1x256xf32>
    %reduce_sum3A_614 = arith.constant dense<0.000000e+00> : vector<1xf32>
    %reduce_sum3A_615 = vector.multi_reduction <add>, %reduce_sum3A_613, %reduce_sum3A_614 [1] : vector<1x256xf32> to vector<1xf32>
    %reduce_sum3A_616 = vector.shape_cast %reduce_sum3A_615 : vector<1xf32> to vector<1x1xf32>
    %reduce_sum3A_617 = vector.extract %reduce_sum3A_616[0, 0] : f32 from vector<1x1xf32>
    %add3A_618 = arith.addf %add3A_598, %reduce_sum3A_617 : f32
    %reduce_min3A_619 = arith.constant dense<0x7F800000> : vector<4096xf32>
    %reduce_min3A_620 = vector.multi_reduction <minimumf>, %dot_general3A_610, %reduce_min3A_619 [0] : vector<256x4096xf32> to vector<4096xf32>
    %broadcast_in_dim3A_621 = vector.shape_cast %reduce_min3A_620 : vector<4096xf32> to vector<1x4096xf32>
    %min3A_622 = arith.minimumf %min3A_602, %broadcast_in_dim3A_621 : vector<1x4096xf32>
    %scan3A_623 = arith.constant 7 : i32
    %mul3A_624 = arith.constant 256 : i32
    %mul3A_625 = arith.muli %scan3A_623, %mul3A_624 : i32
    %get3A_626 = arith.constant 0 : index
    %get3A_627 = arith.index_cast %mul3A_625 : i32 to index
    %get3A_628 = vector.load %arg5[%get3A_626, %get3A_627] : memref<8x4096xf32, #tpu.memory_space<vmem>>, vector<8x256xf32>
    %dot_general3A_629 = arith.constant dense<0.000000e+00> : vector<256x4096xf32>
    %dot_general3A_630 = tpu.matmul %get3A_628, %get3A_479, %dot_general3A_629 {dimension_numbers = #tpu.dot_dimension_numbers<[0], [0], [1], [1], [0, 1, 1, 1], [], []>, transpose_lhs_hint = false} : vector<8x256xf32>, vector<8x4096xf32>, vector<256x4096xf32> -> vector<256x4096xf32>
    %reduce_min3A_631 = arith.constant dense<0x7F800000> : vector<256xf32>
    %reduce_min3A_632 = vector.multi_reduction <minimumf>, %dot_general3A_630, %reduce_min3A_631 [1] : vector<256x4096xf32> to vector<256xf32>
    %reduce_sum3A_633 = vector.shape_cast %reduce_min3A_632 : vector<256xf32> to vector<1x256xf32>
    %reduce_sum3A_634 = arith.constant dense<0.000000e+00> : vector<1xf32>
    %reduce_sum3A_635 = vector.multi_reduction <add>, %reduce_sum3A_633, %reduce_sum3A_634 [1] : vector<1x256xf32> to vector<1xf32>
    %reduce_sum3A_636 = vector.shape_cast %reduce_sum3A_635 : vector<1xf32> to vector<1x1xf32>
    %reduce_sum3A_637 = vector.extract %reduce_sum3A_636[0, 0] : f32 from vector<1x1xf32>
    %add3A_638 = arith.addf %add3A_618, %reduce_sum3A_637 : f32
    %reduce_min3A_639 = arith.constant dense<0x7F800000> : vector<4096xf32>
    %reduce_min3A_640 = vector.multi_reduction <minimumf>, %dot_general3A_630, %reduce_min3A_639 [0] : vector<256x4096xf32> to vector<4096xf32>
    %broadcast_in_dim3A_641 = vector.shape_cast %reduce_min3A_640 : vector<4096xf32> to vector<1x4096xf32>
    %min3A_642 = arith.minimumf %min3A_622, %broadcast_in_dim3A_641 : vector<1x4096xf32>
    %scan3A_643 = arith.constant 8 : i32
    %mul3A_644 = arith.constant 256 : i32
    %mul3A_645 = arith.muli %scan3A_643, %mul3A_644 : i32
    %get3A_646 = arith.constant 0 : index
    %get3A_647 = arith.index_cast %mul3A_645 : i32 to index
    %get3A_648 = vector.load %arg5[%get3A_646, %get3A_647] : memref<8x4096xf32, #tpu.memory_space<vmem>>, vector<8x256xf32>
    %dot_general3A_649 = arith.constant dense<0.000000e+00> : vector<256x4096xf32>
    %dot_general3A_650 = tpu.matmul %get3A_648, %get3A_479, %dot_general3A_649 {dimension_numbers = #tpu.dot_dimension_numbers<[0], [0], [1], [1], [0, 1, 1, 1], [], []>, transpose_lhs_hint = false} : vector<8x256xf32>, vector<8x4096xf32>, vector<256x4096xf32> -> vector<256x4096xf32>
    %reduce_min3A_651 = arith.constant dense<0x7F800000> : vector<256xf32>
    %reduce_min3A_652 = vector.multi_reduction <minimumf>, %dot_general3A_650, %reduce_min3A_651 [1] : vector<256x4096xf32> to vector<256xf32>
    %reduce_sum3A_653 = vector.shape_cast %reduce_min3A_652 : vector<256xf32> to vector<1x256xf32>
    %reduce_sum3A_654 = arith.constant dense<0.000000e+00> : vector<1xf32>
    %reduce_sum3A_655 = vector.multi_reduction <add>, %reduce_sum3A_653, %reduce_sum3A_654 [1] : vector<1x256xf32> to vector<1xf32>
    %reduce_sum3A_656 = vector.shape_cast %reduce_sum3A_655 : vector<1xf32> to vector<1x1xf32>
    %reduce_sum3A_657 = vector.extract %reduce_sum3A_656[0, 0] : f32 from vector<1x1xf32>
    %add3A_658 = arith.addf %add3A_638, %reduce_sum3A_657 : f32
    %reduce_min3A_659 = arith.constant dense<0x7F800000> : vector<4096xf32>
    %reduce_min3A_660 = vector.multi_reduction <minimumf>, %dot_general3A_650, %reduce_min3A_659 [0] : vector<256x4096xf32> to vector<4096xf32>
    %broadcast_in_dim3A_661 = vector.shape_cast %reduce_min3A_660 : vector<4096xf32> to vector<1x4096xf32>
    %min3A_662 = arith.minimumf %min3A_642, %broadcast_in_dim3A_661 : vector<1x4096xf32>
    %scan3A_663 = arith.constant 9 : i32
    %mul3A_664 = arith.constant 256 : i32
    %mul3A_665 = arith.muli %scan3A_663, %mul3A_664 : i32
    %get3A_666 = arith.constant 0 : index
    %get3A_667 = arith.index_cast %mul3A_665 : i32 to index
    %get3A_668 = vector.load %arg5[%get3A_666, %get3A_667] : memref<8x4096xf32, #tpu.memory_space<vmem>>, vector<8x256xf32>
    %dot_general3A_669 = arith.constant dense<0.000000e+00> : vector<256x4096xf32>
    %dot_general3A_670 = tpu.matmul %get3A_668, %get3A_479, %dot_general3A_669 {dimension_numbers = #tpu.dot_dimension_numbers<[0], [0], [1], [1], [0, 1, 1, 1], [], []>, transpose_lhs_hint = false} : vector<8x256xf32>, vector<8x4096xf32>, vector<256x4096xf32> -> vector<256x4096xf32>
    %reduce_min3A_671 = arith.constant dense<0x7F800000> : vector<256xf32>
    %reduce_min3A_672 = vector.multi_reduction <minimumf>, %dot_general3A_670, %reduce_min3A_671 [1] : vector<256x4096xf32> to vector<256xf32>
    %reduce_sum3A_673 = vector.shape_cast %reduce_min3A_672 : vector<256xf32> to vector<1x256xf32>
    %reduce_sum3A_674 = arith.constant dense<0.000000e+00> : vector<1xf32>
    %reduce_sum3A_675 = vector.multi_reduction <add>, %reduce_sum3A_673, %reduce_sum3A_674 [1] : vector<1x256xf32> to vector<1xf32>
    %reduce_sum3A_676 = vector.shape_cast %reduce_sum3A_675 : vector<1xf32> to vector<1x1xf32>
    %reduce_sum3A_677 = vector.extract %reduce_sum3A_676[0, 0] : f32 from vector<1x1xf32>
    %add3A_678 = arith.addf %add3A_658, %reduce_sum3A_677 : f32
    %reduce_min3A_679 = arith.constant dense<0x7F800000> : vector<4096xf32>
    %reduce_min3A_680 = vector.multi_reduction <minimumf>, %dot_general3A_670, %reduce_min3A_679 [0] : vector<256x4096xf32> to vector<4096xf32>
    %broadcast_in_dim3A_681 = vector.shape_cast %reduce_min3A_680 : vector<4096xf32> to vector<1x4096xf32>
    %min3A_682 = arith.minimumf %min3A_662, %broadcast_in_dim3A_681 : vector<1x4096xf32>
    %scan3A_683 = arith.constant 10 : i32
    %mul3A_684 = arith.constant 256 : i32
    %mul3A_685 = arith.muli %scan3A_683, %mul3A_684 : i32
    %get3A_686 = arith.constant 0 : index
    %get3A_687 = arith.index_cast %mul3A_685 : i32 to index
    %get3A_688 = vector.load %arg5[%get3A_686, %get3A_687] : memref<8x4096xf32, #tpu.memory_space<vmem>>, vector<8x256xf32>
    %dot_general3A_689 = arith.constant dense<0.000000e+00> : vector<256x4096xf32>
    %dot_general3A_690 = tpu.matmul %get3A_688, %get3A_479, %dot_general3A_689 {dimension_numbers = #tpu.dot_dimension_numbers<[0], [0], [1], [1], [0, 1, 1, 1], [], []>, transpose_lhs_hint = false} : vector<8x256xf32>, vector<8x4096xf32>, vector<256x4096xf32> -> vector<256x4096xf32>
    %reduce_min3A_691 = arith.constant dense<0x7F800000> : vector<256xf32>
    %reduce_min3A_692 = vector.multi_reduction <minimumf>, %dot_general3A_690, %reduce_min3A_691 [1] : vector<256x4096xf32> to vector<256xf32>
    %reduce_sum3A_693 = vector.shape_cast %reduce_min3A_692 : vector<256xf32> to vector<1x256xf32>
    %reduce_sum3A_694 = arith.constant dense<0.000000e+00> : vector<1xf32>
    %reduce_sum3A_695 = vector.multi_reduction <add>, %reduce_sum3A_693, %reduce_sum3A_694 [1] : vector<1x256xf32> to vector<1xf32>
    %reduce_sum3A_696 = vector.shape_cast %reduce_sum3A_695 : vector<1xf32> to vector<1x1xf32>
    %reduce_sum3A_697 = vector.extract %reduce_sum3A_696[0, 0] : f32 from vector<1x1xf32>
    %add3A_698 = arith.addf %add3A_678, %reduce_sum3A_697 : f32
    %reduce_min3A_699 = arith.constant dense<0x7F800000> : vector<4096xf32>
    %reduce_min3A_700 = vector.multi_reduction <minimumf>, %dot_general3A_690, %reduce_min3A_699 [0] : vector<256x4096xf32> to vector<4096xf32>
    %broadcast_in_dim3A_701 = vector.shape_cast %reduce_min3A_700 : vector<4096xf32> to vector<1x4096xf32>
    %min3A_702 = arith.minimumf %min3A_682, %broadcast_in_dim3A_701 : vector<1x4096xf32>
    %scan3A_703 = arith.constant 11 : i32
    %mul3A_704 = arith.constant 256 : i32
    %mul3A_705 = arith.muli %scan3A_703, %mul3A_704 : i32
    %get3A_706 = arith.constant 0 : index
    %get3A_707 = arith.index_cast %mul3A_705 : i32 to index
    %get3A_708 = vector.load %arg5[%get3A_706, %get3A_707] : memref<8x4096xf32, #tpu.memory_space<vmem>>, vector<8x256xf32>
    %dot_general3A_709 = arith.constant dense<0.000000e+00> : vector<256x4096xf32>
    %dot_general3A_710 = tpu.matmul %get3A_708, %get3A_479, %dot_general3A_709 {dimension_numbers = #tpu.dot_dimension_numbers<[0], [0], [1], [1], [0, 1, 1, 1], [], []>, transpose_lhs_hint = false} : vector<8x256xf32>, vector<8x4096xf32>, vector<256x4096xf32> -> vector<256x4096xf32>
    %reduce_min3A_711 = arith.constant dense<0x7F800000> : vector<256xf32>
    %reduce_min3A_712 = vector.multi_reduction <minimumf>, %dot_general3A_710, %reduce_min3A_711 [1] : vector<256x4096xf32> to vector<256xf32>
    %reduce_sum3A_713 = vector.shape_cast %reduce_min3A_712 : vector<256xf32> to vector<1x256xf32>
    %reduce_sum3A_714 = arith.constant dense<0.000000e+00> : vector<1xf32>
    %reduce_sum3A_715 = vector.multi_reduction <add>, %reduce_sum3A_713, %reduce_sum3A_714 [1] : vector<1x256xf32> to vector<1xf32>
    %reduce_sum3A_716 = vector.shape_cast %reduce_sum3A_715 : vector<1xf32> to vector<1x1xf32>
    %reduce_sum3A_717 = vector.extract %reduce_sum3A_716[0, 0] : f32 from vector<1x1xf32>
    %add3A_718 = arith.addf %add3A_698, %reduce_sum3A_717 : f32
    %reduce_min3A_719 = arith.constant dense<0x7F800000> : vector<4096xf32>
    %reduce_min3A_720 = vector.multi_reduction <minimumf>, %dot_general3A_710, %reduce_min3A_719 [0] : vector<256x4096xf32> to vector<4096xf32>
    %broadcast_in_dim3A_721 = vector.shape_cast %reduce_min3A_720 : vector<4096xf32> to vector<1x4096xf32>
    %min3A_722 = arith.minimumf %min3A_702, %broadcast_in_dim3A_721 : vector<1x4096xf32>
    %scan3A_723 = arith.constant 12 : i32
    %mul3A_724 = arith.constant 256 : i32
    %mul3A_725 = arith.muli %scan3A_723, %mul3A_724 : i32
    %get3A_726 = arith.constant 0 : index
    %get3A_727 = arith.index_cast %mul3A_725 : i32 to index
    %get3A_728 = vector.load %arg5[%get3A_726, %get3A_727] : memref<8x4096xf32, #tpu.memory_space<vmem>>, vector<8x256xf32>
    %dot_general3A_729 = arith.constant dense<0.000000e+00> : vector<256x4096xf32>
    %dot_general3A_730 = tpu.matmul %get3A_728, %get3A_479, %dot_general3A_729 {dimension_numbers = #tpu.dot_dimension_numbers<[0], [0], [1], [1], [0, 1, 1, 1], [], []>, transpose_lhs_hint = false} : vector<8x256xf32>, vector<8x4096xf32>, vector<256x4096xf32> -> vector<256x4096xf32>
    %reduce_min3A_731 = arith.constant dense<0x7F800000> : vector<256xf32>
    %reduce_min3A_732 = vector.multi_reduction <minimumf>, %dot_general3A_730, %reduce_min3A_731 [1] : vector<256x4096xf32> to vector<256xf32>
    %reduce_sum3A_733 = vector.shape_cast %reduce_min3A_732 : vector<256xf32> to vector<1x256xf32>
    %reduce_sum3A_734 = arith.constant dense<0.000000e+00> : vector<1xf32>
    %reduce_sum3A_735 = vector.multi_reduction <add>, %reduce_sum3A_733, %reduce_sum3A_734 [1] : vector<1x256xf32> to vector<1xf32>
    %reduce_sum3A_736 = vector.shape_cast %reduce_sum3A_735 : vector<1xf32> to vector<1x1xf32>
    %reduce_sum3A_737 = vector.extract %reduce_sum3A_736[0, 0] : f32 from vector<1x1xf32>
    %add3A_738 = arith.addf %add3A_718, %reduce_sum3A_737 : f32
    %reduce_min3A_739 = arith.constant dense<0x7F800000> : vector<4096xf32>
    %reduce_min3A_740 = vector.multi_reduction <minimumf>, %dot_general3A_730, %reduce_min3A_739 [0] : vector<256x4096xf32> to vector<4096xf32>
    %broadcast_in_dim3A_741 = vector.shape_cast %reduce_min3A_740 : vector<4096xf32> to vector<1x4096xf32>
    %min3A_742 = arith.minimumf %min3A_722, %broadcast_in_dim3A_741 : vector<1x4096xf32>
    %scan3A_743 = arith.constant 13 : i32
    %mul3A_744 = arith.constant 256 : i32
    %mul3A_745 = arith.muli %scan3A_743, %mul3A_744 : i32
    %get3A_746 = arith.constant 0 : index
    %get3A_747 = arith.index_cast %mul3A_745 : i32 to index
    %get3A_748 = vector.load %arg5[%get3A_746, %get3A_747] : memref<8x4096xf32, #tpu.memory_space<vmem>>, vector<8x256xf32>
    %dot_general3A_749 = arith.constant dense<0.000000e+00> : vector<256x4096xf32>
    %dot_general3A_750 = tpu.matmul %get3A_748, %get3A_479, %dot_general3A_749 {dimension_numbers = #tpu.dot_dimension_numbers<[0], [0], [1], [1], [0, 1, 1, 1], [], []>, transpose_lhs_hint = false} : vector<8x256xf32>, vector<8x4096xf32>, vector<256x4096xf32> -> vector<256x4096xf32>
    %reduce_min3A_751 = arith.constant dense<0x7F800000> : vector<256xf32>
    %reduce_min3A_752 = vector.multi_reduction <minimumf>, %dot_general3A_750, %reduce_min3A_751 [1] : vector<256x4096xf32> to vector<256xf32>
    %reduce_sum3A_753 = vector.shape_cast %reduce_min3A_752 : vector<256xf32> to vector<1x256xf32>
    %reduce_sum3A_754 = arith.constant dense<0.000000e+00> : vector<1xf32>
    %reduce_sum3A_755 = vector.multi_reduction <add>, %reduce_sum3A_753, %reduce_sum3A_754 [1] : vector<1x256xf32> to vector<1xf32>
    %reduce_sum3A_756 = vector.shape_cast %reduce_sum3A_755 : vector<1xf32> to vector<1x1xf32>
    %reduce_sum3A_757 = vector.extract %reduce_sum3A_756[0, 0] : f32 from vector<1x1xf32>
    %add3A_758 = arith.addf %add3A_738, %reduce_sum3A_757 : f32
    %reduce_min3A_759 = arith.constant dense<0x7F800000> : vector<4096xf32>
    %reduce_min3A_760 = vector.multi_reduction <minimumf>, %dot_general3A_750, %reduce_min3A_759 [0] : vector<256x4096xf32> to vector<4096xf32>
    %broadcast_in_dim3A_761 = vector.shape_cast %reduce_min3A_760 : vector<4096xf32> to vector<1x4096xf32>
    %min3A_762 = arith.minimumf %min3A_742, %broadcast_in_dim3A_761 : vector<1x4096xf32>
    %scan3A_763 = arith.constant 14 : i32
    %mul3A_764 = arith.constant 256 : i32
    %mul3A_765 = arith.muli %scan3A_763, %mul3A_764 : i32
    %get3A_766 = arith.constant 0 : index
    %get3A_767 = arith.index_cast %mul3A_765 : i32 to index
    %get3A_768 = vector.load %arg5[%get3A_766, %get3A_767] : memref<8x4096xf32, #tpu.memory_space<vmem>>, vector<8x256xf32>
    %dot_general3A_769 = arith.constant dense<0.000000e+00> : vector<256x4096xf32>
    %dot_general3A_770 = tpu.matmul %get3A_768, %get3A_479, %dot_general3A_769 {dimension_numbers = #tpu.dot_dimension_numbers<[0], [0], [1], [1], [0, 1, 1, 1], [], []>, transpose_lhs_hint = false} : vector<8x256xf32>, vector<8x4096xf32>, vector<256x4096xf32> -> vector<256x4096xf32>
    %reduce_min3A_771 = arith.constant dense<0x7F800000> : vector<256xf32>
    %reduce_min3A_772 = vector.multi_reduction <minimumf>, %dot_general3A_770, %reduce_min3A_771 [1] : vector<256x4096xf32> to vector<256xf32>
    %reduce_sum3A_773 = vector.shape_cast %reduce_min3A_772 : vector<256xf32> to vector<1x256xf32>
    %reduce_sum3A_774 = arith.constant dense<0.000000e+00> : vector<1xf32>
    %reduce_sum3A_775 = vector.multi_reduction <add>, %reduce_sum3A_773, %reduce_sum3A_774 [1] : vector<1x256xf32> to vector<1xf32>
    %reduce_sum3A_776 = vector.shape_cast %reduce_sum3A_775 : vector<1xf32> to vector<1x1xf32>
    %reduce_sum3A_777 = vector.extract %reduce_sum3A_776[0, 0] : f32 from vector<1x1xf32>
    %add3A_778 = arith.addf %add3A_758, %reduce_sum3A_777 : f32
    %reduce_min3A_779 = arith.constant dense<0x7F800000> : vector<4096xf32>
    %reduce_min3A_780 = vector.multi_reduction <minimumf>, %dot_general3A_770, %reduce_min3A_779 [0] : vector<256x4096xf32> to vector<4096xf32>
    %broadcast_in_dim3A_781 = vector.shape_cast %reduce_min3A_780 : vector<4096xf32> to vector<1x4096xf32>
    %min3A_782 = arith.minimumf %min3A_762, %broadcast_in_dim3A_781 : vector<1x4096xf32>
    %scan3A_783 = arith.constant 15 : i32
    %mul3A_784 = arith.constant 256 : i32
    %mul3A_785 = arith.muli %scan3A_783, %mul3A_784 : i32
    %get3A_786 = arith.constant 0 : index
    %get3A_787 = arith.index_cast %mul3A_785 : i32 to index
    %get3A_788 = vector.load %arg5[%get3A_786, %get3A_787] : memref<8x4096xf32, #tpu.memory_space<vmem>>, vector<8x256xf32>
    %dot_general3A_789 = arith.constant dense<0.000000e+00> : vector<256x4096xf32>
    %dot_general3A_790 = tpu.matmul %get3A_788, %get3A_479, %dot_general3A_789 {dimension_numbers = #tpu.dot_dimension_numbers<[0], [0], [1], [1], [0, 1, 1, 1], [], []>, transpose_lhs_hint = false} : vector<8x256xf32>, vector<8x4096xf32>, vector<256x4096xf32> -> vector<256x4096xf32>
    %reduce_min3A_791 = arith.constant dense<0x7F800000> : vector<256xf32>
    %reduce_min3A_792 = vector.multi_reduction <minimumf>, %dot_general3A_790, %reduce_min3A_791 [1] : vector<256x4096xf32> to vector<256xf32>
    %reduce_sum3A_793 = vector.shape_cast %reduce_min3A_792 : vector<256xf32> to vector<1x256xf32>
    %reduce_sum3A_794 = arith.constant dense<0.000000e+00> : vector<1xf32>
    %reduce_sum3A_795 = vector.multi_reduction <add>, %reduce_sum3A_793, %reduce_sum3A_794 [1] : vector<1x256xf32> to vector<1xf32>
    %reduce_sum3A_796 = vector.shape_cast %reduce_sum3A_795 : vector<1xf32> to vector<1x1xf32>
    %reduce_sum3A_797 = vector.extract %reduce_sum3A_796[0, 0] : f32 from vector<1x1xf32>
    %add3A_798 = arith.addf %add3A_778, %reduce_sum3A_797 : f32
    %reduce_min3A_799 = arith.constant dense<0x7F800000> : vector<4096xf32>
    %reduce_min3A_800 = vector.multi_reduction <minimumf>, %dot_general3A_790, %reduce_min3A_799 [0] : vector<256x4096xf32> to vector<4096xf32>
    %broadcast_in_dim3A_801 = vector.shape_cast %reduce_min3A_800 : vector<4096xf32> to vector<1x4096xf32>
    %min3A_802 = arith.minimumf %min3A_782, %broadcast_in_dim3A_801 : vector<1x4096xf32>
    %scan3A_803 = arith.constant 16 : i32
    %add3A_804 = arith.addf %add3A_419, %add3A_798 : f32
    %reduce_sum3A_805 = vector.shape_cast %min3A_802 : vector<1x4096xf32> to vector<1x1x4096xf32>
    %reduce_sum3A_806 = arith.constant dense<0.000000e+00> : vector<1xf32>
    %reduce_sum3A_807 = vector.multi_reduction <add>, %reduce_sum3A_805, %reduce_sum3A_806 [1, 2] : vector<1x1x4096xf32> to vector<1xf32>
    %reduce_sum3A_808 = vector.shape_cast %reduce_sum3A_807 : vector<1xf32> to vector<1x1x1xf32>
    %reduce_sum3A_809 = vector.extract %reduce_sum3A_808[0, 0, 0] : f32 from vector<1x1x1xf32>
    %add3A_810 = arith.addf %add3A_804, %reduce_sum3A_809 : f32
    %eq3A = arith.constant 0 : i32
    %eq3A_811 = arith.cmpi eq, %arg0, %eq3A : i32
    %convert_element_type3A_812 = arith.extui %eq3A_811 : i1 to i32
    %cond3A = arith.constant 0 : i32
    %cond3A_813 = arith.cmpi ne, %convert_element_type3A_812, %cond3A : i32
    scf.if %cond3A_813 {
      %swap3A_821 = arith.constant 0.000000e+00 : f32
      %swap3A_822 = arith.constant 0 : index
      %swap3A_823 = memref.load %arg3[%swap3A_822] : memref<1xf32, #tpu.memory_space<smem>>
      memref.store %swap3A_821, %arg3[%swap3A_822] : memref<1xf32, #tpu.memory_space<smem>>
    } else {
    }
    %get3A_814 = arith.constant 0 : index
    %get3A_815 = memref.load %arg3[%get3A_814] : memref<1xf32, #tpu.memory_space<smem>>
    %mul3A_816 = arith.constant 6.10351563E-5 : f32
    %mul3A_817 = arith.mulf %add3A_810, %mul3A_816 : f32
    %add3A_818 = arith.addf %get3A_815, %mul3A_817 : f32
    %swap3A_819 = arith.constant 0 : index
    %swap3A_820 = memref.load %arg3[%swap3A_819] : memref<1xf32, #tpu.memory_space<smem>>
    memref.store %add3A_818, %arg3[%swap3A_819] : memref<1xf32, #tpu.memory_space<smem>>
    return
  }
  func.func @transform_0(%arg0: i32) -> (i32, i32, i32) {
    %c0_i32 = arith.constant 0 : i32
    %c0_i32_0 = arith.constant 0 : i32
    %c0_i32_1 = arith.constant 0 : i32
    return %arg0, %c0_i32, %c0_i32_0 : i32, i32, i32
  }
  func.func @transform_1(%arg0: i32) -> (i32, i32, i32) {
    %add3A = arith.constant 4 : i32
    %add3A_0 = arith.addi %arg0, %add3A : i32
    %c0_i32 = arith.constant 0 : i32
    %c0_i32_1 = arith.constant 0 : i32
    %c0_i32_2 = arith.constant 0 : i32
    return %add3A_0, %c0_i32, %c0_i32_1 : i32, i32, i32
  }
  func.func @transform_2(%arg0: i32) -> i32 {
    %c0_i32 = arith.constant 0 : i32
    %c0_i32_0 = arith.constant 0 : i32
    return %c0_i32 : i32
  }
  func.func @transform_3(%arg0: i32) -> (i32, i32, i32) {
    %c0_i32 = arith.constant 0 : i32
    %c0_i32_0 = arith.constant 0 : i32
    %c0_i32_1 = arith.constant 0 : i32
    return %arg0, %c0_i32, %c0_i32_0 : i32, i32, i32
  }
}

</mosaic_0001>

<sc_bundles>
// kernel: kernel.4.cloned.1.call-start
scs
__scs_entry_jumppad:
0x0: {  	(pc) =	sbr.rel $0x88, $3  }
0x1: {  	(tag) =	ssettag $0x0;
	lr =	simm.s32 $0x1  }
0x2: {  	[smem:$0x3F9F] =	sst lr;
	_ =	strace $0xD0000000  }
0x3: {  	_ = 	snop  }
0x4: {  	_ = 	snop  }
0x5: {  	_ = 	snop  }
0x6: {  	_ = 	snop  }
0x7: {  	_ = 	snop  }
__scs_overlays_trampoline_lowered:
0x8: {  	[smem:$0x3FAE] =	sst s0  }
0x9: {  	[smem:$0x3FAF] =	sst s1  }
0xa: {  	[smem:$0x3FB0] =	sst s2  }
0xb: {  	[smem:$0x3FB1] =	sst s3  }
0xc: {  	[smem:$0x3FB2] =	sst s4  }
0xd: {  	[smem:$0x3FB3] =	sst s5  }
0xe: {  	[smem:$0x3FB4] =	sst s6  }
0xf: {  	[smem:$0x3FB5] =	sst s7  }
0x10: {  	[smem:$0x3FB6] =	sst s8  }
0x11: {  	[smem:$0x3FB7] =	sst s9;
	s0 =	simm.s32 @!p0 $0x0  }
0x12: {  	s1 =	sld [smem:$0x3F9D];
	s0 =	simm.s32 @p0 $0x1  }
0x13: {  	[smem:$0x3FB8] =	sst s0;
	s0 =	simm.s32 @!p1 $0x0  }
0x14: {  	s2 =	sld [smem:$0x3F9C];
	s0 =	simm.s32 @p1 $0x1  }
0x15: {  	[smem:$0x3FB9] =	sst s0;
	s0 =	simm.s32 @!p2 $0x0  }
0x16: {  	s3 =	sld [smem:$0x3FDB];
	s0 =	simm.s32 @p2 $0x1  }
0x17: {  	s4 =	simm.s32 $0x1BF5;
	[smem:$0x3FBB] =	sst s0  }
0x18: {  	s0 =	sld [smem:$0x3F9E];
	_ =	swait.ge [sflag:s4], $0x0  }
0x19: {  	s7 =	sld [smem:$0x3F9F]  }
0x1a: {  	s8 =	sadd.s32 $0xFFFFE003, lr  }
0x1b: {  	s9 =	sadd.s32 $0xFFFFFEF7, lr;
	s5 =	simm.s32 $0xFFFFFFFF;
	p2 =	slt.u32 s8, $0xFFFFF086  }
0x1c: {  	p1 =	slt.u32 s9, $0xF7A;
	s5 =	simm.s32 @!p2 $0x0  }
0x1d: {  	s5 =	simm.s32 @p1 $0x1;
	p0 =	seq.s32 s7, s2  }
0x1e: {  	s7 =	smul.u32 @!p0 $0xF7A, s2;
	p2 =	seq.s32 @!p0 s5, $0x0  }
0x1f: {  	s9 =	smul.u32 $0xF7A, s1;
	s8 =	simm.s32 @!p0 $0x1BF5;
	p2 =	por !p2, p0  }
0x20: {  	[sflag:s8] =	ssyncset.s32 @!p0 $0xFFFFF086;
	s6 =	sadd.s32 @!p0 s3, s7;
	s7 =	simm.s32 @!p0 $0x108  }
0x21: {  	s3 =	sadd.s32 s3, s9;
	s6 =	sadd.s32 @!p0 $0x88, s6;
	s7 =	simm.s32 @p2 $0x1082  }
0x22: {  	[simem:s7], [sflag:s8] =	dma.local @!p0 [hbm:s6], $0xF7A  }
0x23: {  	s9 =	sor.u32 $0xD0000000, s2;
	s6 =	simm.s32 $0x108;
	_ =	swait.ge @!p0 [sflag:s8], $0x0  }
0x24: {  	s3 =	sadd.s32 $0x88, s3;
	s6 =	simm.s32 @!p1 $0x1082;
	[sflag:s4] =	ssyncset.s32 $0xFFFFF086  }
0x25: {  	[simem:s6], [sflag:s4] =	dma.local [hbm:s3], $0xF7A  }
0x26: {  	[smem:$0x3F9F] =	sst s1;
	(tag) =	ssettag s2;
	_ =	strace s9  }
0x27: {  	s1 =	sld [smem:$0x3FAF]  }
0x28: {  	s2 =	sld [smem:$0x3FB0]  }
0x29: {  	s4 =	sld [smem:$0x3FB2]  }
0x2a: {  	p0 =	seq.s32 s5, $0x0;
	s5 =	sld [smem:$0x3FB3]  }
0x2b: {  	s6 =	sld [smem:$0x3FB4]  }
0x2c: {  	s7 =	sld [smem:$0x3FB5]  }
0x2d: {  	s3 =	simm.s32 $0x108;
	s8 =	sld [smem:$0x3FB6]  }
0x2e: {  	s3 =	simm.s32 @!p0 $0x1082;
	s9 =	sld [smem:$0x3FB7]  }
0x2f: {  	lr =	sadd.s32 s0, s3;
	s0 =	sld [smem:$0x3FAE]  }
0x30: {  	s3 =	sld [smem:$0x3FB1]  }
0x31: {  	[smem:$0x3FBA] =	sst s10  }
0x32: {  	s10 =	sld [smem:$0x3FB8];
	_ =	sdelay $0x3  }
0x33: {  	p0 =	seq.s32 s10, $0x1;
	s10 =	sld [smem:$0x3FBA];
	_ =	sdelay $0x3  }
0x34: {  	[smem:$0x3FBA] =	sst s10  }
0x35: {  	s10 =	sld [smem:$0x3FB9];
	_ =	sdelay $0x3  }
0x36: {  	p1 =	seq.s32 s10, $0x1;
	s10 =	sld [smem:$0x3FBA];
	_ =	sdelay $0x3  }
0x37: {  	[smem:$0x3FBA] =	sst s10  }
0x38: {  	s10 =	sld [smem:$0x3FBB]  }
0x39: {  	_ = 	snop;
	(pc) =	sbr.ind lr, $3  }
0x3a: {  	_ = 	snop  }
0x3b: {  	_ = 	snop  }
0x3c: {  	p2 =	seq.s32 s10, $0x1;
	s10 =	sld [smem:$0x3FBA]  }
0x3d: {  	_ =	shalt  }
0x3e: {  	_ =	shalt  }
0x3f: {  	_ =	shalt  }
0x40: {  	_ =	shalt  }
0x41: {  	_ =	shalt  }
0x42: {  	_ =	shalt  }
0x43: {  	_ =	shalt  }
0x44: {  	_ =	shalt  }
0x45: {  	_ =	shalt  }
0x46: {  	_ =	shalt  }
0x47: {  	_ =	shalt  }
0x48: {  	_ =	shalt  }
0x49: {  	_ =	shalt  }
0x4a: {  	_ =	shalt  }
0x4b: {  	_ =	shalt  }
0x4c: {  	_ =	shalt  }
0x4d: {  	_ =	shalt  }
0x4e: {  	_ =	shalt  }
0x4f: {  	_ =	shalt  }
0x50: {  	_ =	shalt  }
0x51: {  	_ =	shalt  }
0x52: {  	_ =	shalt  }
0x53: {  	_ =	shalt  }
0x54: {  	_ =	shalt  }
0x55: {  	_ =	shalt  }
0x56: {  	_ =	shalt  }
0x57: {  	_ =	shalt  }
0x58: {  	_ =	shalt  }
0x59: {  	_ =	shalt  }
0x5a: {  	_ =	shalt  }
0x5b: {  	_ =	shalt  }
0x5c: {  	_ =	shalt  }
0x5d: {  	_ =	shalt  }
0x5e: {  	_ =	shalt  }
0x5f: {  	_ =	shalt  }
0x60: {  	_ =	shalt  }
0x61: {  	_ =	shalt  }
0x62: {  	_ =	shalt  }
0x63: {  	_ =	shalt  }
0x64: {  	_ =	shalt  }
0x65: {  	_ =	shalt  }
0x66: {  	_ =	shalt  }
0x67: {  	_ =	shalt  }
0x68: {  	_ =	shalt  }
0x69: {  	_ =	shalt  }
0x6a: {  	_ =	shalt  }
0x6b: {  	_ =	shalt  }
0x6c: {  	_ =	shalt  }
0x6d: {  	_ =	shalt  }
0x6e: {  	_ =	shalt  }
0x6f: {  	_ =	shalt  }
0x70: {  	_ =	shalt  }
0x71: {  	_ =	shalt  }
0x72: {  	_ =	shalt  }
0x73: {  	_ =	shalt  }
0x74: {  	_ =	shalt  }
0x75: {  	_ =	shalt  }
0x76: {  	_ =	shalt  }
0x77: {  	_ =	shalt  }
0x78: {  	_ =	shalt  }
0x79: {  	_ =	shalt  }
0x7a: {  	_ =	shalt  }
0x7b: {  	_ =	shalt  }
0x7c: {  	_ =	shalt  }
0x7d: {  	_ =	shalt  }
0x7e: {  	_ =	shalt  }
0x7f: {  	_ =	shalt  }
0x80: {  	_ =	shalt  }
0x81: {  	_ =	shalt  }
0x82: {  	_ =	shalt  }
0x83: {  	_ =	shalt  }
0x84: {  	_ =	shalt  }
0x85: {  	_ =	shalt  }
0x86: {  	_ =	shalt  }
0x87: {  	_ =	shalt  }
.Lfunc_end0:
.L_simem_size_0:
called_computation_lowered:
.L_overlay_start_0:
0x88: {  	s2 =	sld [smem:$0x3FD9]  }
0x89: {  	s3 =	sld [smem:$0x3FFE];
	_ =	sdelay $0x1  }
0x8a: {  	s1 =	srdreg.scid  }
0x8b: {  	s0 =	sand.u32 $0x1, s1  }
0x8c: {  	s16 =	sshll.u32 s0, $0xA;
	s2 =	sadd.s32 s3, s2  }
0x8d: {  	s2 =	sadd.s32 s2, s16  }
0x8e: {  	[smem:$0x3FC6] =	sst s2  }
0x8f: {  	_ = 	snop  }
0x90: {  	(tm) =	ssettm $0x1  }
0x91: {  	s17 =	sld [smem:$0x3FFB];
	_ =	sdelay $0x3  }
0x92: {  	_ =	strace s17  }
0x93: {  	s2 =	sld [smem:$0x3FFC];
	_ =	sdelay $0x3  }
0x94: {  	_ =	strace s2  }
0x95: {  	s2 =	sld [smem:$0x3FFD];
	_ =	sdelay $0x3  }
0x96: {  	_ =	strace s2  }
0x97: {  	_ =	strace $0x8FFFFFFF  }
0x98: {  	s18 =	sld [smem:$0x3FDB];
	_ =	sdelay $0x1  }
0x99: {  	s19 =	simm.s32 $_scs_section_size  }
0x9a: {  	s4 =	simm.s32 $_size__tile_overlayer_lowered;
	s5 =	simm.s32 $_tile_overlayer_lowered  }
0x9b: {  	s22 =	simm.s32 $0x1BFF;
	s21 =	sshll.u32 s5, $0x1;
	s2 =	sadd.s32 s19, s18  }
0x9c: {  	s6 =	simm.s32 $0x0;
	s20 =	sshll.u32 s4, $0x1;
	s4 =	sadd.s32 s21, s2  }
0x9d: {  	[timem:s6], [sflag:s22] =	dma.local [hbm:s4], s20  }
0x9e: {  	_ =	swait.ge [sflag:s22], s20  }
0x9f: {  	s3 =	ssub.s32 $0x0, s20;
	[sflag:s22] =	ssyncset.done $0x0  }
0xa0: {  	[sflag:s22] =	ssyncadd.s32 s3;
	_ =	sdelay $0x1  }
0xa1: {  	s23 =	simm.s32 $0x1B8B  }
0xa2: {  	_ =	swait.ge [sflag:s23], $0x1  }
0xa3: {  	[sflag:s23] =	ssyncset.done $0x0  }
0xa4: {  	s25 =	simm.s32 $0x1B8E;
	s24 =	sld [smem:$0x3FFE];
	[sflag:s23] =	ssyncadd.s32 $0xFFFFFFFF  }
0xa5: {  	s26 =	simm.s32 $execute0_lowered;
	[smem:$0x3FD2] =	sst s25  }
0xa6: {  	s4 =	sshll.u32 s26, $0x1;
	_ =	strace $0x80000046;
	[dreg:$0x1] =	wrdreg $0xFFFFFFFF  }
0xa7: {  	s28 =	simm.s32 $_size_execute0_lowered;
	s2 =	sadd.s32 s2, s4;
	[dreg:$0x0] =	wrdreg $0x0  }
0xa8: {  	s4 =	sshll.u32 s28, $0x1;
	[dreg:$0x2] =	wrdreg s2  }
0xa9: {  	[dreg:$0x3] =	wrdreg s4  }
0xaa: {  	[dreg:$0x4] =	wrdreg $0xC0  }
0xab: {  	_ =	task [dreg:s6], $0x5FFFF  }
0xac: {  	[dreg:$0x1] =	wrdreg $0xFFFFFFFF  }
0xad: {  	[dreg:$0x0] =	wrdreg $0x60  }
0xae: {  	[dreg:$0x2] =	wrdreg s24  }
0xaf: {  	[dreg:$0x3] =	wrdreg $0x9  }
0xb0: {  	_ =	task.clear_ibuf [dreg:s6], $0x4FFFF;
	_ =	strace $0x90000046  }
0xb1: {  	s29 =	simm.s32 $0x9;
	_ =	strace $0x80000048  }
0xb2: {  	_ =	swait.ge [sflag:s29], $0x1  }
0xb3: {  	[sflag:s29] =	ssyncadd.s32 $0xFFFFFFFF  }
0xb4: {  	_ =	strace $0x90000048  }
0xb5: {  	_ =	sfence  }
0xb6: {  	s30 =	sld [smem:$0x0];
	_ =	sdelay $0x2  }
0xb7: {  	s31 =	sshll.u32 s1, $0xD;
	s1 =	sshrl.u32 s1, $0x2  }
0xb8: {  	s3 =	sand.u32 $0x4000, s31;
	s1 =	sadd.s32 s1, s30  }
0xb9: {  	s0 =	sor.u32 s3, s0;
	s1 =	sshll.u32 s1, $0x11  }
0xba: {  	s0 =	sor.u32 s1, s0  }
0xbb: {  	s0 =	sadd.s32 $0x8F2B, s0  }
0xbc: {  	[sflag:s0] =	ssyncadd.remote.s32 $0x1  }
0xbd: {  	_ =	sfence.sel $0xFFFF  }
0xbe: {  	[dreg:$0x0] =	wrdreg $0xFFFFFFFF;
	(pc) =	sbr.abs _section_cstart, $3  }
0xbf: {  	[dreg:$0x1] =	wrdreg $0xFFFFFFFF  }
0xc0: {  	_ =	task.clear_ibuf [dreg:s6], $0x2FFFF;
	_ =	strace $0x9FFFFFFF  }
0xc1: {  	(tm) =	ssettm $0x7FFFFFFF  }
tec
execute0_lowered:
.L_overlay_start_1:
0x0: {  	(tag) =	ssettag $0x1  }
0x1: {  	s1 =	srdreg.scid;
	s0 =	stileid.u32  }
0x2: {  	s5 =	rddreg [dreg:$0x0];
	s12 =	simm.s32 $0x4000;
	s13 =	simm.s32 $0x8000  }
0x3: {  	s14 =	simm.s32 $0x80;
	s15 =	simm.s32 $0x400;
	s16 =	simm.s32 $0x8080  }
0x4: {  	s17 =	simm.s32 $0x0;
	s3 =	sand.u32 $0x1, s1;
	s23 =	sshll.u32 s0, $0x1  }
0x5: {  	v0 =	vimm.s32 $0xFEDCBA98;
	v1 =	vimm.s32 $0x76543210;
	s6 =	sshrl.u32 s0, $0x2;
	s1 =	rddreg [dreg:$0x1];
	s29 =	sshll.u32 s0, $0x8  }
0x6: {  	v2 =	vimm.s32 $0xBA98FEDC;
	v3 =	vimm.s32 $0x32107654;
	s4 =	sor.u32 s3, s23;
	s7 =	sshll.u32 s6, $0xA;
	s9 =	sshll.u32 s6, $0xF  }
0x7: {  	v4 =	vimm.s32 $0xDCFE98BA;
	v5 =	vimm.s32 $0x54761032;
	s3 =	ssub.s32 $0x2, s3;
	s6 =	sshll.u32 s6, $0xB;
	s2 =	sshll.u32 s4, $0x7  }
0x8: {  	v6 =	vimm.s32 $0xEFCDAB89;
	v7 =	vimm.s32 $0x67452301;
	s4 =	sshll.u32 s4, $0x5;
	s26 =	sshrl.u32 s3, $0x1;
	s8 =	sand.u32 $0x380, s2  }
0x9: {  	v0 =	vunpack.c.l.s4.s8 v0;
	v1 =	vunpack.c.l.s4.s8 v1;
	v2 =	vunpack.c.l.s4.s8 v2;
	s2 =	simm.s32 $0x0;
	s28 =	sor.u32 $0xF10, s4;
	s11 =	ssub.s32 s3, s26  }
0xa: {  	v3 =	vunpack.c.l.s4.s8 v3;
	v4 =	vunpack.c.l.s4.s8 v4;
	v5 =	vunpack.c.l.s4.s8 v5;
	s3 =	sadd.s32 s5, s6;
	s4 =	sand.u32 $0x60, s4;
	s7 =	sor.u32 s7, s8  }
0xb: {  	v6 =	vunpack.c.l.s4.s8 v6;
	v7 =	vunpack.c.l.s4.s8 v7;
	v0 =	vunpack.c.0.s8.s32 v0;
	[smem:$0x7FF] =	sst s2;
	s8 =	sor.u32 s9, s8;
	s30 =	sshll.u32 s28, $0x2  }
0xc: {  	v2 =	vunpack.c.0.s8.s32 v2;
	v3 =	vunpack.c.0.s8.s32 v3;
	v4 =	vunpack.c.0.s8.s32 v4;
	s7 =	sshrl.u32 s7, $0x3;
	_ =	strace $0x80000047;
	s25 =	sshrl.u32 s8, $0x3  }
0xd: {  	v5 =	vunpack.c.0.s8.s32 v5;
	v6 =	vunpack.c.0.s8.s32 v6;
	v7 =	vunpack.c.0.s8.s32 v7;
	s8 =	sand.u32 $0x70, s28;
	s6 =	sand.u32 $0x3E00, s30;
	s24 =	sadd.s32 s7, s5  }
0xe: {  	v1 =	vunpack.c.0.s8.s32 v1;
	v2 =	vcombine.low v3, v2;
	s10 =	sadd.s32 s25, s5;
	s5 =	sand.u32 $0x200, s29;
	s6 =	sor.u32 s8, s6  }
0xf: {  	v3 =	vcombine.low v5, v4;
	v4 =	vand.u32 $0xF, v0;
	v5 =	vcombine.low v7, v6;
	s31 =	sor.u32 s4, s5;
	s4 =	sadd.s32 $0x2000, s3;
	s6 =	sor.u32 $0x4000, s6  }
0x10: {  	v0 =	vimm.f32 $+Inf;
	v1 =	vcombine.low v4, v1;
	s8 =	sadd.s32 $0x4000, s24;
	s9 =	sadd.s32 $0x4200, s10;
	s10 =	smax.u32 s11, $0x1  }
0x11: {  	v2 =	vand.u32 $0xF, v2;
	v3 =	vand.u32 $0xF, v3;
	v4 =	vand.u32 $0xF, v5;
	s11 =	simm.s32 $0x1;
	s5 =	sor.u32 $0x7C00, s31;
	s7 =	sor.u32 $0x4000, s31  }
.LBB2_1:
0x12: {  	[tilespmem:s2], [sflag:$0x1] =	stream.linear.gather [hbm4b:s4+s2], $0x4000, $0x38;
	[tilespmem:$0x9080] =	vst v63  }
0x13: {  	_ =	swait.ge [sflag:s11], $0x4000  }
0x14: {  	[sflag:s11] =	ssyncset.done $0x0  }
0x15: {  	[sflag:s11] =	ssyncadd.s32 $0xFFFFC000  }
0x16: {  	[tilespmem:s12], [sflag:$0x1] =	stream.linear.gather [hbm4b:s3+s2], $0x4000, $0x38;
	[tilespmem:$0x9080] =	vst v63  }
0x17: {  	_ =	swait.ge [sflag:s11], $0x4000  }
0x18: {  	[sflag:s11] =	ssyncset.done $0x0  }
0x19: {  	s18 =	simm.s32 $0x40;
	s19 =	simm.s32 $0x0;
	[sflag:s11] =	ssyncadd.s32 $0xFFFFC000  }
.LBB2_2:
0x1a: {  	p0 =	sne.s32 s18, $0x3FC0;
	[tilespmem:s19+$0x8080] =	vst v0;
	s19 =	smov.u32 s18;
	s18 =	sadd.s32 $0x40, s18  }
.Ltmp0:
0x1b: {  	(pc) =	sbr.rel @p0 .LBB2_2-.Ltmp0, $2  }
0x1c: {  	_ =	sdelay $0x2  }
0x1d: {  	s19 =	sshra.s32 s19, $0x2  }
0x1e: {  	[tilespmem:s19+$0x8080] =	vst v0  }
0x1f: {  	v34 =	vld [tilespmem:s5+$0x0]  }
0x20: {  	v32 =	vld [tilespmem:s7+$0x3C80]  }
0x21: {  	v33 =	vld [tilespmem:s7+$0x3D00];
	_ =	sdelay $0x3  }
0x22: {  	v12 =	vbroadcast v34, $0x0;
	v13 =	vbroadcast v32, $0x0  }
0x23: {  	s18 =	simm.s32 $0x0;
	v17 =	vbroadcast v33, $0x0;
	v14 =	vbroadcast v34, $0x1  }
0x24: {  	v8 =	vimm.f32 $+Inf;
	v5 =	vld [tilespmem:s6+$0x0];
	s31 =	sand.u32 $0x70, s18;
	s20 =	sand.u32 $0x3E00, s18;
	v15 =	vbroadcast v32, $0x1;
	v19 =	vbroadcast v33, $0x1  }
0x25: {  	v11 =	vimm.f32 $+Inf;
	v6 =	vld [tilespmem:s6+$0x80];
	s20 =	sor.u32 s31, s20;
	v20 =	vbroadcast v34, $0x2;
	v16 =	vbroadcast v32, $0x2  }
0x26: {  	v9 =	vimm.f32 $+Inf;
	v24 =	vld [tilespmem:s20+$0x100];
	v22 =	vbroadcast v33, $0x2;
	v21 =	vbroadcast v34, $0x3  }
0x27: {  	s19 =	simm.s32 $0x10;
	v10 =	vimm.f32 $+Inf;
	v7 =	vld [tilespmem:s6+$0x100];
	v18 =	vbroadcast v32, $0x3;
	v23 =	vbroadcast v33, $0x3  }
.LBB2_4:
0x28: {  	p0 =	sne.s32 s19, $0xFF0;
	v25 =	vld [tilespmem:s20+$0x0]  }
0x29: {  	v26 =	vld [tilespmem:s20+$0x80];
	_ =	sdelay $0x1  }
0x2a: {  	v27 =	vsub.f32 v24, v22;
	v28 =	vsub.f32 v24, v23  }
0x2b: {  	v29 =	vsub.f32 v24, v17;
	v24 =	vsub.f32 v24, v19  }
0x2c: {  	v30 =	vsub.f32 v25, v20;
	v31 =	vsub.f32 v25, v21  }
0x2d: {  	v35 =	vsub.f32 v25, v12;
	v24 =	vmul.f32 v24, v24;
	v36 =	vsub.f32 v26, v13  }
0x2e: {  	v29 =	vmul.f32 v29, v29;
	v25 =	vsub.f32 v25, v14;
	v37 =	vsub.f32 v26, v15  }
0x2f: {  	s21 =	sshra.s32 s18, $0x2;
	v38 =	vsub.f32 v26, v16;
	v35 =	vmul.f32 v35, v35;
	v36 =	vmul.f32 v36, v36  }
0x30: {  	v26 =	vsub.f32 v26, v18;
	v25 =	vmul.f32 v25, v25;
	v37 =	vmul.f32 v37, v37;
	v39 =	vld [tilespmem:s21+$0x8080]  }
0x31: {  	v30 =	vmul.f32 v30, v30;
	v35 =	vadd.f32 v36, v35;
	v36 =	vmul.f32 v38, v38  }
0x32: {  	v31 =	vmul.f32 v31, v31;
	v26 =	vmul.f32 v26, v26;
	v25 =	vadd.f32 v37, v25  }
0x33: {  	v27 =	vmul.f32 v27, v27;
	v29 =	vadd.f32 v29, v35;
	v30 =	vadd.f32 v36, v30  }
0x34: {  	v24 =	vadd.f32 v24, v25;
	v25 =	vadd.f32 v26, v31;
	v26 =	vmul.f32 v28, v28  }
0x35: {  	v8 =	vmin.f32 v8, v29;
	v28 =	vmin.f32 v39, v29;
	v27 =	vadd.f32 v27, v30  }
0x36: {  	v11 =	vmin.f32 v11, v24;
	v25 =	vadd.f32 v26, v25;
	v24 =	vmin.f32 v28, v24  }
.Ltmp1:
0x37: {  	s18 =	sadd.s32 $0x40, s18;
	v9 =	vmin.f32 v9, v27;
	v24 =	vmin.f32 v24, v27;
	(pc) =	sbr.rel @p0 .LBB2_4-.Ltmp1, $4  }
0x38: {  	s20 =	sand.u32 $0x70, s19;
	s22 =	sand.u32 $0x3E00, s18;
	v10 =	vmin.f32 v10, v25;
	v24 =	vmin.f32 v24, v25  }
0x39: {  	s20 =	sor.u32 s20, s22;
	[tilespmem:s21+$0x8080] =	vst v24  }
0x3a: {  	v24 =	vld [tilespmem:s20+$0x100]  }
0x3b: {  	s19 =	sadd.s32 $0x10, s19  }
0x3c: {  	v25 =	vld [tilespmem:s20+$0x0]  }
0x3d: {  	v26 =	vld [tilespmem:s20+$0x80];
	_ =	sdelay $0x1  }
0x3e: {  	v22 =	vsub.f32 v24, v22  }
0x3f: {  	v23 =	vsub.f32 v24, v23;
	v17 =	vsub.f32 v24, v17  }
0x40: {  	v20 =	vsub.f32 v25, v20;
	v21 =	vsub.f32 v25, v21  }
0x41: {  	v12 =	vsub.f32 v25, v12;
	v13 =	vsub.f32 v26, v13  }
0x42: {  	v17 =	vmul.f32 v17, v17;
	v14 =	vsub.f32 v25, v14;
	v15 =	vsub.f32 v26, v15  }
0x43: {  	v16 =	vsub.f32 v26, v16;
	v12 =	vmul.f32 v12, v12;
	v13 =	vmul.f32 v13, v13  }
0x44: {  	v18 =	vsub.f32 v26, v18;
	v14 =	vmul.f32 v14, v14;
	v15 =	vmul.f32 v15, v15  }
0x45: {  	v16 =	vmul.f32 v16, v16;
	v12 =	vadd.f32 v13, v12;
	v13 =	vmul.f32 v20, v20  }
0x46: {  	v18 =	vmul.f32 v18, v18;
	v14 =	vadd.f32 v15, v14;
	v15 =	vmul.f32 v21, v21  }
0x47: {  	v12 =	vadd.f32 v17, v12;
	v13 =	vadd.f32 v16, v13  }
0x48: {  	v16 =	vmul.f32 v22, v22;
	v15 =	vadd.f32 v18, v15;
	v17 =	vmul.f32 v23, v23  }
0x49: {  	v19 =	vsub.f32 v24, v19  }
0x4a: {  	v8 =	vmin.f32 v8, v12;
	v13 =	vadd.f32 v16, v13;
	v21 =	vadd.f32 v17, v15  }
0x4b: {  	v15 =	vperm.xlane v8, v1  }
0x4c: {  	v19 =	vmul.f32 v19, v19;
	v9 =	vmin.f32 v9, v13;
	v10 =	vmin.f32 v10, v21  }
0x4d: {  	v8 =	vmin.f32 v8, v15;
	v15 =	vperm.xlane v9, v1;
	v17 =	vperm.xlane v10, v1  }
0x4e: {  	v18 =	vperm.xlane v8, v2  }
0x4f: {  	v14 =	vadd.f32 v19, v14;
	v9 =	vmin.f32 v9, v15;
	v10 =	vmin.f32 v10, v17  }
0x50: {  	v8 =	vmin.f32 v8, v18;
	v15 =	vperm.xlane v9, v2;
	v17 =	vperm.xlane v10, v2  }
0x51: {  	v11 =	vmin.f32 v11, v14;
	v18 =	vperm.xlane v8, v3  }
0x52: {  	s19 =	sshra.s32 s18, $0x2;
	v16 =	vperm.xlane v11, v1;
	v9 =	vmin.f32 v9, v15;
	v15 =	vmin.f32 v10, v17  }
0x53: {  	v17 =	vld [tilespmem:s19+$0x8080];
	v10 =	vmin.f32 v8, v18;
	v8 =	vperm.xlane v9, v3;
	v18 =	vperm.xlane v15, v3  }
0x54: {  	v24 =	vbroadcast v34, $0x7;
	v25 =	vbroadcast v33, $0x6;
	v11 =	vmin.f32 v11, v16  }
0x55: {  	v16 =	vperm.xlane v11, v2;
	v9 =	vmin.f32 v9, v8;
	v8 =	vmin.f32 v15, v18  }
0x56: {  	v26 =	vbroadcast v33, $0x7;
	[tilespmem:$0x1FFE0] =	vst v8;
	v8 =	vperm.xlane v8, v4  }
0x57: {  	v20 =	vbroadcast v33, $0x4;
	v11 =	vmin.f32 v11, v16;
	[tilespmem:$0x1FF80] =	vst v10;
	v10 =	vperm.xlane v10, v4  }
0x58: {  	v22 =	vbroadcast v33, $0x5;
	v16 =	vperm.xlane v11, v3;
	[tilespmem:$0x1FFF0] =	vst v8;
	v8 =	vmin.f32 v17, v12  }
0x59: {  	v23 =	vbroadcast v34, $0x6;
	v19 =	vbroadcast v32, $0x6;
	[tilespmem:$0x1FF90] =	vst v10;
	v8 =	vmin.f32 v8, v14  }
0x5a: {  	s18 =	simm.s32 $0x0;
	v15 =	vbroadcast v34, $0x4;
	v10 =	vmin.f32 v11, v16;
	[tilespmem:$0x1FFC0] =	vst v9;
	v8 =	vmin.f32 v8, v13  }
0x5b: {  	s31 =	sand.u32 $0x70, s18;
	s21 =	sand.u32 $0x3E00, s18;
	v18 =	vbroadcast v32, $0x5;
	v9 =	vperm.xlane v9, v4;
	[tilespmem:$0x1FFA0] =	vst v10;
	v8 =	vmin.f32 v8, v21  }
0x5c: {  	s20 =	sor.u32 s31, s21;
	v16 =	vbroadcast v32, $0x4;
	v10 =	vperm.xlane v10, v4;
	[tilespmem:s19+$0x8080] =	vst v8  }
0x5d: {  	[tilespmem:$0x1FFD0] =	vst v9;
	v17 =	vbroadcast v34, $0x5;
	v12 =	vimm.f32 $+Inf;
	v14 =	vimm.f32 $+Inf;
	v9 =	vld [tilespmem:s20+$0x100]  }
0x5e: {  	[tilespmem:$0x1FFB0] =	vst v10;
	v13 =	vimm.f32 $+Inf;
	v21 =	vbroadcast v32, $0x7;
	v8 =	vimm.f32 $+Inf;
	s19 =	simm.s32 $0x10  }
.LBB2_6:
0x5f: {  	p0 =	sne.s32 s19, $0xFF0;
	v27 =	vld [tilespmem:s20+$0x0]  }
0x60: {  	v28 =	vld [tilespmem:s20+$0x80];
	_ =	sdelay $0x1  }
0x61: {  	v29 =	vsub.f32 v9, v25;
	v30 =	vsub.f32 v9, v26  }
0x62: {  	v31 =	vsub.f32 v9, v20;
	v9 =	vsub.f32 v9, v22  }
0x63: {  	v35 =	vsub.f32 v27, v23;
	v36 =	vsub.f32 v27, v24  }
0x64: {  	v37 =	vsub.f32 v27, v15;
	v9 =	vmul.f32 v9, v9;
	v38 =	vsub.f32 v28, v16  }
0x65: {  	v31 =	vmul.f32 v31, v31;
	v27 =	vsub.f32 v27, v17;
	v39 =	vsub.f32 v28, v18  }
0x66: {  	s21 =	sshra.s32 s18, $0x2;
	v40 =	vsub.f32 v28, v19;
	v37 =	vmul.f32 v37, v37;
	v38 =	vmul.f32 v38, v38  }
0x67: {  	v28 =	vsub.f32 v28, v21;
	v27 =	vmul.f32 v27, v27;
	v39 =	vmul.f32 v39, v39;
	v41 =	vld [tilespmem:s21+$0x8080]  }
0x68: {  	v35 =	vmul.f32 v35, v35;
	v37 =	vadd.f32 v38, v37;
	v38 =	vmul.f32 v40, v40  }
0x69: {  	v36 =	vmul.f32 v36, v36;
	v28 =	vmul.f32 v28, v28;
	v27 =	vadd.f32 v39, v27  }
0x6a: {  	v29 =	vmul.f32 v29, v29;
	v31 =	vadd.f32 v31, v37;
	v35 =	vadd.f32 v38, v35  }
0x6b: {  	v9 =	vadd.f32 v9, v27;
	v27 =	vadd.f32 v28, v36;
	v28 =	vmul.f32 v30, v30  }
0x6c: {  	v8 =	vmin.f32 v8, v31;
	v30 =	vmin.f32 v41, v31;
	v29 =	vadd.f32 v29, v35  }
0x6d: {  	v14 =	vmin.f32 v14, v9;
	v27 =	vadd.f32 v28, v27;
	v9 =	vmin.f32 v30, v9  }
.Ltmp2:
0x6e: {  	s18 =	sadd.s32 $0x40, s18;
	v12 =	vmin.f32 v12, v29;
	v9 =	vmin.f32 v9, v29;
	(pc) =	sbr.rel @p0 .LBB2_6-.Ltmp2, $4  }
0x6f: {  	s20 =	sand.u32 $0x70, s19;
	s22 =	sand.u32 $0x3E00, s18;
	v13 =	vmin.f32 v13, v27;
	v9 =	vmin.f32 v9, v27  }
0x70: {  	s20 =	sor.u32 s20, s22;
	[tilespmem:s21+$0x8080] =	vst v9  }
0x71: {  	v9 =	vld [tilespmem:s20+$0x100]  }
0x72: {  	s19 =	sadd.s32 $0x10, s19  }
0x73: {  	v27 =	vld [tilespmem:s20+$0x0]  }
0x74: {  	v28 =	vld [tilespmem:s20+$0x80];
	_ =	sdelay $0x1  }
0x75: {  	v25 =	vsub.f32 v9, v25;
	v26 =	vsub.f32 v9, v26  }
0x76: {  	v20 =	vsub.f32 v9, v20;
	v9 =	vsub.f32 v9, v22  }
0x77: {  	v22 =	vsub.f32 v27, v23;
	v23 =	vsub.f32 v27, v24  }
0x78: {  	v15 =	vsub.f32 v27, v15;
	v16 =	vsub.f32 v28, v16  }
0x79: {  	v17 =	vsub.f32 v27, v17;
	v18 =	vsub.f32 v28, v18  }
0x7a: {  	v19 =	vsub.f32 v28, v19;
	v15 =	vmul.f32 v15, v15;
	v16 =	vmul.f32 v16, v16  }
0x7b: {  	v20 =	vmul.f32 v20, v20;
	v21 =	vsub.f32 v28, v21;
	v17 =	vmul.f32 v17, v17  }
0x7c: {  	v18 =	vmul.f32 v18, v18;
	v19 =	vmul.f32 v19, v19;
	v15 =	vadd.f32 v16, v15  }
0x7d: {  	v21 =	vmul.f32 v21, v21;
	v16 =	vmul.f32 v22, v22  }
0x7e: {  	v17 =	vadd.f32 v18, v17;
	v18 =	vmul.f32 v23, v23;
	v22 =	vadd.f32 v20, v15  }
0x7f: {  	v9 =	vmul.f32 v9, v9;
	v15 =	vadd.f32 v19, v16;
	v16 =	vmul.f32 v25, v25  }
0x80: {  	v18 =	vadd.f32 v21, v18;
	v19 =	vmul.f32 v26, v26;
	v8 =	vmin.f32 v8, v22  }
0x81: {  	v9 =	vadd.f32 v9, v17;
	v23 =	vadd.f32 v16, v15;
	v15 =	vperm.xlane v8, v1;
	_ =	sdelay $0x1  }
0x82: {  	v25 =	vadd.f32 v19, v18;
	v14 =	vmin.f32 v14, v9;
	v8 =	vmin.f32 v8, v15  }
0x83: {  	v16 =	vperm.xlane v14, v1;
	v12 =	vmin.f32 v12, v23;
	v18 =	vperm.xlane v8, v2  }
0x84: {  	v13 =	vmin.f32 v13, v25;
	v15 =	vperm.xlane v12, v1  }
0x85: {  	v17 =	vperm.xlane v13, v1;
	v14 =	vmin.f32 v14, v16;
	v8 =	vmin.f32 v8, v18  }
0x86: {  	v16 =	vperm.xlane v14, v2;
	v12 =	vmin.f32 v12, v15;
	v18 =	vperm.xlane v8, v3  }
0x87: {  	v13 =	vmin.f32 v13, v17;
	v15 =	vperm.xlane v12, v2  }
0x88: {  	v17 =	vperm.xlane v13, v2;
	v14 =	vmin.f32 v14, v16;
	v10 =	vmin.f32 v8, v18  }
0x89: {  	v19 =	vperm.xlane v14, v3;
	[tilespmem:$0x1FF00] =	vst v10;
	v10 =	vperm.xlane v10, v4  }
0x8a: {  	v12 =	vmin.f32 v12, v15  }
0x8b: {  	s19 =	sshra.s32 s18, $0x2;
	v13 =	vmin.f32 v13, v17;
	v8 =	vperm.xlane v12, v3;
	[tilespmem:$0x1FF10] =	vst v10;
	v10 =	vmin.f32 v14, v19  }
0x8c: {  	v21 =	vld [tilespmem:s19+$0x8080];
	v15 =	vperm.xlane v13, v3;
	[tilespmem:$0x1FF20] =	vst v10;
	v10 =	vperm.xlane v10, v4;
	_ =	sdelay $0x1  }
0x8d: {  	[tilespmem:$0x1FF30] =	vst v10;
	v10 =	vmin.f32 v12, v8;
	v8 =	vmin.f32 v13, v15  }
0x8e: {  	[tilespmem:$0x1FF60] =	vst v8;
	v8 =	vperm.xlane v8, v4;
	_ =	sdelay $0x1  }
0x8f: {  	v29 =	vbroadcast v33, $0xA;
	v30 =	vbroadcast v33, $0xB;
	[tilespmem:$0x1FF70] =	vst v8;
	v8 =	vmin.f32 v21, v22  }
0x90: {  	v24 =	vbroadcast v33, $0x8;
	v27 =	vbroadcast v34, $0xA;
	v8 =	vmin.f32 v8, v9  }
0x91: {  	s18 =	simm.s32 $0x0;
	v28 =	vbroadcast v34, $0xB;
	v20 =	vbroadcast v32, $0x8;
	v8 =	vmin.f32 v8, v23  }
0x92: {  	s31 =	sand.u32 $0x70, s18;
	s21 =	sand.u32 $0x3E00, s18;
	v26 =	vbroadcast v33, $0x9;
	v14 =	vimm.f32 $+Inf;
	[tilespmem:$0x1FF40] =	vst v10;
	v8 =	vmin.f32 v8, v25  }
0x93: {  	s20 =	sor.u32 s31, s21;
	v15 =	vbroadcast v34, $0x8;
	v12 =	vimm.f32 $+Inf;
	v10 =	vperm.xlane v10, v4;
	[tilespmem:s19+$0x8080] =	vst v8  }
0x94: {  	v13 =	vimm.f32 $+Inf;
	v21 =	vbroadcast v34, $0x9;
	v22 =	vbroadcast v32, $0x9;
	v9 =	vld [tilespmem:s20+$0x100]  }
0x95: {  	[tilespmem:$0x1FF50] =	vst v10;
	v23 =	vbroadcast v32, $0xA;
	v25 =	vbroadcast v32, $0xB;
	v8 =	vimm.f32 $+Inf;
	s19 =	simm.s32 $0x10  }
.LBB2_8:
0x96: {  	p0 =	sne.s32 s19, $0xFF0;
	v31 =	vld [tilespmem:s20+$0x0]  }
0x97: {  	v35 =	vld [tilespmem:s20+$0x80];
	_ =	sdelay $0x1  }
0x98: {  	v36 =	vsub.f32 v9, v29;
	v37 =	vsub.f32 v9, v30  }
0x99: {  	v38 =	vsub.f32 v9, v24;
	v9 =	vsub.f32 v9, v26  }
0x9a: {  	v39 =	vsub.f32 v31, v27;
	v40 =	vsub.f32 v31, v28  }
0x9b: {  	v41 =	vsub.f32 v31, v15;
	v9 =	vmul.f32 v9, v9;
	v42 =	vsub.f32 v35, v20  }
0x9c: {  	v38 =	vmul.f32 v38, v38;
	v31 =	vsub.f32 v31, v21;
	v43 =	vsub.f32 v35, v22  }
0x9d: {  	s21 =	sshra.s32 s18, $0x2;
	v44 =	vsub.f32 v35, v23;
	v41 =	vmul.f32 v41, v41;
	v42 =	vmul.f32 v42, v42  }
0x9e: {  	v35 =	vsub.f32 v35, v25;
	v31 =	vmul.f32 v31, v31;
	v43 =	vmul.f32 v43, v43;
	v45 =	vld [tilespmem:s21+$0x8080]  }
0x9f: {  	v39 =	vmul.f32 v39, v39;
	v41 =	vadd.f32 v42, v41;
	v42 =	vmul.f32 v44, v44  }
0xa0: {  	v40 =	vmul.f32 v40, v40;
	v35 =	vmul.f32 v35, v35;
	v31 =	vadd.f32 v43, v31  }
0xa1: {  	v36 =	vmul.f32 v36, v36;
	v38 =	vadd.f32 v38, v41;
	v39 =	vadd.f32 v42, v39  }
0xa2: {  	v9 =	vadd.f32 v9, v31;
	v31 =	vadd.f32 v35, v40;
	v35 =	vmul.f32 v37, v37  }
0xa3: {  	v8 =	vmin.f32 v8, v38;
	v37 =	vmin.f32 v45, v38;
	v36 =	vadd.f32 v36, v39  }
0xa4: {  	v14 =	vmin.f32 v14, v9;
	v31 =	vadd.f32 v35, v31;
	v9 =	vmin.f32 v37, v9  }
.Ltmp3:
0xa5: {  	s18 =	sadd.s32 $0x40, s18;
	v12 =	vmin.f32 v12, v36;
	v9 =	vmin.f32 v9, v36;
	(pc) =	sbr.rel @p0 .LBB2_8-.Ltmp3, $4  }
0xa6: {  	s20 =	sand.u32 $0x70, s19;
	s22 =	sand.u32 $0x3E00, s18;
	v13 =	vmin.f32 v13, v31;
	v9 =	vmin.f32 v9, v31  }
0xa7: {  	s20 =	sor.u32 s20, s22;
	[tilespmem:s21+$0x8080] =	vst v9  }
0xa8: {  	v9 =	vld [tilespmem:s20+$0x100]  }
0xa9: {  	s19 =	sadd.s32 $0x10, s19  }
0xaa: {  	v31 =	vld [tilespmem:s20+$0x0]  }
0xab: {  	v35 =	vld [tilespmem:s20+$0x80];
	_ =	sdelay $0x1  }
0xac: {  	v29 =	vsub.f32 v9, v29;
	v30 =	vsub.f32 v9, v30  }
0xad: {  	v24 =	vsub.f32 v9, v24;
	v9 =	vsub.f32 v9, v26  }
0xae: {  	v26 =	vsub.f32 v31, v27;
	v27 =	vsub.f32 v31, v28  }
0xaf: {  	v15 =	vsub.f32 v31, v15;
	v20 =	vsub.f32 v35, v20  }
0xb0: {  	v24 =	vmul.f32 v24, v24;
	v21 =	vsub.f32 v31, v21;
	v22 =	vsub.f32 v35, v22  }
0xb1: {  	v23 =	vsub.f32 v35, v23;
	v15 =	vmul.f32 v15, v15;
	v20 =	vmul.f32 v20, v20  }
0xb2: {  	v25 =	vsub.f32 v35, v25;
	v21 =	vmul.f32 v21, v21;
	v22 =	vmul.f32 v22, v22  }
0xb3: {  	v23 =	vmul.f32 v23, v23;
	v15 =	vadd.f32 v20, v15;
	v20 =	vmul.f32 v26, v26  }
0xb4: {  	v25 =	vmul.f32 v25, v25;
	v21 =	vadd.f32 v22, v21;
	v22 =	vmul.f32 v27, v27  }
0xb5: {  	v28 =	vadd.f32 v24, v15;
	v15 =	vadd.f32 v23, v20  }
0xb6: {  	v20 =	vmul.f32 v29, v29;
	v22 =	vadd.f32 v25, v22;
	v23 =	vmul.f32 v30, v30  }
0xb7: {  	v9 =	vmul.f32 v9, v9  }
0xb8: {  	v8 =	vmin.f32 v8, v28;
	v29 =	vadd.f32 v20, v15;
	v63 =	vadd.f32 v23, v22  }
0xb9: {  	v15 =	vperm.xlane v8, v1  }
0xba: {  	v9 =	vadd.f32 v9, v21;
	v12 =	vmin.f32 v12, v29;
	v13 =	vmin.f32 v13, v63  }
0xbb: {  	v8 =	vmin.f32 v8, v15;
	v15 =	vperm.xlane v12, v1;
	v21 =	vperm.xlane v13, v1  }
0xbc: {  	v14 =	vmin.f32 v14, v9;
	v22 =	vperm.xlane v8, v2  }
0xbd: {  	v20 =	vperm.xlane v14, v1;
	v12 =	vmin.f32 v12, v15;
	v13 =	vmin.f32 v13, v21  }
0xbe: {  	v8 =	vmin.f32 v8, v22;
	v15 =	vperm.xlane v12, v2;
	v21 =	vperm.xlane v13, v2  }
0xbf: {  	v14 =	vmin.f32 v14, v20;
	v22 =	vperm.xlane v8, v3  }
0xc0: {  	s19 =	sshra.s32 s18, $0x2;
	v20 =	vperm.xlane v14, v2;
	v12 =	vmin.f32 v12, v15;
	v13 =	vmin.f32 v13, v21  }
0xc1: {  	v21 =	vld [tilespmem:s19+$0x8080];
	v10 =	vmin.f32 v8, v22;
	v8 =	vperm.xlane v12, v3;
	v15 =	vperm.xlane v13, v3  }
0xc2: {  	v31 =	vbroadcast v34, $0xE  }
0xc3: {  	v14 =	vmin.f32 v14, v20;
	v27 =	vmin.f32 v12, v8;
	v8 =	vmin.f32 v13, v15  }
0xc4: {  	v20 =	vperm.xlane v14, v3;
	[tilespmem:$0x1FEE0] =	vst v8;
	v8 =	vperm.xlane v8, v4  }
0xc5: {  	v35 =	vbroadcast v33, $0xE;
	[tilespmem:$0x1FEA0] =	vst v10;
	v10 =	vperm.xlane v10, v4  }
0xc6: {  	v30 =	vbroadcast v33, $0xD;
	v26 =	vmin.f32 v14, v20;
	[tilespmem:$0x1FEF0] =	vst v8;
	v8 =	vmin.f32 v21, v28  }
0xc7: {  	v23 =	vbroadcast v32, $0xE;
	[tilespmem:$0x1FEB0] =	vst v10;
	v10 =	vperm.xlane v26, v4;
	v8 =	vmin.f32 v8, v9  }
0xc8: {  	s18 =	simm.s32 $0x0;
	v20 =	vbroadcast v32, $0xC;
	v22 =	vbroadcast v32, $0xD;
	v8 =	vmin.f32 v8, v29  }
0xc9: {  	s31 =	sand.u32 $0x70, s18;
	s21 =	sand.u32 $0x3E00, s18;
	v14 =	vimm.f32 $+Inf;
	v15 =	vbroadcast v34, $0xC;
	[tilespmem:$0x1FEC0] =	vst v10;
	v8 =	vmin.f32 v8, v63  }
0xca: {  	s20 =	sor.u32 s31, s21;
	v12 =	vimm.f32 $+Inf;
	v10 =	vperm.xlane v27, v4;
	v28 =	vbroadcast v33, $0xC;
	[tilespmem:s19+$0x8080] =	vst v8  }
0xcb: {  	v13 =	vimm.f32 $+Inf;
	v21 =	vbroadcast v34, $0xD;
	v34 =	vbroadcast v34, $0xF;
	v9 =	vld [tilespmem:s20+$0x100]  }
0xcc: {  	[tilespmem:$0x1FED0] =	vst v10;
	v29 =	vbroadcast v32, $0xF;
	v32 =	vbroadcast v33, $0xF;
	v8 =	vimm.f32 $+Inf;
	s19 =	simm.s32 $0x10  }
.LBB2_10:
0xcd: {  	p0 =	sne.s32 s19, $0xFF0;
	v33 =	vld [tilespmem:s20+$0x0]  }
0xce: {  	v36 =	vld [tilespmem:s20+$0x80];
	_ =	sdelay $0x1  }
0xcf: {  	v37 =	vsub.f32 v9, v35;
	v38 =	vsub.f32 v9, v32  }
0xd0: {  	v39 =	vsub.f32 v9, v28;
	v9 =	vsub.f32 v9, v30  }
0xd1: {  	v40 =	vsub.f32 v33, v31;
	v41 =	vsub.f32 v33, v34  }
0xd2: {  	v42 =	vsub.f32 v33, v15;
	v9 =	vmul.f32 v9, v9;
	v43 =	vsub.f32 v36, v20  }
0xd3: {  	v39 =	vmul.f32 v39, v39;
	v33 =	vsub.f32 v33, v21;
	v44 =	vsub.f32 v36, v22  }
0xd4: {  	s21 =	sshra.s32 s18, $0x2;
	v45 =	vsub.f32 v36, v23;
	v42 =	vmul.f32 v42, v42;
	v43 =	vmul.f32 v43, v43  }
0xd5: {  	v36 =	vsub.f32 v36, v29;
	v33 =	vmul.f32 v33, v33;
	v44 =	vmul.f32 v44, v44;
	v46 =	vld [tilespmem:s21+$0x8080]  }
0xd6: {  	v40 =	vmul.f32 v40, v40;
	v42 =	vadd.f32 v43, v42;
	v43 =	vmul.f32 v45, v45  }
0xd7: {  	v41 =	vmul.f32 v41, v41;
	v36 =	vmul.f32 v36, v36;
	v33 =	vadd.f32 v44, v33  }
0xd8: {  	v37 =	vmul.f32 v37, v37;
	v39 =	vadd.f32 v39, v42;
	v40 =	vadd.f32 v43, v40  }
0xd9: {  	v9 =	vadd.f32 v9, v33;
	v33 =	vadd.f32 v36, v41;
	v36 =	vmul.f32 v38, v38  }
0xda: {  	v8 =	vmin.f32 v8, v39;
	v38 =	vmin.f32 v46, v39;
	v37 =	vadd.f32 v37, v40  }
0xdb: {  	v14 =	vmin.f32 v14, v9;
	v33 =	vadd.f32 v36, v33;
	v9 =	vmin.f32 v38, v9  }
.Ltmp4:
0xdc: {  	s18 =	sadd.s32 $0x40, s18;
	v12 =	vmin.f32 v12, v37;
	v9 =	vmin.f32 v9, v37;
	(pc) =	sbr.rel @p0 .LBB2_10-.Ltmp4, $4  }
0xdd: {  	s20 =	sand.u32 $0x70, s19;
	s22 =	sand.u32 $0x3E00, s18;
	v13 =	vmin.f32 v13, v33;
	v9 =	vmin.f32 v9, v33  }
0xde: {  	s20 =	sor.u32 s20, s22;
	[tilespmem:s21+$0x8080] =	vst v9  }
0xdf: {  	v9 =	vld [tilespmem:s20+$0x100]  }
0xe0: {  	s19 =	sadd.s32 $0x10, s19  }
0xe1: {  	v33 =	vld [tilespmem:s20+$0x0]  }
0xe2: {  	v36 =	vld [tilespmem:s20+$0x80];
	_ =	sdelay $0x1  }
0xe3: {  	v35 =	vsub.f32 v9, v35;
	v32 =	vsub.f32 v9, v32  }
0xe4: {  	v28 =	vsub.f32 v9, v28;
	v9 =	vsub.f32 v9, v30  }
0xe5: {  	v30 =	vsub.f32 v33, v31;
	v31 =	vsub.f32 v33, v34  }
0xe6: {  	v15 =	vsub.f32 v33, v15;
	v20 =	vsub.f32 v36, v20  }
0xe7: {  	v28 =	vmul.f32 v28, v28;
	v21 =	vsub.f32 v33, v21;
	v22 =	vsub.f32 v36, v22  }
0xe8: {  	v23 =	vsub.f32 v36, v23;
	v15 =	vmul.f32 v15, v15;
	v20 =	vmul.f32 v20, v20  }
0xe9: {  	v29 =	vsub.f32 v36, v29;
	v21 =	vmul.f32 v21, v21;
	v22 =	vmul.f32 v22, v22  }
0xea: {  	v23 =	vmul.f32 v23, v23;
	v15 =	vadd.f32 v20, v15;
	v20 =	vmul.f32 v30, v30  }
0xeb: {  	v29 =	vmul.f32 v29, v29;
	v21 =	vadd.f32 v22, v21;
	v22 =	vmul.f32 v31, v31  }
0xec: {  	v28 =	vadd.f32 v28, v15;
	v15 =	vadd.f32 v23, v20;
	v20 =	vmul.f32 v35, v35  }
0xed: {  	v22 =	vadd.f32 v29, v22  }
0xee: {  	v23 =	vmul.f32 v32, v32;
	v8 =	vmin.f32 v8, v28;
	v29 =	vadd.f32 v20, v15  }
0xef: {  	v15 =	vperm.xlane v8, v1  }
0xf0: {  	v40 =	vadd.f32 v23, v22;
	v12 =	vmin.f32 v12, v29  }
0xf1: {  	v9 =	vmul.f32 v9, v9;
	v8 =	vmin.f32 v8, v15;
	v15 =	vperm.xlane v12, v1  }
0xf2: {  	v13 =	vmin.f32 v13, v40;
	v22 =	vperm.xlane v8, v2  }
0xf3: {  	v9 =	vadd.f32 v9, v21;
	v21 =	vperm.xlane v13, v1;
	v12 =	vmin.f32 v12, v15  }
0xf4: {  	v8 =	vmin.f32 v8, v22;
	v15 =	vperm.xlane v12, v2  }
0xf5: {  	v13 =	vmin.f32 v13, v21;
	v22 =	vperm.xlane v8, v3  }
0xf6: {  	v21 =	vperm.xlane v13, v2;
	v12 =	vmin.f32 v12, v15  }
0xf7: {  	v14 =	vmin.f32 v14, v9;
	v32 =	vmin.f32 v8, v22;
	v8 =	vperm.xlane v12, v3  }
0xf8: {  	s19 =	sshra.s32 s18, $0x2;
	v20 =	vperm.xlane v14, v1;
	v13 =	vmin.f32 v13, v21  }
0xf9: {  	v21 =	vld [tilespmem:s19+$0x8080];
	v15 =	vperm.xlane v13, v3;
	v35 =	vmin.f32 v12, v8  }
0xfa: {  	v14 =	vmin.f32 v14, v20;
	v8 =	vperm.xlane v35, v4  }
0xfb: {  	v20 =	vperm.xlane v14, v2;
	v33 =	vmin.f32 v13, v15  }
0xfc: {  	v41 =	vbroadcast v7, $0x2;
	[tilespmem:$0x1FE80] =	vst v8;
	v8 =	vperm.xlane v33, v4  }
0xfd: {  	v42 =	vbroadcast v7, $0x3;
	v30 =	vbroadcast v7, $0x1;
	v14 =	vmin.f32 v14, v20  }
0xfe: {  	v31 =	vbroadcast v5, $0x2;
	v20 =	vperm.xlane v14, v3;
	[tilespmem:$0x1FE90] =	vst v8;
	v8 =	vmin.f32 v21, v28  }
0xff: {  	v23 =	vbroadcast v6, $0x2;
	v10 =	vperm.xlane v32, v4;
	v8 =	vmin.f32 v8, v9  }
0x100: {  	s18 =	simm.s32 $0x0;
	v34 =	vmin.f32 v14, v20;
	v20 =	vbroadcast v6, $0x0;
	v8 =	vmin.f32 v8, v29  }
0x101: {  	s31 =	sand.u32 $0x70, s18;
	s21 =	sand.u32 $0x3E00, s18;
	v22 =	vbroadcast v6, $0x1;
	v14 =	vimm.f32 $+Inf;
	[tilespmem:$0x1FE60] =	vst v10;
	v8 =	vmin.f32 v8, v40  }
0x102: {  	s20 =	sor.u32 s31, s21;
	v15 =	vbroadcast v5, $0x0;
	v12 =	vimm.f32 $+Inf;
	v10 =	vperm.xlane v34, v4;
	[tilespmem:s19+$0x8080] =	vst v8  }
0x103: {  	v13 =	vimm.f32 $+Inf;
	v28 =	vbroadcast v7, $0x0;
	v21 =	vbroadcast v5, $0x1;
	v9 =	vld [tilespmem:s20+$0x100]  }
0x104: {  	[tilespmem:$0x1FE70] =	vst v10;
	v29 =	vbroadcast v6, $0x3;
	v40 =	vbroadcast v5, $0x3;
	v8 =	vimm.f32 $+Inf;
	s19 =	simm.s32 $0x10  }
.LBB2_12:
0x105: {  	p0 =	sne.s32 s19, $0xFF0;
	v43 =	vld [tilespmem:s20+$0x0]  }
0x106: {  	v44 =	vld [tilespmem:s20+$0x80];
	_ =	sdelay $0x1  }
0x107: {  	v45 =	vsub.f32 v9, v41;
	v46 =	vsub.f32 v9, v42  }
0x108: {  	v47 =	vsub.f32 v9, v28;
	v9 =	vsub.f32 v9, v30  }
0x109: {  	v48 =	vsub.f32 v43, v31;
	v49 =	vsub.f32 v43, v40  }
0x10a: {  	v50 =	vsub.f32 v43, v15;
	v9 =	vmul.f32 v9, v9;
	v51 =	vsub.f32 v44, v20  }
0x10b: {  	v47 =	vmul.f32 v47, v47;
	v43 =	vsub.f32 v43, v21;
	v52 =	vsub.f32 v44, v22  }
0x10c: {  	s21 =	sshra.s32 s18, $0x2;
	v53 =	vsub.f32 v44, v23;
	v50 =	vmul.f32 v50, v50;
	v51 =	vmul.f32 v51, v51  }
0x10d: {  	v44 =	vsub.f32 v44, v29;
	v43 =	vmul.f32 v43, v43;
	v52 =	vmul.f32 v52, v52;
	v54 =	vld [tilespmem:s21+$0x8080]  }
0x10e: {  	v48 =	vmul.f32 v48, v48;
	v50 =	vadd.f32 v51, v50;
	v51 =	vmul.f32 v53, v53  }
0x10f: {  	v49 =	vmul.f32 v49, v49;
	v44 =	vmul.f32 v44, v44;
	v43 =	vadd.f32 v52, v43  }
0x110: {  	v45 =	vmul.f32 v45, v45;
	v47 =	vadd.f32 v47, v50;
	v48 =	vadd.f32 v51, v48  }
0x111: {  	v9 =	vadd.f32 v9, v43;
	v43 =	vadd.f32 v44, v49;
	v44 =	vmul.f32 v46, v46  }
0x112: {  	v8 =	vmin.f32 v8, v47;
	v46 =	vmin.f32 v54, v47;
	v45 =	vadd.f32 v45, v48  }
0x113: {  	v14 =	vmin.f32 v14, v9;
	v43 =	vadd.f32 v44, v43;
	v9 =	vmin.f32 v46, v9  }
.Ltmp5:
0x114: {  	s18 =	sadd.s32 $0x40, s18;
	v12 =	vmin.f32 v12, v45;
	v9 =	vmin.f32 v9, v45;
	(pc) =	sbr.rel @p0 .LBB2_12-.Ltmp5, $4  }
0x115: {  	s20 =	sand.u32 $0x70, s19;
	s22 =	sand.u32 $0x3E00, s18;
	v13 =	vmin.f32 v13, v43;
	v9 =	vmin.f32 v9, v43  }
0x116: {  	s20 =	sor.u32 s20, s22;
	[tilespmem:s21+$0x8080] =	vst v9  }
0x117: {  	v9 =	vld [tilespmem:s20+$0x100]  }
0x118: {  	s19 =	sadd.s32 $0x10, s19  }
0x119: {  	v43 =	vld [tilespmem:s20+$0x0]  }
0x11a: {  	v44 =	vld [tilespmem:s20+$0x80];
	_ =	sdelay $0x1  }
0x11b: {  	v41 =	vsub.f32 v9, v41;
	v42 =	vsub.f32 v9, v42  }
0x11c: {  	v28 =	vsub.f32 v9, v28;
	v9 =	vsub.f32 v9, v30  }
0x11d: {  	v30 =	vsub.f32 v43, v31;
	v15 =	vsub.f32 v43, v15  }
0x11e: {  	v20 =	vsub.f32 v44, v20;
	v21 =	vsub.f32 v43, v21  }
0x11f: {  	v28 =	vmul.f32 v28, v28;
	v22 =	vsub.f32 v44, v22;
	v23 =	vsub.f32 v44, v23  }
0x120: {  	v29 =	vsub.f32 v44, v29;
	v15 =	vmul.f32 v15, v15;
	v20 =	vmul.f32 v20, v20  }
0x121: {  	v31 =	vsub.f32 v43, v40;
	v21 =	vmul.f32 v21, v21;
	v22 =	vmul.f32 v22, v22  }
0x122: {  	v23 =	vmul.f32 v23, v23;
	v29 =	vmul.f32 v29, v29;
	v15 =	vadd.f32 v20, v15  }
0x123: {  	v20 =	vmul.f32 v30, v30;
	v21 =	vadd.f32 v22, v21;
	v22 =	vmul.f32 v31, v31  }
0x124: {  	v28 =	vadd.f32 v28, v15  }
0x125: {  	v15 =	vadd.f32 v23, v20;
	v22 =	vadd.f32 v29, v22;
	v23 =	vmul.f32 v42, v42  }
0x126: {  	v9 =	vmul.f32 v9, v9  }
0x127: {  	v20 =	vmul.f32 v41, v41;
	v48 =	vadd.f32 v23, v22  }
0x128: {  	v9 =	vadd.f32 v9, v21  }
0x129: {  	v8 =	vmin.f32 v8, v28;
	v29 =	vadd.f32 v20, v15;
	v13 =	vmin.f32 v13, v48  }
0x12a: {  	v14 =	vmin.f32 v14, v9;
	v15 =	vperm.xlane v8, v1;
	v21 =	vperm.xlane v13, v1  }
0x12b: {  	v20 =	vperm.xlane v14, v1;
	v12 =	vmin.f32 v12, v29  }
0x12c: {  	v8 =	vmin.f32 v8, v15;
	v15 =	vperm.xlane v12, v1;
	v13 =	vmin.f32 v13, v21  }
0x12d: {  	v14 =	vmin.f32 v14, v20;
	v22 =	vperm.xlane v8, v2;
	v21 =	vperm.xlane v13, v2  }
0x12e: {  	s19 =	sshra.s32 s18, $0x2;
	v49 =	vbroadcast v7, $0x6;
	v20 =	vperm.xlane v14, v2;
	v12 =	vmin.f32 v12, v15  }
0x12f: {  	v8 =	vmin.f32 v8, v22;
	v15 =	vperm.xlane v12, v2;
	v13 =	vmin.f32 v13, v21;
	v21 =	vld [tilespmem:s19+$0x8080]  }
0x130: {  	v50 =	vbroadcast v7, $0x7;
	v14 =	vmin.f32 v14, v20;
	v22 =	vperm.xlane v8, v3  }
0x131: {  	v30 =	vbroadcast v7, $0x5;
	v20 =	vperm.xlane v14, v3;
	v12 =	vmin.f32 v12, v15  }
0x132: {  	v31 =	vbroadcast v5, $0x6;
	v43 =	vmin.f32 v8, v22;
	v8 =	vperm.xlane v12, v3  }
0x133: {  	v23 =	vbroadcast v6, $0x6;
	v15 =	vperm.xlane v13, v3;
	v45 =	vmin.f32 v14, v20  }
0x134: {  	v20 =	vbroadcast v6, $0x4;
	v42 =	vmin.f32 v12, v8;
	v8 =	vmin.f32 v21, v28  }
0x135: {  	v22 =	vbroadcast v6, $0x5;
	v14 =	vimm.f32 $+Inf;
	v8 =	vmin.f32 v8, v9  }
0x136: {  	s18 =	simm.s32 $0x0;
	v47 =	vperm.xlane v43, v4;
	v46 =	vperm.xlane v45, v4;
	v8 =	vmin.f32 v8, v29  }
0x137: {  	s31 =	sand.u32 $0x70, s18;
	s21 =	sand.u32 $0x3E00, s18;
	v40 =	vmin.f32 v13, v15;
	v15 =	vbroadcast v5, $0x4;
	v8 =	vmin.f32 v8, v48  }
0x138: {  	s20 =	sor.u32 s31, s21;
	v12 =	vimm.f32 $+Inf;
	v44 =	vperm.xlane v42, v4;
	v41 =	vperm.xlane v40, v4;
	[tilespmem:s19+$0x8080] =	vst v8  }
0x139: {  	v13 =	vimm.f32 $+Inf;
	v28 =	vbroadcast v7, $0x4;
	v21 =	vbroadcast v5, $0x5;
	v9 =	vld [tilespmem:s20+$0x100]  }
0x13a: {  	v29 =	vbroadcast v6, $0x7;
	v48 =	vbroadcast v5, $0x7;
	v8 =	vimm.f32 $+Inf;
	s19 =	simm.s32 $0x10  }
.LBB2_14:
0x13b: {  	p0 =	sne.s32 s19, $0xFF0;
	v51 =	vld [tilespmem:s20+$0x0]  }
0x13c: {  	v52 =	vld [tilespmem:s20+$0x80];
	_ =	sdelay $0x1  }
0x13d: {  	v53 =	vsub.f32 v9, v49;
	v54 =	vsub.f32 v9, v50  }
0x13e: {  	v55 =	vsub.f32 v9, v28;
	v9 =	vsub.f32 v9, v30  }
0x13f: {  	v56 =	vsub.f32 v51, v31;
	v57 =	vsub.f32 v51, v48  }
0x140: {  	v58 =	vsub.f32 v51, v15;
	v9 =	vmul.f32 v9, v9;
	v59 =	vsub.f32 v52, v20  }
0x141: {  	v55 =	vmul.f32 v55, v55;
	v51 =	vsub.f32 v51, v21;
	v60 =	vsub.f32 v52, v22  }
0x142: {  	s21 =	sshra.s32 s18, $0x2;
	v61 =	vsub.f32 v52, v23;
	v58 =	vmul.f32 v58, v58;
	v59 =	vmul.f32 v59, v59  }
0x143: {  	v52 =	vsub.f32 v52, v29;
	v51 =	vmul.f32 v51, v51;
	v60 =	vmul.f32 v60, v60;
	v62 =	vld [tilespmem:s21+$0x8080]  }
0x144: {  	v56 =	vmul.f32 v56, v56;
	v58 =	vadd.f32 v59, v58;
	v59 =	vmul.f32 v61, v61  }
0x145: {  	v57 =	vmul.f32 v57, v57;
	v52 =	vmul.f32 v52, v52;
	v51 =	vadd.f32 v60, v51  }
0x146: {  	v53 =	vmul.f32 v53, v53;
	v55 =	vadd.f32 v55, v58;
	v56 =	vadd.f32 v59, v56  }
0x147: {  	v9 =	vadd.f32 v9, v51;
	v51 =	vadd.f32 v52, v57;
	v52 =	vmul.f32 v54, v54  }
0x148: {  	v8 =	vmin.f32 v8, v55;
	v54 =	vmin.f32 v62, v55;
	v53 =	vadd.f32 v53, v56  }
0x149: {  	v14 =	vmin.f32 v14, v9;
	v51 =	vadd.f32 v52, v51;
	v9 =	vmin.f32 v54, v9  }
.Ltmp6:
0x14a: {  	s18 =	sadd.s32 $0x40, s18;
	v12 =	vmin.f32 v12, v53;
	v9 =	vmin.f32 v9, v53;
	(pc) =	sbr.rel @p0 .LBB2_14-.Ltmp6, $4  }
0x14b: {  	s20 =	sand.u32 $0x70, s19;
	s22 =	sand.u32 $0x3E00, s18;
	v13 =	vmin.f32 v13, v51;
	v9 =	vmin.f32 v9, v51  }
0x14c: {  	s20 =	sor.u32 s20, s22;
	[tilespmem:s21+$0x8080] =	vst v9  }
0x14d: {  	v9 =	vld [tilespmem:s20+$0x100]  }
0x14e: {  	s19 =	sadd.s32 $0x10, s19  }
0x14f: {  	v51 =	vld [tilespmem:s20+$0x0]  }
0x150: {  	v52 =	vld [tilespmem:s20+$0x80];
	_ =	sdelay $0x1  }
0x151: {  	v49 =	vsub.f32 v9, v49;
	v50 =	vsub.f32 v9, v50  }
0x152: {  	v28 =	vsub.f32 v9, v28;
	v9 =	vsub.f32 v9, v30  }
0x153: {  	v30 =	vsub.f32 v51, v31;
	v15 =	vsub.f32 v51, v15  }
0x154: {  	v20 =	vsub.f32 v52, v20;
	v21 =	vsub.f32 v51, v21  }
0x155: {  	v28 =	vmul.f32 v28, v28;
	v22 =	vsub.f32 v52, v22;
	v23 =	vsub.f32 v52, v23  }
0x156: {  	v29 =	vsub.f32 v52, v29;
	v15 =	vmul.f32 v15, v15;
	v20 =	vmul.f32 v20, v20  }
0x157: {  	v31 =	vsub.f32 v51, v48;
	v21 =	vmul.f32 v21, v21;
	v22 =	vmul.f32 v22, v22  }
0x158: {  	v23 =	vmul.f32 v23, v23;
	v29 =	vmul.f32 v29, v29;
	v15 =	vadd.f32 v20, v15  }
0x159: {  	v20 =	vmul.f32 v30, v30;
	v21 =	vadd.f32 v22, v21;
	v22 =	vmul.f32 v31, v31  }
0x15a: {  	v28 =	vadd.f32 v28, v15  }
0x15b: {  	v15 =	vadd.f32 v23, v20;
	v22 =	vadd.f32 v29, v22;
	v23 =	vmul.f32 v50, v50  }
0x15c: {  	v9 =	vmul.f32 v9, v9  }
0x15d: {  	v20 =	vmul.f32 v49, v49;
	v56 =	vadd.f32 v23, v22  }
0x15e: {  	v9 =	vadd.f32 v9, v21  }
0x15f: {  	v8 =	vmin.f32 v8, v28;
	v29 =	vadd.f32 v20, v15;
	v13 =	vmin.f32 v13, v56  }
0x160: {  	v14 =	vmin.f32 v14, v9;
	v15 =	vperm.xlane v8, v1;
	v21 =	vperm.xlane v13, v1  }
0x161: {  	v20 =	vperm.xlane v14, v1;
	v12 =	vmin.f32 v12, v29  }
0x162: {  	v8 =	vmin.f32 v8, v15;
	v15 =	vperm.xlane v12, v1;
	v13 =	vmin.f32 v13, v21  }
0x163: {  	v14 =	vmin.f32 v14, v20;
	v22 =	vperm.xlane v8, v2;
	v21 =	vperm.xlane v13, v2  }
0x164: {  	s19 =	sshra.s32 s18, $0x2;
	v57 =	vbroadcast v7, $0xA;
	v20 =	vperm.xlane v14, v2;
	v12 =	vmin.f32 v12, v15  }
0x165: {  	v8 =	vmin.f32 v8, v22;
	v15 =	vperm.xlane v12, v2;
	v13 =	vmin.f32 v13, v21;
	v21 =	vld [tilespmem:s19+$0x8080]  }
0x166: {  	v58 =	vbroadcast v7, $0xB;
	v14 =	vmin.f32 v14, v20;
	v22 =	vperm.xlane v8, v3  }
0x167: {  	v30 =	vbroadcast v7, $0x9;
	v20 =	vperm.xlane v14, v3;
	v12 =	vmin.f32 v12, v15  }
0x168: {  	v31 =	vbroadcast v5, $0xA;
	v54 =	vmin.f32 v8, v22;
	v8 =	vperm.xlane v12, v3  }
0x169: {  	v23 =	vbroadcast v6, $0xA;
	v15 =	vperm.xlane v13, v3;
	v51 =	vmin.f32 v14, v20  }
0x16a: {  	v20 =	vbroadcast v6, $0x8;
	v50 =	vmin.f32 v12, v8;
	v8 =	vmin.f32 v21, v28  }
0x16b: {  	v22 =	vbroadcast v6, $0x9;
	v14 =	vimm.f32 $+Inf;
	v8 =	vmin.f32 v8, v9  }
0x16c: {  	s18 =	simm.s32 $0x0;
	v55 =	vperm.xlane v54, v4;
	v53 =	vperm.xlane v51, v4;
	v8 =	vmin.f32 v8, v29  }
0x16d: {  	s31 =	sand.u32 $0x70, s18;
	s21 =	sand.u32 $0x3E00, s18;
	v48 =	vmin.f32 v13, v15;
	v15 =	vbroadcast v5, $0x8;
	v8 =	vmin.f32 v8, v56  }
0x16e: {  	s20 =	sor.u32 s31, s21;
	v12 =	vimm.f32 $+Inf;
	v52 =	vperm.xlane v50, v4;
	v49 =	vperm.xlane v48, v4;
	[tilespmem:s19+$0x8080] =	vst v8  }
0x16f: {  	v13 =	vimm.f32 $+Inf;
	v28 =	vbroadcast v7, $0x8;
	v21 =	vbroadcast v5, $0x9;
	v9 =	vld [tilespmem:s20+$0x100]  }
0x170: {  	v29 =	vbroadcast v6, $0xB;
	v56 =	vbroadcast v5, $0xB;
	v8 =	vimm.f32 $+Inf;
	s19 =	simm.s32 $0x10  }
.LBB2_16:
0x171: {  	p0 =	sne.s32 s19, $0xFF0;
	v59 =	vld [tilespmem:s20+$0x0]  }
0x172: {  	v60 =	vld [tilespmem:s20+$0x80];
	_ =	sdelay $0x1  }
0x173: {  	v61 =	vsub.f32 v9, v57;
	v62 =	vsub.f32 v9, v58  }
0x174: {  	v63 =	vsub.f32 v9, v28;
	v9 =	vsub.f32 v9, v30  }
0x175: {  	v10 =	vsub.f32 v59, v31;
	v11 =	vsub.f32 v59, v56  }
0x176: {  	v36 =	vsub.f32 v59, v15;
	v9 =	vmul.f32 v9, v9;
	v37 =	vsub.f32 v60, v20  }
0x177: {  	v63 =	vmul.f32 v63, v63;
	v59 =	vsub.f32 v59, v21;
	v38 =	vsub.f32 v60, v22  }
0x178: {  	s21 =	sshra.s32 s18, $0x2;
	v39 =	vsub.f32 v60, v23;
	v36 =	vmul.f32 v36, v36;
	v37 =	vmul.f32 v37, v37  }
0x179: {  	v60 =	vsub.f32 v60, v29;
	v59 =	vmul.f32 v59, v59;
	v38 =	vmul.f32 v38, v38;
	v16 =	vld [tilespmem:s21+$0x8080]  }
0x17a: {  	v10 =	vmul.f32 v10, v10;
	v36 =	vadd.f32 v37, v36;
	v37 =	vmul.f32 v39, v39  }
0x17b: {  	v11 =	vmul.f32 v11, v11;
	v38 =	vadd.f32 v38, v59;
	v39 =	vmul.f32 v60, v60  }
0x17c: {  	v36 =	vadd.f32 v63, v36;
	v10 =	vadd.f32 v37, v10;
	v37 =	vmul.f32 v61, v61  }
0x17d: {  	v9 =	vadd.f32 v9, v38;
	v11 =	vadd.f32 v39, v11;
	v38 =	vmul.f32 v62, v62  }
0x17e: {  	v8 =	vmin.f32 v8, v36;
	v16 =	vmin.f32 v16, v36;
	v10 =	vadd.f32 v37, v10  }
0x17f: {  	v14 =	vmin.f32 v14, v9;
	v11 =	vadd.f32 v38, v11;
	v9 =	vmin.f32 v16, v9  }
.Ltmp7:
0x180: {  	s18 =	sadd.s32 $0x40, s18;
	v12 =	vmin.f32 v12, v10;
	v9 =	vmin.f32 v9, v10;
	(pc) =	sbr.rel @p0 .LBB2_16-.Ltmp7, $4  }
0x181: {  	s20 =	sand.u32 $0x70, s19;
	s22 =	sand.u32 $0x3E00, s18;
	v13 =	vmin.f32 v13, v11;
	v9 =	vmin.f32 v9, v11  }
0x182: {  	s20 =	sor.u32 s20, s22;
	[tilespmem:s21+$0x8080] =	vst v9  }
0x183: {  	v9 =	vld [tilespmem:s20+$0x100]  }
0x184: {  	s19 =	sadd.s32 $0x10, s19  }
0x185: {  	v10 =	vld [tilespmem:s20+$0x0]  }
0x186: {  	v11 =	vld [tilespmem:s20+$0x80];
	_ =	sdelay $0x1  }
0x187: {  	v16 =	vsub.f32 v9, v57;
	v36 =	vsub.f32 v9, v58  }
0x188: {  	v28 =	vsub.f32 v9, v28;
	v9 =	vsub.f32 v9, v30  }
0x189: {  	v30 =	vsub.f32 v10, v31;
	v31 =	vsub.f32 v10, v56  }
0x18a: {  	v15 =	vsub.f32 v10, v15;
	v20 =	vsub.f32 v11, v20;
	v28 =	vmul.f32 v28, v28  }
0x18b: {  	v10 =	vsub.f32 v10, v21;
	v21 =	vsub.f32 v11, v22;
	v9 =	vmul.f32 v9, v9  }
0x18c: {  	v22 =	vsub.f32 v11, v23;
	v15 =	vmul.f32 v15, v15;
	v20 =	vmul.f32 v20, v20  }
0x18d: {  	v11 =	vsub.f32 v11, v29;
	v10 =	vmul.f32 v10, v10;
	v21 =	vmul.f32 v21, v21  }
0x18e: {  	v22 =	vmul.f32 v22, v22;
	v15 =	vadd.f32 v20, v15;
	v20 =	vmul.f32 v30, v30  }
0x18f: {  	v11 =	vmul.f32 v11, v11;
	v10 =	vadd.f32 v21, v10;
	v21 =	vmul.f32 v31, v31  }
0x190: {  	v16 =	vmul.f32 v16, v16;
	v15 =	vadd.f32 v28, v15;
	v20 =	vadd.f32 v22, v20  }
0x191: {  	v11 =	vadd.f32 v11, v21;
	v21 =	vmul.f32 v36, v36  }
0x192: {  	v9 =	vadd.f32 v9, v10;
	v8 =	vmin.f32 v8, v15;
	v10 =	vadd.f32 v16, v20  }
0x193: {  	v16 =	vperm.xlane v8, v1  }
0x194: {  	v11 =	vadd.f32 v21, v11;
	v12 =	vmin.f32 v12, v10  }
0x195: {  	v14 =	vmin.f32 v14, v9;
	v8 =	vmin.f32 v8, v16;
	v16 =	vperm.xlane v12, v1  }
0x196: {  	v29 =	vbroadcast v7, $0xD;
	v20 =	vperm.xlane v14, v1;
	v13 =	vmin.f32 v13, v11  }
0x197: {  	v23 =	vbroadcast v5, $0xE;
	v21 =	vperm.xlane v13, v1;
	v12 =	vmin.f32 v12, v16  }
0x198: {  	v14 =	vmin.f32 v14, v20;
	v22 =	vperm.xlane v8, v2;
	v16 =	vperm.xlane v12, v2  }
0x199: {  	s19 =	sshra.s32 s18, $0x2;
	v31 =	vbroadcast v7, $0xE;
	v20 =	vperm.xlane v14, v2  }
0x19a: {  	v13 =	vmin.f32 v13, v21;
	v8 =	vmin.f32 v8, v22;
	v12 =	vmin.f32 v12, v16;
	v16 =	vld [tilespmem:s19+$0x8080]  }
0x19b: {  	v21 =	vperm.xlane v13, v2;
	v14 =	vmin.f32 v14, v20;
	v22 =	vperm.xlane v8, v3  }
0x19c: {  	v30 =	vbroadcast v5, $0xF;
	v20 =	vperm.xlane v14, v3  }
0x19d: {  	v13 =	vmin.f32 v13, v21;
	v62 =	vmin.f32 v8, v22;
	v8 =	vperm.xlane v12, v3  }
0x19e: {  	v28 =	vbroadcast v7, $0xC;
	v21 =	vperm.xlane v13, v3;
	v60 =	vmin.f32 v14, v20  }
0x19f: {  	v20 =	vbroadcast v5, $0xC;
	v58 =	vmin.f32 v12, v8;
	v8 =	vmin.f32 v16, v15  }
0x1a0: {  	v14 =	vbroadcast v5, $0xD;
	v22 =	vbroadcast v6, $0xF;
	v8 =	vmin.f32 v8, v9  }
0x1a1: {  	s18 =	simm.s32 $0x0;
	v63 =	vperm.xlane v62, v4;
	v61 =	vperm.xlane v60, v4;
	v8 =	vmin.f32 v8, v10  }
0x1a2: {  	s31 =	sand.u32 $0x70, s18;
	s21 =	sand.u32 $0x3E00, s18;
	v56 =	vmin.f32 v13, v21;
	v21 =	vbroadcast v6, $0xC;
	v8 =	vmin.f32 v8, v11  }
0x1a3: {  	s20 =	sor.u32 s31, s21;
	v5 =	vimm.f32 $+Inf;
	v13 =	vbroadcast v6, $0xE;
	v59 =	vperm.xlane v58, v4;
	[tilespmem:s19+$0x8080] =	vst v8  }
0x1a4: {  	v12 =	vimm.f32 $+Inf;
	v57 =	vperm.xlane v56, v4;
	v15 =	vbroadcast v6, $0xD;
	v9 =	vld [tilespmem:s20+$0x100]  }
0x1a5: {  	v6 =	vimm.f32 $+Inf;
	v8 =	vbroadcast v7, $0xF;
	s19 =	simm.s32 $0x10;
	v7 =	vimm.f32 $+Inf  }
.LBB2_18:
0x1a6: {  	p0 =	sne.s32 s19, $0xFF0;
	v10 =	vld [tilespmem:s20+$0x0]  }
0x1a7: {  	v11 =	vld [tilespmem:s20+$0x80];
	_ =	sdelay $0x1  }
0x1a8: {  	v16 =	vsub.f32 v9, v31;
	v36 =	vsub.f32 v9, v8  }
0x1a9: {  	v37 =	vsub.f32 v9, v28;
	v9 =	vsub.f32 v9, v29  }
0x1aa: {  	v38 =	vsub.f32 v10, v23;
	v39 =	vsub.f32 v10, v30  }
0x1ab: {  	v17 =	vsub.f32 v10, v20;
	v9 =	vmul.f32 v9, v9;
	v18 =	vsub.f32 v11, v21  }
0x1ac: {  	v37 =	vmul.f32 v37, v37;
	v10 =	vsub.f32 v10, v14;
	v19 =	vsub.f32 v11, v15  }
0x1ad: {  	s21 =	sshra.s32 s18, $0x2;
	v24 =	vsub.f32 v11, v13;
	v17 =	vmul.f32 v17, v17;
	v18 =	vmul.f32 v18, v18  }
0x1ae: {  	v11 =	vsub.f32 v11, v22;
	v10 =	vmul.f32 v10, v10;
	v19 =	vmul.f32 v19, v19;
	v25 =	vld [tilespmem:s21+$0x8080]  }
0x1af: {  	v24 =	vmul.f32 v24, v24;
	v17 =	vadd.f32 v18, v17;
	v18 =	vmul.f32 v38, v38  }
0x1b0: {  	v11 =	vmul.f32 v11, v11;
	v10 =	vadd.f32 v19, v10;
	v19 =	vmul.f32 v39, v39  }
0x1b1: {  	v16 =	vmul.f32 v16, v16;
	v17 =	vadd.f32 v37, v17;
	v18 =	vadd.f32 v24, v18  }
0x1b2: {  	v9 =	vadd.f32 v9, v10;
	v10 =	vadd.f32 v11, v19;
	v11 =	vmul.f32 v36, v36  }
0x1b3: {  	v12 =	vmin.f32 v12, v17;
	v17 =	vmin.f32 v25, v17;
	v16 =	vadd.f32 v16, v18  }
0x1b4: {  	v7 =	vmin.f32 v7, v9;
	v10 =	vadd.f32 v11, v10;
	v9 =	vmin.f32 v17, v9  }
.Ltmp8:
0x1b5: {  	s18 =	sadd.s32 $0x40, s18;
	v6 =	vmin.f32 v6, v16;
	v9 =	vmin.f32 v9, v16;
	(pc) =	sbr.rel @p0 .LBB2_18-.Ltmp8, $4  }
0x1b6: {  	s20 =	sand.u32 $0x70, s19;
	s22 =	sand.u32 $0x3E00, s18;
	v5 =	vmin.f32 v5, v10;
	v9 =	vmin.f32 v9, v10  }
0x1b7: {  	s20 =	sor.u32 s20, s22;
	[tilespmem:s21+$0x8080] =	vst v9  }
0x1b8: {  	v9 =	vld [tilespmem:s20+$0x100]  }
0x1b9: {  	s19 =	sadd.s32 $0x10, s19  }
0x1ba: {  	v10 =	vld [tilespmem:$0x1FF80]  }
0x1bb: {  	v11 =	vld [tilespmem:$0x1FF90]  }
0x1bc: {  	v39 =	vld [tilespmem:$0x1FFA0]  }
0x1bd: {  	v16 =	vld [tilespmem:$0x1FFB0]  }
0x1be: {  	v24 =	vld [tilespmem:$0x1FFC0]  }
0x1bf: {  	v25 =	vld [tilespmem:$0x1FFD0]  }
0x1c0: {  	v36 =	vld [tilespmem:$0x1FFE0];
	v10 =	vmin.f32 v10, v11  }
0x1c1: {  	v37 =	vld [tilespmem:$0x1FFF0];
	v10 =	vadd.f32 $0.0e+00, v10  }
0x1c2: {  	v38 =	vld [tilespmem:$0x1FF00];
	v11 =	vmin.f32 v39, v16  }
0x1c3: {  	v39 =	vld [tilespmem:$0x1FF10];
	v10 =	vadd.f32 v11, v10  }
0x1c4: {  	v11 =	vmin.f32 v24, v25;
	v24 =	vld [tilespmem:$0x1FF20]  }
0x1c5: {  	v25 =	vld [tilespmem:$0x1FF30];
	v10 =	vadd.f32 v11, v10  }
0x1c6: {  	v11 =	vmin.f32 v36, v37;
	v36 =	vld [tilespmem:$0x1FF40]  }
0x1c7: {  	v37 =	vld [tilespmem:$0x1FF50];
	v10 =	vadd.f32 v11, v10  }
0x1c8: {  	v11 =	vmin.f32 v38, v39;
	v38 =	vld [tilespmem:$0x1FF60]  }
0x1c9: {  	v39 =	vld [tilespmem:$0x1FF70];
	v10 =	vadd.f32 v11, v10  }
0x1ca: {  	v11 =	vmin.f32 v24, v25;
	v24 =	vld [tilespmem:$0x1FEA0]  }
0x1cb: {  	v25 =	vld [tilespmem:$0x1FEB0];
	v10 =	vadd.f32 v11, v10  }
0x1cc: {  	v11 =	vmin.f32 v36, v37  }
0x1cd: {  	v36 =	vld [tilespmem:$0x1FEC0];
	v10 =	vadd.f32 v11, v10  }
0x1ce: {  	v11 =	vmin.f32 v38, v39  }
0x1cf: {  	v37 =	vld [tilespmem:$0x1FED0];
	v10 =	vadd.f32 v11, v10  }
0x1d0: {  	v38 =	vld [tilespmem:$0x1FEE0];
	v11 =	vmin.f32 v24, v25  }
0x1d1: {  	v39 =	vld [tilespmem:$0x1FEF0];
	v10 =	vadd.f32 v11, v10  }
0x1d2: {  	v11 =	vmin.f32 v26, v36  }
0x1d3: {  	v17 =	vld [tilespmem:$0x1FE60];
	v10 =	vadd.f32 v11, v10  }
0x1d4: {  	v11 =	vmin.f32 v27, v37  }
0x1d5: {  	v18 =	vld [tilespmem:$0x1FE70];
	v10 =	vadd.f32 v11, v10  }
0x1d6: {  	v11 =	vmin.f32 v38, v39  }
0x1d7: {  	v19 =	vld [tilespmem:$0x1FE80];
	v10 =	vadd.f32 v11, v10  }
0x1d8: {  	v24 =	vld [tilespmem:$0x1FE90];
	v11 =	vmin.f32 v32, v17  }
0x1d9: {  	v25 =	vld [tilespmem:s20+$0x0];
	v10 =	vadd.f32 v11, v10  }
0x1da: {  	v8 =	vsub.f32 v9, v8;
	v11 =	vmin.f32 v34, v18  }
0x1db: {  	v26 =	vld [tilespmem:s20+$0x80];
	v10 =	vadd.f32 v11, v10  }
0x1dc: {  	v8 =	vmul.f32 v8, v8;
	v27 =	vsub.f32 v9, v31;
	v11 =	vmin.f32 v35, v19  }
0x1dd: {  	v36 =	vmin.f32 v54, v55;
	v31 =	vsub.f32 v9, v29;
	v10 =	vadd.f32 v11, v10  }
0x1de: {  	v20 =	vsub.f32 v25, v20;
	v14 =	vsub.f32 v25, v14;
	v11 =	vmin.f32 v33, v24  }
0x1df: {  	v38 =	vmin.f32 v51, v53;
	v39 =	vmin.f32 v50, v52;
	v10 =	vadd.f32 v11, v10  }
0x1e0: {  	v53 =	vmin.f32 v56, v57;
	v21 =	vsub.f32 v26, v21;
	v17 =	vmin.f32 v43, v47  }
0x1e1: {  	v20 =	vmul.f32 v20, v20;
	v15 =	vsub.f32 v26, v15;
	v10 =	vadd.f32 v17, v10  }
0x1e2: {  	v14 =	vmul.f32 v14, v14;
	v13 =	vsub.f32 v26, v13;
	v18 =	vmin.f32 v45, v46  }
0x1e3: {  	v32 =	vmin.f32 v42, v44;
	v42 =	vmul.f32 v27, v27;
	v10 =	vadd.f32 v18, v10  }
0x1e4: {  	v43 =	vmin.f32 v62, v63;
	v15 =	vmul.f32 v15, v15;
	v34 =	vsub.f32 v25, v30  }
0x1e5: {  	v21 =	vmul.f32 v21, v21;
	v19 =	vsub.f32 v9, v28;
	v10 =	vadd.f32 v32, v10  }
0x1e6: {  	v14 =	vadd.f32 v15, v14;
	v35 =	vmin.f32 v40, v41;
	v9 =	vmul.f32 v31, v31  }
0x1e7: {  	v20 =	vadd.f32 v21, v20;
	v37 =	vmul.f32 v19, v19;
	v10 =	vadd.f32 v35, v10  }
0x1e8: {  	v13 =	vmul.f32 v13, v13;
	v33 =	vsub.f32 v25, v23;
	v9 =	vadd.f32 v9, v14  }
0x1e9: {  	v45 =	vmin.f32 v60, v61;
	v16 =	vadd.f32 v37, v20;
	v10 =	vadd.f32 v36, v10  }
0x1ea: {  	v40 =	vmul.f32 v34, v34;
	v11 =	vsub.f32 v26, v22;
	v18 =	vmul.f32 v33, v33  }
0x1eb: {  	v7 =	vmin.f32 v7, v9;
	v12 =	vmin.f32 v12, v16;
	v10 =	vadd.f32 v38, v10  }
0x1ec: {  	v11 =	vmul.f32 v11, v11;
	v44 =	vperm.xlane v12, v1;
	v13 =	vadd.f32 v13, v18  }
0x1ed: {  	v41 =	vmin.f32 v48, v49;
	v47 =	vperm.xlane v7, v1;
	v10 =	vadd.f32 v39, v10  }
0x1ee: {  	v11 =	vadd.f32 v11, v40;
	v46 =	vmin.f32 v12, v44;
	v13 =	vadd.f32 v42, v13  }
0x1ef: {  	v7 =	vmin.f32 v7, v47;
	v49 =	vperm.xlane v46, v2;
	v10 =	vadd.f32 v41, v10  }
0x1f0: {  	v51 =	vperm.xlane v7, v2;
	v8 =	vadd.f32 v8, v11;
	v6 =	vmin.f32 v6, v13  }
0x1f1: {  	v11 =	vmin.f32 v46, v49;
	v50 =	vperm.xlane v6, v1;
	v10 =	vadd.f32 v43, v10  }
0x1f2: {  	v7 =	vmin.f32 v7, v51;
	v5 =	vmin.f32 v5, v8;
	v15 =	vperm.xlane v11, v3  }
0x1f3: {  	v52 =	vperm.xlane v5, v1;
	v6 =	vmin.f32 v6, v50;
	v10 =	vadd.f32 v45, v10  }
0x1f4: {  	v48 =	vmin.f32 v58, v59;
	v55 =	vperm.xlane v7, v3;
	v54 =	vperm.xlane v6, v2  }
0x1f5: {  	v11 =	vmin.f32 v11, v15;
	v5 =	vmin.f32 v5, v52;
	v10 =	vadd.f32 v48, v10  }
0x1f6: {  	s18 =	sshra.s32 s18, $0x2;
	v56 =	vperm.xlane v11, v4;
	v57 =	vperm.xlane v5, v2;
	v6 =	vmin.f32 v6, v54  }
0x1f7: {  	v58 =	vld [tilespmem:s18+$0x8080];
	v7 =	vmin.f32 v7, v55;
	v59 =	vperm.xlane v6, v3;
	v10 =	vadd.f32 v53, v10  }
0x1f8: {  	v60 =	vperm.xlane v7, v4;
	v11 =	vmin.f32 v11, v56;
	v5 =	vmin.f32 v5, v57  }
0x1f9: {  	v61 =	vperm.xlane v5, v3;
	v6 =	vmin.f32 v6, v59;
	v10 =	vadd.f32 v11, v10  }
0x1fa: {  	v7 =	vmin.f32 v7, v60;
	v62 =	vperm.xlane v6, v4  }
0x1fb: {  	v5 =	vmin.f32 v5, v61;
	v7 =	vadd.f32 v7, v10  }
0x1fc: {  	v63 =	vmin.f32 v58, v16;
	v6 =	vmin.f32 v6, v62;
	v11 =	vperm.xlane v5, v4  }
0x1fd: {  	v9 =	vmin.f32 v63, v9;
	v6 =	vadd.f32 v6, v7  }
0x1fe: {  	v5 =	vmin.f32 v5, v11;
	v7 =	vmin.f32 v9, v13  }
0x1ff: {  	v7 =	vmin.f32 v7, v8;
	v5 =	vadd.f32 v5, v6  }
0x200: {  	[tilespmem:s18+$0x8080] =	vst v7  }
0x201: {  	[tilespmem:$0x8000] =	vst v5  }
0x202: {  	[hbm4b:s8+s2] =	stream.linear.scatter [tilespmem:s13], [sflag:$0x1], $0x80, $0x38;
	[tilespmem:$0x9080] =	vst v63  }
0x203: {  	s17 =	sadd.s32 $0x1, s17;
	_ =	swait.ge [sflag:s11], $0x80  }
0x204: {  	p0 =	sne.s32 s17, s10;
	[sflag:s11] =	ssyncset.done $0x0  }
.Ltmp9:
0x205: {  	[sflag:s11] =	ssyncadd.s32 $0xFFFFFF80;
	(pc) =	sbr.rel @p0 .LBB2_1-.Ltmp9, $4  }
0x206: {  	[hbm4b:s9+s14] =	stream.strided.scatter [tilespmem:s16], [sflag:$0x1], $0x1000, s15, s14, $0x38;
	[tilespmem:$0x9080] =	vst v63  }
0x207: {  	_ =	swait.ge [sflag:s11], $0x1000  }
0x208: {  	[sflag:s11] =	ssyncset.done $0x0  }
0x209: {  	[sflag:s11] =	ssyncadd.s32 $0xFFFFF000  }
0x20a: {  	_ =	sfence.sel $0x180000  }
0x20b: {  	[bflag:$0x0] =	sbarrier.arrive $0xFFFF  }
0x20c: {  	p0 =	sne.s32 s0, $0x0;
	_ =	strace $0x90000047  }
0x20d: {  	s0 =	sadd.s32 @!p0 $0x100000, s1;
	[bflag:$0x2] =	sbarrier.arrive $0xFFFF  }
0x20e: {  	[sflag:s0] =	ssyncadd.tile.s32 @!p0 $0x1;
	_ =	shalt  }
.Lfunc_end2:
_tile_overlayer_lowered:
.L_overlay_start_2:
0x20f: {  	(tag) =	ssettag $0x2  }
0x210: {  	s0 =	rddreg [dreg:$0x0];
	s2 =	stileid.u32  }
0x211: {  	s1 =	rddreg [dreg:$0x1];
	p0 =	sne.s32 s2, $0x0  }
0x212: {  	s3 =	rddreg [dreg:$0x2];
	[bflag:$0x3] =	sbarrier.arrive $0xFFFF;
	s2 =	simm.s32 @!p0 $0x1C01  }
0x213: {  	[timem:s3], [sflag:s2] =	dma.local @!p0 [hbm:s0], s1  }
0x214: {  	s0 =	simm.s32 @!p0 $0x1  }
0x215: {  	_ =	swait.ge @!p0 [sflag:s0], s1  }
0x216: {  	s1 =	ssub.s32 @!p0 $0x0, s1;
	[sflag:s0] =	ssyncset.done @!p0 $0x0  }
0x217: {  	[sflag:s0] =	ssyncadd.s32 @!p0 s1  }
0x218: {  	[bflag:$0x3] =	sbarrier.arrive $0xFFFF  }
0x219: {  	_ =	shalt  }

</sc_bundles>
